<compile_context>
chip_gen: v7x
topology: tpu7x:2x2x1
jax: 0.10.2.dev20260603
libtpu: 0.0.44.dev20260713+nightly
codegen_flags: <defaults>
</compile_context>

<pallas_src>
import functools

import jax
import jax.numpy as jnp
from jax.experimental import pallas as pl
from jax.experimental.pallas import tpu as pltpu
from jax.experimental.pallas import tpu_sc as plsc

_NUM_INTEREST = 8192
_DIM = 32
_TOPK = 8
_B = 16384
_ROWS = 512
_LANES = 128
_GATHER_WINDOW = 128
_ROWS2 = 1024


def _select_kernel(x_ref, d_ref, idx_ref, dist_ref, w_ref, dn_ref):
    x = x_ref[...]

    @pl.when(pl.program_id(0) == 0)
    def _():
        d = d_ref[...]
        dn_ref[...] = d / jnp.maximum(
            jnp.sqrt(jnp.sum(d * d, axis=-1, keepdims=True)), 1e-8
        )

    xn = x / jnp.maximum(
        jnp.sqrt(jnp.sum(x * x, axis=-1, keepdims=True)), 1e-8
    )
    dn = dn_ref[...]

    scores = jax.lax.dot_general(
        xn,
        dn,
        (((1,), (1,)), ((), ())),
        preferred_element_type=jnp.float32,
    )

    rows, k_total = scores.shape
    n_groups = k_total // _LANES
    neg_inf = jnp.float32(-jnp.inf)

    lane = jax.lax.broadcasted_iota(jnp.int32, (rows, _LANES), 1)

    v1 = v2 = v3 = jnp.full((rows, _LANES), neg_inf)
    g1 = g2 = g3 = jnp.full((rows, _LANES), jnp.int32(n_groups))
    for g in range(n_groups):
        w = scores[:, g * _LANES:(g + 1) * _LANES]
        gi = jnp.int32(g)
        b1 = w > v1
        b2 = w > v2
        b3 = w > v3
        nv1 = jnp.where(b1, w, v1)
        ng1 = jnp.where(b1, gi, g1)
        nv2 = jnp.where(b1, v1, jnp.where(b2, w, v2))
        ng2 = jnp.where(b1, g1, jnp.where(b2, gi, g2))
        nv3 = jnp.where(b2, v2, jnp.where(b3, w, v3))
        ng3 = jnp.where(b2, g2, jnp.where(b3, gi, g3))
        v1, v2, v3 = nv1, nv2, nv3
        g1, g2, g3 = ng1, ng2, ng3

    v_cand = jnp.concatenate([v1, v2, v3], axis=1)
    c_cand = jnp.concatenate(
        [g1 * _LANES + lane, g2 * _LANES + lane, g3 * _LANES + lane], axis=1
    )

    vals = []
    idxs = []
    for _ in range(_TOPK):
        m = jnp.max(v_cand, axis=1, keepdims=True)
        i = jnp.min(
            jnp.where(v_cand == m, c_cand, k_total), axis=1, keepdims=True
        )
        vals.append(m)
        idxs.append(i)
        v_cand = jnp.where(c_cand == i, neg_inf, v_cand)

    dist = jnp.concatenate(vals, axis=1)
    idx = jnp.concatenate(idxs, axis=1)

    e = jnp.exp(dist - vals[0])
    w8 = e * (1.0 / jnp.sum(e, axis=1, keepdims=True))

    idx_ref[...] = idx
    dist_ref[...] = dist
    w_ref[...] = w8


_GATHER_PAD = 128


def _sc_gather(dict_padded, idx2d, n_idx):
    mesh = plsc.VectorSubcoreMesh(
        core_axis_name="core", subcore_axis_name="subcore"
    )

    @functools.partial(
        pl.kernel,
        out_type=jax.ShapeDtypeStruct((n_idx, _GATHER_PAD), jnp.float32),
        mesh=mesh,
    )
    def gather_kernel(d_hbm, i_hbm, o_hbm):
        def body(i_vmem, o_vmem):
            pltpu.sync_copy(d_hbm.at[i_vmem.at[0]], o_vmem)

        pltpu.emit_pipeline(
            body,
            grid=(n_idx // _GATHER_WINDOW,),
            in_specs=[
                pl.BlockSpec((1, _GATHER_WINDOW), index_map=lambda i: (0, i))
            ],
            out_specs=[
                pl.BlockSpec(
                    (_GATHER_WINDOW, _GATHER_PAD), index_map=lambda i: (i, 0)
                )
            ],
            core_axis_name="subcore",
            dimension_semantics=(pltpu.PARALLEL,),
        )(i_hbm, o_hbm)

    return gather_kernel(dict_padded, idx2d)


def _combine_kernel(emb_ref, w_ref, group_ref, emb0_ref):
    emb = emb_ref[...][:, :_DIM]
    wf = w_ref[...]
    r2 = emb.shape[0] // _TOPK
    weighted = (emb * wf).reshape(r2, _TOPK, _DIM)
    group_ref[...] = jnp.sum(weighted, axis=1)
    emb0_ref[...] = emb.reshape(r2, _TOPK, _DIM)[:, 0, :]


_NSPLIT = 4


def _select(x_chunk, dictionary):
    bc, dim = x_chunk.shape
    k_total = dictionary.shape[0]
    return pl.pallas_call(
        _select_kernel,
        grid=(bc // _ROWS,),
        in_specs=[
            pl.BlockSpec((_ROWS, dim), lambda i: (i, 0)),
            pl.BlockSpec((k_total, dim), lambda i: (0, 0)),
        ],
        out_specs=[
            pl.BlockSpec((_ROWS, _TOPK), lambda i: (i, 0)),
            pl.BlockSpec((_ROWS, _TOPK), lambda i: (i, 0)),
            pl.BlockSpec((_ROWS, _TOPK), lambda i: (i, 0)),
        ],
        out_shape=[
            jax.ShapeDtypeStruct((bc, _TOPK), jnp.int32),
            jax.ShapeDtypeStruct((bc, _TOPK), jnp.float32),
            jax.ShapeDtypeStruct((bc, _TOPK), jnp.float32),
        ],
        scratch_shapes=[pltpu.VMEM((k_total, dim), jnp.float32)],
    )(x_chunk, dictionary)


def _combine(emb_flat, w8, bc, dim):
    n_idx = bc * _TOPK
    return pl.pallas_call(
        _combine_kernel,
        grid=(bc // _ROWS2,),
        in_specs=[
            pl.BlockSpec((_TOPK * _ROWS2, _GATHER_PAD), lambda i: (i, 0)),
            pl.BlockSpec((_TOPK * _ROWS2, 1), lambda i: (i, 0)),
        ],
        out_specs=[
            pl.BlockSpec((_ROWS2, dim), lambda i: (i, 0)),
            pl.BlockSpec((_ROWS2, dim), lambda i: (i, 0)),
        ],
        out_shape=[
            jax.ShapeDtypeStruct((bc, dim), jnp.float32),
            jax.ShapeDtypeStruct((bc, dim), jnp.float32),
        ],
    )(emb_flat, w8.reshape(n_idx, 1))


@jax.jit
def kernel(inputs_flatten, dictionary):
    b, dim = inputs_flatten.shape
    dict_padded = jnp.pad(dictionary, ((0, 0), (0, _GATHER_PAD - dim)))
    bc = b // _NSPLIT

    outs = []
    for s in range(_NSPLIT):
        x_chunk = jax.lax.slice_in_dim(inputs_flatten, s * bc, (s + 1) * bc)
        idx, dist, w8 = _select(x_chunk, dictionary)
        emb_flat = _sc_gather(
            dict_padded, idx.reshape(1, bc * _TOPK), bc * _TOPK
        )
        group, emb0 = _combine(emb_flat, w8, bc, dim)
        outs.append((group, idx[:, :5], dist[:, :5], emb0))

    return tuple(
        jnp.concatenate([o[i] for o in outs], axis=0) for i in range(4)
    )

# --- scband reference (transcript-rebuilt; emitter-appended) ---
"""Pipeline reference for scband-interest-dict-soft-uni-71511205478462 (READ-ONLY COPY).

The authoritative reference and input builder live on the scoring server;
editing this copy changes nothing except your own understanding.
"""

import jax, jax.numpy as jnp
import numpy as np

NUM_INTEREST = 8192
DIM = 32
TOPK = 8
B = 16384


def setup_inputs(seed: int = 0) -> dict:
    key = jax.random.key(seed)
    k1, k2 = jax.random.split(key)
    inputs_flatten = jax.random.normal(k1, (B, DIM), dtype=jnp.float32)
    # 'dictionary' buffer from __init__: torch.randn(num_interest, dim_interest)
    dictionary = jax.random.normal(k2, (NUM_INTEREST, DIM), dtype=jnp.float32)
    return {"inputs_flatten": inputs_flatten, "dictionary": dictionary}


def _cosine_sim(x, d, eps=1e-8):
    # mirrors nn.CosineSimilarity(dim=2)(x.unsqueeze(1), d.unsqueeze(0))
    xn = x / jnp.maximum(jnp.linalg.norm(x, axis=-1, keepdims=True), eps)
    dn = d / jnp.maximum(jnp.linalg.norm(d, axis=-1, keepdims=True), eps)
    return xn @ dn.T  # [B, K]


def reference(inputs_flatten, dictionary):
    # eval-mode forward of InterestDictSoft_uni
    distances = _cosine_sim(inputs_flatten, dictionary)  # [B, NUM_INTEREST]
    # _get_topK_emb with descending sort -> top_k
    distance, topk_idx = jax.lax.top_k(distances, TOPK)  # [B, TOPK]
    # topk_emb = self.dictionary.data[topk_idx]  (.data => stop_gradient)
    topk_emb = jnp.take(jax.lax.stop_gradient(dictionary), topk_idx, axis=0)  # [B, TOPK, DIM]
    topk_w = jax.nn.softmax(distance, axis=1)  # [B, TOPK]
    group_emb = jnp.matmul(topk_w[:, None, :], topk_emb).reshape(distances.shape[0], -1)  # [B, DIM]
    return (group_emb, topk_idx[:, :5], distance[:, :5], topk_emb[:, 0])

if __name__ == "__main__":
    import jax
    _d = setup_inputs()
    print(jax.jit(kernel)(*tuple(_d.values())))

</pallas_src>

<mosaic_0001>
#map = affine_map<(d0, d1) -> (0, 0)>
module attributes {stable_mosaic.version = 14 : i64} {
  func.func @gather_kernel(%arg0: i32, %arg1: i32, %arg2: memref<8192x128xf32, #tpu.memory_space<hbm>>, %arg3: memref<1x32768xi32, #tpu.memory_space<hbm>>, %arg4: memref<32768x128xf32, #tpu.memory_space<hbm>>) attributes {dimension_semantics = [#tpu.dimension_semantics<core_parallel>, #tpu.dimension_semantics<subcore_parallel>], iteration_bounds = array<i64: 2, 16>, scalar_prefetch = 0 : i64, scratch_operands = 0 : i64, tpu.core_type = #tpu.core_type<sc_vector_subcore>, window_params = [{transform_indices = #map}, {transform_indices = #map}, {transform_indices = #map}]} {
    %mul3A = arith.constant 16 : i32
    %mul3A_0 = arith.muli %arg1, %mul3A : i32
    "tpu.region"() ({
      %run_scoped3A = memref.alloca() : memref<2x1x128xi32, #tpu.memory_space<vmem>>
      %run_scoped3A_1 = tpu.sem_alloc : memref<2x!tpu.dma_semaphore, #tpu.memory_space<semaphore_mem>>
      %run_scoped3A_2 = memref.alloca() : memref<2x128x128xf32, #tpu.memory_space<vmem>>
      %run_scoped3A_3 = tpu.sem_alloc : memref<2x!tpu.dma_semaphore, #tpu.memory_space<semaphore_mem>>
      %add3A = arith.constant 0 : i32
      %add3A_4 = arith.addi %add3A, %mul3A_0 : i32
      %select_n3A = arith.constant true
      %select_n3A_5 = arith.constant 0 : i32
      %select_n3A_6 = arith.constant -1 : i32
      %select_n3A_7 = arith.select %select_n3A, %select_n3A_6, %select_n3A_5 : i32
      %eq3A = arith.constant -1 : i32
      %eq3A_8 = arith.cmpi eq, %select_n3A_7, %eq3A : i32
      %select_n3A_9 = arith.constant 15 : i32
      %select_n3A_10 = arith.select %eq3A_8, %select_n3A_9, %select_n3A_7 : i32
      %add3A_11 = arith.addi %select_n3A_10, %mul3A_0 : i32
      %select_n3A_12 = arith.constant true
      %select_n3A_13 = arith.constant 0 : i32
      %select_n3A_14 = arith.constant 1 : i32
      %select_n3A_15 = arith.select %select_n3A_12, %select_n3A_14, %select_n3A_13 : i32
      %eq3A_16 = arith.constant 16 : i32
      %eq3A_17 = arith.cmpi eq, %select_n3A_15, %eq3A_16 : i32
      %select_n3A_18 = arith.constant 0 : i32
      %select_n3A_19 = arith.select %eq3A_17, %select_n3A_18, %select_n3A_15 : i32
      %add3A_20 = arith.addi %select_n3A_19, %mul3A_0 : i32
      %add3A_21 = arith.constant 1 : i32
      %add3A_22 = arith.addi %select_n3A_19, %add3A_21 : i32
      %select_n3A_23 = arith.constant true
      %select_n3A_24 = arith.select %select_n3A_23, %add3A_22, %select_n3A_19 : i32
      %eq3A_25 = arith.constant 16 : i32
      %eq3A_26 = arith.cmpi eq, %select_n3A_24, %eq3A_25 : i32
      %select_n3A_27 = arith.constant 0 : i32
      %select_n3A_28 = arith.select %eq3A_26, %select_n3A_27, %select_n3A_24 : i32
      %add3A_29 = arith.addi %select_n3A_28, %mul3A_0 : i32
      "tpu.trace_start"() <{level = 10 : i32, message = "ep_initialize_0"}> : () -> ()
      %rem3A = arith.constant 0 : i32
      %rem3A_30 = arith.constant 2 : i32
      %rem3A_31 = arith.remui %rem3A, %rem3A_30 : i32
      %mul3A_32 = arith.constant 128 : i32
      %mul3A_33 = arith.muli %mul3A_32, %add3A_4 : i32
      %dma_start3A = arith.constant 0 : i32
      %dma_start3A_34 = arith.constant 0 : i32
      %dma_start3A_35 = tpu.memref_slice %run_scoped3A[%rem3A_31, %dma_start3A, %dma_start3A_34] : memref<2x1x128xi32, #tpu.memory_space<vmem>> -> memref<1x1x128xi32, #tpu.memory_space<vmem>>
      %dma_start3A_36 = tpu.memref_squeeze %dma_start3A_35 : memref<1x1x128xi32, #tpu.memory_space<vmem>> -> memref<1x128xi32, #tpu.memory_space<vmem>>
      %dma_start3A_37 = arith.constant 0 : i32
      %dma_start3A_38 = tpu.memref_slice %arg3[%dma_start3A_37, %mul3A_33] : memref<1x32768xi32, #tpu.memory_space<hbm>> -> memref<1x128xi32, #tpu.memory_space<hbm>>
      %dma_start3A_39 = tpu.memref_slice %run_scoped3A_1[%rem3A_31] : memref<2x!tpu.dma_semaphore, #tpu.memory_space<semaphore_mem>> -> memref<1x!tpu.dma_semaphore, #tpu.memory_space<semaphore_mem>>
      %dma_start3A_40 = tpu.memref_squeeze %dma_start3A_39 : memref<1x!tpu.dma_semaphore, #tpu.memory_space<semaphore_mem>> -> memref<!tpu.dma_semaphore, #tpu.memory_space<semaphore_mem>>
      %dma_start3A_41 = arith.constant 0 : i32
      %dma_start3A_42 = arith.constant 0 : i32
      %dma_start3A_43 = tpu.memref_slice %run_scoped3A[%rem3A_31, %dma_start3A_41, %dma_start3A_42] : memref<2x1x128xi32, #tpu.memory_space<vmem>> -> memref<1x1x128xi32, #tpu.memory_space<vmem>>
      %dma_start3A_44 = tpu.memref_squeeze %dma_start3A_43 : memref<1x1x128xi32, #tpu.memory_space<vmem>> -> memref<1x128xi32, #tpu.memory_space<vmem>>
      %dma_start3A_45 = arith.constant 0 : i32
      %dma_start3A_46 = tpu.memref_slice %arg3[%dma_start3A_45, %mul3A_33] : memref<1x32768xi32, #tpu.memory_space<hbm>> -> memref<1x128xi32, #tpu.memory_space<hbm>>
      tpu.enqueue_dma source(%dma_start3A_46 : memref<1x128xi32, #tpu.memory_space<hbm>>) target(%dma_start3A_44 : memref<1x128xi32, #tpu.memory_space<vmem>>) target_semaphore(%dma_start3A_40 : memref<!tpu.dma_semaphore, #tpu.memory_space<semaphore_mem>>)
      %add3A_47 = arith.constant 0 : i32
      %add3A_48 = arith.constant 1 : i32
      %add3A_49 = arith.addi %add3A_47, %add3A_48 : i32
      %select_n3A_50 = arith.constant true
      %select_n3A_51 = arith.constant 0 : i32
      %select_n3A_52 = arith.select %select_n3A_50, %add3A_49, %select_n3A_51 : i32
      "tpu.trace_stop"() : () -> ()
      %scan3A = arith.constant 0 : i32
      %scan3A_53 = arith.constant 0 : i32
      %scan3A_54 = arith.constant 0 : i32
      %scan3A_55 = arith.constant 0 : i32
      %scan3A_56 = arith.constant 0 : i32
      %scan3A_57 = arith.constant 16 : i32
      %scan3A_58 = arith.addi %scan3A_56, %scan3A_57 : i32
      %scan3A_59 = arith.constant 1 : i32
      %scan3A_60:5 = scf.for %scan3A_114 = %scan3A_56 to %scan3A_58 step %scan3A_59 iter_args(%scan3A_115 = %select_n3A_52, %scan3A_116 = %scan3A, %scan3A_117 = %scan3A_53, %scan3A_118 = %scan3A_54, %scan3A_119 = %scan3A_55) -> (i32, i32, i32, i32, i32)  : i32 {
        %eq3A_120 = arith.constant 0 : i32
        %eq3A_121 = arith.cmpi eq, %scan3A_114, %eq3A_120 : i32
        %eq3A_122 = arith.constant 15 : i32
        %eq3A_123 = arith.cmpi eq, %scan3A_114, %eq3A_122 : i32
        %add3A_124 = arith.addi %scan3A_119, %mul3A_0 : i32
        %sub3A_125 = arith.constant 1 : i32
        %sub3A_126 = arith.subi %scan3A_119, %sub3A_125 : i32
        %select_n3A_127 = arith.constant true
        %select_n3A_128 = arith.select %select_n3A_127, %sub3A_126, %scan3A_119 : i32
        %eq3A_129 = arith.constant -1 : i32
        %eq3A_130 = arith.cmpi eq, %select_n3A_128, %eq3A_129 : i32
        %select_n3A_131 = arith.constant 15 : i32
        %select_n3A_132 = arith.select %eq3A_130, %select_n3A_131, %select_n3A_128 : i32
        %add3A_133 = arith.addi %select_n3A_132, %mul3A_0 : i32
        %add3A_134 = arith.constant 1 : i32
        %add3A_135 = arith.addi %scan3A_119, %add3A_134 : i32
        %select_n3A_136 = arith.constant true
        %select_n3A_137 = arith.select %select_n3A_136, %add3A_135, %scan3A_119 : i32
        %eq3A_138 = arith.constant 16 : i32
        %eq3A_139 = arith.cmpi eq, %select_n3A_137, %eq3A_138 : i32
        %select_n3A_140 = arith.constant 0 : i32
        %select_n3A_141 = arith.select %eq3A_139, %select_n3A_140, %select_n3A_137 : i32
        %add3A_142 = arith.addi %select_n3A_141, %mul3A_0 : i32
        %add3A_143 = arith.constant 1 : i32
        %add3A_144 = arith.addi %select_n3A_141, %add3A_143 : i32
        %select_n3A_145 = arith.constant true
        %select_n3A_146 = arith.select %select_n3A_145, %add3A_144, %select_n3A_141 : i32
        %eq3A_147 = arith.constant 16 : i32
        %eq3A_148 = arith.cmpi eq, %select_n3A_146, %eq3A_147 : i32
        %select_n3A_149 = arith.constant 0 : i32
        %select_n3A_150 = arith.select %eq3A_148, %select_n3A_149, %select_n3A_146 : i32
        %add3A_151 = arith.addi %select_n3A_150, %mul3A_0 : i32
        %ne3A = arith.cmpi ne, %add3A_124, %add3A_142 : i32
        %or3A = arith.constant false
        %or3A_152 = arith.ori %or3A, %ne3A : i1
        %ge3A = arith.constant 15 : i32
        %ge3A_153 = arith.cmpi sge, %scan3A_114, %ge3A : i32
        %not3A = arith.constant true
        %not3A_154 = arith.xori %ge3A_153, %not3A : i1
        %and3A = arith.andi %or3A_152, %not3A_154 : i1
        %convert_element_type3A = arith.extui %and3A : i1 to i32
        %cond3A = arith.constant 0 : i32
        %cond3A_155 = arith.cmpi ne, %convert_element_type3A, %cond3A : i32
        scf.if %cond3A_155 {
          "tpu.trace_start"() <{level = 10 : i32, message = "ep_copy_in"}> : () -> ()
          %rem3A_257 = arith.constant 2 : i32
          %rem3A_258 = arith.remui %scan3A_115, %rem3A_257 : i32
          %mul3A_259 = arith.constant 128 : i32
          %mul3A_260 = arith.muli %mul3A_259, %add3A_142 : i32
          %dma_start3A_261 = arith.constant 0 : i32
          %dma_start3A_262 = arith.constant 0 : i32
          %dma_start3A_263 = tpu.memref_slice %run_scoped3A[%rem3A_258, %dma_start3A_261, %dma_start3A_262] : memref<2x1x128xi32, #tpu.memory_space<vmem>> -> memref<1x1x128xi32, #tpu.memory_space<vmem>>
          %dma_start3A_264 = tpu.memref_squeeze %dma_start3A_263 : memref<1x1x128xi32, #tpu.memory_space<vmem>> -> memref<1x128xi32, #tpu.memory_space<vmem>>
          %dma_start3A_265 = arith.constant 0 : i32
          %dma_start3A_266 = tpu.memref_slice %arg3[%dma_start3A_265, %mul3A_260] : memref<1x32768xi32, #tpu.memory_space<hbm>> -> memref<1x128xi32, #tpu.memory_space<hbm>>
          %dma_start3A_267 = tpu.memref_slice %run_scoped3A_1[%rem3A_258] : memref<2x!tpu.dma_semaphore, #tpu.memory_space<semaphore_mem>> -> memref<1x!tpu.dma_semaphore, #tpu.memory_space<semaphore_mem>>
          %dma_start3A_268 = tpu.memref_squeeze %dma_start3A_267 : memref<1x!tpu.dma_semaphore, #tpu.memory_space<semaphore_mem>> -> memref<!tpu.dma_semaphore, #tpu.memory_space<semaphore_mem>>
          %dma_start3A_269 = arith.constant 0 : i32
          %dma_start3A_270 = arith.constant 0 : i32
          %dma_start3A_271 = tpu.memref_slice %run_scoped3A[%rem3A_258, %dma_start3A_269, %dma_start3A_270] : memref<2x1x128xi32, #tpu.memory_space<vmem>> -> memref<1x1x128xi32, #tpu.memory_space<vmem>>
          %dma_start3A_272 = tpu.memref_squeeze %dma_start3A_271 : memref<1x1x128xi32, #tpu.memory_space<vmem>> -> memref<1x128xi32, #tpu.memory_space<vmem>>
          %dma_start3A_273 = arith.constant 0 : i32
          %dma_start3A_274 = tpu.memref_slice %arg3[%dma_start3A_273, %mul3A_260] : memref<1x32768xi32, #tpu.memory_space<hbm>> -> memref<1x128xi32, #tpu.memory_space<hbm>>
          tpu.enqueue_dma source(%dma_start3A_274 : memref<1x128xi32, #tpu.memory_space<hbm>>) target(%dma_start3A_272 : memref<1x128xi32, #tpu.memory_space<vmem>>) target_semaphore(%dma_start3A_268 : memref<!tpu.dma_semaphore, #tpu.memory_space<semaphore_mem>>)
          "tpu.trace_stop"() : () -> ()
        } else {
        }
        %and3A_156 = arith.constant true
        %and3A_157 = arith.andi %and3A, %and3A_156 : i1
        %add3A_158 = arith.constant 1 : i32
        %add3A_159 = arith.addi %scan3A_115, %add3A_158 : i32
        %select_n3A_160 = arith.select %and3A_157, %add3A_159, %scan3A_115 : i32
        %ne3A_161 = arith.cmpi ne, %add3A_124, %add3A_142 : i32
        %or3A_162 = arith.constant false
        %or3A_163 = arith.ori %or3A_162, %ne3A_161 : i1
        %or3A_164 = arith.constant false
        %or3A_165 = arith.ori %or3A_163, %or3A_164 : i1
        %ge3A_166 = arith.constant 15 : i32
        %ge3A_167 = arith.cmpi sge, %scan3A_114, %ge3A_166 : i32
        %not3A_168 = arith.constant true
        %not3A_169 = arith.xori %ge3A_167, %not3A_168 : i1
        %and3A_170 = arith.andi %or3A_165, %not3A_169 : i1
        %ne3A_171 = arith.cmpi ne, %add3A_124, %add3A_133 : i32
        %or3A_172 = arith.constant false
        %or3A_173 = arith.ori %or3A_172, %ne3A_171 : i1
        %or3A_174 = arith.ori %or3A_173, %eq3A_121 : i1
        %convert_element_type3A_175 = arith.extui %or3A_174 : i1 to i32
        %cond3A_176 = arith.constant 0 : i32
        %cond3A_177 = arith.cmpi ne, %convert_element_type3A_175, %cond3A_176 : i32
        scf.if %cond3A_177 {
          "tpu.trace_start"() <{level = 10 : i32, message = "ep_wait_in"}> : () -> ()
          %mul3A_257 = arith.constant 128 : i32
          %mul3A_258 = arith.muli %mul3A_257, %add3A_124 : i32
          %rem3A_259 = arith.constant 2 : i32
          %rem3A_260 = arith.remui %scan3A_116, %rem3A_259 : i32
          %dma_wait3A_261 = arith.constant 0 : i32
          %dma_wait3A_262 = arith.constant 0 : i32
          %dma_wait3A_263 = tpu.memref_slice %run_scoped3A[%rem3A_260, %dma_wait3A_261, %dma_wait3A_262] : memref<2x1x128xi32, #tpu.memory_space<vmem>> -> memref<1x1x128xi32, #tpu.memory_space<vmem>>
          %dma_wait3A_264 = tpu.memref_squeeze %dma_wait3A_263 : memref<1x1x128xi32, #tpu.memory_space<vmem>> -> memref<1x128xi32, #tpu.memory_space<vmem>>
          %dma_wait3A_265 = arith.constant 0 : i32
          %dma_wait3A_266 = tpu.memref_slice %arg3[%dma_wait3A_265, %mul3A_258] : memref<1x32768xi32, #tpu.memory_space<hbm>> -> memref<1x128xi32, #tpu.memory_space<hbm>>
          %dma_wait3A_267 = tpu.memref_slice %run_scoped3A_1[%rem3A_260] : memref<2x!tpu.dma_semaphore, #tpu.memory_space<semaphore_mem>> -> memref<1x!tpu.dma_semaphore, #tpu.memory_space<semaphore_mem>>
          %dma_wait3A_268 = tpu.memref_squeeze %dma_wait3A_267 : memref<1x!tpu.dma_semaphore, #tpu.memory_space<semaphore_mem>> -> memref<!tpu.dma_semaphore, #tpu.memory_space<semaphore_mem>>
          %dma_wait3A_269 = arith.constant 0 : i32
          %dma_wait3A_270 = arith.constant 0 : i32
          %dma_wait3A_271 = tpu.memref_slice %run_scoped3A[%rem3A_260, %dma_wait3A_269, %dma_wait3A_270] : memref<2x1x128xi32, #tpu.memory_space<vmem>> -> memref<1x1x128xi32, #tpu.memory_space<vmem>>
          %dma_wait3A_272 = tpu.memref_squeeze %dma_wait3A_271 : memref<1x1x128xi32, #tpu.memory_space<vmem>> -> memref<1x128xi32, #tpu.memory_space<vmem>>
          %dma_wait3A_273 = arith.constant 0 : i32
          %dma_wait3A_274 = tpu.memref_slice %arg3[%dma_wait3A_273, %mul3A_258] : memref<1x32768xi32, #tpu.memory_space<hbm>> -> memref<1x128xi32, #tpu.memory_space<hbm>>
          tpu.wait_dma2 semaphore(%dma_wait3A_268 : memref<!tpu.dma_semaphore, #tpu.memory_space<semaphore_mem>>) src(%dma_wait3A_274 : memref<1x128xi32, #tpu.memory_space<hbm>>) dst(%dma_wait3A_272 : memref<1x128xi32, #tpu.memory_space<vmem>>)
          "tpu.trace_stop"() : () -> ()
        } else {
        }
        %ne3A_178 = arith.cmpi ne, %add3A_124, %add3A_133 : i32
        %or3A_179 = arith.constant false
        %or3A_180 = arith.ori %or3A_179, %ne3A_178 : i1
        %or3A_181 = arith.constant false
        %or3A_182 = arith.ori %or3A_180, %or3A_181 : i1
        %or3A_183 = arith.ori %or3A_182, %eq3A_121 : i1
        %convert_element_type3A_184 = arith.extui %or3A_183 : i1 to i32
        %cond3A_185 = arith.constant 0 : i32
        %cond3A_186 = arith.cmpi ne, %convert_element_type3A_184, %cond3A_185 : i32
        scf.if %cond3A_186 {
        } else {
        }
        %rem3A_187 = arith.constant 2 : i32
        %rem3A_188 = arith.remui %scan3A_116, %rem3A_187 : i32
        %rem3A_189 = arith.constant 2 : i32
        %rem3A_190 = arith.remui %scan3A_117, %rem3A_189 : i32
        %run_scoped3A_191 = arith.constant 0 : i32
        "tpu.trace_start"() <{level = 10 : i32, message = "ep_run_kernel"}> : () -> ()
        "tpu.region"() ({
          %run_scoped3A_257 = tpu.sem_alloc : memref<!tpu.dma_semaphore, #tpu.memory_space<semaphore_mem>>
          %dma_start3A_258 = arith.constant 0 : i32
          %dma_start3A_259 = arith.constant 0 : i32
          %dma_start3A_260 = tpu.memref_slice %run_scoped3A_2[%rem3A_190, %dma_start3A_258, %dma_start3A_259] : memref<2x128x128xf32, #tpu.memory_space<vmem>> -> memref<1x128x128xf32, #tpu.memory_space<vmem>>
          %dma_start3A_261 = tpu.memref_squeeze %dma_start3A_260 : memref<1x128x128xf32, #tpu.memory_space<vmem>> -> memref<128x128xf32, #tpu.memory_space<vmem>>
          %dma_start3A_262 = arith.constant 0 : i32
          %dma_start3A_263 = arith.constant 0 : i32
          %dma_start3A_264 = tpu.memref_slice %run_scoped3A[%rem3A_188, %dma_start3A_262, %dma_start3A_263] : memref<2x1x128xi32, #tpu.memory_space<vmem>> -> memref<1x1x128xi32, #tpu.memory_space<vmem>>
          %dma_start3A_265 = tpu.memref_squeeze %dma_start3A_264 : memref<1x1x128xi32, #tpu.memory_space<vmem>> -> memref<1x128xi32, #tpu.memory_space<vmem>>
          %dma_start3A_266 = arith.constant 0 : i32
          %dma_start3A_267 = tpu.memref_slice %dma_start3A_265[%run_scoped3A_191, %dma_start3A_266] : memref<1x128xi32, #tpu.memory_space<vmem>> -> memref<1x128xi32, #tpu.memory_space<vmem>>
          %dma_start3A_268 = tpu.memref_squeeze %dma_start3A_267 : memref<1x128xi32, #tpu.memory_space<vmem>> -> memref<128xi32, #tpu.memory_space<vmem>>
          %dma_start3A_269 = arith.constant 0 : i32
          %dma_start3A_270 = arith.constant 0 : i32
          %dma_start3A_271 = tpu.memref_slice %arg2[%dma_start3A_269, %dma_start3A_270] : memref<8192x128xf32, #tpu.memory_space<hbm>> -> memref<8192x128xf32, #tpu.memory_space<hbm>>
          tpu.enqueue_indirect_dma source(%dma_start3A_271 : memref<8192x128xf32, #tpu.memory_space<hbm>>) target(%dma_start3A_261 : memref<128x128xf32, #tpu.memory_space<vmem>>) offsets(%dma_start3A_268 : memref<128xi32, #tpu.memory_space<vmem>>) semaphore(%run_scoped3A_257 : memref<!tpu.dma_semaphore, #tpu.memory_space<semaphore_mem>>)
          %dma_wait3A_272 = arith.constant 0 : i32
          %dma_wait3A_273 = arith.constant 0 : i32
          %dma_wait3A_274 = tpu.memref_slice %run_scoped3A_2[%rem3A_190, %dma_wait3A_272, %dma_wait3A_273] : memref<2x128x128xf32, #tpu.memory_space<vmem>> -> memref<1x128x128xf32, #tpu.memory_space<vmem>>
          %dma_wait3A_275 = tpu.memref_squeeze %dma_wait3A_274 : memref<1x128x128xf32, #tpu.memory_space<vmem>> -> memref<128x128xf32, #tpu.memory_space<vmem>>
          %dma_wait3A_276 = arith.constant 0 : i32
          %dma_wait3A_277 = arith.constant 0 : i32
          %dma_wait3A_278 = tpu.memref_slice %run_scoped3A[%rem3A_188, %dma_wait3A_276, %dma_wait3A_277] : memref<2x1x128xi32, #tpu.memory_space<vmem>> -> memref<1x1x128xi32, #tpu.memory_space<vmem>>
          %dma_wait3A_279 = tpu.memref_squeeze %dma_wait3A_278 : memref<1x1x128xi32, #tpu.memory_space<vmem>> -> memref<1x128xi32, #tpu.memory_space<vmem>>
          %dma_wait3A_280 = arith.constant 0 : i32
          %dma_wait3A_281 = tpu.memref_slice %dma_wait3A_279[%run_scoped3A_191, %dma_wait3A_280] : memref<1x128xi32, #tpu.memory_space<vmem>> -> memref<1x128xi32, #tpu.memory_space<vmem>>
          %dma_wait3A_282 = tpu.memref_squeeze %dma_wait3A_281 : memref<1x128xi32, #tpu.memory_space<vmem>> -> memref<128xi32, #tpu.memory_space<vmem>>
          %dma_wait3A_283 = arith.constant 0 : i32
          %dma_wait3A_284 = arith.constant 0 : i32
          %dma_wait3A_285 = tpu.memref_slice %arg2[%dma_wait3A_283, %dma_wait3A_284] : memref<8192x128xf32, #tpu.memory_space<hbm>> -> memref<8192x128xf32, #tpu.memory_space<hbm>>
          tpu.wait_indirect_dma semaphore(%run_scoped3A_257 : memref<!tpu.dma_semaphore, #tpu.memory_space<semaphore_mem>>) src(%dma_wait3A_285 : memref<8192x128xf32, #tpu.memory_space<hbm>>) dst(%dma_wait3A_275 : memref<128x128xf32, #tpu.memory_space<vmem>>)
          tpu.yield
        }) : () -> ()
        "tpu.trace_stop"() : () -> ()
        %ne3A_192 = arith.cmpi ne, %add3A_124, %add3A_142 : i32
        %or3A_193 = arith.constant false
        %or3A_194 = arith.ori %or3A_193, %ne3A_192 : i1
        %or3A_195 = arith.ori %or3A_194, %eq3A_123 : i1
        %convert_element_type3A_196 = arith.extui %or3A_195 : i1 to i32
        %cond3A_197 = arith.constant 0 : i32
        %cond3A_198 = arith.cmpi ne, %convert_element_type3A_196, %cond3A_197 : i32
        scf.if %cond3A_198 {
        } else {
        }
        %and3A_199 = arith.constant false
        %and3A_200 = arith.andi %or3A_195, %and3A_199 : i1
        %ne3A_201 = arith.cmpi ne, %add3A_124, %add3A_142 : i32
        %or3A_202 = arith.constant false
        %or3A_203 = arith.ori %or3A_202, %ne3A_201 : i1
        %or3A_204 = arith.constant false
        %or3A_205 = arith.ori %or3A_203, %or3A_204 : i1
        %or3A_206 = arith.ori %or3A_205, %eq3A_123 : i1
        %convert_element_type3A_207 = arith.extui %or3A_206 : i1 to i32
        %cond3A_208 = arith.constant 0 : i32
        %cond3A_209 = arith.cmpi ne, %convert_element_type3A_207, %cond3A_208 : i32
        scf.if %cond3A_209 {
          "tpu.trace_start"() <{level = 10 : i32, message = "ep_copy_out"}> : () -> ()
          %rem3A_257 = arith.constant 2 : i32
          %rem3A_258 = arith.remui %scan3A_117, %rem3A_257 : i32
          %mul3A_259 = arith.constant 128 : i32
          %mul3A_260 = arith.muli %mul3A_259, %add3A_124 : i32
          %dma_start3A_261 = arith.constant 0 : i32
          %dma_start3A_262 = arith.constant 0 : i32
          %dma_start3A_263 = tpu.memref_slice %run_scoped3A_2[%rem3A_258, %dma_start3A_261, %dma_start3A_262] : memref<2x128x128xf32, #tpu.memory_space<vmem>> -> memref<1x128x128xf32, #tpu.memory_space<vmem>>
          %dma_start3A_264 = tpu.memref_squeeze %dma_start3A_263 : memref<1x128x128xf32, #tpu.memory_space<vmem>> -> memref<128x128xf32, #tpu.memory_space<vmem>>
          %dma_start3A_265 = arith.constant 0 : i32
          %dma_start3A_266 = tpu.memref_slice %arg4[%mul3A_260, %dma_start3A_265] : memref<32768x128xf32, #tpu.memory_space<hbm>> -> memref<128x128xf32, #tpu.memory_space<hbm>>
          %dma_start3A_267 = tpu.memref_slice %run_scoped3A_3[%rem3A_258] : memref<2x!tpu.dma_semaphore, #tpu.memory_space<semaphore_mem>> -> memref<1x!tpu.dma_semaphore, #tpu.memory_space<semaphore_mem>>
          %dma_start3A_268 = tpu.memref_squeeze %dma_start3A_267 : memref<1x!tpu.dma_semaphore, #tpu.memory_space<semaphore_mem>> -> memref<!tpu.dma_semaphore, #tpu.memory_space<semaphore_mem>>
          %dma_start3A_269 = arith.constant 0 : i32
          %dma_start3A_270 = tpu.memref_slice %arg4[%mul3A_260, %dma_start3A_269] : memref<32768x128xf32, #tpu.memory_space<hbm>> -> memref<128x128xf32, #tpu.memory_space<hbm>>
          %dma_start3A_271 = arith.constant 0 : i32
          %dma_start3A_272 = arith.constant 0 : i32
          %dma_start3A_273 = tpu.memref_slice %run_scoped3A_2[%rem3A_258, %dma_start3A_271, %dma_start3A_272] : memref<2x128x128xf32, #tpu.memory_space<vmem>> -> memref<1x128x128xf32, #tpu.memory_space<vmem>>
          %dma_start3A_274 = tpu.memref_squeeze %dma_start3A_273 : memref<1x128x128xf32, #tpu.memory_space<vmem>> -> memref<128x128xf32, #tpu.memory_space<vmem>>
          tpu.enqueue_dma source(%dma_start3A_274 : memref<128x128xf32, #tpu.memory_space<vmem>>) target(%dma_start3A_270 : memref<128x128xf32, #tpu.memory_space<hbm>>) target_semaphore(%dma_start3A_268 : memref<!tpu.dma_semaphore, #tpu.memory_space<semaphore_mem>>)
          "tpu.trace_stop"() : () -> ()
        } else {
        }
        %and3A_210 = arith.constant true
        %and3A_211 = arith.andi %or3A_206, %and3A_210 : i1
        %add3A_212 = arith.constant 1 : i32
        %add3A_213 = arith.addi %scan3A_117, %add3A_212 : i32
        %select_n3A_214 = arith.select %and3A_211, %add3A_213, %scan3A_117 : i32
        %ne3A_215 = arith.cmpi ne, %add3A_124, %add3A_133 : i32
        %or3A_216 = arith.constant false
        %or3A_217 = arith.ori %or3A_216, %ne3A_215 : i1
        %not3A_218 = arith.constant true
        %not3A_219 = arith.xori %eq3A_121, %not3A_218 : i1
        %and3A_220 = arith.andi %or3A_217, %not3A_219 : i1
        %convert_element_type3A_221 = arith.extui %and3A_220 : i1 to i32
        %cond3A_222 = arith.constant 0 : i32
        %cond3A_223 = arith.cmpi ne, %convert_element_type3A_221, %cond3A_222 : i32
        scf.if %cond3A_223 {
        } else {
        }
        %and3A_224 = arith.constant false
        %and3A_225 = arith.andi %and3A_220, %and3A_224 : i1
        %ne3A_226 = arith.cmpi ne, %add3A_124, %add3A_133 : i32
        %or3A_227 = arith.constant false
        %or3A_228 = arith.ori %or3A_227, %ne3A_226 : i1
        %or3A_229 = arith.constant false
        %or3A_230 = arith.ori %or3A_228, %or3A_229 : i1
        %not3A_231 = arith.constant true
        %not3A_232 = arith.xori %eq3A_121, %not3A_231 : i1
        %and3A_233 = arith.andi %or3A_230, %not3A_232 : i1
        %convert_element_type3A_234 = arith.extui %and3A_233 : i1 to i32
        %cond3A_235 = arith.constant 0 : i32
        %cond3A_236 = arith.cmpi ne, %convert_element_type3A_234, %cond3A_235 : i32
        scf.if %cond3A_236 {
          "tpu.trace_start"() <{level = 10 : i32, message = "ep_wait_out"}> : () -> ()
          %rem3A_257 = arith.constant 2 : i32
          %rem3A_258 = arith.remui %scan3A_118, %rem3A_257 : i32
          %mul3A_259 = arith.constant 128 : i32
          %mul3A_260 = arith.muli %mul3A_259, %add3A_133 : i32
          %dma_wait3A_261 = arith.constant 0 : i32
          %dma_wait3A_262 = arith.constant 0 : i32
          %dma_wait3A_263 = tpu.memref_slice %run_scoped3A_2[%rem3A_258, %dma_wait3A_261, %dma_wait3A_262] : memref<2x128x128xf32, #tpu.memory_space<vmem>> -> memref<1x128x128xf32, #tpu.memory_space<vmem>>
          %dma_wait3A_264 = tpu.memref_squeeze %dma_wait3A_263 : memref<1x128x128xf32, #tpu.memory_space<vmem>> -> memref<128x128xf32, #tpu.memory_space<vmem>>
          %dma_wait3A_265 = arith.constant 0 : i32
          %dma_wait3A_266 = tpu.memref_slice %arg4[%mul3A_260, %dma_wait3A_265] : memref<32768x128xf32, #tpu.memory_space<hbm>> -> memref<128x128xf32, #tpu.memory_space<hbm>>
          %dma_wait3A_267 = tpu.memref_slice %run_scoped3A_3[%rem3A_258] : memref<2x!tpu.dma_semaphore, #tpu.memory_space<semaphore_mem>> -> memref<1x!tpu.dma_semaphore, #tpu.memory_space<semaphore_mem>>
          %dma_wait3A_268 = tpu.memref_squeeze %dma_wait3A_267 : memref<1x!tpu.dma_semaphore, #tpu.memory_space<semaphore_mem>> -> memref<!tpu.dma_semaphore, #tpu.memory_space<semaphore_mem>>
          %dma_wait3A_269 = arith.constant 0 : i32
          %dma_wait3A_270 = tpu.memref_slice %arg4[%mul3A_260, %dma_wait3A_269] : memref<32768x128xf32, #tpu.memory_space<hbm>> -> memref<128x128xf32, #tpu.memory_space<hbm>>
          %dma_wait3A_271 = arith.constant 0 : i32
          %dma_wait3A_272 = arith.constant 0 : i32
          %dma_wait3A_273 = tpu.memref_slice %run_scoped3A_2[%rem3A_258, %dma_wait3A_271, %dma_wait3A_272] : memref<2x128x128xf32, #tpu.memory_space<vmem>> -> memref<1x128x128xf32, #tpu.memory_space<vmem>>
          %dma_wait3A_274 = tpu.memref_squeeze %dma_wait3A_273 : memref<1x128x128xf32, #tpu.memory_space<vmem>> -> memref<128x128xf32, #tpu.memory_space<vmem>>
          tpu.wait_dma2 semaphore(%dma_wait3A_268 : memref<!tpu.dma_semaphore, #tpu.memory_space<semaphore_mem>>) src(%dma_wait3A_274 : memref<128x128xf32, #tpu.memory_space<vmem>>) dst(%dma_wait3A_270 : memref<128x128xf32, #tpu.memory_space<hbm>>)
          "tpu.trace_stop"() : () -> ()
        } else {
        }
        %and3A_237 = arith.constant true
        %and3A_238 = arith.andi %and3A_233, %and3A_237 : i1
        %add3A_239 = arith.constant 1 : i32
        %add3A_240 = arith.addi %scan3A_118, %add3A_239 : i32
        %select_n3A_241 = arith.select %and3A_238, %add3A_240, %scan3A_118 : i32
        %ne3A_242 = arith.cmpi ne, %add3A_124, %add3A_142 : i32
        %or3A_243 = arith.constant false
        %or3A_244 = arith.ori %or3A_243, %ne3A_242 : i1
        %or3A_245 = arith.ori %or3A_244, %eq3A_123 : i1
        %add3A_246 = arith.constant 1 : i32
        %add3A_247 = arith.addi %scan3A_116, %add3A_246 : i32
        %select_n3A_248 = arith.select %or3A_245, %add3A_247, %scan3A_116 : i32
        %add3A_249 = arith.constant 1 : i32
        %add3A_250 = arith.addi %scan3A_119, %add3A_249 : i32
        %select_n3A_251 = arith.constant true
        %select_n3A_252 = arith.select %select_n3A_251, %add3A_250, %scan3A_119 : i32
        %eq3A_253 = arith.constant 16 : i32
        %eq3A_254 = arith.cmpi eq, %select_n3A_252, %eq3A_253 : i32
        %select_n3A_255 = arith.constant 0 : i32
        %select_n3A_256 = arith.select %eq3A_254, %select_n3A_255, %select_n3A_252 : i32
        scf.yield %select_n3A_160, %select_n3A_248, %select_n3A_214, %select_n3A_241, %select_n3A_256 : i32, i32, i32, i32, i32
      }
      %scan3A_61 = arith.constant 16 : i32
      %sub3A = arith.constant 1 : i32
      %sub3A_62 = arith.subi %scan3A_60#4, %sub3A : i32
      %select_n3A_63 = arith.constant true
      %select_n3A_64 = arith.select %select_n3A_63, %sub3A_62, %scan3A_60#4 : i32
      %eq3A_65 = arith.constant -1 : i32
      %eq3A_66 = arith.cmpi eq, %select_n3A_64, %eq3A_65 : i32
      %select_n3A_67 = arith.constant 15 : i32
      %select_n3A_68 = arith.select %eq3A_66, %select_n3A_67, %select_n3A_64 : i32
      %add3A_69 = arith.addi %select_n3A_68, %mul3A_0 : i32
      %sub3A_70 = arith.constant 1 : i32
      %sub3A_71 = arith.subi %select_n3A_68, %sub3A_70 : i32
      %select_n3A_72 = arith.constant true
      %select_n3A_73 = arith.select %select_n3A_72, %sub3A_71, %select_n3A_68 : i32
      %eq3A_74 = arith.constant -1 : i32
      %eq3A_75 = arith.cmpi eq, %select_n3A_73, %eq3A_74 : i32
      %select_n3A_76 = arith.constant 15 : i32
      %select_n3A_77 = arith.select %eq3A_75, %select_n3A_76, %select_n3A_73 : i32
      %add3A_78 = arith.addi %select_n3A_77, %mul3A_0 : i32
      %add3A_79 = arith.constant 1 : i32
      %add3A_80 = arith.addi %select_n3A_68, %add3A_79 : i32
      %select_n3A_81 = arith.constant true
      %select_n3A_82 = arith.select %select_n3A_81, %add3A_80, %select_n3A_68 : i32
      %eq3A_83 = arith.constant 16 : i32
      %eq3A_84 = arith.cmpi eq, %select_n3A_82, %eq3A_83 : i32
      %select_n3A_85 = arith.constant 0 : i32
      %select_n3A_86 = arith.select %eq3A_84, %select_n3A_85, %select_n3A_82 : i32
      %add3A_87 = arith.addi %select_n3A_86, %mul3A_0 : i32
      %add3A_88 = arith.constant 1 : i32
      %add3A_89 = arith.addi %select_n3A_86, %add3A_88 : i32
      %select_n3A_90 = arith.constant true
      %select_n3A_91 = arith.select %select_n3A_90, %add3A_89, %select_n3A_86 : i32
      %eq3A_92 = arith.constant 16 : i32
      %eq3A_93 = arith.cmpi eq, %select_n3A_91, %eq3A_92 : i32
      %select_n3A_94 = arith.constant 0 : i32
      %select_n3A_95 = arith.select %eq3A_93, %select_n3A_94, %select_n3A_91 : i32
      %add3A_96 = arith.addi %select_n3A_95, %mul3A_0 : i32
      "tpu.trace_start"() <{level = 10 : i32, message = "ep_finalize"}> : () -> ()
      %rem3A_97 = arith.constant 2 : i32
      %rem3A_98 = arith.remui %scan3A_60#3, %rem3A_97 : i32
      %mul3A_99 = arith.constant 128 : i32
      %mul3A_100 = arith.muli %mul3A_99, %add3A_69 : i32
      %dma_wait3A = arith.constant 0 : i32
      %dma_wait3A_101 = arith.constant 0 : i32
      %dma_wait3A_102 = tpu.memref_slice %run_scoped3A_2[%rem3A_98, %dma_wait3A, %dma_wait3A_101] : memref<2x128x128xf32, #tpu.memory_space<vmem>> -> memref<1x128x128xf32, #tpu.memory_space<vmem>>
      %dma_wait3A_103 = tpu.memref_squeeze %dma_wait3A_102 : memref<1x128x128xf32, #tpu.memory_space<vmem>> -> memref<128x128xf32, #tpu.memory_space<vmem>>
      %dma_wait3A_104 = arith.constant 0 : i32
      %dma_wait3A_105 = tpu.memref_slice %arg4[%mul3A_100, %dma_wait3A_104] : memref<32768x128xf32, #tpu.memory_space<hbm>> -> memref<128x128xf32, #tpu.memory_space<hbm>>
      %dma_wait3A_106 = tpu.memref_slice %run_scoped3A_3[%rem3A_98] : memref<2x!tpu.dma_semaphore, #tpu.memory_space<semaphore_mem>> -> memref<1x!tpu.dma_semaphore, #tpu.memory_space<semaphore_mem>>
      %dma_wait3A_107 = tpu.memref_squeeze %dma_wait3A_106 : memref<1x!tpu.dma_semaphore, #tpu.memory_space<semaphore_mem>> -> memref<!tpu.dma_semaphore, #tpu.memory_space<semaphore_mem>>
      %dma_wait3A_108 = arith.constant 0 : i32
      %dma_wait3A_109 = tpu.memref_slice %arg4[%mul3A_100, %dma_wait3A_108] : memref<32768x128xf32, #tpu.memory_space<hbm>> -> memref<128x128xf32, #tpu.memory_space<hbm>>
      %dma_wait3A_110 = arith.constant 0 : i32
      %dma_wait3A_111 = arith.constant 0 : i32
      %dma_wait3A_112 = tpu.memref_slice %run_scoped3A_2[%rem3A_98, %dma_wait3A_110, %dma_wait3A_111] : memref<2x128x128xf32, #tpu.memory_space<vmem>> -> memref<1x128x128xf32, #tpu.memory_space<vmem>>
      %dma_wait3A_113 = tpu.memref_squeeze %dma_wait3A_112 : memref<1x128x128xf32, #tpu.memory_space<vmem>> -> memref<128x128xf32, #tpu.memory_space<vmem>>
      tpu.wait_dma2 semaphore(%dma_wait3A_107 : memref<!tpu.dma_semaphore, #tpu.memory_space<semaphore_mem>>) src(%dma_wait3A_113 : memref<128x128xf32, #tpu.memory_space<vmem>>) dst(%dma_wait3A_109 : memref<128x128xf32, #tpu.memory_space<hbm>>)
      "tpu.trace_stop"() : () -> ()
      tpu.yield
    }) : () -> ()
    return
  }
}

#map = affine_map<(d0, d1) -> (0, 0)>
module attributes {stable_mosaic.version = 14 : i64} {
  func.func @gather_kernel(%arg0: i32, %arg1: i32, %arg2: memref<8192x128xf32, #tpu.memory_space<hbm>>, %arg3: memref<1x32768xi32, #tpu.memory_space<hbm>>, %arg4: memref<32768x128xf32, #tpu.memory_space<hbm>>) attributes {dimension_semantics = [#tpu.dimension_semantics<core_parallel>, #tpu.dimension_semantics<subcore_parallel>], iteration_bounds = array<i64: 2, 16>, scalar_prefetch = 0 : i64, scratch_operands = 0 : i64, tpu.core_type = #tpu.core_type<sc_vector_subcore>, window_params = [{transform_indices = #map}, {transform_indices = #map}, {transform_indices = #map}]} {
    %mul3A = arith.constant 16 : i32
    %mul3A_0 = arith.muli %arg1, %mul3A : i32
    "tpu.region"() ({
      %run_scoped3A = memref.alloca() : memref<2x1x128xi32, #tpu.memory_space<vmem>>
      %run_scoped3A_1 = tpu.sem_alloc : memref<2x!tpu.dma_semaphore, #tpu.memory_space<semaphore_mem>>
      %run_scoped3A_2 = memref.alloca() : memref<2x128x128xf32, #tpu.memory_space<vmem>>
      %run_scoped3A_3 = tpu.sem_alloc : memref<2x!tpu.dma_semaphore, #tpu.memory_space<semaphore_mem>>
      %add3A = arith.constant 0 : i32
      %add3A_4 = arith.addi %add3A, %mul3A_0 : i32
      %select_n3A = arith.constant true
      %select_n3A_5 = arith.constant 0 : i32
      %select_n3A_6 = arith.constant -1 : i32
      %select_n3A_7 = arith.select %select_n3A, %select_n3A_6, %select_n3A_5 : i32
      %eq3A = arith.constant -1 : i32
      %eq3A_8 = arith.cmpi eq, %select_n3A_7, %eq3A : i32
      %select_n3A_9 = arith.constant 15 : i32
      %select_n3A_10 = arith.select %eq3A_8, %select_n3A_9, %select_n3A_7 : i32
      %add3A_11 = arith.addi %select_n3A_10, %mul3A_0 : i32
      %select_n3A_12 = arith.constant true
      %select_n3A_13 = arith.constant 0 : i32
      %select_n3A_14 = arith.constant 1 : i32
      %select_n3A_15 = arith.select %select_n3A_12, %select_n3A_14, %select_n3A_13 : i32
      %eq3A_16 = arith.constant 16 : i32
      %eq3A_17 = arith.cmpi eq, %select_n3A_15, %eq3A_16 : i32
      %select_n3A_18 = arith.constant 0 : i32
      %select_n3A_19 = arith.select %eq3A_17, %select_n3A_18, %select_n3A_15 : i32
      %add3A_20 = arith.addi %select_n3A_19, %mul3A_0 : i32
      %add3A_21 = arith.constant 1 : i32
      %add3A_22 = arith.addi %select_n3A_19, %add3A_21 : i32
      %select_n3A_23 = arith.constant true
      %select_n3A_24 = arith.select %select_n3A_23, %add3A_22, %select_n3A_19 : i32
      %eq3A_25 = arith.constant 16 : i32
      %eq3A_26 = arith.cmpi eq, %select_n3A_24, %eq3A_25 : i32
      %select_n3A_27 = arith.constant 0 : i32
      %select_n3A_28 = arith.select %eq3A_26, %select_n3A_27, %select_n3A_24 : i32
      %add3A_29 = arith.addi %select_n3A_28, %mul3A_0 : i32
      "tpu.trace_start"() <{level = 10 : i32, message = "ep_initialize_0"}> : () -> ()
      %rem3A = arith.constant 0 : i32
      %rem3A_30 = arith.constant 2 : i32
      %rem3A_31 = arith.remui %rem3A, %rem3A_30 : i32
      %mul3A_32 = arith.constant 128 : i32
      %mul3A_33 = arith.muli %mul3A_32, %add3A_4 : i32
      %dma_start3A = arith.constant 0 : i32
      %dma_start3A_34 = arith.constant 0 : i32
      %dma_start3A_35 = tpu.memref_slice %run_scoped3A[%rem3A_31, %dma_start3A, %dma_start3A_34] : memref<2x1x128xi32, #tpu.memory_space<vmem>> -> memref<1x1x128xi32, #tpu.memory_space<vmem>>
      %dma_start3A_36 = tpu.memref_squeeze %dma_start3A_35 : memref<1x1x128xi32, #tpu.memory_space<vmem>> -> memref<1x128xi32, #tpu.memory_space<vmem>>
      %dma_start3A_37 = arith.constant 0 : i32
      %dma_start3A_38 = tpu.memref_slice %arg3[%dma_start3A_37, %mul3A_33] : memref<1x32768xi32, #tpu.memory_space<hbm>> -> memref<1x128xi32, #tpu.memory_space<hbm>>
      %dma_start3A_39 = tpu.memref_slice %run_scoped3A_1[%rem3A_31] : memref<2x!tpu.dma_semaphore, #tpu.memory_space<semaphore_mem>> -> memref<1x!tpu.dma_semaphore, #tpu.memory_space<semaphore_mem>>
      %dma_start3A_40 = tpu.memref_squeeze %dma_start3A_39 : memref<1x!tpu.dma_semaphore, #tpu.memory_space<semaphore_mem>> -> memref<!tpu.dma_semaphore, #tpu.memory_space<semaphore_mem>>
      %dma_start3A_41 = arith.constant 0 : i32
      %dma_start3A_42 = arith.constant 0 : i32
      %dma_start3A_43 = tpu.memref_slice %run_scoped3A[%rem3A_31, %dma_start3A_41, %dma_start3A_42] : memref<2x1x128xi32, #tpu.memory_space<vmem>> -> memref<1x1x128xi32, #tpu.memory_space<vmem>>
      %dma_start3A_44 = tpu.memref_squeeze %dma_start3A_43 : memref<1x1x128xi32, #tpu.memory_space<vmem>> -> memref<1x128xi32, #tpu.memory_space<vmem>>
      %dma_start3A_45 = arith.constant 0 : i32
      %dma_start3A_46 = tpu.memref_slice %arg3[%dma_start3A_45, %mul3A_33] : memref<1x32768xi32, #tpu.memory_space<hbm>> -> memref<1x128xi32, #tpu.memory_space<hbm>>
      tpu.enqueue_dma source(%dma_start3A_46 : memref<1x128xi32, #tpu.memory_space<hbm>>) target(%dma_start3A_44 : memref<1x128xi32, #tpu.memory_space<vmem>>) target_semaphore(%dma_start3A_40 : memref<!tpu.dma_semaphore, #tpu.memory_space<semaphore_mem>>)
      %add3A_47 = arith.constant 0 : i32
      %add3A_48 = arith.constant 1 : i32
      %add3A_49 = arith.addi %add3A_47, %add3A_48 : i32
      %select_n3A_50 = arith.constant true
      %select_n3A_51 = arith.constant 0 : i32
      %select_n3A_52 = arith.select %select_n3A_50, %add3A_49, %select_n3A_51 : i32
      "tpu.trace_stop"() : () -> ()
      %scan3A = arith.constant 0 : i32
      %scan3A_53 = arith.constant 0 : i32
      %scan3A_54 = arith.constant 0 : i32
      %scan3A_55 = arith.constant 0 : i32
      %scan3A_56 = arith.constant 0 : i32
      %scan3A_57 = arith.constant 16 : i32
      %scan3A_58 = arith.addi %scan3A_56, %scan3A_57 : i32
      %scan3A_59 = arith.constant 1 : i32
      %scan3A_60:5 = scf.for %scan3A_114 = %scan3A_56 to %scan3A_58 step %scan3A_59 iter_args(%scan3A_115 = %select_n3A_52, %scan3A_116 = %scan3A, %scan3A_117 = %scan3A_53, %scan3A_118 = %scan3A_54, %scan3A_119 = %scan3A_55) -> (i32, i32, i32, i32, i32)  : i32 {
        %eq3A_120 = arith.constant 0 : i32
        %eq3A_121 = arith.cmpi eq, %scan3A_114, %eq3A_120 : i32
        %eq3A_122 = arith.constant 15 : i32
        %eq3A_123 = arith.cmpi eq, %scan3A_114, %eq3A_122 : i32
        %add3A_124 = arith.addi %scan3A_119, %mul3A_0 : i32
        %sub3A_125 = arith.constant 1 : i32
        %sub3A_126 = arith.subi %scan3A_119, %sub3A_125 : i32
        %select_n3A_127 = arith.constant true
        %select_n3A_128 = arith.select %select_n3A_127, %sub3A_126, %scan3A_119 : i32
        %eq3A_129 = arith.constant -1 : i32
        %eq3A_130 = arith.cmpi eq, %select_n3A_128, %eq3A_129 : i32
        %select_n3A_131 = arith.constant 15 : i32
        %select_n3A_132 = arith.select %eq3A_130, %select_n3A_131, %select_n3A_128 : i32
        %add3A_133 = arith.addi %select_n3A_132, %mul3A_0 : i32
        %add3A_134 = arith.constant 1 : i32
        %add3A_135 = arith.addi %scan3A_119, %add3A_134 : i32
        %select_n3A_136 = arith.constant true
        %select_n3A_137 = arith.select %select_n3A_136, %add3A_135, %scan3A_119 : i32
        %eq3A_138 = arith.constant 16 : i32
        %eq3A_139 = arith.cmpi eq, %select_n3A_137, %eq3A_138 : i32
        %select_n3A_140 = arith.constant 0 : i32
        %select_n3A_141 = arith.select %eq3A_139, %select_n3A_140, %select_n3A_137 : i32
        %add3A_142 = arith.addi %select_n3A_141, %mul3A_0 : i32
        %add3A_143 = arith.constant 1 : i32
        %add3A_144 = arith.addi %select_n3A_141, %add3A_143 : i32
        %select_n3A_145 = arith.constant true
        %select_n3A_146 = arith.select %select_n3A_145, %add3A_144, %select_n3A_141 : i32
        %eq3A_147 = arith.constant 16 : i32
        %eq3A_148 = arith.cmpi eq, %select_n3A_146, %eq3A_147 : i32
        %select_n3A_149 = arith.constant 0 : i32
        %select_n3A_150 = arith.select %eq3A_148, %select_n3A_149, %select_n3A_146 : i32
        %add3A_151 = arith.addi %select_n3A_150, %mul3A_0 : i32
        %ne3A = arith.cmpi ne, %add3A_124, %add3A_142 : i32
        %or3A = arith.constant false
        %or3A_152 = arith.ori %or3A, %ne3A : i1
        %ge3A = arith.constant 15 : i32
        %ge3A_153 = arith.cmpi sge, %scan3A_114, %ge3A : i32
        %not3A = arith.constant true
        %not3A_154 = arith.xori %ge3A_153, %not3A : i1
        %and3A = arith.andi %or3A_152, %not3A_154 : i1
        %convert_element_type3A = arith.extui %and3A : i1 to i32
        %cond3A = arith.constant 0 : i32
        %cond3A_155 = arith.cmpi ne, %convert_element_type3A, %cond3A : i32
        scf.if %cond3A_155 {
          "tpu.trace_start"() <{level = 10 : i32, message = "ep_copy_in"}> : () -> ()
          %rem3A_257 = arith.constant 2 : i32
          %rem3A_258 = arith.remui %scan3A_115, %rem3A_257 : i32
          %mul3A_259 = arith.constant 128 : i32
          %mul3A_260 = arith.muli %mul3A_259, %add3A_142 : i32
          %dma_start3A_261 = arith.constant 0 : i32
          %dma_start3A_262 = arith.constant 0 : i32
          %dma_start3A_263 = tpu.memref_slice %run_scoped3A[%rem3A_258, %dma_start3A_261, %dma_start3A_262] : memref<2x1x128xi32, #tpu.memory_space<vmem>> -> memref<1x1x128xi32, #tpu.memory_space<vmem>>
          %dma_start3A_264 = tpu.memref_squeeze %dma_start3A_263 : memref<1x1x128xi32, #tpu.memory_space<vmem>> -> memref<1x128xi32, #tpu.memory_space<vmem>>
          %dma_start3A_265 = arith.constant 0 : i32
          %dma_start3A_266 = tpu.memref_slice %arg3[%dma_start3A_265, %mul3A_260] : memref<1x32768xi32, #tpu.memory_space<hbm>> -> memref<1x128xi32, #tpu.memory_space<hbm>>
          %dma_start3A_267 = tpu.memref_slice %run_scoped3A_1[%rem3A_258] : memref<2x!tpu.dma_semaphore, #tpu.memory_space<semaphore_mem>> -> memref<1x!tpu.dma_semaphore, #tpu.memory_space<semaphore_mem>>
          %dma_start3A_268 = tpu.memref_squeeze %dma_start3A_267 : memref<1x!tpu.dma_semaphore, #tpu.memory_space<semaphore_mem>> -> memref<!tpu.dma_semaphore, #tpu.memory_space<semaphore_mem>>
          %dma_start3A_269 = arith.constant 0 : i32
          %dma_start3A_270 = arith.constant 0 : i32
          %dma_start3A_271 = tpu.memref_slice %run_scoped3A[%rem3A_258, %dma_start3A_269, %dma_start3A_270] : memref<2x1x128xi32, #tpu.memory_space<vmem>> -> memref<1x1x128xi32, #tpu.memory_space<vmem>>
          %dma_start3A_272 = tpu.memref_squeeze %dma_start3A_271 : memref<1x1x128xi32, #tpu.memory_space<vmem>> -> memref<1x128xi32, #tpu.memory_space<vmem>>
          %dma_start3A_273 = arith.constant 0 : i32
          %dma_start3A_274 = tpu.memref_slice %arg3[%dma_start3A_273, %mul3A_260] : memref<1x32768xi32, #tpu.memory_space<hbm>> -> memref<1x128xi32, #tpu.memory_space<hbm>>
          tpu.enqueue_dma source(%dma_start3A_274 : memref<1x128xi32, #tpu.memory_space<hbm>>) target(%dma_start3A_272 : memref<1x128xi32, #tpu.memory_space<vmem>>) target_semaphore(%dma_start3A_268 : memref<!tpu.dma_semaphore, #tpu.memory_space<semaphore_mem>>)
          "tpu.trace_stop"() : () -> ()
        } else {
        }
        %and3A_156 = arith.constant true
        %and3A_157 = arith.andi %and3A, %and3A_156 : i1
        %add3A_158 = arith.constant 1 : i32
        %add3A_159 = arith.addi %scan3A_115, %add3A_158 : i32
        %select_n3A_160 = arith.select %and3A_157, %add3A_159, %scan3A_115 : i32
        %ne3A_161 = arith.cmpi ne, %add3A_124, %add3A_142 : i32
        %or3A_162 = arith.constant false
        %or3A_163 = arith.ori %or3A_162, %ne3A_161 : i1
        %or3A_164 = arith.constant false
        %or3A_165 = arith.ori %or3A_163, %or3A_164 : i1
        %ge3A_166 = arith.constant 15 : i32
        %ge3A_167 = arith.cmpi sge, %scan3A_114, %ge3A_166 : i32
        %not3A_168 = arith.constant true
        %not3A_169 = arith.xori %ge3A_167, %not3A_168 : i1
        %and3A_170 = arith.andi %or3A_165, %not3A_169 : i1
        %ne3A_171 = arith.cmpi ne, %add3A_124, %add3A_133 : i32
        %or3A_172 = arith.constant false
        %or3A_173 = arith.ori %or3A_172, %ne3A_171 : i1
        %or3A_174 = arith.ori %or3A_173, %eq3A_121 : i1
        %convert_element_type3A_175 = arith.extui %or3A_174 : i1 to i32
        %cond3A_176 = arith.constant 0 : i32
        %cond3A_177 = arith.cmpi ne, %convert_element_type3A_175, %cond3A_176 : i32
        scf.if %cond3A_177 {
          "tpu.trace_start"() <{level = 10 : i32, message = "ep_wait_in"}> : () -> ()
          %mul3A_257 = arith.constant 128 : i32
          %mul3A_258 = arith.muli %mul3A_257, %add3A_124 : i32
          %rem3A_259 = arith.constant 2 : i32
          %rem3A_260 = arith.remui %scan3A_116, %rem3A_259 : i32
          %dma_wait3A_261 = arith.constant 0 : i32
          %dma_wait3A_262 = arith.constant 0 : i32
          %dma_wait3A_263 = tpu.memref_slice %run_scoped3A[%rem3A_260, %dma_wait3A_261, %dma_wait3A_262] : memref<2x1x128xi32, #tpu.memory_space<vmem>> -> memref<1x1x128xi32, #tpu.memory_space<vmem>>
          %dma_wait3A_264 = tpu.memref_squeeze %dma_wait3A_263 : memref<1x1x128xi32, #tpu.memory_space<vmem>> -> memref<1x128xi32, #tpu.memory_space<vmem>>
          %dma_wait3A_265 = arith.constant 0 : i32
          %dma_wait3A_266 = tpu.memref_slice %arg3[%dma_wait3A_265, %mul3A_258] : memref<1x32768xi32, #tpu.memory_space<hbm>> -> memref<1x128xi32, #tpu.memory_space<hbm>>
          %dma_wait3A_267 = tpu.memref_slice %run_scoped3A_1[%rem3A_260] : memref<2x!tpu.dma_semaphore, #tpu.memory_space<semaphore_mem>> -> memref<1x!tpu.dma_semaphore, #tpu.memory_space<semaphore_mem>>
          %dma_wait3A_268 = tpu.memref_squeeze %dma_wait3A_267 : memref<1x!tpu.dma_semaphore, #tpu.memory_space<semaphore_mem>> -> memref<!tpu.dma_semaphore, #tpu.memory_space<semaphore_mem>>
          %dma_wait3A_269 = arith.constant 0 : i32
          %dma_wait3A_270 = arith.constant 0 : i32
          %dma_wait3A_271 = tpu.memref_slice %run_scoped3A[%rem3A_260, %dma_wait3A_269, %dma_wait3A_270] : memref<2x1x128xi32, #tpu.memory_space<vmem>> -> memref<1x1x128xi32, #tpu.memory_space<vmem>>
          %dma_wait3A_272 = tpu.memref_squeeze %dma_wait3A_271 : memref<1x1x128xi32, #tpu.memory_space<vmem>> -> memref<1x128xi32, #tpu.memory_space<vmem>>
          %dma_wait3A_273 = arith.constant 0 : i32
          %dma_wait3A_274 = tpu.memref_slice %arg3[%dma_wait3A_273, %mul3A_258] : memref<1x32768xi32, #tpu.memory_space<hbm>> -> memref<1x128xi32, #tpu.memory_space<hbm>>
          tpu.wait_dma2 semaphore(%dma_wait3A_268 : memref<!tpu.dma_semaphore, #tpu.memory_space<semaphore_mem>>) src(%dma_wait3A_274 : memref<1x128xi32, #tpu.memory_space<hbm>>) dst(%dma_wait3A_272 : memref<1x128xi32, #tpu.memory_space<vmem>>)
          "tpu.trace_stop"() : () -> ()
        } else {
        }
        %ne3A_178 = arith.cmpi ne, %add3A_124, %add3A_133 : i32
        %or3A_179 = arith.constant false
        %or3A_180 = arith.ori %or3A_179, %ne3A_178 : i1
        %or3A_181 = arith.constant false
        %or3A_182 = arith.ori %or3A_180, %or3A_181 : i1
        %or3A_183 = arith.ori %or3A_182, %eq3A_121 : i1
        %convert_element_type3A_184 = arith.extui %or3A_183 : i1 to i32
        %cond3A_185 = arith.constant 0 : i32
        %cond3A_186 = arith.cmpi ne, %convert_element_type3A_184, %cond3A_185 : i32
        scf.if %cond3A_186 {
        } else {
        }
        %rem3A_187 = arith.constant 2 : i32
        %rem3A_188 = arith.remui %scan3A_116, %rem3A_187 : i32
        %rem3A_189 = arith.constant 2 : i32
        %rem3A_190 = arith.remui %scan3A_117, %rem3A_189 : i32
        %run_scoped3A_191 = arith.constant 0 : i32
        "tpu.trace_start"() <{level = 10 : i32, message = "ep_run_kernel"}> : () -> ()
        "tpu.region"() ({
          %run_scoped3A_257 = tpu.sem_alloc : memref<!tpu.dma_semaphore, #tpu.memory_space<semaphore_mem>>
          %dma_start3A_258 = arith.constant 0 : i32
          %dma_start3A_259 = arith.constant 0 : i32
          %dma_start3A_260 = tpu.memref_slice %run_scoped3A_2[%rem3A_190, %dma_start3A_258, %dma_start3A_259] : memref<2x128x128xf32, #tpu.memory_space<vmem>> -> memref<1x128x128xf32, #tpu.memory_space<vmem>>
          %dma_start3A_261 = tpu.memref_squeeze %dma_start3A_260 : memref<1x128x128xf32, #tpu.memory_space<vmem>> -> memref<128x128xf32, #tpu.memory_space<vmem>>
          %dma_start3A_262 = arith.constant 0 : i32
          %dma_start3A_263 = arith.constant 0 : i32
          %dma_start3A_264 = tpu.memref_slice %run_scoped3A[%rem3A_188, %dma_start3A_262, %dma_start3A_263] : memref<2x1x128xi32, #tpu.memory_space<vmem>> -> memref<1x1x128xi32, #tpu.memory_space<vmem>>
          %dma_start3A_265 = tpu.memref_squeeze %dma_start3A_264 : memref<1x1x128xi32, #tpu.memory_space<vmem>> -> memref<1x128xi32, #tpu.memory_space<vmem>>
          %dma_start3A_266 = arith.constant 0 : i32
          %dma_start3A_267 = tpu.memref_slice %dma_start3A_265[%run_scoped3A_191, %dma_start3A_266] : memref<1x128xi32, #tpu.memory_space<vmem>> -> memref<1x128xi32, #tpu.memory_space<vmem>>
          %dma_start3A_268 = tpu.memref_squeeze %dma_start3A_267 : memref<1x128xi32, #tpu.memory_space<vmem>> -> memref<128xi32, #tpu.memory_space<vmem>>
          %dma_start3A_269 = arith.constant 0 : i32
          %dma_start3A_270 = arith.constant 0 : i32
          %dma_start3A_271 = tpu.memref_slice %arg2[%dma_start3A_269, %dma_start3A_270] : memref<8192x128xf32, #tpu.memory_space<hbm>> -> memref<8192x128xf32, #tpu.memory_space<hbm>>
          tpu.enqueue_indirect_dma source(%dma_start3A_271 : memref<8192x128xf32, #tpu.memory_space<hbm>>) target(%dma_start3A_261 : memref<128x128xf32, #tpu.memory_space<vmem>>) offsets(%dma_start3A_268 : memref<128xi32, #tpu.memory_space<vmem>>) semaphore(%run_scoped3A_257 : memref<!tpu.dma_semaphore, #tpu.memory_space<semaphore_mem>>)
          %dma_wait3A_272 = arith.constant 0 : i32
          %dma_wait3A_273 = arith.constant 0 : i32
          %dma_wait3A_274 = tpu.memref_slice %run_scoped3A_2[%rem3A_190, %dma_wait3A_272, %dma_wait3A_273] : memref<2x128x128xf32, #tpu.memory_space<vmem>> -> memref<1x128x128xf32, #tpu.memory_space<vmem>>
          %dma_wait3A_275 = tpu.memref_squeeze %dma_wait3A_274 : memref<1x128x128xf32, #tpu.memory_space<vmem>> -> memref<128x128xf32, #tpu.memory_space<vmem>>
          %dma_wait3A_276 = arith.constant 0 : i32
          %dma_wait3A_277 = arith.constant 0 : i32
          %dma_wait3A_278 = tpu.memref_slice %run_scoped3A[%rem3A_188, %dma_wait3A_276, %dma_wait3A_277] : memref<2x1x128xi32, #tpu.memory_space<vmem>> -> memref<1x1x128xi32, #tpu.memory_space<vmem>>
          %dma_wait3A_279 = tpu.memref_squeeze %dma_wait3A_278 : memref<1x1x128xi32, #tpu.memory_space<vmem>> -> memref<1x128xi32, #tpu.memory_space<vmem>>
          %dma_wait3A_280 = arith.constant 0 : i32
          %dma_wait3A_281 = tpu.memref_slice %dma_wait3A_279[%run_scoped3A_191, %dma_wait3A_280] : memref<1x128xi32, #tpu.memory_space<vmem>> -> memref<1x128xi32, #tpu.memory_space<vmem>>
          %dma_wait3A_282 = tpu.memref_squeeze %dma_wait3A_281 : memref<1x128xi32, #tpu.memory_space<vmem>> -> memref<128xi32, #tpu.memory_space<vmem>>
          %dma_wait3A_283 = arith.constant 0 : i32
          %dma_wait3A_284 = arith.constant 0 : i32
          %dma_wait3A_285 = tpu.memref_slice %arg2[%dma_wait3A_283, %dma_wait3A_284] : memref<8192x128xf32, #tpu.memory_space<hbm>> -> memref<8192x128xf32, #tpu.memory_space<hbm>>
          tpu.wait_indirect_dma semaphore(%run_scoped3A_257 : memref<!tpu.dma_semaphore, #tpu.memory_space<semaphore_mem>>) src(%dma_wait3A_285 : memref<8192x128xf32, #tpu.memory_space<hbm>>) dst(%dma_wait3A_275 : memref<128x128xf32, #tpu.memory_space<vmem>>)
          tpu.yield
        }) : () -> ()
        "tpu.trace_stop"() : () -> ()
        %ne3A_192 = arith.cmpi ne, %add3A_124, %add3A_142 : i32
        %or3A_193 = arith.constant false
        %or3A_194 = arith.ori %or3A_193, %ne3A_192 : i1
        %or3A_195 = arith.ori %or3A_194, %eq3A_123 : i1
        %convert_element_type3A_196 = arith.extui %or3A_195 : i1 to i32
        %cond3A_197 = arith.constant 0 : i32
        %cond3A_198 = arith.cmpi ne, %convert_element_type3A_196, %cond3A_197 : i32
        scf.if %cond3A_198 {
        } else {
        }
        %and3A_199 = arith.constant false
        %and3A_200 = arith.andi %or3A_195, %and3A_199 : i1
        %ne3A_201 = arith.cmpi ne, %add3A_124, %add3A_142 : i32
        %or3A_202 = arith.constant false
        %or3A_203 = arith.ori %or3A_202, %ne3A_201 : i1
        %or3A_204 = arith.constant false
        %or3A_205 = arith.ori %or3A_203, %or3A_204 : i1
        %or3A_206 = arith.ori %or3A_205, %eq3A_123 : i1
        %convert_element_type3A_207 = arith.extui %or3A_206 : i1 to i32
        %cond3A_208 = arith.constant 0 : i32
        %cond3A_209 = arith.cmpi ne, %convert_element_type3A_207, %cond3A_208 : i32
        scf.if %cond3A_209 {
          "tpu.trace_start"() <{level = 10 : i32, message = "ep_copy_out"}> : () -> ()
          %rem3A_257 = arith.constant 2 : i32
          %rem3A_258 = arith.remui %scan3A_117, %rem3A_257 : i32
          %mul3A_259 = arith.constant 128 : i32
          %mul3A_260 = arith.muli %mul3A_259, %add3A_124 : i32
          %dma_start3A_261 = arith.constant 0 : i32
          %dma_start3A_262 = arith.constant 0 : i32
          %dma_start3A_263 = tpu.memref_slice %run_scoped3A_2[%rem3A_258, %dma_start3A_261, %dma_start3A_262] : memref<2x128x128xf32, #tpu.memory_space<vmem>> -> memref<1x128x128xf32, #tpu.memory_space<vmem>>
          %dma_start3A_264 = tpu.memref_squeeze %dma_start3A_263 : memref<1x128x128xf32, #tpu.memory_space<vmem>> -> memref<128x128xf32, #tpu.memory_space<vmem>>
          %dma_start3A_265 = arith.constant 0 : i32
          %dma_start3A_266 = tpu.memref_slice %arg4[%mul3A_260, %dma_start3A_265] : memref<32768x128xf32, #tpu.memory_space<hbm>> -> memref<128x128xf32, #tpu.memory_space<hbm>>
          %dma_start3A_267 = tpu.memref_slice %run_scoped3A_3[%rem3A_258] : memref<2x!tpu.dma_semaphore, #tpu.memory_space<semaphore_mem>> -> memref<1x!tpu.dma_semaphore, #tpu.memory_space<semaphore_mem>>
          %dma_start3A_268 = tpu.memref_squeeze %dma_start3A_267 : memref<1x!tpu.dma_semaphore, #tpu.memory_space<semaphore_mem>> -> memref<!tpu.dma_semaphore, #tpu.memory_space<semaphore_mem>>
          %dma_start3A_269 = arith.constant 0 : i32
          %dma_start3A_270 = tpu.memref_slice %arg4[%mul3A_260, %dma_start3A_269] : memref<32768x128xf32, #tpu.memory_space<hbm>> -> memref<128x128xf32, #tpu.memory_space<hbm>>
          %dma_start3A_271 = arith.constant 0 : i32
          %dma_start3A_272 = arith.constant 0 : i32
          %dma_start3A_273 = tpu.memref_slice %run_scoped3A_2[%rem3A_258, %dma_start3A_271, %dma_start3A_272] : memref<2x128x128xf32, #tpu.memory_space<vmem>> -> memref<1x128x128xf32, #tpu.memory_space<vmem>>
          %dma_start3A_274 = tpu.memref_squeeze %dma_start3A_273 : memref<1x128x128xf32, #tpu.memory_space<vmem>> -> memref<128x128xf32, #tpu.memory_space<vmem>>
          tpu.enqueue_dma source(%dma_start3A_274 : memref<128x128xf32, #tpu.memory_space<vmem>>) target(%dma_start3A_270 : memref<128x128xf32, #tpu.memory_space<hbm>>) target_semaphore(%dma_start3A_268 : memref<!tpu.dma_semaphore, #tpu.memory_space<semaphore_mem>>)
          "tpu.trace_stop"() : () -> ()
        } else {
        }
        %and3A_210 = arith.constant true
        %and3A_211 = arith.andi %or3A_206, %and3A_210 : i1
        %add3A_212 = arith.constant 1 : i32
        %add3A_213 = arith.addi %scan3A_117, %add3A_212 : i32
        %select_n3A_214 = arith.select %and3A_211, %add3A_213, %scan3A_117 : i32
        %ne3A_215 = arith.cmpi ne, %add3A_124, %add3A_133 : i32
        %or3A_216 = arith.constant false
        %or3A_217 = arith.ori %or3A_216, %ne3A_215 : i1
        %not3A_218 = arith.constant true
        %not3A_219 = arith.xori %eq3A_121, %not3A_218 : i1
        %and3A_220 = arith.andi %or3A_217, %not3A_219 : i1
        %convert_element_type3A_221 = arith.extui %and3A_220 : i1 to i32
        %cond3A_222 = arith.constant 0 : i32
        %cond3A_223 = arith.cmpi ne, %convert_element_type3A_221, %cond3A_222 : i32
        scf.if %cond3A_223 {
        } else {
        }
        %and3A_224 = arith.constant false
        %and3A_225 = arith.andi %and3A_220, %and3A_224 : i1
        %ne3A_226 = arith.cmpi ne, %add3A_124, %add3A_133 : i32
        %or3A_227 = arith.constant false
        %or3A_228 = arith.ori %or3A_227, %ne3A_226 : i1
        %or3A_229 = arith.constant false
        %or3A_230 = arith.ori %or3A_228, %or3A_229 : i1
        %not3A_231 = arith.constant true
        %not3A_232 = arith.xori %eq3A_121, %not3A_231 : i1
        %and3A_233 = arith.andi %or3A_230, %not3A_232 : i1
        %convert_element_type3A_234 = arith.extui %and3A_233 : i1 to i32
        %cond3A_235 = arith.constant 0 : i32
        %cond3A_236 = arith.cmpi ne, %convert_element_type3A_234, %cond3A_235 : i32
        scf.if %cond3A_236 {
          "tpu.trace_start"() <{level = 10 : i32, message = "ep_wait_out"}> : () -> ()
          %rem3A_257 = arith.constant 2 : i32
          %rem3A_258 = arith.remui %scan3A_118, %rem3A_257 : i32
          %mul3A_259 = arith.constant 128 : i32
          %mul3A_260 = arith.muli %mul3A_259, %add3A_133 : i32
          %dma_wait3A_261 = arith.constant 0 : i32
          %dma_wait3A_262 = arith.constant 0 : i32
          %dma_wait3A_263 = tpu.memref_slice %run_scoped3A_2[%rem3A_258, %dma_wait3A_261, %dma_wait3A_262] : memref<2x128x128xf32, #tpu.memory_space<vmem>> -> memref<1x128x128xf32, #tpu.memory_space<vmem>>
          %dma_wait3A_264 = tpu.memref_squeeze %dma_wait3A_263 : memref<1x128x128xf32, #tpu.memory_space<vmem>> -> memref<128x128xf32, #tpu.memory_space<vmem>>
          %dma_wait3A_265 = arith.constant 0 : i32
          %dma_wait3A_266 = tpu.memref_slice %arg4[%mul3A_260, %dma_wait3A_265] : memref<32768x128xf32, #tpu.memory_space<hbm>> -> memref<128x128xf32, #tpu.memory_space<hbm>>
          %dma_wait3A_267 = tpu.memref_slice %run_scoped3A_3[%rem3A_258] : memref<2x!tpu.dma_semaphore, #tpu.memory_space<semaphore_mem>> -> memref<1x!tpu.dma_semaphore, #tpu.memory_space<semaphore_mem>>
          %dma_wait3A_268 = tpu.memref_squeeze %dma_wait3A_267 : memref<1x!tpu.dma_semaphore, #tpu.memory_space<semaphore_mem>> -> memref<!tpu.dma_semaphore, #tpu.memory_space<semaphore_mem>>
          %dma_wait3A_269 = arith.constant 0 : i32
          %dma_wait3A_270 = tpu.memref_slice %arg4[%mul3A_260, %dma_wait3A_269] : memref<32768x128xf32, #tpu.memory_space<hbm>> -> memref<128x128xf32, #tpu.memory_space<hbm>>
          %dma_wait3A_271 = arith.constant 0 : i32
          %dma_wait3A_272 = arith.constant 0 : i32
          %dma_wait3A_273 = tpu.memref_slice %run_scoped3A_2[%rem3A_258, %dma_wait3A_271, %dma_wait3A_272] : memref<2x128x128xf32, #tpu.memory_space<vmem>> -> memref<1x128x128xf32, #tpu.memory_space<vmem>>
          %dma_wait3A_274 = tpu.memref_squeeze %dma_wait3A_273 : memref<1x128x128xf32, #tpu.memory_space<vmem>> -> memref<128x128xf32, #tpu.memory_space<vmem>>
          tpu.wait_dma2 semaphore(%dma_wait3A_268 : memref<!tpu.dma_semaphore, #tpu.memory_space<semaphore_mem>>) src(%dma_wait3A_274 : memref<128x128xf32, #tpu.memory_space<vmem>>) dst(%dma_wait3A_270 : memref<128x128xf32, #tpu.memory_space<hbm>>)
          "tpu.trace_stop"() : () -> ()
        } else {
        }
        %and3A_237 = arith.constant true
        %and3A_238 = arith.andi %and3A_233, %and3A_237 : i1
        %add3A_239 = arith.constant 1 : i32
        %add3A_240 = arith.addi %scan3A_118, %add3A_239 : i32
        %select_n3A_241 = arith.select %and3A_238, %add3A_240, %scan3A_118 : i32
        %ne3A_242 = arith.cmpi ne, %add3A_124, %add3A_142 : i32
        %or3A_243 = arith.constant false
        %or3A_244 = arith.ori %or3A_243, %ne3A_242 : i1
        %or3A_245 = arith.ori %or3A_244, %eq3A_123 : i1
        %add3A_246 = arith.constant 1 : i32
        %add3A_247 = arith.addi %scan3A_116, %add3A_246 : i32
        %select_n3A_248 = arith.select %or3A_245, %add3A_247, %scan3A_116 : i32
        %add3A_249 = arith.constant 1 : i32
        %add3A_250 = arith.addi %scan3A_119, %add3A_249 : i32
        %select_n3A_251 = arith.constant true
        %select_n3A_252 = arith.select %select_n3A_251, %add3A_250, %scan3A_119 : i32
        %eq3A_253 = arith.constant 16 : i32
        %eq3A_254 = arith.cmpi eq, %select_n3A_252, %eq3A_253 : i32
        %select_n3A_255 = arith.constant 0 : i32
        %select_n3A_256 = arith.select %eq3A_254, %select_n3A_255, %select_n3A_252 : i32
        scf.yield %select_n3A_160, %select_n3A_248, %select_n3A_214, %select_n3A_241, %select_n3A_256 : i32, i32, i32, i32, i32
      }
      %scan3A_61 = arith.constant 16 : i32
      %sub3A = arith.constant 1 : i32
      %sub3A_62 = arith.subi %scan3A_60#4, %sub3A : i32
      %select_n3A_63 = arith.constant true
      %select_n3A_64 = arith.select %select_n3A_63, %sub3A_62, %scan3A_60#4 : i32
      %eq3A_65 = arith.constant -1 : i32
      %eq3A_66 = arith.cmpi eq, %select_n3A_64, %eq3A_65 : i32
      %select_n3A_67 = arith.constant 15 : i32
      %select_n3A_68 = arith.select %eq3A_66, %select_n3A_67, %select_n3A_64 : i32
      %add3A_69 = arith.addi %select_n3A_68, %mul3A_0 : i32
      %sub3A_70 = arith.constant 1 : i32
      %sub3A_71 = arith.subi %select_n3A_68, %sub3A_70 : i32
      %select_n3A_72 = arith.constant true
      %select_n3A_73 = arith.select %select_n3A_72, %sub3A_71, %select_n3A_68 : i32
      %eq3A_74 = arith.constant -1 : i32
      %eq3A_75 = arith.cmpi eq, %select_n3A_73, %eq3A_74 : i32
      %select_n3A_76 = arith.constant 15 : i32
      %select_n3A_77 = arith.select %eq3A_75, %select_n3A_76, %select_n3A_73 : i32
      %add3A_78 = arith.addi %select_n3A_77, %mul3A_0 : i32
      %add3A_79 = arith.constant 1 : i32
      %add3A_80 = arith.addi %select_n3A_68, %add3A_79 : i32
      %select_n3A_81 = arith.constant true
      %select_n3A_82 = arith.select %select_n3A_81, %add3A_80, %select_n3A_68 : i32
      %eq3A_83 = arith.constant 16 : i32
      %eq3A_84 = arith.cmpi eq, %select_n3A_82, %eq3A_83 : i32
      %select_n3A_85 = arith.constant 0 : i32
      %select_n3A_86 = arith.select %eq3A_84, %select_n3A_85, %select_n3A_82 : i32
      %add3A_87 = arith.addi %select_n3A_86, %mul3A_0 : i32
      %add3A_88 = arith.constant 1 : i32
      %add3A_89 = arith.addi %select_n3A_86, %add3A_88 : i32
      %select_n3A_90 = arith.constant true
      %select_n3A_91 = arith.select %select_n3A_90, %add3A_89, %select_n3A_86 : i32
      %eq3A_92 = arith.constant 16 : i32
      %eq3A_93 = arith.cmpi eq, %select_n3A_91, %eq3A_92 : i32
      %select_n3A_94 = arith.constant 0 : i32
      %select_n3A_95 = arith.select %eq3A_93, %select_n3A_94, %select_n3A_91 : i32
      %add3A_96 = arith.addi %select_n3A_95, %mul3A_0 : i32
      "tpu.trace_start"() <{level = 10 : i32, message = "ep_finalize"}> : () -> ()
      %rem3A_97 = arith.constant 2 : i32
      %rem3A_98 = arith.remui %scan3A_60#3, %rem3A_97 : i32
      %mul3A_99 = arith.constant 128 : i32
      %mul3A_100 = arith.muli %mul3A_99, %add3A_69 : i32
      %dma_wait3A = arith.constant 0 : i32
      %dma_wait3A_101 = arith.constant 0 : i32
      %dma_wait3A_102 = tpu.memref_slice %run_scoped3A_2[%rem3A_98, %dma_wait3A, %dma_wait3A_101] : memref<2x128x128xf32, #tpu.memory_space<vmem>> -> memref<1x128x128xf32, #tpu.memory_space<vmem>>
      %dma_wait3A_103 = tpu.memref_squeeze %dma_wait3A_102 : memref<1x128x128xf32, #tpu.memory_space<vmem>> -> memref<128x128xf32, #tpu.memory_space<vmem>>
      %dma_wait3A_104 = arith.constant 0 : i32
      %dma_wait3A_105 = tpu.memref_slice %arg4[%mul3A_100, %dma_wait3A_104] : memref<32768x128xf32, #tpu.memory_space<hbm>> -> memref<128x128xf32, #tpu.memory_space<hbm>>
      %dma_wait3A_106 = tpu.memref_slice %run_scoped3A_3[%rem3A_98] : memref<2x!tpu.dma_semaphore, #tpu.memory_space<semaphore_mem>> -> memref<1x!tpu.dma_semaphore, #tpu.memory_space<semaphore_mem>>
      %dma_wait3A_107 = tpu.memref_squeeze %dma_wait3A_106 : memref<1x!tpu.dma_semaphore, #tpu.memory_space<semaphore_mem>> -> memref<!tpu.dma_semaphore, #tpu.memory_space<semaphore_mem>>
      %dma_wait3A_108 = arith.constant 0 : i32
      %dma_wait3A_109 = tpu.memref_slice %arg4[%mul3A_100, %dma_wait3A_108] : memref<32768x128xf32, #tpu.memory_space<hbm>> -> memref<128x128xf32, #tpu.memory_space<hbm>>
      %dma_wait3A_110 = arith.constant 0 : i32
      %dma_wait3A_111 = arith.constant 0 : i32
      %dma_wait3A_112 = tpu.memref_slice %run_scoped3A_2[%rem3A_98, %dma_wait3A_110, %dma_wait3A_111] : memref<2x128x128xf32, #tpu.memory_space<vmem>> -> memref<1x128x128xf32, #tpu.memory_space<vmem>>
      %dma_wait3A_113 = tpu.memref_squeeze %dma_wait3A_112 : memref<1x128x128xf32, #tpu.memory_space<vmem>> -> memref<128x128xf32, #tpu.memory_space<vmem>>
      tpu.wait_dma2 semaphore(%dma_wait3A_107 : memref<!tpu.dma_semaphore, #tpu.memory_space<semaphore_mem>>) src(%dma_wait3A_113 : memref<128x128xf32, #tpu.memory_space<vmem>>) dst(%dma_wait3A_109 : memref<128x128xf32, #tpu.memory_space<hbm>>)
      "tpu.trace_stop"() : () -> ()
      tpu.yield
    }) : () -> ()
    return
  }
}

#map = affine_map<(d0, d1) -> (0, 0)>
module attributes {stable_mosaic.version = 14 : i64} {
  func.func @gather_kernel(%arg0: i32, %arg1: i32, %arg2: memref<8192x128xf32, #tpu.memory_space<hbm>>, %arg3: memref<1x32768xi32, #tpu.memory_space<hbm>>, %arg4: memref<32768x128xf32, #tpu.memory_space<hbm>>) attributes {dimension_semantics = [#tpu.dimension_semantics<core_parallel>, #tpu.dimension_semantics<subcore_parallel>], iteration_bounds = array<i64: 2, 16>, scalar_prefetch = 0 : i64, scratch_operands = 0 : i64, tpu.core_type = #tpu.core_type<sc_vector_subcore>, window_params = [{transform_indices = #map}, {transform_indices = #map}, {transform_indices = #map}]} {
    %mul3A = arith.constant 16 : i32
    %mul3A_0 = arith.muli %arg1, %mul3A : i32
    "tpu.region"() ({
      %run_scoped3A = memref.alloca() : memref<2x1x128xi32, #tpu.memory_space<vmem>>
      %run_scoped3A_1 = tpu.sem_alloc : memref<2x!tpu.dma_semaphore, #tpu.memory_space<semaphore_mem>>
      %run_scoped3A_2 = memref.alloca() : memref<2x128x128xf32, #tpu.memory_space<vmem>>
      %run_scoped3A_3 = tpu.sem_alloc : memref<2x!tpu.dma_semaphore, #tpu.memory_space<semaphore_mem>>
      %add3A = arith.constant 0 : i32
      %add3A_4 = arith.addi %add3A, %mul3A_0 : i32
      %select_n3A = arith.constant true
      %select_n3A_5 = arith.constant 0 : i32
      %select_n3A_6 = arith.constant -1 : i32
      %select_n3A_7 = arith.select %select_n3A, %select_n3A_6, %select_n3A_5 : i32
      %eq3A = arith.constant -1 : i32
      %eq3A_8 = arith.cmpi eq, %select_n3A_7, %eq3A : i32
      %select_n3A_9 = arith.constant 15 : i32
      %select_n3A_10 = arith.select %eq3A_8, %select_n3A_9, %select_n3A_7 : i32
      %add3A_11 = arith.addi %select_n3A_10, %mul3A_0 : i32
      %select_n3A_12 = arith.constant true
      %select_n3A_13 = arith.constant 0 : i32
      %select_n3A_14 = arith.constant 1 : i32
      %select_n3A_15 = arith.select %select_n3A_12, %select_n3A_14, %select_n3A_13 : i32
      %eq3A_16 = arith.constant 16 : i32
      %eq3A_17 = arith.cmpi eq, %select_n3A_15, %eq3A_16 : i32
      %select_n3A_18 = arith.constant 0 : i32
      %select_n3A_19 = arith.select %eq3A_17, %select_n3A_18, %select_n3A_15 : i32
      %add3A_20 = arith.addi %select_n3A_19, %mul3A_0 : i32
      %add3A_21 = arith.constant 1 : i32
      %add3A_22 = arith.addi %select_n3A_19, %add3A_21 : i32
      %select_n3A_23 = arith.constant true
      %select_n3A_24 = arith.select %select_n3A_23, %add3A_22, %select_n3A_19 : i32
      %eq3A_25 = arith.constant 16 : i32
      %eq3A_26 = arith.cmpi eq, %select_n3A_24, %eq3A_25 : i32
      %select_n3A_27 = arith.constant 0 : i32
      %select_n3A_28 = arith.select %eq3A_26, %select_n3A_27, %select_n3A_24 : i32
      %add3A_29 = arith.addi %select_n3A_28, %mul3A_0 : i32
      "tpu.trace_start"() <{level = 10 : i32, message = "ep_initialize_0"}> : () -> ()
      %rem3A = arith.constant 0 : i32
      %rem3A_30 = arith.constant 2 : i32
      %rem3A_31 = arith.remui %rem3A, %rem3A_30 : i32
      %mul3A_32 = arith.constant 128 : i32
      %mul3A_33 = arith.muli %mul3A_32, %add3A_4 : i32
      %dma_start3A = arith.constant 0 : i32
      %dma_start3A_34 = arith.constant 0 : i32
      %dma_start3A_35 = tpu.memref_slice %run_scoped3A[%rem3A_31, %dma_start3A, %dma_start3A_34] : memref<2x1x128xi32, #tpu.memory_space<vmem>> -> memref<1x1x128xi32, #tpu.memory_space<vmem>>
      %dma_start3A_36 = tpu.memref_squeeze %dma_start3A_35 : memref<1x1x128xi32, #tpu.memory_space<vmem>> -> memref<1x128xi32, #tpu.memory_space<vmem>>
      %dma_start3A_37 = arith.constant 0 : i32
      %dma_start3A_38 = tpu.memref_slice %arg3[%dma_start3A_37, %mul3A_33] : memref<1x32768xi32, #tpu.memory_space<hbm>> -> memref<1x128xi32, #tpu.memory_space<hbm>>
      %dma_start3A_39 = tpu.memref_slice %run_scoped3A_1[%rem3A_31] : memref<2x!tpu.dma_semaphore, #tpu.memory_space<semaphore_mem>> -> memref<1x!tpu.dma_semaphore, #tpu.memory_space<semaphore_mem>>
      %dma_start3A_40 = tpu.memref_squeeze %dma_start3A_39 : memref<1x!tpu.dma_semaphore, #tpu.memory_space<semaphore_mem>> -> memref<!tpu.dma_semaphore, #tpu.memory_space<semaphore_mem>>
      %dma_start3A_41 = arith.constant 0 : i32
      %dma_start3A_42 = arith.constant 0 : i32
      %dma_start3A_43 = tpu.memref_slice %run_scoped3A[%rem3A_31, %dma_start3A_41, %dma_start3A_42] : memref<2x1x128xi32, #tpu.memory_space<vmem>> -> memref<1x1x128xi32, #tpu.memory_space<vmem>>
      %dma_start3A_44 = tpu.memref_squeeze %dma_start3A_43 : memref<1x1x128xi32, #tpu.memory_space<vmem>> -> memref<1x128xi32, #tpu.memory_space<vmem>>
      %dma_start3A_45 = arith.constant 0 : i32
      %dma_start3A_46 = tpu.memref_slice %arg3[%dma_start3A_45, %mul3A_33] : memref<1x32768xi32, #tpu.memory_space<hbm>> -> memref<1x128xi32, #tpu.memory_space<hbm>>
      tpu.enqueue_dma source(%dma_start3A_46 : memref<1x128xi32, #tpu.memory_space<hbm>>) target(%dma_start3A_44 : memref<1x128xi32, #tpu.memory_space<vmem>>) target_semaphore(%dma_start3A_40 : memref<!tpu.dma_semaphore, #tpu.memory_space<semaphore_mem>>)
      %add3A_47 = arith.constant 0 : i32
      %add3A_48 = arith.constant 1 : i32
      %add3A_49 = arith.addi %add3A_47, %add3A_48 : i32
      %select_n3A_50 = arith.constant true
      %select_n3A_51 = arith.constant 0 : i32
      %select_n3A_52 = arith.select %select_n3A_50, %add3A_49, %select_n3A_51 : i32
      "tpu.trace_stop"() : () -> ()
      %scan3A = arith.constant 0 : i32
      %scan3A_53 = arith.constant 0 : i32
      %scan3A_54 = arith.constant 0 : i32
      %scan3A_55 = arith.constant 0 : i32
      %scan3A_56 = arith.constant 0 : i32
      %scan3A_57 = arith.constant 16 : i32
      %scan3A_58 = arith.addi %scan3A_56, %scan3A_57 : i32
      %scan3A_59 = arith.constant 1 : i32
      %scan3A_60:5 = scf.for %scan3A_114 = %scan3A_56 to %scan3A_58 step %scan3A_59 iter_args(%scan3A_115 = %select_n3A_52, %scan3A_116 = %scan3A, %scan3A_117 = %scan3A_53, %scan3A_118 = %scan3A_54, %scan3A_119 = %scan3A_55) -> (i32, i32, i32, i32, i32)  : i32 {
        %eq3A_120 = arith.constant 0 : i32
        %eq3A_121 = arith.cmpi eq, %scan3A_114, %eq3A_120 : i32
        %eq3A_122 = arith.constant 15 : i32
        %eq3A_123 = arith.cmpi eq, %scan3A_114, %eq3A_122 : i32
        %add3A_124 = arith.addi %scan3A_119, %mul3A_0 : i32
        %sub3A_125 = arith.constant 1 : i32
        %sub3A_126 = arith.subi %scan3A_119, %sub3A_125 : i32
        %select_n3A_127 = arith.constant true
        %select_n3A_128 = arith.select %select_n3A_127, %sub3A_126, %scan3A_119 : i32
        %eq3A_129 = arith.constant -1 : i32
        %eq3A_130 = arith.cmpi eq, %select_n3A_128, %eq3A_129 : i32
        %select_n3A_131 = arith.constant 15 : i32
        %select_n3A_132 = arith.select %eq3A_130, %select_n3A_131, %select_n3A_128 : i32
        %add3A_133 = arith.addi %select_n3A_132, %mul3A_0 : i32
        %add3A_134 = arith.constant 1 : i32
        %add3A_135 = arith.addi %scan3A_119, %add3A_134 : i32
        %select_n3A_136 = arith.constant true
        %select_n3A_137 = arith.select %select_n3A_136, %add3A_135, %scan3A_119 : i32
        %eq3A_138 = arith.constant 16 : i32
        %eq3A_139 = arith.cmpi eq, %select_n3A_137, %eq3A_138 : i32
        %select_n3A_140 = arith.constant 0 : i32
        %select_n3A_141 = arith.select %eq3A_139, %select_n3A_140, %select_n3A_137 : i32
        %add3A_142 = arith.addi %select_n3A_141, %mul3A_0 : i32
        %add3A_143 = arith.constant 1 : i32
        %add3A_144 = arith.addi %select_n3A_141, %add3A_143 : i32
        %select_n3A_145 = arith.constant true
        %select_n3A_146 = arith.select %select_n3A_145, %add3A_144, %select_n3A_141 : i32
        %eq3A_147 = arith.constant 16 : i32
        %eq3A_148 = arith.cmpi eq, %select_n3A_146, %eq3A_147 : i32
        %select_n3A_149 = arith.constant 0 : i32
        %select_n3A_150 = arith.select %eq3A_148, %select_n3A_149, %select_n3A_146 : i32
        %add3A_151 = arith.addi %select_n3A_150, %mul3A_0 : i32
        %ne3A = arith.cmpi ne, %add3A_124, %add3A_142 : i32
        %or3A = arith.constant false
        %or3A_152 = arith.ori %or3A, %ne3A : i1
        %ge3A = arith.constant 15 : i32
        %ge3A_153 = arith.cmpi sge, %scan3A_114, %ge3A : i32
        %not3A = arith.constant true
        %not3A_154 = arith.xori %ge3A_153, %not3A : i1
        %and3A = arith.andi %or3A_152, %not3A_154 : i1
        %convert_element_type3A = arith.extui %and3A : i1 to i32
        %cond3A = arith.constant 0 : i32
        %cond3A_155 = arith.cmpi ne, %convert_element_type3A, %cond3A : i32
        scf.if %cond3A_155 {
          "tpu.trace_start"() <{level = 10 : i32, message = "ep_copy_in"}> : () -> ()
          %rem3A_257 = arith.constant 2 : i32
          %rem3A_258 = arith.remui %scan3A_115, %rem3A_257 : i32
          %mul3A_259 = arith.constant 128 : i32
          %mul3A_260 = arith.muli %mul3A_259, %add3A_142 : i32
          %dma_start3A_261 = arith.constant 0 : i32
          %dma_start3A_262 = arith.constant 0 : i32
          %dma_start3A_263 = tpu.memref_slice %run_scoped3A[%rem3A_258, %dma_start3A_261, %dma_start3A_262] : memref<2x1x128xi32, #tpu.memory_space<vmem>> -> memref<1x1x128xi32, #tpu.memory_space<vmem>>
          %dma_start3A_264 = tpu.memref_squeeze %dma_start3A_263 : memref<1x1x128xi32, #tpu.memory_space<vmem>> -> memref<1x128xi32, #tpu.memory_space<vmem>>
          %dma_start3A_265 = arith.constant 0 : i32
          %dma_start3A_266 = tpu.memref_slice %arg3[%dma_start3A_265, %mul3A_260] : memref<1x32768xi32, #tpu.memory_space<hbm>> -> memref<1x128xi32, #tpu.memory_space<hbm>>
          %dma_start3A_267 = tpu.memref_slice %run_scoped3A_1[%rem3A_258] : memref<2x!tpu.dma_semaphore, #tpu.memory_space<semaphore_mem>> -> memref<1x!tpu.dma_semaphore, #tpu.memory_space<semaphore_mem>>
          %dma_start3A_268 = tpu.memref_squeeze %dma_start3A_267 : memref<1x!tpu.dma_semaphore, #tpu.memory_space<semaphore_mem>> -> memref<!tpu.dma_semaphore, #tpu.memory_space<semaphore_mem>>
          %dma_start3A_269 = arith.constant 0 : i32
          %dma_start3A_270 = arith.constant 0 : i32
          %dma_start3A_271 = tpu.memref_slice %run_scoped3A[%rem3A_258, %dma_start3A_269, %dma_start3A_270] : memref<2x1x128xi32, #tpu.memory_space<vmem>> -> memref<1x1x128xi32, #tpu.memory_space<vmem>>
          %dma_start3A_272 = tpu.memref_squeeze %dma_start3A_271 : memref<1x1x128xi32, #tpu.memory_space<vmem>> -> memref<1x128xi32, #tpu.memory_space<vmem>>
          %dma_start3A_273 = arith.constant 0 : i32
          %dma_start3A_274 = tpu.memref_slice %arg3[%dma_start3A_273, %mul3A_260] : memref<1x32768xi32, #tpu.memory_space<hbm>> -> memref<1x128xi32, #tpu.memory_space<hbm>>
          tpu.enqueue_dma source(%dma_start3A_274 : memref<1x128xi32, #tpu.memory_space<hbm>>) target(%dma_start3A_272 : memref<1x128xi32, #tpu.memory_space<vmem>>) target_semaphore(%dma_start3A_268 : memref<!tpu.dma_semaphore, #tpu.memory_space<semaphore_mem>>)
          "tpu.trace_stop"() : () -> ()
        } else {
        }
        %and3A_156 = arith.constant true
        %and3A_157 = arith.andi %and3A, %and3A_156 : i1
        %add3A_158 = arith.constant 1 : i32
        %add3A_159 = arith.addi %scan3A_115, %add3A_158 : i32
        %select_n3A_160 = arith.select %and3A_157, %add3A_159, %scan3A_115 : i32
        %ne3A_161 = arith.cmpi ne, %add3A_124, %add3A_142 : i32
        %or3A_162 = arith.constant false
        %or3A_163 = arith.ori %or3A_162, %ne3A_161 : i1
        %or3A_164 = arith.constant false
        %or3A_165 = arith.ori %or3A_163, %or3A_164 : i1
        %ge3A_166 = arith.constant 15 : i32
        %ge3A_167 = arith.cmpi sge, %scan3A_114, %ge3A_166 : i32
        %not3A_168 = arith.constant true
        %not3A_169 = arith.xori %ge3A_167, %not3A_168 : i1
        %and3A_170 = arith.andi %or3A_165, %not3A_169 : i1
        %ne3A_171 = arith.cmpi ne, %add3A_124, %add3A_133 : i32
        %or3A_172 = arith.constant false
        %or3A_173 = arith.ori %or3A_172, %ne3A_171 : i1
        %or3A_174 = arith.ori %or3A_173, %eq3A_121 : i1
        %convert_element_type3A_175 = arith.extui %or3A_174 : i1 to i32
        %cond3A_176 = arith.constant 0 : i32
        %cond3A_177 = arith.cmpi ne, %convert_element_type3A_175, %cond3A_176 : i32
        scf.if %cond3A_177 {
          "tpu.trace_start"() <{level = 10 : i32, message = "ep_wait_in"}> : () -> ()
          %mul3A_257 = arith.constant 128 : i32
          %mul3A_258 = arith.muli %mul3A_257, %add3A_124 : i32
          %rem3A_259 = arith.constant 2 : i32
          %rem3A_260 = arith.remui %scan3A_116, %rem3A_259 : i32
          %dma_wait3A_261 = arith.constant 0 : i32
          %dma_wait3A_262 = arith.constant 0 : i32
          %dma_wait3A_263 = tpu.memref_slice %run_scoped3A[%rem3A_260, %dma_wait3A_261, %dma_wait3A_262] : memref<2x1x128xi32, #tpu.memory_space<vmem>> -> memref<1x1x128xi32, #tpu.memory_space<vmem>>
          %dma_wait3A_264 = tpu.memref_squeeze %dma_wait3A_263 : memref<1x1x128xi32, #tpu.memory_space<vmem>> -> memref<1x128xi32, #tpu.memory_space<vmem>>
          %dma_wait3A_265 = arith.constant 0 : i32
          %dma_wait3A_266 = tpu.memref_slice %arg3[%dma_wait3A_265, %mul3A_258] : memref<1x32768xi32, #tpu.memory_space<hbm>> -> memref<1x128xi32, #tpu.memory_space<hbm>>
          %dma_wait3A_267 = tpu.memref_slice %run_scoped3A_1[%rem3A_260] : memref<2x!tpu.dma_semaphore, #tpu.memory_space<semaphore_mem>> -> memref<1x!tpu.dma_semaphore, #tpu.memory_space<semaphore_mem>>
          %dma_wait3A_268 = tpu.memref_squeeze %dma_wait3A_267 : memref<1x!tpu.dma_semaphore, #tpu.memory_space<semaphore_mem>> -> memref<!tpu.dma_semaphore, #tpu.memory_space<semaphore_mem>>
          %dma_wait3A_269 = arith.constant 0 : i32
          %dma_wait3A_270 = arith.constant 0 : i32
          %dma_wait3A_271 = tpu.memref_slice %run_scoped3A[%rem3A_260, %dma_wait3A_269, %dma_wait3A_270] : memref<2x1x128xi32, #tpu.memory_space<vmem>> -> memref<1x1x128xi32, #tpu.memory_space<vmem>>
          %dma_wait3A_272 = tpu.memref_squeeze %dma_wait3A_271 : memref<1x1x128xi32, #tpu.memory_space<vmem>> -> memref<1x128xi32, #tpu.memory_space<vmem>>
          %dma_wait3A_273 = arith.constant 0 : i32
          %dma_wait3A_274 = tpu.memref_slice %arg3[%dma_wait3A_273, %mul3A_258] : memref<1x32768xi32, #tpu.memory_space<hbm>> -> memref<1x128xi32, #tpu.memory_space<hbm>>
          tpu.wait_dma2 semaphore(%dma_wait3A_268 : memref<!tpu.dma_semaphore, #tpu.memory_space<semaphore_mem>>) src(%dma_wait3A_274 : memref<1x128xi32, #tpu.memory_space<hbm>>) dst(%dma_wait3A_272 : memref<1x128xi32, #tpu.memory_space<vmem>>)
          "tpu.trace_stop"() : () -> ()
        } else {
        }
        %ne3A_178 = arith.cmpi ne, %add3A_124, %add3A_133 : i32
        %or3A_179 = arith.constant false
        %or3A_180 = arith.ori %or3A_179, %ne3A_178 : i1
        %or3A_181 = arith.constant false
        %or3A_182 = arith.ori %or3A_180, %or3A_181 : i1
        %or3A_183 = arith.ori %or3A_182, %eq3A_121 : i1
        %convert_element_type3A_184 = arith.extui %or3A_183 : i1 to i32
        %cond3A_185 = arith.constant 0 : i32
        %cond3A_186 = arith.cmpi ne, %convert_element_type3A_184, %cond3A_185 : i32
        scf.if %cond3A_186 {
        } else {
        }
        %rem3A_187 = arith.constant 2 : i32
        %rem3A_188 = arith.remui %scan3A_116, %rem3A_187 : i32
        %rem3A_189 = arith.constant 2 : i32
        %rem3A_190 = arith.remui %scan3A_117, %rem3A_189 : i32
        %run_scoped3A_191 = arith.constant 0 : i32
        "tpu.trace_start"() <{level = 10 : i32, message = "ep_run_kernel"}> : () -> ()
        "tpu.region"() ({
          %run_scoped3A_257 = tpu.sem_alloc : memref<!tpu.dma_semaphore, #tpu.memory_space<semaphore_mem>>
          %dma_start3A_258 = arith.constant 0 : i32
          %dma_start3A_259 = arith.constant 0 : i32
          %dma_start3A_260 = tpu.memref_slice %run_scoped3A_2[%rem3A_190, %dma_start3A_258, %dma_start3A_259] : memref<2x128x128xf32, #tpu.memory_space<vmem>> -> memref<1x128x128xf32, #tpu.memory_space<vmem>>
          %dma_start3A_261 = tpu.memref_squeeze %dma_start3A_260 : memref<1x128x128xf32, #tpu.memory_space<vmem>> -> memref<128x128xf32, #tpu.memory_space<vmem>>
          %dma_start3A_262 = arith.constant 0 : i32
          %dma_start3A_263 = arith.constant 0 : i32
          %dma_start3A_264 = tpu.memref_slice %run_scoped3A[%rem3A_188, %dma_start3A_262, %dma_start3A_263] : memref<2x1x128xi32, #tpu.memory_space<vmem>> -> memref<1x1x128xi32, #tpu.memory_space<vmem>>
          %dma_start3A_265 = tpu.memref_squeeze %dma_start3A_264 : memref<1x1x128xi32, #tpu.memory_space<vmem>> -> memref<1x128xi32, #tpu.memory_space<vmem>>
          %dma_start3A_266 = arith.constant 0 : i32
          %dma_start3A_267 = tpu.memref_slice %dma_start3A_265[%run_scoped3A_191, %dma_start3A_266] : memref<1x128xi32, #tpu.memory_space<vmem>> -> memref<1x128xi32, #tpu.memory_space<vmem>>
          %dma_start3A_268 = tpu.memref_squeeze %dma_start3A_267 : memref<1x128xi32, #tpu.memory_space<vmem>> -> memref<128xi32, #tpu.memory_space<vmem>>
          %dma_start3A_269 = arith.constant 0 : i32
          %dma_start3A_270 = arith.constant 0 : i32
          %dma_start3A_271 = tpu.memref_slice %arg2[%dma_start3A_269, %dma_start3A_270] : memref<8192x128xf32, #tpu.memory_space<hbm>> -> memref<8192x128xf32, #tpu.memory_space<hbm>>
          tpu.enqueue_indirect_dma source(%dma_start3A_271 : memref<8192x128xf32, #tpu.memory_space<hbm>>) target(%dma_start3A_261 : memref<128x128xf32, #tpu.memory_space<vmem>>) offsets(%dma_start3A_268 : memref<128xi32, #tpu.memory_space<vmem>>) semaphore(%run_scoped3A_257 : memref<!tpu.dma_semaphore, #tpu.memory_space<semaphore_mem>>)
          %dma_wait3A_272 = arith.constant 0 : i32
          %dma_wait3A_273 = arith.constant 0 : i32
          %dma_wait3A_274 = tpu.memref_slice %run_scoped3A_2[%rem3A_190, %dma_wait3A_272, %dma_wait3A_273] : memref<2x128x128xf32, #tpu.memory_space<vmem>> -> memref<1x128x128xf32, #tpu.memory_space<vmem>>
          %dma_wait3A_275 = tpu.memref_squeeze %dma_wait3A_274 : memref<1x128x128xf32, #tpu.memory_space<vmem>> -> memref<128x128xf32, #tpu.memory_space<vmem>>
          %dma_wait3A_276 = arith.constant 0 : i32
          %dma_wait3A_277 = arith.constant 0 : i32
          %dma_wait3A_278 = tpu.memref_slice %run_scoped3A[%rem3A_188, %dma_wait3A_276, %dma_wait3A_277] : memref<2x1x128xi32, #tpu.memory_space<vmem>> -> memref<1x1x128xi32, #tpu.memory_space<vmem>>
          %dma_wait3A_279 = tpu.memref_squeeze %dma_wait3A_278 : memref<1x1x128xi32, #tpu.memory_space<vmem>> -> memref<1x128xi32, #tpu.memory_space<vmem>>
          %dma_wait3A_280 = arith.constant 0 : i32
          %dma_wait3A_281 = tpu.memref_slice %dma_wait3A_279[%run_scoped3A_191, %dma_wait3A_280] : memref<1x128xi32, #tpu.memory_space<vmem>> -> memref<1x128xi32, #tpu.memory_space<vmem>>
          %dma_wait3A_282 = tpu.memref_squeeze %dma_wait3A_281 : memref<1x128xi32, #tpu.memory_space<vmem>> -> memref<128xi32, #tpu.memory_space<vmem>>
          %dma_wait3A_283 = arith.constant 0 : i32
          %dma_wait3A_284 = arith.constant 0 : i32
          %dma_wait3A_285 = tpu.memref_slice %arg2[%dma_wait3A_283, %dma_wait3A_284] : memref<8192x128xf32, #tpu.memory_space<hbm>> -> memref<8192x128xf32, #tpu.memory_space<hbm>>
          tpu.wait_indirect_dma semaphore(%run_scoped3A_257 : memref<!tpu.dma_semaphore, #tpu.memory_space<semaphore_mem>>) src(%dma_wait3A_285 : memref<8192x128xf32, #tpu.memory_space<hbm>>) dst(%dma_wait3A_275 : memref<128x128xf32, #tpu.memory_space<vmem>>)
          tpu.yield
        }) : () -> ()
        "tpu.trace_stop"() : () -> ()
        %ne3A_192 = arith.cmpi ne, %add3A_124, %add3A_142 : i32
        %or3A_193 = arith.constant false
        %or3A_194 = arith.ori %or3A_193, %ne3A_192 : i1
        %or3A_195 = arith.ori %or3A_194, %eq3A_123 : i1
        %convert_element_type3A_196 = arith.extui %or3A_195 : i1 to i32
        %cond3A_197 = arith.constant 0 : i32
        %cond3A_198 = arith.cmpi ne, %convert_element_type3A_196, %cond3A_197 : i32
        scf.if %cond3A_198 {
        } else {
        }
        %and3A_199 = arith.constant false
        %and3A_200 = arith.andi %or3A_195, %and3A_199 : i1
        %ne3A_201 = arith.cmpi ne, %add3A_124, %add3A_142 : i32
        %or3A_202 = arith.constant false
        %or3A_203 = arith.ori %or3A_202, %ne3A_201 : i1
        %or3A_204 = arith.constant false
        %or3A_205 = arith.ori %or3A_203, %or3A_204 : i1
        %or3A_206 = arith.ori %or3A_205, %eq3A_123 : i1
        %convert_element_type3A_207 = arith.extui %or3A_206 : i1 to i32
        %cond3A_208 = arith.constant 0 : i32
        %cond3A_209 = arith.cmpi ne, %convert_element_type3A_207, %cond3A_208 : i32
        scf.if %cond3A_209 {
          "tpu.trace_start"() <{level = 10 : i32, message = "ep_copy_out"}> : () -> ()
          %rem3A_257 = arith.constant 2 : i32
          %rem3A_258 = arith.remui %scan3A_117, %rem3A_257 : i32
          %mul3A_259 = arith.constant 128 : i32
          %mul3A_260 = arith.muli %mul3A_259, %add3A_124 : i32
          %dma_start3A_261 = arith.constant 0 : i32
          %dma_start3A_262 = arith.constant 0 : i32
          %dma_start3A_263 = tpu.memref_slice %run_scoped3A_2[%rem3A_258, %dma_start3A_261, %dma_start3A_262] : memref<2x128x128xf32, #tpu.memory_space<vmem>> -> memref<1x128x128xf32, #tpu.memory_space<vmem>>
          %dma_start3A_264 = tpu.memref_squeeze %dma_start3A_263 : memref<1x128x128xf32, #tpu.memory_space<vmem>> -> memref<128x128xf32, #tpu.memory_space<vmem>>
          %dma_start3A_265 = arith.constant 0 : i32
          %dma_start3A_266 = tpu.memref_slice %arg4[%mul3A_260, %dma_start3A_265] : memref<32768x128xf32, #tpu.memory_space<hbm>> -> memref<128x128xf32, #tpu.memory_space<hbm>>
          %dma_start3A_267 = tpu.memref_slice %run_scoped3A_3[%rem3A_258] : memref<2x!tpu.dma_semaphore, #tpu.memory_space<semaphore_mem>> -> memref<1x!tpu.dma_semaphore, #tpu.memory_space<semaphore_mem>>
          %dma_start3A_268 = tpu.memref_squeeze %dma_start3A_267 : memref<1x!tpu.dma_semaphore, #tpu.memory_space<semaphore_mem>> -> memref<!tpu.dma_semaphore, #tpu.memory_space<semaphore_mem>>
          %dma_start3A_269 = arith.constant 0 : i32
          %dma_start3A_270 = tpu.memref_slice %arg4[%mul3A_260, %dma_start3A_269] : memref<32768x128xf32, #tpu.memory_space<hbm>> -> memref<128x128xf32, #tpu.memory_space<hbm>>
          %dma_start3A_271 = arith.constant 0 : i32
          %dma_start3A_272 = arith.constant 0 : i32
          %dma_start3A_273 = tpu.memref_slice %run_scoped3A_2[%rem3A_258, %dma_start3A_271, %dma_start3A_272] : memref<2x128x128xf32, #tpu.memory_space<vmem>> -> memref<1x128x128xf32, #tpu.memory_space<vmem>>
          %dma_start3A_274 = tpu.memref_squeeze %dma_start3A_273 : memref<1x128x128xf32, #tpu.memory_space<vmem>> -> memref<128x128xf32, #tpu.memory_space<vmem>>
          tpu.enqueue_dma source(%dma_start3A_274 : memref<128x128xf32, #tpu.memory_space<vmem>>) target(%dma_start3A_270 : memref<128x128xf32, #tpu.memory_space<hbm>>) target_semaphore(%dma_start3A_268 : memref<!tpu.dma_semaphore, #tpu.memory_space<semaphore_mem>>)
          "tpu.trace_stop"() : () -> ()
        } else {
        }
        %and3A_210 = arith.constant true
        %and3A_211 = arith.andi %or3A_206, %and3A_210 : i1
        %add3A_212 = arith.constant 1 : i32
        %add3A_213 = arith.addi %scan3A_117, %add3A_212 : i32
        %select_n3A_214 = arith.select %and3A_211, %add3A_213, %scan3A_117 : i32
        %ne3A_215 = arith.cmpi ne, %add3A_124, %add3A_133 : i32
        %or3A_216 = arith.constant false
        %or3A_217 = arith.ori %or3A_216, %ne3A_215 : i1
        %not3A_218 = arith.constant true
        %not3A_219 = arith.xori %eq3A_121, %not3A_218 : i1
        %and3A_220 = arith.andi %or3A_217, %not3A_219 : i1
        %convert_element_type3A_221 = arith.extui %and3A_220 : i1 to i32
        %cond3A_222 = arith.constant 0 : i32
        %cond3A_223 = arith.cmpi ne, %convert_element_type3A_221, %cond3A_222 : i32
        scf.if %cond3A_223 {
        } else {
        }
        %and3A_224 = arith.constant false
        %and3A_225 = arith.andi %and3A_220, %and3A_224 : i1
        %ne3A_226 = arith.cmpi ne, %add3A_124, %add3A_133 : i32
        %or3A_227 = arith.constant false
        %or3A_228 = arith.ori %or3A_227, %ne3A_226 : i1
        %or3A_229 = arith.constant false
        %or3A_230 = arith.ori %or3A_228, %or3A_229 : i1
        %not3A_231 = arith.constant true
        %not3A_232 = arith.xori %eq3A_121, %not3A_231 : i1
        %and3A_233 = arith.andi %or3A_230, %not3A_232 : i1
        %convert_element_type3A_234 = arith.extui %and3A_233 : i1 to i32
        %cond3A_235 = arith.constant 0 : i32
        %cond3A_236 = arith.cmpi ne, %convert_element_type3A_234, %cond3A_235 : i32
        scf.if %cond3A_236 {
          "tpu.trace_start"() <{level = 10 : i32, message = "ep_wait_out"}> : () -> ()
          %rem3A_257 = arith.constant 2 : i32
          %rem3A_258 = arith.remui %scan3A_118, %rem3A_257 : i32
          %mul3A_259 = arith.constant 128 : i32
          %mul3A_260 = arith.muli %mul3A_259, %add3A_133 : i32
          %dma_wait3A_261 = arith.constant 0 : i32
          %dma_wait3A_262 = arith.constant 0 : i32
          %dma_wait3A_263 = tpu.memref_slice %run_scoped3A_2[%rem3A_258, %dma_wait3A_261, %dma_wait3A_262] : memref<2x128x128xf32, #tpu.memory_space<vmem>> -> memref<1x128x128xf32, #tpu.memory_space<vmem>>
          %dma_wait3A_264 = tpu.memref_squeeze %dma_wait3A_263 : memref<1x128x128xf32, #tpu.memory_space<vmem>> -> memref<128x128xf32, #tpu.memory_space<vmem>>
          %dma_wait3A_265 = arith.constant 0 : i32
          %dma_wait3A_266 = tpu.memref_slice %arg4[%mul3A_260, %dma_wait3A_265] : memref<32768x128xf32, #tpu.memory_space<hbm>> -> memref<128x128xf32, #tpu.memory_space<hbm>>
          %dma_wait3A_267 = tpu.memref_slice %run_scoped3A_3[%rem3A_258] : memref<2x!tpu.dma_semaphore, #tpu.memory_space<semaphore_mem>> -> memref<1x!tpu.dma_semaphore, #tpu.memory_space<semaphore_mem>>
          %dma_wait3A_268 = tpu.memref_squeeze %dma_wait3A_267 : memref<1x!tpu.dma_semaphore, #tpu.memory_space<semaphore_mem>> -> memref<!tpu.dma_semaphore, #tpu.memory_space<semaphore_mem>>
          %dma_wait3A_269 = arith.constant 0 : i32
          %dma_wait3A_270 = tpu.memref_slice %arg4[%mul3A_260, %dma_wait3A_269] : memref<32768x128xf32, #tpu.memory_space<hbm>> -> memref<128x128xf32, #tpu.memory_space<hbm>>
          %dma_wait3A_271 = arith.constant 0 : i32
          %dma_wait3A_272 = arith.constant 0 : i32
          %dma_wait3A_273 = tpu.memref_slice %run_scoped3A_2[%rem3A_258, %dma_wait3A_271, %dma_wait3A_272] : memref<2x128x128xf32, #tpu.memory_space<vmem>> -> memref<1x128x128xf32, #tpu.memory_space<vmem>>
          %dma_wait3A_274 = tpu.memref_squeeze %dma_wait3A_273 : memref<1x128x128xf32, #tpu.memory_space<vmem>> -> memref<128x128xf32, #tpu.memory_space<vmem>>
          tpu.wait_dma2 semaphore(%dma_wait3A_268 : memref<!tpu.dma_semaphore, #tpu.memory_space<semaphore_mem>>) src(%dma_wait3A_274 : memref<128x128xf32, #tpu.memory_space<vmem>>) dst(%dma_wait3A_270 : memref<128x128xf32, #tpu.memory_space<hbm>>)
          "tpu.trace_stop"() : () -> ()
        } else {
        }
        %and3A_237 = arith.constant true
        %and3A_238 = arith.andi %and3A_233, %and3A_237 : i1
        %add3A_239 = arith.constant 1 : i32
        %add3A_240 = arith.addi %scan3A_118, %add3A_239 : i32
        %select_n3A_241 = arith.select %and3A_238, %add3A_240, %scan3A_118 : i32
        %ne3A_242 = arith.cmpi ne, %add3A_124, %add3A_142 : i32
        %or3A_243 = arith.constant false
        %or3A_244 = arith.ori %or3A_243, %ne3A_242 : i1
        %or3A_245 = arith.ori %or3A_244, %eq3A_123 : i1
        %add3A_246 = arith.constant 1 : i32
        %add3A_247 = arith.addi %scan3A_116, %add3A_246 : i32
        %select_n3A_248 = arith.select %or3A_245, %add3A_247, %scan3A_116 : i32
        %add3A_249 = arith.constant 1 : i32
        %add3A_250 = arith.addi %scan3A_119, %add3A_249 : i32
        %select_n3A_251 = arith.constant true
        %select_n3A_252 = arith.select %select_n3A_251, %add3A_250, %scan3A_119 : i32
        %eq3A_253 = arith.constant 16 : i32
        %eq3A_254 = arith.cmpi eq, %select_n3A_252, %eq3A_253 : i32
        %select_n3A_255 = arith.constant 0 : i32
        %select_n3A_256 = arith.select %eq3A_254, %select_n3A_255, %select_n3A_252 : i32
        scf.yield %select_n3A_160, %select_n3A_248, %select_n3A_214, %select_n3A_241, %select_n3A_256 : i32, i32, i32, i32, i32
      }
      %scan3A_61 = arith.constant 16 : i32
      %sub3A = arith.constant 1 : i32
      %sub3A_62 = arith.subi %scan3A_60#4, %sub3A : i32
      %select_n3A_63 = arith.constant true
      %select_n3A_64 = arith.select %select_n3A_63, %sub3A_62, %scan3A_60#4 : i32
      %eq3A_65 = arith.constant -1 : i32
      %eq3A_66 = arith.cmpi eq, %select_n3A_64, %eq3A_65 : i32
      %select_n3A_67 = arith.constant 15 : i32
      %select_n3A_68 = arith.select %eq3A_66, %select_n3A_67, %select_n3A_64 : i32
      %add3A_69 = arith.addi %select_n3A_68, %mul3A_0 : i32
      %sub3A_70 = arith.constant 1 : i32
      %sub3A_71 = arith.subi %select_n3A_68, %sub3A_70 : i32
      %select_n3A_72 = arith.constant true
      %select_n3A_73 = arith.select %select_n3A_72, %sub3A_71, %select_n3A_68 : i32
      %eq3A_74 = arith.constant -1 : i32
      %eq3A_75 = arith.cmpi eq, %select_n3A_73, %eq3A_74 : i32
      %select_n3A_76 = arith.constant 15 : i32
      %select_n3A_77 = arith.select %eq3A_75, %select_n3A_76, %select_n3A_73 : i32
      %add3A_78 = arith.addi %select_n3A_77, %mul3A_0 : i32
      %add3A_79 = arith.constant 1 : i32
      %add3A_80 = arith.addi %select_n3A_68, %add3A_79 : i32
      %select_n3A_81 = arith.constant true
      %select_n3A_82 = arith.select %select_n3A_81, %add3A_80, %select_n3A_68 : i32
      %eq3A_83 = arith.constant 16 : i32
      %eq3A_84 = arith.cmpi eq, %select_n3A_82, %eq3A_83 : i32
      %select_n3A_85 = arith.constant 0 : i32
      %select_n3A_86 = arith.select %eq3A_84, %select_n3A_85, %select_n3A_82 : i32
      %add3A_87 = arith.addi %select_n3A_86, %mul3A_0 : i32
      %add3A_88 = arith.constant 1 : i32
      %add3A_89 = arith.addi %select_n3A_86, %add3A_88 : i32
      %select_n3A_90 = arith.constant true
      %select_n3A_91 = arith.select %select_n3A_90, %add3A_89, %select_n3A_86 : i32
      %eq3A_92 = arith.constant 16 : i32
      %eq3A_93 = arith.cmpi eq, %select_n3A_91, %eq3A_92 : i32
      %select_n3A_94 = arith.constant 0 : i32
      %select_n3A_95 = arith.select %eq3A_93, %select_n3A_94, %select_n3A_91 : i32
      %add3A_96 = arith.addi %select_n3A_95, %mul3A_0 : i32
      "tpu.trace_start"() <{level = 10 : i32, message = "ep_finalize"}> : () -> ()
      %rem3A_97 = arith.constant 2 : i32
      %rem3A_98 = arith.remui %scan3A_60#3, %rem3A_97 : i32
      %mul3A_99 = arith.constant 128 : i32
      %mul3A_100 = arith.muli %mul3A_99, %add3A_69 : i32
      %dma_wait3A = arith.constant 0 : i32
      %dma_wait3A_101 = arith.constant 0 : i32
      %dma_wait3A_102 = tpu.memref_slice %run_scoped3A_2[%rem3A_98, %dma_wait3A, %dma_wait3A_101] : memref<2x128x128xf32, #tpu.memory_space<vmem>> -> memref<1x128x128xf32, #tpu.memory_space<vmem>>
      %dma_wait3A_103 = tpu.memref_squeeze %dma_wait3A_102 : memref<1x128x128xf32, #tpu.memory_space<vmem>> -> memref<128x128xf32, #tpu.memory_space<vmem>>
      %dma_wait3A_104 = arith.constant 0 : i32
      %dma_wait3A_105 = tpu.memref_slice %arg4[%mul3A_100, %dma_wait3A_104] : memref<32768x128xf32, #tpu.memory_space<hbm>> -> memref<128x128xf32, #tpu.memory_space<hbm>>
      %dma_wait3A_106 = tpu.memref_slice %run_scoped3A_3[%rem3A_98] : memref<2x!tpu.dma_semaphore, #tpu.memory_space<semaphore_mem>> -> memref<1x!tpu.dma_semaphore, #tpu.memory_space<semaphore_mem>>
      %dma_wait3A_107 = tpu.memref_squeeze %dma_wait3A_106 : memref<1x!tpu.dma_semaphore, #tpu.memory_space<semaphore_mem>> -> memref<!tpu.dma_semaphore, #tpu.memory_space<semaphore_mem>>
      %dma_wait3A_108 = arith.constant 0 : i32
      %dma_wait3A_109 = tpu.memref_slice %arg4[%mul3A_100, %dma_wait3A_108] : memref<32768x128xf32, #tpu.memory_space<hbm>> -> memref<128x128xf32, #tpu.memory_space<hbm>>
      %dma_wait3A_110 = arith.constant 0 : i32
      %dma_wait3A_111 = arith.constant 0 : i32
      %dma_wait3A_112 = tpu.memref_slice %run_scoped3A_2[%rem3A_98, %dma_wait3A_110, %dma_wait3A_111] : memref<2x128x128xf32, #tpu.memory_space<vmem>> -> memref<1x128x128xf32, #tpu.memory_space<vmem>>
      %dma_wait3A_113 = tpu.memref_squeeze %dma_wait3A_112 : memref<1x128x128xf32, #tpu.memory_space<vmem>> -> memref<128x128xf32, #tpu.memory_space<vmem>>
      tpu.wait_dma2 semaphore(%dma_wait3A_107 : memref<!tpu.dma_semaphore, #tpu.memory_space<semaphore_mem>>) src(%dma_wait3A_113 : memref<128x128xf32, #tpu.memory_space<vmem>>) dst(%dma_wait3A_109 : memref<128x128xf32, #tpu.memory_space<hbm>>)
      "tpu.trace_stop"() : () -> ()
      tpu.yield
    }) : () -> ()
    return
  }
}

#map = affine_map<(d0, d1) -> (0, 0)>
module attributes {stable_mosaic.version = 14 : i64} {
  func.func @gather_kernel(%arg0: i32, %arg1: i32, %arg2: memref<8192x128xf32, #tpu.memory_space<hbm>>, %arg3: memref<1x32768xi32, #tpu.memory_space<hbm>>, %arg4: memref<32768x128xf32, #tpu.memory_space<hbm>>) attributes {dimension_semantics = [#tpu.dimension_semantics<core_parallel>, #tpu.dimension_semantics<subcore_parallel>], iteration_bounds = array<i64: 2, 16>, scalar_prefetch = 0 : i64, scratch_operands = 0 : i64, tpu.core_type = #tpu.core_type<sc_vector_subcore>, window_params = [{transform_indices = #map}, {transform_indices = #map}, {transform_indices = #map}]} {
    %mul3A = arith.constant 16 : i32
    %mul3A_0 = arith.muli %arg1, %mul3A : i32
    "tpu.region"() ({
      %run_scoped3A = memref.alloca() : memref<2x1x128xi32, #tpu.memory_space<vmem>>
      %run_scoped3A_1 = tpu.sem_alloc : memref<2x!tpu.dma_semaphore, #tpu.memory_space<semaphore_mem>>
      %run_scoped3A_2 = memref.alloca() : memref<2x128x128xf32, #tpu.memory_space<vmem>>
      %run_scoped3A_3 = tpu.sem_alloc : memref<2x!tpu.dma_semaphore, #tpu.memory_space<semaphore_mem>>
      %add3A = arith.constant 0 : i32
      %add3A_4 = arith.addi %add3A, %mul3A_0 : i32
      %select_n3A = arith.constant true
      %select_n3A_5 = arith.constant 0 : i32
      %select_n3A_6 = arith.constant -1 : i32
      %select_n3A_7 = arith.select %select_n3A, %select_n3A_6, %select_n3A_5 : i32
      %eq3A = arith.constant -1 : i32
      %eq3A_8 = arith.cmpi eq, %select_n3A_7, %eq3A : i32
      %select_n3A_9 = arith.constant 15 : i32
      %select_n3A_10 = arith.select %eq3A_8, %select_n3A_9, %select_n3A_7 : i32
      %add3A_11 = arith.addi %select_n3A_10, %mul3A_0 : i32
      %select_n3A_12 = arith.constant true
      %select_n3A_13 = arith.constant 0 : i32
      %select_n3A_14 = arith.constant 1 : i32
      %select_n3A_15 = arith.select %select_n3A_12, %select_n3A_14, %select_n3A_13 : i32
      %eq3A_16 = arith.constant 16 : i32
      %eq3A_17 = arith.cmpi eq, %select_n3A_15, %eq3A_16 : i32
      %select_n3A_18 = arith.constant 0 : i32
      %select_n3A_19 = arith.select %eq3A_17, %select_n3A_18, %select_n3A_15 : i32
      %add3A_20 = arith.addi %select_n3A_19, %mul3A_0 : i32
      %add3A_21 = arith.constant 1 : i32
      %add3A_22 = arith.addi %select_n3A_19, %add3A_21 : i32
      %select_n3A_23 = arith.constant true
      %select_n3A_24 = arith.select %select_n3A_23, %add3A_22, %select_n3A_19 : i32
      %eq3A_25 = arith.constant 16 : i32
      %eq3A_26 = arith.cmpi eq, %select_n3A_24, %eq3A_25 : i32
      %select_n3A_27 = arith.constant 0 : i32
      %select_n3A_28 = arith.select %eq3A_26, %select_n3A_27, %select_n3A_24 : i32
      %add3A_29 = arith.addi %select_n3A_28, %mul3A_0 : i32
      "tpu.trace_start"() <{level = 10 : i32, message = "ep_initialize_0"}> : () -> ()
      %rem3A = arith.constant 0 : i32
      %rem3A_30 = arith.constant 2 : i32
      %rem3A_31 = arith.remui %rem3A, %rem3A_30 : i32
      %mul3A_32 = arith.constant 128 : i32
      %mul3A_33 = arith.muli %mul3A_32, %add3A_4 : i32
      %dma_start3A = arith.constant 0 : i32
      %dma_start3A_34 = arith.constant 0 : i32
      %dma_start3A_35 = tpu.memref_slice %run_scoped3A[%rem3A_31, %dma_start3A, %dma_start3A_34] : memref<2x1x128xi32, #tpu.memory_space<vmem>> -> memref<1x1x128xi32, #tpu.memory_space<vmem>>
      %dma_start3A_36 = tpu.memref_squeeze %dma_start3A_35 : memref<1x1x128xi32, #tpu.memory_space<vmem>> -> memref<1x128xi32, #tpu.memory_space<vmem>>
      %dma_start3A_37 = arith.constant 0 : i32
      %dma_start3A_38 = tpu.memref_slice %arg3[%dma_start3A_37, %mul3A_33] : memref<1x32768xi32, #tpu.memory_space<hbm>> -> memref<1x128xi32, #tpu.memory_space<hbm>>
      %dma_start3A_39 = tpu.memref_slice %run_scoped3A_1[%rem3A_31] : memref<2x!tpu.dma_semaphore, #tpu.memory_space<semaphore_mem>> -> memref<1x!tpu.dma_semaphore, #tpu.memory_space<semaphore_mem>>
      %dma_start3A_40 = tpu.memref_squeeze %dma_start3A_39 : memref<1x!tpu.dma_semaphore, #tpu.memory_space<semaphore_mem>> -> memref<!tpu.dma_semaphore, #tpu.memory_space<semaphore_mem>>
      %dma_start3A_41 = arith.constant 0 : i32
      %dma_start3A_42 = arith.constant 0 : i32
      %dma_start3A_43 = tpu.memref_slice %run_scoped3A[%rem3A_31, %dma_start3A_41, %dma_start3A_42] : memref<2x1x128xi32, #tpu.memory_space<vmem>> -> memref<1x1x128xi32, #tpu.memory_space<vmem>>
      %dma_start3A_44 = tpu.memref_squeeze %dma_start3A_43 : memref<1x1x128xi32, #tpu.memory_space<vmem>> -> memref<1x128xi32, #tpu.memory_space<vmem>>
      %dma_start3A_45 = arith.constant 0 : i32
      %dma_start3A_46 = tpu.memref_slice %arg3[%dma_start3A_45, %mul3A_33] : memref<1x32768xi32, #tpu.memory_space<hbm>> -> memref<1x128xi32, #tpu.memory_space<hbm>>
      tpu.enqueue_dma source(%dma_start3A_46 : memref<1x128xi32, #tpu.memory_space<hbm>>) target(%dma_start3A_44 : memref<1x128xi32, #tpu.memory_space<vmem>>) target_semaphore(%dma_start3A_40 : memref<!tpu.dma_semaphore, #tpu.memory_space<semaphore_mem>>)
      %add3A_47 = arith.constant 0 : i32
      %add3A_48 = arith.constant 1 : i32
      %add3A_49 = arith.addi %add3A_47, %add3A_48 : i32
      %select_n3A_50 = arith.constant true
      %select_n3A_51 = arith.constant 0 : i32
      %select_n3A_52 = arith.select %select_n3A_50, %add3A_49, %select_n3A_51 : i32
      "tpu.trace_stop"() : () -> ()
      %scan3A = arith.constant 0 : i32
      %scan3A_53 = arith.constant 0 : i32
      %scan3A_54 = arith.constant 0 : i32
      %scan3A_55 = arith.constant 0 : i32
      %scan3A_56 = arith.constant 0 : i32
      %scan3A_57 = arith.constant 16 : i32
      %scan3A_58 = arith.addi %scan3A_56, %scan3A_57 : i32
      %scan3A_59 = arith.constant 1 : i32
      %scan3A_60:5 = scf.for %scan3A_114 = %scan3A_56 to %scan3A_58 step %scan3A_59 iter_args(%scan3A_115 = %select_n3A_52, %scan3A_116 = %scan3A, %scan3A_117 = %scan3A_53, %scan3A_118 = %scan3A_54, %scan3A_119 = %scan3A_55) -> (i32, i32, i32, i32, i32)  : i32 {
        %eq3A_120 = arith.constant 0 : i32
        %eq3A_121 = arith.cmpi eq, %scan3A_114, %eq3A_120 : i32
        %eq3A_122 = arith.constant 15 : i32
        %eq3A_123 = arith.cmpi eq, %scan3A_114, %eq3A_122 : i32
        %add3A_124 = arith.addi %scan3A_119, %mul3A_0 : i32
        %sub3A_125 = arith.constant 1 : i32
        %sub3A_126 = arith.subi %scan3A_119, %sub3A_125 : i32
        %select_n3A_127 = arith.constant true
        %select_n3A_128 = arith.select %select_n3A_127, %sub3A_126, %scan3A_119 : i32
        %eq3A_129 = arith.constant -1 : i32
        %eq3A_130 = arith.cmpi eq, %select_n3A_128, %eq3A_129 : i32
        %select_n3A_131 = arith.constant 15 : i32
        %select_n3A_132 = arith.select %eq3A_130, %select_n3A_131, %select_n3A_128 : i32
        %add3A_133 = arith.addi %select_n3A_132, %mul3A_0 : i32
        %add3A_134 = arith.constant 1 : i32
        %add3A_135 = arith.addi %scan3A_119, %add3A_134 : i32
        %select_n3A_136 = arith.constant true
        %select_n3A_137 = arith.select %select_n3A_136, %add3A_135, %scan3A_119 : i32
        %eq3A_138 = arith.constant 16 : i32
        %eq3A_139 = arith.cmpi eq, %select_n3A_137, %eq3A_138 : i32
        %select_n3A_140 = arith.constant 0 : i32
        %select_n3A_141 = arith.select %eq3A_139, %select_n3A_140, %select_n3A_137 : i32
        %add3A_142 = arith.addi %select_n3A_141, %mul3A_0 : i32
        %add3A_143 = arith.constant 1 : i32
        %add3A_144 = arith.addi %select_n3A_141, %add3A_143 : i32
        %select_n3A_145 = arith.constant true
        %select_n3A_146 = arith.select %select_n3A_145, %add3A_144, %select_n3A_141 : i32
        %eq3A_147 = arith.constant 16 : i32
        %eq3A_148 = arith.cmpi eq, %select_n3A_146, %eq3A_147 : i32
        %select_n3A_149 = arith.constant 0 : i32
        %select_n3A_150 = arith.select %eq3A_148, %select_n3A_149, %select_n3A_146 : i32
        %add3A_151 = arith.addi %select_n3A_150, %mul3A_0 : i32
        %ne3A = arith.cmpi ne, %add3A_124, %add3A_142 : i32
        %or3A = arith.constant false
        %or3A_152 = arith.ori %or3A, %ne3A : i1
        %ge3A = arith.constant 15 : i32
        %ge3A_153 = arith.cmpi sge, %scan3A_114, %ge3A : i32
        %not3A = arith.constant true
        %not3A_154 = arith.xori %ge3A_153, %not3A : i1
        %and3A = arith.andi %or3A_152, %not3A_154 : i1
        %convert_element_type3A = arith.extui %and3A : i1 to i32
        %cond3A = arith.constant 0 : i32
        %cond3A_155 = arith.cmpi ne, %convert_element_type3A, %cond3A : i32
        scf.if %cond3A_155 {
          "tpu.trace_start"() <{level = 10 : i32, message = "ep_copy_in"}> : () -> ()
          %rem3A_257 = arith.constant 2 : i32
          %rem3A_258 = arith.remui %scan3A_115, %rem3A_257 : i32
          %mul3A_259 = arith.constant 128 : i32
          %mul3A_260 = arith.muli %mul3A_259, %add3A_142 : i32
          %dma_start3A_261 = arith.constant 0 : i32
          %dma_start3A_262 = arith.constant 0 : i32
          %dma_start3A_263 = tpu.memref_slice %run_scoped3A[%rem3A_258, %dma_start3A_261, %dma_start3A_262] : memref<2x1x128xi32, #tpu.memory_space<vmem>> -> memref<1x1x128xi32, #tpu.memory_space<vmem>>
          %dma_start3A_264 = tpu.memref_squeeze %dma_start3A_263 : memref<1x1x128xi32, #tpu.memory_space<vmem>> -> memref<1x128xi32, #tpu.memory_space<vmem>>
          %dma_start3A_265 = arith.constant 0 : i32
          %dma_start3A_266 = tpu.memref_slice %arg3[%dma_start3A_265, %mul3A_260] : memref<1x32768xi32, #tpu.memory_space<hbm>> -> memref<1x128xi32, #tpu.memory_space<hbm>>
          %dma_start3A_267 = tpu.memref_slice %run_scoped3A_1[%rem3A_258] : memref<2x!tpu.dma_semaphore, #tpu.memory_space<semaphore_mem>> -> memref<1x!tpu.dma_semaphore, #tpu.memory_space<semaphore_mem>>
          %dma_start3A_268 = tpu.memref_squeeze %dma_start3A_267 : memref<1x!tpu.dma_semaphore, #tpu.memory_space<semaphore_mem>> -> memref<!tpu.dma_semaphore, #tpu.memory_space<semaphore_mem>>
          %dma_start3A_269 = arith.constant 0 : i32
          %dma_start3A_270 = arith.constant 0 : i32
          %dma_start3A_271 = tpu.memref_slice %run_scoped3A[%rem3A_258, %dma_start3A_269, %dma_start3A_270] : memref<2x1x128xi32, #tpu.memory_space<vmem>> -> memref<1x1x128xi32, #tpu.memory_space<vmem>>
          %dma_start3A_272 = tpu.memref_squeeze %dma_start3A_271 : memref<1x1x128xi32, #tpu.memory_space<vmem>> -> memref<1x128xi32, #tpu.memory_space<vmem>>
          %dma_start3A_273 = arith.constant 0 : i32
          %dma_start3A_274 = tpu.memref_slice %arg3[%dma_start3A_273, %mul3A_260] : memref<1x32768xi32, #tpu.memory_space<hbm>> -> memref<1x128xi32, #tpu.memory_space<hbm>>
          tpu.enqueue_dma source(%dma_start3A_274 : memref<1x128xi32, #tpu.memory_space<hbm>>) target(%dma_start3A_272 : memref<1x128xi32, #tpu.memory_space<vmem>>) target_semaphore(%dma_start3A_268 : memref<!tpu.dma_semaphore, #tpu.memory_space<semaphore_mem>>)
          "tpu.trace_stop"() : () -> ()
        } else {
        }
        %and3A_156 = arith.constant true
        %and3A_157 = arith.andi %and3A, %and3A_156 : i1
        %add3A_158 = arith.constant 1 : i32
        %add3A_159 = arith.addi %scan3A_115, %add3A_158 : i32
        %select_n3A_160 = arith.select %and3A_157, %add3A_159, %scan3A_115 : i32
        %ne3A_161 = arith.cmpi ne, %add3A_124, %add3A_142 : i32
        %or3A_162 = arith.constant false
        %or3A_163 = arith.ori %or3A_162, %ne3A_161 : i1
        %or3A_164 = arith.constant false
        %or3A_165 = arith.ori %or3A_163, %or3A_164 : i1
        %ge3A_166 = arith.constant 15 : i32
        %ge3A_167 = arith.cmpi sge, %scan3A_114, %ge3A_166 : i32
        %not3A_168 = arith.constant true
        %not3A_169 = arith.xori %ge3A_167, %not3A_168 : i1
        %and3A_170 = arith.andi %or3A_165, %not3A_169 : i1
        %ne3A_171 = arith.cmpi ne, %add3A_124, %add3A_133 : i32
        %or3A_172 = arith.constant false
        %or3A_173 = arith.ori %or3A_172, %ne3A_171 : i1
        %or3A_174 = arith.ori %or3A_173, %eq3A_121 : i1
        %convert_element_type3A_175 = arith.extui %or3A_174 : i1 to i32
        %cond3A_176 = arith.constant 0 : i32
        %cond3A_177 = arith.cmpi ne, %convert_element_type3A_175, %cond3A_176 : i32
        scf.if %cond3A_177 {
          "tpu.trace_start"() <{level = 10 : i32, message = "ep_wait_in"}> : () -> ()
          %mul3A_257 = arith.constant 128 : i32
          %mul3A_258 = arith.muli %mul3A_257, %add3A_124 : i32
          %rem3A_259 = arith.constant 2 : i32
          %rem3A_260 = arith.remui %scan3A_116, %rem3A_259 : i32
          %dma_wait3A_261 = arith.constant 0 : i32
          %dma_wait3A_262 = arith.constant 0 : i32
          %dma_wait3A_263 = tpu.memref_slice %run_scoped3A[%rem3A_260, %dma_wait3A_261, %dma_wait3A_262] : memref<2x1x128xi32, #tpu.memory_space<vmem>> -> memref<1x1x128xi32, #tpu.memory_space<vmem>>
          %dma_wait3A_264 = tpu.memref_squeeze %dma_wait3A_263 : memref<1x1x128xi32, #tpu.memory_space<vmem>> -> memref<1x128xi32, #tpu.memory_space<vmem>>
          %dma_wait3A_265 = arith.constant 0 : i32
          %dma_wait3A_266 = tpu.memref_slice %arg3[%dma_wait3A_265, %mul3A_258] : memref<1x32768xi32, #tpu.memory_space<hbm>> -> memref<1x128xi32, #tpu.memory_space<hbm>>
          %dma_wait3A_267 = tpu.memref_slice %run_scoped3A_1[%rem3A_260] : memref<2x!tpu.dma_semaphore, #tpu.memory_space<semaphore_mem>> -> memref<1x!tpu.dma_semaphore, #tpu.memory_space<semaphore_mem>>
          %dma_wait3A_268 = tpu.memref_squeeze %dma_wait3A_267 : memref<1x!tpu.dma_semaphore, #tpu.memory_space<semaphore_mem>> -> memref<!tpu.dma_semaphore, #tpu.memory_space<semaphore_mem>>
          %dma_wait3A_269 = arith.constant 0 : i32
          %dma_wait3A_270 = arith.constant 0 : i32
          %dma_wait3A_271 = tpu.memref_slice %run_scoped3A[%rem3A_260, %dma_wait3A_269, %dma_wait3A_270] : memref<2x1x128xi32, #tpu.memory_space<vmem>> -> memref<1x1x128xi32, #tpu.memory_space<vmem>>
          %dma_wait3A_272 = tpu.memref_squeeze %dma_wait3A_271 : memref<1x1x128xi32, #tpu.memory_space<vmem>> -> memref<1x128xi32, #tpu.memory_space<vmem>>
          %dma_wait3A_273 = arith.constant 0 : i32
          %dma_wait3A_274 = tpu.memref_slice %arg3[%dma_wait3A_273, %mul3A_258] : memref<1x32768xi32, #tpu.memory_space<hbm>> -> memref<1x128xi32, #tpu.memory_space<hbm>>
          tpu.wait_dma2 semaphore(%dma_wait3A_268 : memref<!tpu.dma_semaphore, #tpu.memory_space<semaphore_mem>>) src(%dma_wait3A_274 : memref<1x128xi32, #tpu.memory_space<hbm>>) dst(%dma_wait3A_272 : memref<1x128xi32, #tpu.memory_space<vmem>>)
          "tpu.trace_stop"() : () -> ()
        } else {
        }
        %ne3A_178 = arith.cmpi ne, %add3A_124, %add3A_133 : i32
        %or3A_179 = arith.constant false
        %or3A_180 = arith.ori %or3A_179, %ne3A_178 : i1
        %or3A_181 = arith.constant false
        %or3A_182 = arith.ori %or3A_180, %or3A_181 : i1
        %or3A_183 = arith.ori %or3A_182, %eq3A_121 : i1
        %convert_element_type3A_184 = arith.extui %or3A_183 : i1 to i32
        %cond3A_185 = arith.constant 0 : i32
        %cond3A_186 = arith.cmpi ne, %convert_element_type3A_184, %cond3A_185 : i32
        scf.if %cond3A_186 {
        } else {
        }
        %rem3A_187 = arith.constant 2 : i32
        %rem3A_188 = arith.remui %scan3A_116, %rem3A_187 : i32
        %rem3A_189 = arith.constant 2 : i32
        %rem3A_190 = arith.remui %scan3A_117, %rem3A_189 : i32
        %run_scoped3A_191 = arith.constant 0 : i32
        "tpu.trace_start"() <{level = 10 : i32, message = "ep_run_kernel"}> : () -> ()
        "tpu.region"() ({
          %run_scoped3A_257 = tpu.sem_alloc : memref<!tpu.dma_semaphore, #tpu.memory_space<semaphore_mem>>
          %dma_start3A_258 = arith.constant 0 : i32
          %dma_start3A_259 = arith.constant 0 : i32
          %dma_start3A_260 = tpu.memref_slice %run_scoped3A_2[%rem3A_190, %dma_start3A_258, %dma_start3A_259] : memref<2x128x128xf32, #tpu.memory_space<vmem>> -> memref<1x128x128xf32, #tpu.memory_space<vmem>>
          %dma_start3A_261 = tpu.memref_squeeze %dma_start3A_260 : memref<1x128x128xf32, #tpu.memory_space<vmem>> -> memref<128x128xf32, #tpu.memory_space<vmem>>
          %dma_start3A_262 = arith.constant 0 : i32
          %dma_start3A_263 = arith.constant 0 : i32
          %dma_start3A_264 = tpu.memref_slice %run_scoped3A[%rem3A_188, %dma_start3A_262, %dma_start3A_263] : memref<2x1x128xi32, #tpu.memory_space<vmem>> -> memref<1x1x128xi32, #tpu.memory_space<vmem>>
          %dma_start3A_265 = tpu.memref_squeeze %dma_start3A_264 : memref<1x1x128xi32, #tpu.memory_space<vmem>> -> memref<1x128xi32, #tpu.memory_space<vmem>>
          %dma_start3A_266 = arith.constant 0 : i32
          %dma_start3A_267 = tpu.memref_slice %dma_start3A_265[%run_scoped3A_191, %dma_start3A_266] : memref<1x128xi32, #tpu.memory_space<vmem>> -> memref<1x128xi32, #tpu.memory_space<vmem>>
          %dma_start3A_268 = tpu.memref_squeeze %dma_start3A_267 : memref<1x128xi32, #tpu.memory_space<vmem>> -> memref<128xi32, #tpu.memory_space<vmem>>
          %dma_start3A_269 = arith.constant 0 : i32
          %dma_start3A_270 = arith.constant 0 : i32
          %dma_start3A_271 = tpu.memref_slice %arg2[%dma_start3A_269, %dma_start3A_270] : memref<8192x128xf32, #tpu.memory_space<hbm>> -> memref<8192x128xf32, #tpu.memory_space<hbm>>
          tpu.enqueue_indirect_dma source(%dma_start3A_271 : memref<8192x128xf32, #tpu.memory_space<hbm>>) target(%dma_start3A_261 : memref<128x128xf32, #tpu.memory_space<vmem>>) offsets(%dma_start3A_268 : memref<128xi32, #tpu.memory_space<vmem>>) semaphore(%run_scoped3A_257 : memref<!tpu.dma_semaphore, #tpu.memory_space<semaphore_mem>>)
          %dma_wait3A_272 = arith.constant 0 : i32
          %dma_wait3A_273 = arith.constant 0 : i32
          %dma_wait3A_274 = tpu.memref_slice %run_scoped3A_2[%rem3A_190, %dma_wait3A_272, %dma_wait3A_273] : memref<2x128x128xf32, #tpu.memory_space<vmem>> -> memref<1x128x128xf32, #tpu.memory_space<vmem>>
          %dma_wait3A_275 = tpu.memref_squeeze %dma_wait3A_274 : memref<1x128x128xf32, #tpu.memory_space<vmem>> -> memref<128x128xf32, #tpu.memory_space<vmem>>
          %dma_wait3A_276 = arith.constant 0 : i32
          %dma_wait3A_277 = arith.constant 0 : i32
          %dma_wait3A_278 = tpu.memref_slice %run_scoped3A[%rem3A_188, %dma_wait3A_276, %dma_wait3A_277] : memref<2x1x128xi32, #tpu.memory_space<vmem>> -> memref<1x1x128xi32, #tpu.memory_space<vmem>>
          %dma_wait3A_279 = tpu.memref_squeeze %dma_wait3A_278 : memref<1x1x128xi32, #tpu.memory_space<vmem>> -> memref<1x128xi32, #tpu.memory_space<vmem>>
          %dma_wait3A_280 = arith.constant 0 : i32
          %dma_wait3A_281 = tpu.memref_slice %dma_wait3A_279[%run_scoped3A_191, %dma_wait3A_280] : memref<1x128xi32, #tpu.memory_space<vmem>> -> memref<1x128xi32, #tpu.memory_space<vmem>>
          %dma_wait3A_282 = tpu.memref_squeeze %dma_wait3A_281 : memref<1x128xi32, #tpu.memory_space<vmem>> -> memref<128xi32, #tpu.memory_space<vmem>>
          %dma_wait3A_283 = arith.constant 0 : i32
          %dma_wait3A_284 = arith.constant 0 : i32
          %dma_wait3A_285 = tpu.memref_slice %arg2[%dma_wait3A_283, %dma_wait3A_284] : memref<8192x128xf32, #tpu.memory_space<hbm>> -> memref<8192x128xf32, #tpu.memory_space<hbm>>
          tpu.wait_indirect_dma semaphore(%run_scoped3A_257 : memref<!tpu.dma_semaphore, #tpu.memory_space<semaphore_mem>>) src(%dma_wait3A_285 : memref<8192x128xf32, #tpu.memory_space<hbm>>) dst(%dma_wait3A_275 : memref<128x128xf32, #tpu.memory_space<vmem>>)
          tpu.yield
        }) : () -> ()
        "tpu.trace_stop"() : () -> ()
        %ne3A_192 = arith.cmpi ne, %add3A_124, %add3A_142 : i32
        %or3A_193 = arith.constant false
        %or3A_194 = arith.ori %or3A_193, %ne3A_192 : i1
        %or3A_195 = arith.ori %or3A_194, %eq3A_123 : i1
        %convert_element_type3A_196 = arith.extui %or3A_195 : i1 to i32
        %cond3A_197 = arith.constant 0 : i32
        %cond3A_198 = arith.cmpi ne, %convert_element_type3A_196, %cond3A_197 : i32
        scf.if %cond3A_198 {
        } else {
        }
        %and3A_199 = arith.constant false
        %and3A_200 = arith.andi %or3A_195, %and3A_199 : i1
        %ne3A_201 = arith.cmpi ne, %add3A_124, %add3A_142 : i32
        %or3A_202 = arith.constant false
        %or3A_203 = arith.ori %or3A_202, %ne3A_201 : i1
        %or3A_204 = arith.constant false
        %or3A_205 = arith.ori %or3A_203, %or3A_204 : i1
        %or3A_206 = arith.ori %or3A_205, %eq3A_123 : i1
        %convert_element_type3A_207 = arith.extui %or3A_206 : i1 to i32
        %cond3A_208 = arith.constant 0 : i32
        %cond3A_209 = arith.cmpi ne, %convert_element_type3A_207, %cond3A_208 : i32
        scf.if %cond3A_209 {
          "tpu.trace_start"() <{level = 10 : i32, message = "ep_copy_out"}> : () -> ()
          %rem3A_257 = arith.constant 2 : i32
          %rem3A_258 = arith.remui %scan3A_117, %rem3A_257 : i32
          %mul3A_259 = arith.constant 128 : i32
          %mul3A_260 = arith.muli %mul3A_259, %add3A_124 : i32
          %dma_start3A_261 = arith.constant 0 : i32
          %dma_start3A_262 = arith.constant 0 : i32
          %dma_start3A_263 = tpu.memref_slice %run_scoped3A_2[%rem3A_258, %dma_start3A_261, %dma_start3A_262] : memref<2x128x128xf32, #tpu.memory_space<vmem>> -> memref<1x128x128xf32, #tpu.memory_space<vmem>>
          %dma_start3A_264 = tpu.memref_squeeze %dma_start3A_263 : memref<1x128x128xf32, #tpu.memory_space<vmem>> -> memref<128x128xf32, #tpu.memory_space<vmem>>
          %dma_start3A_265 = arith.constant 0 : i32
          %dma_start3A_266 = tpu.memref_slice %arg4[%mul3A_260, %dma_start3A_265] : memref<32768x128xf32, #tpu.memory_space<hbm>> -> memref<128x128xf32, #tpu.memory_space<hbm>>
          %dma_start3A_267 = tpu.memref_slice %run_scoped3A_3[%rem3A_258] : memref<2x!tpu.dma_semaphore, #tpu.memory_space<semaphore_mem>> -> memref<1x!tpu.dma_semaphore, #tpu.memory_space<semaphore_mem>>
          %dma_start3A_268 = tpu.memref_squeeze %dma_start3A_267 : memref<1x!tpu.dma_semaphore, #tpu.memory_space<semaphore_mem>> -> memref<!tpu.dma_semaphore, #tpu.memory_space<semaphore_mem>>
          %dma_start3A_269 = arith.constant 0 : i32
          %dma_start3A_270 = tpu.memref_slice %arg4[%mul3A_260, %dma_start3A_269] : memref<32768x128xf32, #tpu.memory_space<hbm>> -> memref<128x128xf32, #tpu.memory_space<hbm>>
          %dma_start3A_271 = arith.constant 0 : i32
          %dma_start3A_272 = arith.constant 0 : i32
          %dma_start3A_273 = tpu.memref_slice %run_scoped3A_2[%rem3A_258, %dma_start3A_271, %dma_start3A_272] : memref<2x128x128xf32, #tpu.memory_space<vmem>> -> memref<1x128x128xf32, #tpu.memory_space<vmem>>
          %dma_start3A_274 = tpu.memref_squeeze %dma_start3A_273 : memref<1x128x128xf32, #tpu.memory_space<vmem>> -> memref<128x128xf32, #tpu.memory_space<vmem>>
          tpu.enqueue_dma source(%dma_start3A_274 : memref<128x128xf32, #tpu.memory_space<vmem>>) target(%dma_start3A_270 : memref<128x128xf32, #tpu.memory_space<hbm>>) target_semaphore(%dma_start3A_268 : memref<!tpu.dma_semaphore, #tpu.memory_space<semaphore_mem>>)
          "tpu.trace_stop"() : () -> ()
        } else {
        }
        %and3A_210 = arith.constant true
        %and3A_211 = arith.andi %or3A_206, %and3A_210 : i1
        %add3A_212 = arith.constant 1 : i32
        %add3A_213 = arith.addi %scan3A_117, %add3A_212 : i32
        %select_n3A_214 = arith.select %and3A_211, %add3A_213, %scan3A_117 : i32
        %ne3A_215 = arith.cmpi ne, %add3A_124, %add3A_133 : i32
        %or3A_216 = arith.constant false
        %or3A_217 = arith.ori %or3A_216, %ne3A_215 : i1
        %not3A_218 = arith.constant true
        %not3A_219 = arith.xori %eq3A_121, %not3A_218 : i1
        %and3A_220 = arith.andi %or3A_217, %not3A_219 : i1
        %convert_element_type3A_221 = arith.extui %and3A_220 : i1 to i32
        %cond3A_222 = arith.constant 0 : i32
        %cond3A_223 = arith.cmpi ne, %convert_element_type3A_221, %cond3A_222 : i32
        scf.if %cond3A_223 {
        } else {
        }
        %and3A_224 = arith.constant false
        %and3A_225 = arith.andi %and3A_220, %and3A_224 : i1
        %ne3A_226 = arith.cmpi ne, %add3A_124, %add3A_133 : i32
        %or3A_227 = arith.constant false
        %or3A_228 = arith.ori %or3A_227, %ne3A_226 : i1
        %or3A_229 = arith.constant false
        %or3A_230 = arith.ori %or3A_228, %or3A_229 : i1
        %not3A_231 = arith.constant true
        %not3A_232 = arith.xori %eq3A_121, %not3A_231 : i1
        %and3A_233 = arith.andi %or3A_230, %not3A_232 : i1
        %convert_element_type3A_234 = arith.extui %and3A_233 : i1 to i32
        %cond3A_235 = arith.constant 0 : i32
        %cond3A_236 = arith.cmpi ne, %convert_element_type3A_234, %cond3A_235 : i32
        scf.if %cond3A_236 {
          "tpu.trace_start"() <{level = 10 : i32, message = "ep_wait_out"}> : () -> ()
          %rem3A_257 = arith.constant 2 : i32
          %rem3A_258 = arith.remui %scan3A_118, %rem3A_257 : i32
          %mul3A_259 = arith.constant 128 : i32
          %mul3A_260 = arith.muli %mul3A_259, %add3A_133 : i32
          %dma_wait3A_261 = arith.constant 0 : i32
          %dma_wait3A_262 = arith.constant 0 : i32
          %dma_wait3A_263 = tpu.memref_slice %run_scoped3A_2[%rem3A_258, %dma_wait3A_261, %dma_wait3A_262] : memref<2x128x128xf32, #tpu.memory_space<vmem>> -> memref<1x128x128xf32, #tpu.memory_space<vmem>>
          %dma_wait3A_264 = tpu.memref_squeeze %dma_wait3A_263 : memref<1x128x128xf32, #tpu.memory_space<vmem>> -> memref<128x128xf32, #tpu.memory_space<vmem>>
          %dma_wait3A_265 = arith.constant 0 : i32
          %dma_wait3A_266 = tpu.memref_slice %arg4[%mul3A_260, %dma_wait3A_265] : memref<32768x128xf32, #tpu.memory_space<hbm>> -> memref<128x128xf32, #tpu.memory_space<hbm>>
          %dma_wait3A_267 = tpu.memref_slice %run_scoped3A_3[%rem3A_258] : memref<2x!tpu.dma_semaphore, #tpu.memory_space<semaphore_mem>> -> memref<1x!tpu.dma_semaphore, #tpu.memory_space<semaphore_mem>>
          %dma_wait3A_268 = tpu.memref_squeeze %dma_wait3A_267 : memref<1x!tpu.dma_semaphore, #tpu.memory_space<semaphore_mem>> -> memref<!tpu.dma_semaphore, #tpu.memory_space<semaphore_mem>>
          %dma_wait3A_269 = arith.constant 0 : i32
          %dma_wait3A_270 = tpu.memref_slice %arg4[%mul3A_260, %dma_wait3A_269] : memref<32768x128xf32, #tpu.memory_space<hbm>> -> memref<128x128xf32, #tpu.memory_space<hbm>>
          %dma_wait3A_271 = arith.constant 0 : i32
          %dma_wait3A_272 = arith.constant 0 : i32
          %dma_wait3A_273 = tpu.memref_slice %run_scoped3A_2[%rem3A_258, %dma_wait3A_271, %dma_wait3A_272] : memref<2x128x128xf32, #tpu.memory_space<vmem>> -> memref<1x128x128xf32, #tpu.memory_space<vmem>>
          %dma_wait3A_274 = tpu.memref_squeeze %dma_wait3A_273 : memref<1x128x128xf32, #tpu.memory_space<vmem>> -> memref<128x128xf32, #tpu.memory_space<vmem>>
          tpu.wait_dma2 semaphore(%dma_wait3A_268 : memref<!tpu.dma_semaphore, #tpu.memory_space<semaphore_mem>>) src(%dma_wait3A_274 : memref<128x128xf32, #tpu.memory_space<vmem>>) dst(%dma_wait3A_270 : memref<128x128xf32, #tpu.memory_space<hbm>>)
          "tpu.trace_stop"() : () -> ()
        } else {
        }
        %and3A_237 = arith.constant true
        %and3A_238 = arith.andi %and3A_233, %and3A_237 : i1
        %add3A_239 = arith.constant 1 : i32
        %add3A_240 = arith.addi %scan3A_118, %add3A_239 : i32
        %select_n3A_241 = arith.select %and3A_238, %add3A_240, %scan3A_118 : i32
        %ne3A_242 = arith.cmpi ne, %add3A_124, %add3A_142 : i32
        %or3A_243 = arith.constant false
        %or3A_244 = arith.ori %or3A_243, %ne3A_242 : i1
        %or3A_245 = arith.ori %or3A_244, %eq3A_123 : i1
        %add3A_246 = arith.constant 1 : i32
        %add3A_247 = arith.addi %scan3A_116, %add3A_246 : i32
        %select_n3A_248 = arith.select %or3A_245, %add3A_247, %scan3A_116 : i32
        %add3A_249 = arith.constant 1 : i32
        %add3A_250 = arith.addi %scan3A_119, %add3A_249 : i32
        %select_n3A_251 = arith.constant true
        %select_n3A_252 = arith.select %select_n3A_251, %add3A_250, %scan3A_119 : i32
        %eq3A_253 = arith.constant 16 : i32
        %eq3A_254 = arith.cmpi eq, %select_n3A_252, %eq3A_253 : i32
        %select_n3A_255 = arith.constant 0 : i32
        %select_n3A_256 = arith.select %eq3A_254, %select_n3A_255, %select_n3A_252 : i32
        scf.yield %select_n3A_160, %select_n3A_248, %select_n3A_214, %select_n3A_241, %select_n3A_256 : i32, i32, i32, i32, i32
      }
      %scan3A_61 = arith.constant 16 : i32
      %sub3A = arith.constant 1 : i32
      %sub3A_62 = arith.subi %scan3A_60#4, %sub3A : i32
      %select_n3A_63 = arith.constant true
      %select_n3A_64 = arith.select %select_n3A_63, %sub3A_62, %scan3A_60#4 : i32
      %eq3A_65 = arith.constant -1 : i32
      %eq3A_66 = arith.cmpi eq, %select_n3A_64, %eq3A_65 : i32
      %select_n3A_67 = arith.constant 15 : i32
      %select_n3A_68 = arith.select %eq3A_66, %select_n3A_67, %select_n3A_64 : i32
      %add3A_69 = arith.addi %select_n3A_68, %mul3A_0 : i32
      %sub3A_70 = arith.constant 1 : i32
      %sub3A_71 = arith.subi %select_n3A_68, %sub3A_70 : i32
      %select_n3A_72 = arith.constant true
      %select_n3A_73 = arith.select %select_n3A_72, %sub3A_71, %select_n3A_68 : i32
      %eq3A_74 = arith.constant -1 : i32
      %eq3A_75 = arith.cmpi eq, %select_n3A_73, %eq3A_74 : i32
      %select_n3A_76 = arith.constant 15 : i32
      %select_n3A_77 = arith.select %eq3A_75, %select_n3A_76, %select_n3A_73 : i32
      %add3A_78 = arith.addi %select_n3A_77, %mul3A_0 : i32
      %add3A_79 = arith.constant 1 : i32
      %add3A_80 = arith.addi %select_n3A_68, %add3A_79 : i32
      %select_n3A_81 = arith.constant true
      %select_n3A_82 = arith.select %select_n3A_81, %add3A_80, %select_n3A_68 : i32
      %eq3A_83 = arith.constant 16 : i32
      %eq3A_84 = arith.cmpi eq, %select_n3A_82, %eq3A_83 : i32
      %select_n3A_85 = arith.constant 0 : i32
      %select_n3A_86 = arith.select %eq3A_84, %select_n3A_85, %select_n3A_82 : i32
      %add3A_87 = arith.addi %select_n3A_86, %mul3A_0 : i32
      %add3A_88 = arith.constant 1 : i32
      %add3A_89 = arith.addi %select_n3A_86, %add3A_88 : i32
      %select_n3A_90 = arith.constant true
      %select_n3A_91 = arith.select %select_n3A_90, %add3A_89, %select_n3A_86 : i32
      %eq3A_92 = arith.constant 16 : i32
      %eq3A_93 = arith.cmpi eq, %select_n3A_91, %eq3A_92 : i32
      %select_n3A_94 = arith.constant 0 : i32
      %select_n3A_95 = arith.select %eq3A_93, %select_n3A_94, %select_n3A_91 : i32
      %add3A_96 = arith.addi %select_n3A_95, %mul3A_0 : i32
      "tpu.trace_start"() <{level = 10 : i32, message = "ep_finalize"}> : () -> ()
      %rem3A_97 = arith.constant 2 : i32
      %rem3A_98 = arith.remui %scan3A_60#3, %rem3A_97 : i32
      %mul3A_99 = arith.constant 128 : i32
      %mul3A_100 = arith.muli %mul3A_99, %add3A_69 : i32
      %dma_wait3A = arith.constant 0 : i32
      %dma_wait3A_101 = arith.constant 0 : i32
      %dma_wait3A_102 = tpu.memref_slice %run_scoped3A_2[%rem3A_98, %dma_wait3A, %dma_wait3A_101] : memref<2x128x128xf32, #tpu.memory_space<vmem>> -> memref<1x128x128xf32, #tpu.memory_space<vmem>>
      %dma_wait3A_103 = tpu.memref_squeeze %dma_wait3A_102 : memref<1x128x128xf32, #tpu.memory_space<vmem>> -> memref<128x128xf32, #tpu.memory_space<vmem>>
      %dma_wait3A_104 = arith.constant 0 : i32
      %dma_wait3A_105 = tpu.memref_slice %arg4[%mul3A_100, %dma_wait3A_104] : memref<32768x128xf32, #tpu.memory_space<hbm>> -> memref<128x128xf32, #tpu.memory_space<hbm>>
      %dma_wait3A_106 = tpu.memref_slice %run_scoped3A_3[%rem3A_98] : memref<2x!tpu.dma_semaphore, #tpu.memory_space<semaphore_mem>> -> memref<1x!tpu.dma_semaphore, #tpu.memory_space<semaphore_mem>>
      %dma_wait3A_107 = tpu.memref_squeeze %dma_wait3A_106 : memref<1x!tpu.dma_semaphore, #tpu.memory_space<semaphore_mem>> -> memref<!tpu.dma_semaphore, #tpu.memory_space<semaphore_mem>>
      %dma_wait3A_108 = arith.constant 0 : i32
      %dma_wait3A_109 = tpu.memref_slice %arg4[%mul3A_100, %dma_wait3A_108] : memref<32768x128xf32, #tpu.memory_space<hbm>> -> memref<128x128xf32, #tpu.memory_space<hbm>>
      %dma_wait3A_110 = arith.constant 0 : i32
      %dma_wait3A_111 = arith.constant 0 : i32
      %dma_wait3A_112 = tpu.memref_slice %run_scoped3A_2[%rem3A_98, %dma_wait3A_110, %dma_wait3A_111] : memref<2x128x128xf32, #tpu.memory_space<vmem>> -> memref<1x128x128xf32, #tpu.memory_space<vmem>>
      %dma_wait3A_113 = tpu.memref_squeeze %dma_wait3A_112 : memref<1x128x128xf32, #tpu.memory_space<vmem>> -> memref<128x128xf32, #tpu.memory_space<vmem>>
      tpu.wait_dma2 semaphore(%dma_wait3A_107 : memref<!tpu.dma_semaphore, #tpu.memory_space<semaphore_mem>>) src(%dma_wait3A_113 : memref<128x128xf32, #tpu.memory_space<vmem>>) dst(%dma_wait3A_109 : memref<128x128xf32, #tpu.memory_space<hbm>>)
      "tpu.trace_stop"() : () -> ()
      tpu.yield
    }) : () -> ()
    return
  }
}

module attributes {stable_mosaic.version = 14 : i64} {
  func.func @_select_kernel(%arg0: i32, %arg1: memref<512x32xf32, #tpu.memory_space<vmem>>, %arg2: memref<8192x32xf32, #tpu.memory_space<vmem>>, %arg3: memref<512x8xi32, #tpu.memory_space<vmem>>, %arg4: memref<512x8xf32, #tpu.memory_space<vmem>>, %arg5: memref<512x8xf32, #tpu.memory_space<vmem>>, %arg6: memref<8192x32xf32, #tpu.memory_space<vmem>>) attributes {dimension_semantics = [#tpu.dimension_semantics<arbitrary>], iteration_bounds = array<i64: 8>, scalar_prefetch = 0 : i64, scratch_operands = 1 : i64, tpu.core_type = #tpu.core_type<tc>, window_params = [{transform_indices = @transform_0, window_bounds = array<i64: 512, 32>}, {pipeline_mode = #tpu.pipeline_mode<synchronous>, transform_indices = @transform_1, window_bounds = array<i64: 8192, 32>}, {transform_indices = @transform_2, window_bounds = array<i64: 512, 8>}, {transform_indices = @transform_3, window_bounds = array<i64: 512, 8>}, {transform_indices = @transform_4, window_bounds = array<i64: 512, 8>}]} {
    %get3A = arith.constant 0 : index
    %get3A_0 = arith.constant 0 : index
    %get3A_1 = vector.load %arg1[%get3A, %get3A_0] : memref<512x32xf32, #tpu.memory_space<vmem>>, vector<512x32xf32>
    %eq3A = arith.constant 0 : i32
    %eq3A_2 = arith.cmpi eq, %arg0, %eq3A : i32
    %convert_element_type3A = arith.extui %eq3A_2 : i1 to i32
    %cond3A = arith.constant 0 : i32
    %cond3A_3 = arith.cmpi ne, %convert_element_type3A, %cond3A : i32
    scf.if %cond3A_3 {
      %get3A_1444 = arith.constant 0 : index
      %get3A_1445 = arith.constant 0 : index
      %get3A_1446 = vector.load %arg2[%get3A_1444, %get3A_1445] : memref<8192x32xf32, #tpu.memory_space<vmem>>, vector<8192x32xf32>
      %mul3A_1447 = arith.mulf %get3A_1446, %get3A_1446 : vector<8192x32xf32>
      %reduce_sum3A_1448 = arith.constant dense<0.000000e+00> : vector<8192xf32>
      %reduce_sum3A_1449 = vector.multi_reduction <add>, %mul3A_1447, %reduce_sum3A_1448 [1] : vector<8192x32xf32> to vector<8192xf32>
      %broadcast_in_dim3A_1450 = vector.shape_cast %reduce_sum3A_1449 : vector<8192xf32> to vector<8192x1xf32>
      %sqrt3A_1451 = math.sqrt %broadcast_in_dim3A_1450 : vector<8192x1xf32>
      %max3A_1452 = arith.constant 9.99999993E-9 : f32
      %max3A_1453 = vector.broadcast %max3A_1452 : f32 to vector<8192x1xf32>
      %max3A_1454 = arith.maximumf %sqrt3A_1451, %max3A_1453 : vector<8192x1xf32>
      %div3A_1455 = vector.broadcast %max3A_1454 : vector<8192x1xf32> to vector<8192x32xf32>
      %div3A_1456 = arith.divf %get3A_1446, %div3A_1455 : vector<8192x32xf32>
      %swap3A_1457 = arith.constant 0 : index
      %swap3A_1458 = arith.constant 0 : index
      %swap3A_1459 = vector.load %arg6[%swap3A_1457, %swap3A_1458] : memref<8192x32xf32, #tpu.memory_space<vmem>>, vector<8192x32xf32>
      tpu.vector_store %arg6[%swap3A_1457, %swap3A_1458], %div3A_1456 {strides = array<i32>} : memref<8192x32xf32, #tpu.memory_space<vmem>>, vector<8192x32xf32>,
    } else {
    }
    %mul3A = arith.mulf %get3A_1, %get3A_1 : vector<512x32xf32>
    %reduce_sum3A = arith.constant dense<0.000000e+00> : vector<512xf32>
    %reduce_sum3A_4 = vector.multi_reduction <add>, %mul3A, %reduce_sum3A [1] : vector<512x32xf32> to vector<512xf32>
    %broadcast_in_dim3A = vector.shape_cast %reduce_sum3A_4 : vector<512xf32> to vector<512x1xf32>
    %sqrt3A = math.sqrt %broadcast_in_dim3A : vector<512x1xf32>
    %max3A = arith.constant 9.99999993E-9 : f32
    %max3A_5 = vector.broadcast %max3A : f32 to vector<512x1xf32>
    %max3A_6 = arith.maximumf %sqrt3A, %max3A_5 : vector<512x1xf32>
    %div3A = vector.broadcast %max3A_6 : vector<512x1xf32> to vector<512x32xf32>
    %div3A_7 = arith.divf %get3A_1, %div3A : vector<512x32xf32>
    %get3A_8 = arith.constant 0 : index
    %get3A_9 = arith.constant 0 : index
    %get3A_10 = vector.load %arg6[%get3A_8, %get3A_9] : memref<8192x32xf32, #tpu.memory_space<vmem>>, vector<8192x32xf32>
    %dot_general3A = arith.constant dense<0.000000e+00> : vector<512x8192xf32>
    %dot_general3A_11 = tpu.matmul %div3A_7, %get3A_10, %dot_general3A {dimension_numbers = #tpu.dot_dimension_numbers<[1], [1], [0], [0], [0, 0, 1, 0], [], []>, transpose_lhs_hint = false} : vector<512x32xf32>, vector<8192x32xf32>, vector<512x8192xf32> -> vector<512x8192xf32>
    %iota3A = tpu.iota {dimensions = array<i32: 1>} : vector<512x128xi32>
    %broadcast_in_dim3A_12 = arith.constant 0xFF800000 : f32
    %broadcast_in_dim3A_13 = vector.broadcast %broadcast_in_dim3A_12 : f32 to vector<512x128xf32>
    %broadcast_in_dim3A_14 = arith.constant 64 : i32
    %broadcast_in_dim3A_15 = vector.broadcast %broadcast_in_dim3A_14 : i32 to vector<512x128xi32>
    %slice3A = vector.extract_strided_slice %dot_general3A_11 {offsets = [0, 0], sizes = [512, 128], strides = [1, 1]} : vector<512x8192xf32> to vector<512x128xf32>
    %gt3A = arith.cmpf ogt, %slice3A, %broadcast_in_dim3A_13 : vector<512x128xf32>
    %gt3A_16 = arith.cmpf ogt, %slice3A, %broadcast_in_dim3A_13 : vector<512x128xf32>
    %gt3A_17 = arith.cmpf ogt, %slice3A, %broadcast_in_dim3A_13 : vector<512x128xf32>
    %select_n3A = arith.select %gt3A, %slice3A, %broadcast_in_dim3A_13 : vector<512x128xi1>, vector<512x128xf32>
    %jit3A = arith.constant 0 : i32
    %broadcast_in_dim3A_18 = vector.broadcast %jit3A : i32 to vector<512x128xi32>
    %select_n3A_19 = arith.select %gt3A, %broadcast_in_dim3A_18, %broadcast_in_dim3A_15 : vector<512x128xi1>, vector<512x128xi32>
    %select_n3A_20 = arith.select %gt3A_16, %slice3A, %broadcast_in_dim3A_13 : vector<512x128xi1>, vector<512x128xf32>
    %select_n3A_21 = arith.select %gt3A, %broadcast_in_dim3A_13, %select_n3A_20 : vector<512x128xi1>, vector<512x128xf32>
    %jit3A_22 = arith.constant 0 : i32
    %broadcast_in_dim3A_23 = vector.broadcast %jit3A_22 : i32 to vector<512x128xi32>
    %select_n3A_24 = arith.select %gt3A_16, %broadcast_in_dim3A_23, %broadcast_in_dim3A_15 : vector<512x128xi1>, vector<512x128xi32>
    %select_n3A_25 = arith.select %gt3A, %broadcast_in_dim3A_15, %select_n3A_24 : vector<512x128xi1>, vector<512x128xi32>
    %select_n3A_26 = arith.select %gt3A_17, %slice3A, %broadcast_in_dim3A_13 : vector<512x128xi1>, vector<512x128xf32>
    %select_n3A_27 = arith.select %gt3A_16, %broadcast_in_dim3A_13, %select_n3A_26 : vector<512x128xi1>, vector<512x128xf32>
    %jit3A_28 = arith.constant 0 : i32
    %broadcast_in_dim3A_29 = vector.broadcast %jit3A_28 : i32 to vector<512x128xi32>
    %select_n3A_30 = arith.select %gt3A_17, %broadcast_in_dim3A_29, %broadcast_in_dim3A_15 : vector<512x128xi1>, vector<512x128xi32>
    %select_n3A_31 = arith.select %gt3A_16, %broadcast_in_dim3A_15, %select_n3A_30 : vector<512x128xi1>, vector<512x128xi32>
    %slice3A_32 = vector.extract_strided_slice %dot_general3A_11 {offsets = [0, 128], sizes = [512, 128], strides = [1, 1]} : vector<512x8192xf32> to vector<512x128xf32>
    %gt3A_33 = arith.cmpf ogt, %slice3A_32, %select_n3A : vector<512x128xf32>
    %gt3A_34 = arith.cmpf ogt, %slice3A_32, %select_n3A_21 : vector<512x128xf32>
    %gt3A_35 = arith.cmpf ogt, %slice3A_32, %select_n3A_27 : vector<512x128xf32>
    %select_n3A_36 = arith.select %gt3A_33, %slice3A_32, %select_n3A : vector<512x128xi1>, vector<512x128xf32>
    %jit3A_37 = arith.constant 1 : i32
    %broadcast_in_dim3A_38 = vector.broadcast %jit3A_37 : i32 to vector<512x128xi32>
    %select_n3A_39 = arith.select %gt3A_33, %broadcast_in_dim3A_38, %select_n3A_19 : vector<512x128xi1>, vector<512x128xi32>
    %select_n3A_40 = arith.select %gt3A_34, %slice3A_32, %select_n3A_21 : vector<512x128xi1>, vector<512x128xf32>
    %select_n3A_41 = arith.select %gt3A_33, %select_n3A, %select_n3A_40 : vector<512x128xi1>, vector<512x128xf32>
    %jit3A_42 = arith.constant 1 : i32
    %broadcast_in_dim3A_43 = vector.broadcast %jit3A_42 : i32 to vector<512x128xi32>
    %select_n3A_44 = arith.select %gt3A_34, %broadcast_in_dim3A_43, %select_n3A_25 : vector<512x128xi1>, vector<512x128xi32>
    %select_n3A_45 = arith.select %gt3A_33, %select_n3A_19, %select_n3A_44 : vector<512x128xi1>, vector<512x128xi32>
    %select_n3A_46 = arith.select %gt3A_35, %slice3A_32, %select_n3A_27 : vector<512x128xi1>, vector<512x128xf32>
    %select_n3A_47 = arith.select %gt3A_34, %select_n3A_21, %select_n3A_46 : vector<512x128xi1>, vector<512x128xf32>
    %jit3A_48 = arith.constant 1 : i32
    %broadcast_in_dim3A_49 = vector.broadcast %jit3A_48 : i32 to vector<512x128xi32>
    %select_n3A_50 = arith.select %gt3A_35, %broadcast_in_dim3A_49, %select_n3A_31 : vector<512x128xi1>, vector<512x128xi32>
    %select_n3A_51 = arith.select %gt3A_34, %select_n3A_25, %select_n3A_50 : vector<512x128xi1>, vector<512x128xi32>
    %slice3A_52 = vector.extract_strided_slice %dot_general3A_11 {offsets = [0, 256], sizes = [512, 128], strides = [1, 1]} : vector<512x8192xf32> to vector<512x128xf32>
    %gt3A_53 = arith.cmpf ogt, %slice3A_52, %select_n3A_36 : vector<512x128xf32>
    %gt3A_54 = arith.cmpf ogt, %slice3A_52, %select_n3A_41 : vector<512x128xf32>
    %gt3A_55 = arith.cmpf ogt, %slice3A_52, %select_n3A_47 : vector<512x128xf32>
    %select_n3A_56 = arith.select %gt3A_53, %slice3A_52, %select_n3A_36 : vector<512x128xi1>, vector<512x128xf32>
    %jit3A_57 = arith.constant 2 : i32
    %broadcast_in_dim3A_58 = vector.broadcast %jit3A_57 : i32 to vector<512x128xi32>
    %select_n3A_59 = arith.select %gt3A_53, %broadcast_in_dim3A_58, %select_n3A_39 : vector<512x128xi1>, vector<512x128xi32>
    %select_n3A_60 = arith.select %gt3A_54, %slice3A_52, %select_n3A_41 : vector<512x128xi1>, vector<512x128xf32>
    %select_n3A_61 = arith.select %gt3A_53, %select_n3A_36, %select_n3A_60 : vector<512x128xi1>, vector<512x128xf32>
    %jit3A_62 = arith.constant 2 : i32
    %broadcast_in_dim3A_63 = vector.broadcast %jit3A_62 : i32 to vector<512x128xi32>
    %select_n3A_64 = arith.select %gt3A_54, %broadcast_in_dim3A_63, %select_n3A_45 : vector<512x128xi1>, vector<512x128xi32>
    %select_n3A_65 = arith.select %gt3A_53, %select_n3A_39, %select_n3A_64 : vector<512x128xi1>, vector<512x128xi32>
    %select_n3A_66 = arith.select %gt3A_55, %slice3A_52, %select_n3A_47 : vector<512x128xi1>, vector<512x128xf32>
    %select_n3A_67 = arith.select %gt3A_54, %select_n3A_41, %select_n3A_66 : vector<512x128xi1>, vector<512x128xf32>
    %jit3A_68 = arith.constant 2 : i32
    %broadcast_in_dim3A_69 = vector.broadcast %jit3A_68 : i32 to vector<512x128xi32>
    %select_n3A_70 = arith.select %gt3A_55, %broadcast_in_dim3A_69, %select_n3A_51 : vector<512x128xi1>, vector<512x128xi32>
    %select_n3A_71 = arith.select %gt3A_54, %select_n3A_45, %select_n3A_70 : vector<512x128xi1>, vector<512x128xi32>
    %slice3A_72 = vector.extract_strided_slice %dot_general3A_11 {offsets = [0, 384], sizes = [512, 128], strides = [1, 1]} : vector<512x8192xf32> to vector<512x128xf32>
    %gt3A_73 = arith.cmpf ogt, %slice3A_72, %select_n3A_56 : vector<512x128xf32>
    %gt3A_74 = arith.cmpf ogt, %slice3A_72, %select_n3A_61 : vector<512x128xf32>
    %gt3A_75 = arith.cmpf ogt, %slice3A_72, %select_n3A_67 : vector<512x128xf32>
    %select_n3A_76 = arith.select %gt3A_73, %slice3A_72, %select_n3A_56 : vector<512x128xi1>, vector<512x128xf32>
    %jit3A_77 = arith.constant 3 : i32
    %broadcast_in_dim3A_78 = vector.broadcast %jit3A_77 : i32 to vector<512x128xi32>
    %select_n3A_79 = arith.select %gt3A_73, %broadcast_in_dim3A_78, %select_n3A_59 : vector<512x128xi1>, vector<512x128xi32>
    %select_n3A_80 = arith.select %gt3A_74, %slice3A_72, %select_n3A_61 : vector<512x128xi1>, vector<512x128xf32>
    %select_n3A_81 = arith.select %gt3A_73, %select_n3A_56, %select_n3A_80 : vector<512x128xi1>, vector<512x128xf32>
    %jit3A_82 = arith.constant 3 : i32
    %broadcast_in_dim3A_83 = vector.broadcast %jit3A_82 : i32 to vector<512x128xi32>
    %select_n3A_84 = arith.select %gt3A_74, %broadcast_in_dim3A_83, %select_n3A_65 : vector<512x128xi1>, vector<512x128xi32>
    %select_n3A_85 = arith.select %gt3A_73, %select_n3A_59, %select_n3A_84 : vector<512x128xi1>, vector<512x128xi32>
    %select_n3A_86 = arith.select %gt3A_75, %slice3A_72, %select_n3A_67 : vector<512x128xi1>, vector<512x128xf32>
    %select_n3A_87 = arith.select %gt3A_74, %select_n3A_61, %select_n3A_86 : vector<512x128xi1>, vector<512x128xf32>
    %jit3A_88 = arith.constant 3 : i32
    %broadcast_in_dim3A_89 = vector.broadcast %jit3A_88 : i32 to vector<512x128xi32>
    %select_n3A_90 = arith.select %gt3A_75, %broadcast_in_dim3A_89, %select_n3A_71 : vector<512x128xi1>, vector<512x128xi32>
    %select_n3A_91 = arith.select %gt3A_74, %select_n3A_65, %select_n3A_90 : vector<512x128xi1>, vector<512x128xi32>
    %slice3A_92 = vector.extract_strided_slice %dot_general3A_11 {offsets = [0, 512], sizes = [512, 128], strides = [1, 1]} : vector<512x8192xf32> to vector<512x128xf32>
    %gt3A_93 = arith.cmpf ogt, %slice3A_92, %select_n3A_76 : vector<512x128xf32>
    %gt3A_94 = arith.cmpf ogt, %slice3A_92, %select_n3A_81 : vector<512x128xf32>
    %gt3A_95 = arith.cmpf ogt, %slice3A_92, %select_n3A_87 : vector<512x128xf32>
    %select_n3A_96 = arith.select %gt3A_93, %slice3A_92, %select_n3A_76 : vector<512x128xi1>, vector<512x128xf32>
    %jit3A_97 = arith.constant 4 : i32
    %broadcast_in_dim3A_98 = vector.broadcast %jit3A_97 : i32 to vector<512x128xi32>
    %select_n3A_99 = arith.select %gt3A_93, %broadcast_in_dim3A_98, %select_n3A_79 : vector<512x128xi1>, vector<512x128xi32>
    %select_n3A_100 = arith.select %gt3A_94, %slice3A_92, %select_n3A_81 : vector<512x128xi1>, vector<512x128xf32>
    %select_n3A_101 = arith.select %gt3A_93, %select_n3A_76, %select_n3A_100 : vector<512x128xi1>, vector<512x128xf32>
    %jit3A_102 = arith.constant 4 : i32
    %broadcast_in_dim3A_103 = vector.broadcast %jit3A_102 : i32 to vector<512x128xi32>
    %select_n3A_104 = arith.select %gt3A_94, %broadcast_in_dim3A_103, %select_n3A_85 : vector<512x128xi1>, vector<512x128xi32>
    %select_n3A_105 = arith.select %gt3A_93, %select_n3A_79, %select_n3A_104 : vector<512x128xi1>, vector<512x128xi32>
    %select_n3A_106 = arith.select %gt3A_95, %slice3A_92, %select_n3A_87 : vector<512x128xi1>, vector<512x128xf32>
    %select_n3A_107 = arith.select %gt3A_94, %select_n3A_81, %select_n3A_106 : vector<512x128xi1>, vector<512x128xf32>
    %jit3A_108 = arith.constant 4 : i32
    %broadcast_in_dim3A_109 = vector.broadcast %jit3A_108 : i32 to vector<512x128xi32>
    %select_n3A_110 = arith.select %gt3A_95, %broadcast_in_dim3A_109, %select_n3A_91 : vector<512x128xi1>, vector<512x128xi32>
    %select_n3A_111 = arith.select %gt3A_94, %select_n3A_85, %select_n3A_110 : vector<512x128xi1>, vector<512x128xi32>
    %slice3A_112 = vector.extract_strided_slice %dot_general3A_11 {offsets = [0, 640], sizes = [512, 128], strides = [1, 1]} : vector<512x8192xf32> to vector<512x128xf32>
    %gt3A_113 = arith.cmpf ogt, %slice3A_112, %select_n3A_96 : vector<512x128xf32>
    %gt3A_114 = arith.cmpf ogt, %slice3A_112, %select_n3A_101 : vector<512x128xf32>
    %gt3A_115 = arith.cmpf ogt, %slice3A_112, %select_n3A_107 : vector<512x128xf32>
    %select_n3A_116 = arith.select %gt3A_113, %slice3A_112, %select_n3A_96 : vector<512x128xi1>, vector<512x128xf32>
    %jit3A_117 = arith.constant 5 : i32
    %broadcast_in_dim3A_118 = vector.broadcast %jit3A_117 : i32 to vector<512x128xi32>
    %select_n3A_119 = arith.select %gt3A_113, %broadcast_in_dim3A_118, %select_n3A_99 : vector<512x128xi1>, vector<512x128xi32>
    %select_n3A_120 = arith.select %gt3A_114, %slice3A_112, %select_n3A_101 : vector<512x128xi1>, vector<512x128xf32>
    %select_n3A_121 = arith.select %gt3A_113, %select_n3A_96, %select_n3A_120 : vector<512x128xi1>, vector<512x128xf32>
    %jit3A_122 = arith.constant 5 : i32
    %broadcast_in_dim3A_123 = vector.broadcast %jit3A_122 : i32 to vector<512x128xi32>
    %select_n3A_124 = arith.select %gt3A_114, %broadcast_in_dim3A_123, %select_n3A_105 : vector<512x128xi1>, vector<512x128xi32>
    %select_n3A_125 = arith.select %gt3A_113, %select_n3A_99, %select_n3A_124 : vector<512x128xi1>, vector<512x128xi32>
    %select_n3A_126 = arith.select %gt3A_115, %slice3A_112, %select_n3A_107 : vector<512x128xi1>, vector<512x128xf32>
    %select_n3A_127 = arith.select %gt3A_114, %select_n3A_101, %select_n3A_126 : vector<512x128xi1>, vector<512x128xf32>
    %jit3A_128 = arith.constant 5 : i32
    %broadcast_in_dim3A_129 = vector.broadcast %jit3A_128 : i32 to vector<512x128xi32>
    %select_n3A_130 = arith.select %gt3A_115, %broadcast_in_dim3A_129, %select_n3A_111 : vector<512x128xi1>, vector<512x128xi32>
    %select_n3A_131 = arith.select %gt3A_114, %select_n3A_105, %select_n3A_130 : vector<512x128xi1>, vector<512x128xi32>
    %slice3A_132 = vector.extract_strided_slice %dot_general3A_11 {offsets = [0, 768], sizes = [512, 128], strides = [1, 1]} : vector<512x8192xf32> to vector<512x128xf32>
    %gt3A_133 = arith.cmpf ogt, %slice3A_132, %select_n3A_116 : vector<512x128xf32>
    %gt3A_134 = arith.cmpf ogt, %slice3A_132, %select_n3A_121 : vector<512x128xf32>
    %gt3A_135 = arith.cmpf ogt, %slice3A_132, %select_n3A_127 : vector<512x128xf32>
    %select_n3A_136 = arith.select %gt3A_133, %slice3A_132, %select_n3A_116 : vector<512x128xi1>, vector<512x128xf32>
    %jit3A_137 = arith.constant 6 : i32
    %broadcast_in_dim3A_138 = vector.broadcast %jit3A_137 : i32 to vector<512x128xi32>
    %select_n3A_139 = arith.select %gt3A_133, %broadcast_in_dim3A_138, %select_n3A_119 : vector<512x128xi1>, vector<512x128xi32>
    %select_n3A_140 = arith.select %gt3A_134, %slice3A_132, %select_n3A_121 : vector<512x128xi1>, vector<512x128xf32>
    %select_n3A_141 = arith.select %gt3A_133, %select_n3A_116, %select_n3A_140 : vector<512x128xi1>, vector<512x128xf32>
    %jit3A_142 = arith.constant 6 : i32
    %broadcast_in_dim3A_143 = vector.broadcast %jit3A_142 : i32 to vector<512x128xi32>
    %select_n3A_144 = arith.select %gt3A_134, %broadcast_in_dim3A_143, %select_n3A_125 : vector<512x128xi1>, vector<512x128xi32>
    %select_n3A_145 = arith.select %gt3A_133, %select_n3A_119, %select_n3A_144 : vector<512x128xi1>, vector<512x128xi32>
    %select_n3A_146 = arith.select %gt3A_135, %slice3A_132, %select_n3A_127 : vector<512x128xi1>, vector<512x128xf32>
    %select_n3A_147 = arith.select %gt3A_134, %select_n3A_121, %select_n3A_146 : vector<512x128xi1>, vector<512x128xf32>
    %jit3A_148 = arith.constant 6 : i32
    %broadcast_in_dim3A_149 = vector.broadcast %jit3A_148 : i32 to vector<512x128xi32>
    %select_n3A_150 = arith.select %gt3A_135, %broadcast_in_dim3A_149, %select_n3A_131 : vector<512x128xi1>, vector<512x128xi32>
    %select_n3A_151 = arith.select %gt3A_134, %select_n3A_125, %select_n3A_150 : vector<512x128xi1>, vector<512x128xi32>
    %slice3A_152 = vector.extract_strided_slice %dot_general3A_11 {offsets = [0, 896], sizes = [512, 128], strides = [1, 1]} : vector<512x8192xf32> to vector<512x128xf32>
    %gt3A_153 = arith.cmpf ogt, %slice3A_152, %select_n3A_136 : vector<512x128xf32>
    %gt3A_154 = arith.cmpf ogt, %slice3A_152, %select_n3A_141 : vector<512x128xf32>
    %gt3A_155 = arith.cmpf ogt, %slice3A_152, %select_n3A_147 : vector<512x128xf32>
    %select_n3A_156 = arith.select %gt3A_153, %slice3A_152, %select_n3A_136 : vector<512x128xi1>, vector<512x128xf32>
    %jit3A_157 = arith.constant 7 : i32
    %broadcast_in_dim3A_158 = vector.broadcast %jit3A_157 : i32 to vector<512x128xi32>
    %select_n3A_159 = arith.select %gt3A_153, %broadcast_in_dim3A_158, %select_n3A_139 : vector<512x128xi1>, vector<512x128xi32>
    %select_n3A_160 = arith.select %gt3A_154, %slice3A_152, %select_n3A_141 : vector<512x128xi1>, vector<512x128xf32>
    %select_n3A_161 = arith.select %gt3A_153, %select_n3A_136, %select_n3A_160 : vector<512x128xi1>, vector<512x128xf32>
    %jit3A_162 = arith.constant 7 : i32
    %broadcast_in_dim3A_163 = vector.broadcast %jit3A_162 : i32 to vector<512x128xi32>
    %select_n3A_164 = arith.select %gt3A_154, %broadcast_in_dim3A_163, %select_n3A_145 : vector<512x128xi1>, vector<512x128xi32>
    %select_n3A_165 = arith.select %gt3A_153, %select_n3A_139, %select_n3A_164 : vector<512x128xi1>, vector<512x128xi32>
    %select_n3A_166 = arith.select %gt3A_155, %slice3A_152, %select_n3A_147 : vector<512x128xi1>, vector<512x128xf32>
    %select_n3A_167 = arith.select %gt3A_154, %select_n3A_141, %select_n3A_166 : vector<512x128xi1>, vector<512x128xf32>
    %jit3A_168 = arith.constant 7 : i32
    %broadcast_in_dim3A_169 = vector.broadcast %jit3A_168 : i32 to vector<512x128xi32>
    %select_n3A_170 = arith.select %gt3A_155, %broadcast_in_dim3A_169, %select_n3A_151 : vector<512x128xi1>, vector<512x128xi32>
    %select_n3A_171 = arith.select %gt3A_154, %select_n3A_145, %select_n3A_170 : vector<512x128xi1>, vector<512x128xi32>
    %slice3A_172 = vector.extract_strided_slice %dot_general3A_11 {offsets = [0, 1024], sizes = [512, 128], strides = [1, 1]} : vector<512x8192xf32> to vector<512x128xf32>
    %gt3A_173 = arith.cmpf ogt, %slice3A_172, %select_n3A_156 : vector<512x128xf32>
    %gt3A_174 = arith.cmpf ogt, %slice3A_172, %select_n3A_161 : vector<512x128xf32>
    %gt3A_175 = arith.cmpf ogt, %slice3A_172, %select_n3A_167 : vector<512x128xf32>
    %select_n3A_176 = arith.select %gt3A_173, %slice3A_172, %select_n3A_156 : vector<512x128xi1>, vector<512x128xf32>
    %jit3A_177 = arith.constant 8 : i32
    %broadcast_in_dim3A_178 = vector.broadcast %jit3A_177 : i32 to vector<512x128xi32>
    %select_n3A_179 = arith.select %gt3A_173, %broadcast_in_dim3A_178, %select_n3A_159 : vector<512x128xi1>, vector<512x128xi32>
    %select_n3A_180 = arith.select %gt3A_174, %slice3A_172, %select_n3A_161 : vector<512x128xi1>, vector<512x128xf32>
    %select_n3A_181 = arith.select %gt3A_173, %select_n3A_156, %select_n3A_180 : vector<512x128xi1>, vector<512x128xf32>
    %jit3A_182 = arith.constant 8 : i32
    %broadcast_in_dim3A_183 = vector.broadcast %jit3A_182 : i32 to vector<512x128xi32>
    %select_n3A_184 = arith.select %gt3A_174, %broadcast_in_dim3A_183, %select_n3A_165 : vector<512x128xi1>, vector<512x128xi32>
    %select_n3A_185 = arith.select %gt3A_173, %select_n3A_159, %select_n3A_184 : vector<512x128xi1>, vector<512x128xi32>
    %select_n3A_186 = arith.select %gt3A_175, %slice3A_172, %select_n3A_167 : vector<512x128xi1>, vector<512x128xf32>
    %select_n3A_187 = arith.select %gt3A_174, %select_n3A_161, %select_n3A_186 : vector<512x128xi1>, vector<512x128xf32>
    %jit3A_188 = arith.constant 8 : i32
    %broadcast_in_dim3A_189 = vector.broadcast %jit3A_188 : i32 to vector<512x128xi32>
    %select_n3A_190 = arith.select %gt3A_175, %broadcast_in_dim3A_189, %select_n3A_171 : vector<512x128xi1>, vector<512x128xi32>
    %select_n3A_191 = arith.select %gt3A_174, %select_n3A_165, %select_n3A_190 : vector<512x128xi1>, vector<512x128xi32>
    %slice3A_192 = vector.extract_strided_slice %dot_general3A_11 {offsets = [0, 1152], sizes = [512, 128], strides = [1, 1]} : vector<512x8192xf32> to vector<512x128xf32>
    %gt3A_193 = arith.cmpf ogt, %slice3A_192, %select_n3A_176 : vector<512x128xf32>
    %gt3A_194 = arith.cmpf ogt, %slice3A_192, %select_n3A_181 : vector<512x128xf32>
    %gt3A_195 = arith.cmpf ogt, %slice3A_192, %select_n3A_187 : vector<512x128xf32>
    %select_n3A_196 = arith.select %gt3A_193, %slice3A_192, %select_n3A_176 : vector<512x128xi1>, vector<512x128xf32>
    %jit3A_197 = arith.constant 9 : i32
    %broadcast_in_dim3A_198 = vector.broadcast %jit3A_197 : i32 to vector<512x128xi32>
    %select_n3A_199 = arith.select %gt3A_193, %broadcast_in_dim3A_198, %select_n3A_179 : vector<512x128xi1>, vector<512x128xi32>
    %select_n3A_200 = arith.select %gt3A_194, %slice3A_192, %select_n3A_181 : vector<512x128xi1>, vector<512x128xf32>
    %select_n3A_201 = arith.select %gt3A_193, %select_n3A_176, %select_n3A_200 : vector<512x128xi1>, vector<512x128xf32>
    %jit3A_202 = arith.constant 9 : i32
    %broadcast_in_dim3A_203 = vector.broadcast %jit3A_202 : i32 to vector<512x128xi32>
    %select_n3A_204 = arith.select %gt3A_194, %broadcast_in_dim3A_203, %select_n3A_185 : vector<512x128xi1>, vector<512x128xi32>
    %select_n3A_205 = arith.select %gt3A_193, %select_n3A_179, %select_n3A_204 : vector<512x128xi1>, vector<512x128xi32>
    %select_n3A_206 = arith.select %gt3A_195, %slice3A_192, %select_n3A_187 : vector<512x128xi1>, vector<512x128xf32>
    %select_n3A_207 = arith.select %gt3A_194, %select_n3A_181, %select_n3A_206 : vector<512x128xi1>, vector<512x128xf32>
    %jit3A_208 = arith.constant 9 : i32
    %broadcast_in_dim3A_209 = vector.broadcast %jit3A_208 : i32 to vector<512x128xi32>
    %select_n3A_210 = arith.select %gt3A_195, %broadcast_in_dim3A_209, %select_n3A_191 : vector<512x128xi1>, vector<512x128xi32>
    %select_n3A_211 = arith.select %gt3A_194, %select_n3A_185, %select_n3A_210 : vector<512x128xi1>, vector<512x128xi32>
    %slice3A_212 = vector.extract_strided_slice %dot_general3A_11 {offsets = [0, 1280], sizes = [512, 128], strides = [1, 1]} : vector<512x8192xf32> to vector<512x128xf32>
    %gt3A_213 = arith.cmpf ogt, %slice3A_212, %select_n3A_196 : vector<512x128xf32>
    %gt3A_214 = arith.cmpf ogt, %slice3A_212, %select_n3A_201 : vector<512x128xf32>
    %gt3A_215 = arith.cmpf ogt, %slice3A_212, %select_n3A_207 : vector<512x128xf32>
    %select_n3A_216 = arith.select %gt3A_213, %slice3A_212, %select_n3A_196 : vector<512x128xi1>, vector<512x128xf32>
    %jit3A_217 = arith.constant 10 : i32
    %broadcast_in_dim3A_218 = vector.broadcast %jit3A_217 : i32 to vector<512x128xi32>
    %select_n3A_219 = arith.select %gt3A_213, %broadcast_in_dim3A_218, %select_n3A_199 : vector<512x128xi1>, vector<512x128xi32>
    %select_n3A_220 = arith.select %gt3A_214, %slice3A_212, %select_n3A_201 : vector<512x128xi1>, vector<512x128xf32>
    %select_n3A_221 = arith.select %gt3A_213, %select_n3A_196, %select_n3A_220 : vector<512x128xi1>, vector<512x128xf32>
    %jit3A_222 = arith.constant 10 : i32
    %broadcast_in_dim3A_223 = vector.broadcast %jit3A_222 : i32 to vector<512x128xi32>
    %select_n3A_224 = arith.select %gt3A_214, %broadcast_in_dim3A_223, %select_n3A_205 : vector<512x128xi1>, vector<512x128xi32>
    %select_n3A_225 = arith.select %gt3A_213, %select_n3A_199, %select_n3A_224 : vector<512x128xi1>, vector<512x128xi32>
    %select_n3A_226 = arith.select %gt3A_215, %slice3A_212, %select_n3A_207 : vector<512x128xi1>, vector<512x128xf32>
    %select_n3A_227 = arith.select %gt3A_214, %select_n3A_201, %select_n3A_226 : vector<512x128xi1>, vector<512x128xf32>
    %jit3A_228 = arith.constant 10 : i32
    %broadcast_in_dim3A_229 = vector.broadcast %jit3A_228 : i32 to vector<512x128xi32>
    %select_n3A_230 = arith.select %gt3A_215, %broadcast_in_dim3A_229, %select_n3A_211 : vector<512x128xi1>, vector<512x128xi32>
    %select_n3A_231 = arith.select %gt3A_214, %select_n3A_205, %select_n3A_230 : vector<512x128xi1>, vector<512x128xi32>
    %slice3A_232 = vector.extract_strided_slice %dot_general3A_11 {offsets = [0, 1408], sizes = [512, 128], strides = [1, 1]} : vector<512x8192xf32> to vector<512x128xf32>
    %gt3A_233 = arith.cmpf ogt, %slice3A_232, %select_n3A_216 : vector<512x128xf32>
    %gt3A_234 = arith.cmpf ogt, %slice3A_232, %select_n3A_221 : vector<512x128xf32>
    %gt3A_235 = arith.cmpf ogt, %slice3A_232, %select_n3A_227 : vector<512x128xf32>
    %select_n3A_236 = arith.select %gt3A_233, %slice3A_232, %select_n3A_216 : vector<512x128xi1>, vector<512x128xf32>
    %jit3A_237 = arith.constant 11 : i32
    %broadcast_in_dim3A_238 = vector.broadcast %jit3A_237 : i32 to vector<512x128xi32>
    %select_n3A_239 = arith.select %gt3A_233, %broadcast_in_dim3A_238, %select_n3A_219 : vector<512x128xi1>, vector<512x128xi32>
    %select_n3A_240 = arith.select %gt3A_234, %slice3A_232, %select_n3A_221 : vector<512x128xi1>, vector<512x128xf32>
    %select_n3A_241 = arith.select %gt3A_233, %select_n3A_216, %select_n3A_240 : vector<512x128xi1>, vector<512x128xf32>
    %jit3A_242 = arith.constant 11 : i32
    %broadcast_in_dim3A_243 = vector.broadcast %jit3A_242 : i32 to vector<512x128xi32>
    %select_n3A_244 = arith.select %gt3A_234, %broadcast_in_dim3A_243, %select_n3A_225 : vector<512x128xi1>, vector<512x128xi32>
    %select_n3A_245 = arith.select %gt3A_233, %select_n3A_219, %select_n3A_244 : vector<512x128xi1>, vector<512x128xi32>
    %select_n3A_246 = arith.select %gt3A_235, %slice3A_232, %select_n3A_227 : vector<512x128xi1>, vector<512x128xf32>
    %select_n3A_247 = arith.select %gt3A_234, %select_n3A_221, %select_n3A_246 : vector<512x128xi1>, vector<512x128xf32>
    %jit3A_248 = arith.constant 11 : i32
    %broadcast_in_dim3A_249 = vector.broadcast %jit3A_248 : i32 to vector<512x128xi32>
    %select_n3A_250 = arith.select %gt3A_235, %broadcast_in_dim3A_249, %select_n3A_231 : vector<512x128xi1>, vector<512x128xi32>
    %select_n3A_251 = arith.select %gt3A_234, %select_n3A_225, %select_n3A_250 : vector<512x128xi1>, vector<512x128xi32>
    %slice3A_252 = vector.extract_strided_slice %dot_general3A_11 {offsets = [0, 1536], sizes = [512, 128], strides = [1, 1]} : vector<512x8192xf32> to vector<512x128xf32>
    %gt3A_253 = arith.cmpf ogt, %slice3A_252, %select_n3A_236 : vector<512x128xf32>
    %gt3A_254 = arith.cmpf ogt, %slice3A_252, %select_n3A_241 : vector<512x128xf32>
    %gt3A_255 = arith.cmpf ogt, %slice3A_252, %select_n3A_247 : vector<512x128xf32>
    %select_n3A_256 = arith.select %gt3A_253, %slice3A_252, %select_n3A_236 : vector<512x128xi1>, vector<512x128xf32>
    %jit3A_257 = arith.constant 12 : i32
    %broadcast_in_dim3A_258 = vector.broadcast %jit3A_257 : i32 to vector<512x128xi32>
    %select_n3A_259 = arith.select %gt3A_253, %broadcast_in_dim3A_258, %select_n3A_239 : vector<512x128xi1>, vector<512x128xi32>
    %select_n3A_260 = arith.select %gt3A_254, %slice3A_252, %select_n3A_241 : vector<512x128xi1>, vector<512x128xf32>
    %select_n3A_261 = arith.select %gt3A_253, %select_n3A_236, %select_n3A_260 : vector<512x128xi1>, vector<512x128xf32>
    %jit3A_262 = arith.constant 12 : i32
    %broadcast_in_dim3A_263 = vector.broadcast %jit3A_262 : i32 to vector<512x128xi32>
    %select_n3A_264 = arith.select %gt3A_254, %broadcast_in_dim3A_263, %select_n3A_245 : vector<512x128xi1>, vector<512x128xi32>
    %select_n3A_265 = arith.select %gt3A_253, %select_n3A_239, %select_n3A_264 : vector<512x128xi1>, vector<512x128xi32>
    %select_n3A_266 = arith.select %gt3A_255, %slice3A_252, %select_n3A_247 : vector<512x128xi1>, vector<512x128xf32>
    %select_n3A_267 = arith.select %gt3A_254, %select_n3A_241, %select_n3A_266 : vector<512x128xi1>, vector<512x128xf32>
    %jit3A_268 = arith.constant 12 : i32
    %broadcast_in_dim3A_269 = vector.broadcast %jit3A_268 : i32 to vector<512x128xi32>
    %select_n3A_270 = arith.select %gt3A_255, %broadcast_in_dim3A_269, %select_n3A_251 : vector<512x128xi1>, vector<512x128xi32>
    %select_n3A_271 = arith.select %gt3A_254, %select_n3A_245, %select_n3A_270 : vector<512x128xi1>, vector<512x128xi32>
    %slice3A_272 = vector.extract_strided_slice %dot_general3A_11 {offsets = [0, 1664], sizes = [512, 128], strides = [1, 1]} : vector<512x8192xf32> to vector<512x128xf32>
    %gt3A_273 = arith.cmpf ogt, %slice3A_272, %select_n3A_256 : vector<512x128xf32>
    %gt3A_274 = arith.cmpf ogt, %slice3A_272, %select_n3A_261 : vector<512x128xf32>
    %gt3A_275 = arith.cmpf ogt, %slice3A_272, %select_n3A_267 : vector<512x128xf32>
    %select_n3A_276 = arith.select %gt3A_273, %slice3A_272, %select_n3A_256 : vector<512x128xi1>, vector<512x128xf32>
    %jit3A_277 = arith.constant 13 : i32
    %broadcast_in_dim3A_278 = vector.broadcast %jit3A_277 : i32 to vector<512x128xi32>
    %select_n3A_279 = arith.select %gt3A_273, %broadcast_in_dim3A_278, %select_n3A_259 : vector<512x128xi1>, vector<512x128xi32>
    %select_n3A_280 = arith.select %gt3A_274, %slice3A_272, %select_n3A_261 : vector<512x128xi1>, vector<512x128xf32>
    %select_n3A_281 = arith.select %gt3A_273, %select_n3A_256, %select_n3A_280 : vector<512x128xi1>, vector<512x128xf32>
    %jit3A_282 = arith.constant 13 : i32
    %broadcast_in_dim3A_283 = vector.broadcast %jit3A_282 : i32 to vector<512x128xi32>
    %select_n3A_284 = arith.select %gt3A_274, %broadcast_in_dim3A_283, %select_n3A_265 : vector<512x128xi1>, vector<512x128xi32>
    %select_n3A_285 = arith.select %gt3A_273, %select_n3A_259, %select_n3A_284 : vector<512x128xi1>, vector<512x128xi32>
    %select_n3A_286 = arith.select %gt3A_275, %slice3A_272, %select_n3A_267 : vector<512x128xi1>, vector<512x128xf32>
    %select_n3A_287 = arith.select %gt3A_274, %select_n3A_261, %select_n3A_286 : vector<512x128xi1>, vector<512x128xf32>
    %jit3A_288 = arith.constant 13 : i32
    %broadcast_in_dim3A_289 = vector.broadcast %jit3A_288 : i32 to vector<512x128xi32>
    %select_n3A_290 = arith.select %gt3A_275, %broadcast_in_dim3A_289, %select_n3A_271 : vector<512x128xi1>, vector<512x128xi32>
    %select_n3A_291 = arith.select %gt3A_274, %select_n3A_265, %select_n3A_290 : vector<512x128xi1>, vector<512x128xi32>
    %slice3A_292 = vector.extract_strided_slice %dot_general3A_11 {offsets = [0, 1792], sizes = [512, 128], strides = [1, 1]} : vector<512x8192xf32> to vector<512x128xf32>
    %gt3A_293 = arith.cmpf ogt, %slice3A_292, %select_n3A_276 : vector<512x128xf32>
    %gt3A_294 = arith.cmpf ogt, %slice3A_292, %select_n3A_281 : vector<512x128xf32>
    %gt3A_295 = arith.cmpf ogt, %slice3A_292, %select_n3A_287 : vector<512x128xf32>
    %select_n3A_296 = arith.select %gt3A_293, %slice3A_292, %select_n3A_276 : vector<512x128xi1>, vector<512x128xf32>
    %jit3A_297 = arith.constant 14 : i32
    %broadcast_in_dim3A_298 = vector.broadcast %jit3A_297 : i32 to vector<512x128xi32>
    %select_n3A_299 = arith.select %gt3A_293, %broadcast_in_dim3A_298, %select_n3A_279 : vector<512x128xi1>, vector<512x128xi32>
    %select_n3A_300 = arith.select %gt3A_294, %slice3A_292, %select_n3A_281 : vector<512x128xi1>, vector<512x128xf32>
    %select_n3A_301 = arith.select %gt3A_293, %select_n3A_276, %select_n3A_300 : vector<512x128xi1>, vector<512x128xf32>
    %jit3A_302 = arith.constant 14 : i32
    %broadcast_in_dim3A_303 = vector.broadcast %jit3A_302 : i32 to vector<512x128xi32>
    %select_n3A_304 = arith.select %gt3A_294, %broadcast_in_dim3A_303, %select_n3A_285 : vector<512x128xi1>, vector<512x128xi32>
    %select_n3A_305 = arith.select %gt3A_293, %select_n3A_279, %select_n3A_304 : vector<512x128xi1>, vector<512x128xi32>
    %select_n3A_306 = arith.select %gt3A_295, %slice3A_292, %select_n3A_287 : vector<512x128xi1>, vector<512x128xf32>
    %select_n3A_307 = arith.select %gt3A_294, %select_n3A_281, %select_n3A_306 : vector<512x128xi1>, vector<512x128xf32>
    %jit3A_308 = arith.constant 14 : i32
    %broadcast_in_dim3A_309 = vector.broadcast %jit3A_308 : i32 to vector<512x128xi32>
    %select_n3A_310 = arith.select %gt3A_295, %broadcast_in_dim3A_309, %select_n3A_291 : vector<512x128xi1>, vector<512x128xi32>
    %select_n3A_311 = arith.select %gt3A_294, %select_n3A_285, %select_n3A_310 : vector<512x128xi1>, vector<512x128xi32>
    %slice3A_312 = vector.extract_strided_slice %dot_general3A_11 {offsets = [0, 1920], sizes = [512, 128], strides = [1, 1]} : vector<512x8192xf32> to vector<512x128xf32>
    %gt3A_313 = arith.cmpf ogt, %slice3A_312, %select_n3A_296 : vector<512x128xf32>
    %gt3A_314 = arith.cmpf ogt, %slice3A_312, %select_n3A_301 : vector<512x128xf32>
    %gt3A_315 = arith.cmpf ogt, %slice3A_312, %select_n3A_307 : vector<512x128xf32>
    %select_n3A_316 = arith.select %gt3A_313, %slice3A_312, %select_n3A_296 : vector<512x128xi1>, vector<512x128xf32>
    %jit3A_317 = arith.constant 15 : i32
    %broadcast_in_dim3A_318 = vector.broadcast %jit3A_317 : i32 to vector<512x128xi32>
    %select_n3A_319 = arith.select %gt3A_313, %broadcast_in_dim3A_318, %select_n3A_299 : vector<512x128xi1>, vector<512x128xi32>
    %select_n3A_320 = arith.select %gt3A_314, %slice3A_312, %select_n3A_301 : vector<512x128xi1>, vector<512x128xf32>
    %select_n3A_321 = arith.select %gt3A_313, %select_n3A_296, %select_n3A_320 : vector<512x128xi1>, vector<512x128xf32>
    %jit3A_322 = arith.constant 15 : i32
    %broadcast_in_dim3A_323 = vector.broadcast %jit3A_322 : i32 to vector<512x128xi32>
    %select_n3A_324 = arith.select %gt3A_314, %broadcast_in_dim3A_323, %select_n3A_305 : vector<512x128xi1>, vector<512x128xi32>
    %select_n3A_325 = arith.select %gt3A_313, %select_n3A_299, %select_n3A_324 : vector<512x128xi1>, vector<512x128xi32>
    %select_n3A_326 = arith.select %gt3A_315, %slice3A_312, %select_n3A_307 : vector<512x128xi1>, vector<512x128xf32>
    %select_n3A_327 = arith.select %gt3A_314, %select_n3A_301, %select_n3A_326 : vector<512x128xi1>, vector<512x128xf32>
    %jit3A_328 = arith.constant 15 : i32
    %broadcast_in_dim3A_329 = vector.broadcast %jit3A_328 : i32 to vector<512x128xi32>
    %select_n3A_330 = arith.select %gt3A_315, %broadcast_in_dim3A_329, %select_n3A_311 : vector<512x128xi1>, vector<512x128xi32>
    %select_n3A_331 = arith.select %gt3A_314, %select_n3A_305, %select_n3A_330 : vector<512x128xi1>, vector<512x128xi32>
    %slice3A_332 = vector.extract_strided_slice %dot_general3A_11 {offsets = [0, 2048], sizes = [512, 128], strides = [1, 1]} : vector<512x8192xf32> to vector<512x128xf32>
    %gt3A_333 = arith.cmpf ogt, %slice3A_332, %select_n3A_316 : vector<512x128xf32>
    %gt3A_334 = arith.cmpf ogt, %slice3A_332, %select_n3A_321 : vector<512x128xf32>
    %gt3A_335 = arith.cmpf ogt, %slice3A_332, %select_n3A_327 : vector<512x128xf32>
    %select_n3A_336 = arith.select %gt3A_333, %slice3A_332, %select_n3A_316 : vector<512x128xi1>, vector<512x128xf32>
    %jit3A_337 = arith.constant 16 : i32
    %broadcast_in_dim3A_338 = vector.broadcast %jit3A_337 : i32 to vector<512x128xi32>
    %select_n3A_339 = arith.select %gt3A_333, %broadcast_in_dim3A_338, %select_n3A_319 : vector<512x128xi1>, vector<512x128xi32>
    %select_n3A_340 = arith.select %gt3A_334, %slice3A_332, %select_n3A_321 : vector<512x128xi1>, vector<512x128xf32>
    %select_n3A_341 = arith.select %gt3A_333, %select_n3A_316, %select_n3A_340 : vector<512x128xi1>, vector<512x128xf32>
    %jit3A_342 = arith.constant 16 : i32
    %broadcast_in_dim3A_343 = vector.broadcast %jit3A_342 : i32 to vector<512x128xi32>
    %select_n3A_344 = arith.select %gt3A_334, %broadcast_in_dim3A_343, %select_n3A_325 : vector<512x128xi1>, vector<512x128xi32>
    %select_n3A_345 = arith.select %gt3A_333, %select_n3A_319, %select_n3A_344 : vector<512x128xi1>, vector<512x128xi32>
    %select_n3A_346 = arith.select %gt3A_335, %slice3A_332, %select_n3A_327 : vector<512x128xi1>, vector<512x128xf32>
    %select_n3A_347 = arith.select %gt3A_334, %select_n3A_321, %select_n3A_346 : vector<512x128xi1>, vector<512x128xf32>
    %jit3A_348 = arith.constant 16 : i32
    %broadcast_in_dim3A_349 = vector.broadcast %jit3A_348 : i32 to vector<512x128xi32>
    %select_n3A_350 = arith.select %gt3A_335, %broadcast_in_dim3A_349, %select_n3A_331 : vector<512x128xi1>, vector<512x128xi32>
    %select_n3A_351 = arith.select %gt3A_334, %select_n3A_325, %select_n3A_350 : vector<512x128xi1>, vector<512x128xi32>
    %slice3A_352 = vector.extract_strided_slice %dot_general3A_11 {offsets = [0, 2176], sizes = [512, 128], strides = [1, 1]} : vector<512x8192xf32> to vector<512x128xf32>
    %gt3A_353 = arith.cmpf ogt, %slice3A_352, %select_n3A_336 : vector<512x128xf32>
    %gt3A_354 = arith.cmpf ogt, %slice3A_352, %select_n3A_341 : vector<512x128xf32>
    %gt3A_355 = arith.cmpf ogt, %slice3A_352, %select_n3A_347 : vector<512x128xf32>
    %select_n3A_356 = arith.select %gt3A_353, %slice3A_352, %select_n3A_336 : vector<512x128xi1>, vector<512x128xf32>
    %jit3A_357 = arith.constant 17 : i32
    %broadcast_in_dim3A_358 = vector.broadcast %jit3A_357 : i32 to vector<512x128xi32>
    %select_n3A_359 = arith.select %gt3A_353, %broadcast_in_dim3A_358, %select_n3A_339 : vector<512x128xi1>, vector<512x128xi32>
    %select_n3A_360 = arith.select %gt3A_354, %slice3A_352, %select_n3A_341 : vector<512x128xi1>, vector<512x128xf32>
    %select_n3A_361 = arith.select %gt3A_353, %select_n3A_336, %select_n3A_360 : vector<512x128xi1>, vector<512x128xf32>
    %jit3A_362 = arith.constant 17 : i32
    %broadcast_in_dim3A_363 = vector.broadcast %jit3A_362 : i32 to vector<512x128xi32>
    %select_n3A_364 = arith.select %gt3A_354, %broadcast_in_dim3A_363, %select_n3A_345 : vector<512x128xi1>, vector<512x128xi32>
    %select_n3A_365 = arith.select %gt3A_353, %select_n3A_339, %select_n3A_364 : vector<512x128xi1>, vector<512x128xi32>
    %select_n3A_366 = arith.select %gt3A_355, %slice3A_352, %select_n3A_347 : vector<512x128xi1>, vector<512x128xf32>
    %select_n3A_367 = arith.select %gt3A_354, %select_n3A_341, %select_n3A_366 : vector<512x128xi1>, vector<512x128xf32>
    %jit3A_368 = arith.constant 17 : i32
    %broadcast_in_dim3A_369 = vector.broadcast %jit3A_368 : i32 to vector<512x128xi32>
    %select_n3A_370 = arith.select %gt3A_355, %broadcast_in_dim3A_369, %select_n3A_351 : vector<512x128xi1>, vector<512x128xi32>
    %select_n3A_371 = arith.select %gt3A_354, %select_n3A_345, %select_n3A_370 : vector<512x128xi1>, vector<512x128xi32>
    %slice3A_372 = vector.extract_strided_slice %dot_general3A_11 {offsets = [0, 2304], sizes = [512, 128], strides = [1, 1]} : vector<512x8192xf32> to vector<512x128xf32>
    %gt3A_373 = arith.cmpf ogt, %slice3A_372, %select_n3A_356 : vector<512x128xf32>
    %gt3A_374 = arith.cmpf ogt, %slice3A_372, %select_n3A_361 : vector<512x128xf32>
    %gt3A_375 = arith.cmpf ogt, %slice3A_372, %select_n3A_367 : vector<512x128xf32>
    %select_n3A_376 = arith.select %gt3A_373, %slice3A_372, %select_n3A_356 : vector<512x128xi1>, vector<512x128xf32>
    %jit3A_377 = arith.constant 18 : i32
    %broadcast_in_dim3A_378 = vector.broadcast %jit3A_377 : i32 to vector<512x128xi32>
    %select_n3A_379 = arith.select %gt3A_373, %broadcast_in_dim3A_378, %select_n3A_359 : vector<512x128xi1>, vector<512x128xi32>
    %select_n3A_380 = arith.select %gt3A_374, %slice3A_372, %select_n3A_361 : vector<512x128xi1>, vector<512x128xf32>
    %select_n3A_381 = arith.select %gt3A_373, %select_n3A_356, %select_n3A_380 : vector<512x128xi1>, vector<512x128xf32>
    %jit3A_382 = arith.constant 18 : i32
    %broadcast_in_dim3A_383 = vector.broadcast %jit3A_382 : i32 to vector<512x128xi32>
    %select_n3A_384 = arith.select %gt3A_374, %broadcast_in_dim3A_383, %select_n3A_365 : vector<512x128xi1>, vector<512x128xi32>
    %select_n3A_385 = arith.select %gt3A_373, %select_n3A_359, %select_n3A_384 : vector<512x128xi1>, vector<512x128xi32>
    %select_n3A_386 = arith.select %gt3A_375, %slice3A_372, %select_n3A_367 : vector<512x128xi1>, vector<512x128xf32>
    %select_n3A_387 = arith.select %gt3A_374, %select_n3A_361, %select_n3A_386 : vector<512x128xi1>, vector<512x128xf32>
    %jit3A_388 = arith.constant 18 : i32
    %broadcast_in_dim3A_389 = vector.broadcast %jit3A_388 : i32 to vector<512x128xi32>
    %select_n3A_390 = arith.select %gt3A_375, %broadcast_in_dim3A_389, %select_n3A_371 : vector<512x128xi1>, vector<512x128xi32>
    %select_n3A_391 = arith.select %gt3A_374, %select_n3A_365, %select_n3A_390 : vector<512x128xi1>, vector<512x128xi32>
    %slice3A_392 = vector.extract_strided_slice %dot_general3A_11 {offsets = [0, 2432], sizes = [512, 128], strides = [1, 1]} : vector<512x8192xf32> to vector<512x128xf32>
    %gt3A_393 = arith.cmpf ogt, %slice3A_392, %select_n3A_376 : vector<512x128xf32>
    %gt3A_394 = arith.cmpf ogt, %slice3A_392, %select_n3A_381 : vector<512x128xf32>
    %gt3A_395 = arith.cmpf ogt, %slice3A_392, %select_n3A_387 : vector<512x128xf32>
    %select_n3A_396 = arith.select %gt3A_393, %slice3A_392, %select_n3A_376 : vector<512x128xi1>, vector<512x128xf32>
    %jit3A_397 = arith.constant 19 : i32
    %broadcast_in_dim3A_398 = vector.broadcast %jit3A_397 : i32 to vector<512x128xi32>
    %select_n3A_399 = arith.select %gt3A_393, %broadcast_in_dim3A_398, %select_n3A_379 : vector<512x128xi1>, vector<512x128xi32>
    %select_n3A_400 = arith.select %gt3A_394, %slice3A_392, %select_n3A_381 : vector<512x128xi1>, vector<512x128xf32>
    %select_n3A_401 = arith.select %gt3A_393, %select_n3A_376, %select_n3A_400 : vector<512x128xi1>, vector<512x128xf32>
    %jit3A_402 = arith.constant 19 : i32
    %broadcast_in_dim3A_403 = vector.broadcast %jit3A_402 : i32 to vector<512x128xi32>
    %select_n3A_404 = arith.select %gt3A_394, %broadcast_in_dim3A_403, %select_n3A_385 : vector<512x128xi1>, vector<512x128xi32>
    %select_n3A_405 = arith.select %gt3A_393, %select_n3A_379, %select_n3A_404 : vector<512x128xi1>, vector<512x128xi32>
    %select_n3A_406 = arith.select %gt3A_395, %slice3A_392, %select_n3A_387 : vector<512x128xi1>, vector<512x128xf32>
    %select_n3A_407 = arith.select %gt3A_394, %select_n3A_381, %select_n3A_406 : vector<512x128xi1>, vector<512x128xf32>
    %jit3A_408 = arith.constant 19 : i32
    %broadcast_in_dim3A_409 = vector.broadcast %jit3A_408 : i32 to vector<512x128xi32>
    %select_n3A_410 = arith.select %gt3A_395, %broadcast_in_dim3A_409, %select_n3A_391 : vector<512x128xi1>, vector<512x128xi32>
    %select_n3A_411 = arith.select %gt3A_394, %select_n3A_385, %select_n3A_410 : vector<512x128xi1>, vector<512x128xi32>
    %slice3A_412 = vector.extract_strided_slice %dot_general3A_11 {offsets = [0, 2560], sizes = [512, 128], strides = [1, 1]} : vector<512x8192xf32> to vector<512x128xf32>
    %gt3A_413 = arith.cmpf ogt, %slice3A_412, %select_n3A_396 : vector<512x128xf32>
    %gt3A_414 = arith.cmpf ogt, %slice3A_412, %select_n3A_401 : vector<512x128xf32>
    %gt3A_415 = arith.cmpf ogt, %slice3A_412, %select_n3A_407 : vector<512x128xf32>
    %select_n3A_416 = arith.select %gt3A_413, %slice3A_412, %select_n3A_396 : vector<512x128xi1>, vector<512x128xf32>
    %jit3A_417 = arith.constant 20 : i32
    %broadcast_in_dim3A_418 = vector.broadcast %jit3A_417 : i32 to vector<512x128xi32>
    %select_n3A_419 = arith.select %gt3A_413, %broadcast_in_dim3A_418, %select_n3A_399 : vector<512x128xi1>, vector<512x128xi32>
    %select_n3A_420 = arith.select %gt3A_414, %slice3A_412, %select_n3A_401 : vector<512x128xi1>, vector<512x128xf32>
    %select_n3A_421 = arith.select %gt3A_413, %select_n3A_396, %select_n3A_420 : vector<512x128xi1>, vector<512x128xf32>
    %jit3A_422 = arith.constant 20 : i32
    %broadcast_in_dim3A_423 = vector.broadcast %jit3A_422 : i32 to vector<512x128xi32>
    %select_n3A_424 = arith.select %gt3A_414, %broadcast_in_dim3A_423, %select_n3A_405 : vector<512x128xi1>, vector<512x128xi32>
    %select_n3A_425 = arith.select %gt3A_413, %select_n3A_399, %select_n3A_424 : vector<512x128xi1>, vector<512x128xi32>
    %select_n3A_426 = arith.select %gt3A_415, %slice3A_412, %select_n3A_407 : vector<512x128xi1>, vector<512x128xf32>
    %select_n3A_427 = arith.select %gt3A_414, %select_n3A_401, %select_n3A_426 : vector<512x128xi1>, vector<512x128xf32>
    %jit3A_428 = arith.constant 20 : i32
    %broadcast_in_dim3A_429 = vector.broadcast %jit3A_428 : i32 to vector<512x128xi32>
    %select_n3A_430 = arith.select %gt3A_415, %broadcast_in_dim3A_429, %select_n3A_411 : vector<512x128xi1>, vector<512x128xi32>
    %select_n3A_431 = arith.select %gt3A_414, %select_n3A_405, %select_n3A_430 : vector<512x128xi1>, vector<512x128xi32>
    %slice3A_432 = vector.extract_strided_slice %dot_general3A_11 {offsets = [0, 2688], sizes = [512, 128], strides = [1, 1]} : vector<512x8192xf32> to vector<512x128xf32>
    %gt3A_433 = arith.cmpf ogt, %slice3A_432, %select_n3A_416 : vector<512x128xf32>
    %gt3A_434 = arith.cmpf ogt, %slice3A_432, %select_n3A_421 : vector<512x128xf32>
    %gt3A_435 = arith.cmpf ogt, %slice3A_432, %select_n3A_427 : vector<512x128xf32>
    %select_n3A_436 = arith.select %gt3A_433, %slice3A_432, %select_n3A_416 : vector<512x128xi1>, vector<512x128xf32>
    %jit3A_437 = arith.constant 21 : i32
    %broadcast_in_dim3A_438 = vector.broadcast %jit3A_437 : i32 to vector<512x128xi32>
    %select_n3A_439 = arith.select %gt3A_433, %broadcast_in_dim3A_438, %select_n3A_419 : vector<512x128xi1>, vector<512x128xi32>
    %select_n3A_440 = arith.select %gt3A_434, %slice3A_432, %select_n3A_421 : vector<512x128xi1>, vector<512x128xf32>
    %select_n3A_441 = arith.select %gt3A_433, %select_n3A_416, %select_n3A_440 : vector<512x128xi1>, vector<512x128xf32>
    %jit3A_442 = arith.constant 21 : i32
    %broadcast_in_dim3A_443 = vector.broadcast %jit3A_442 : i32 to vector<512x128xi32>
    %select_n3A_444 = arith.select %gt3A_434, %broadcast_in_dim3A_443, %select_n3A_425 : vector<512x128xi1>, vector<512x128xi32>
    %select_n3A_445 = arith.select %gt3A_433, %select_n3A_419, %select_n3A_444 : vector<512x128xi1>, vector<512x128xi32>
    %select_n3A_446 = arith.select %gt3A_435, %slice3A_432, %select_n3A_427 : vector<512x128xi1>, vector<512x128xf32>
    %select_n3A_447 = arith.select %gt3A_434, %select_n3A_421, %select_n3A_446 : vector<512x128xi1>, vector<512x128xf32>
    %jit3A_448 = arith.constant 21 : i32
    %broadcast_in_dim3A_449 = vector.broadcast %jit3A_448 : i32 to vector<512x128xi32>
    %select_n3A_450 = arith.select %gt3A_435, %broadcast_in_dim3A_449, %select_n3A_431 : vector<512x128xi1>, vector<512x128xi32>
    %select_n3A_451 = arith.select %gt3A_434, %select_n3A_425, %select_n3A_450 : vector<512x128xi1>, vector<512x128xi32>
    %slice3A_452 = vector.extract_strided_slice %dot_general3A_11 {offsets = [0, 2816], sizes = [512, 128], strides = [1, 1]} : vector<512x8192xf32> to vector<512x128xf32>
    %gt3A_453 = arith.cmpf ogt, %slice3A_452, %select_n3A_436 : vector<512x128xf32>
    %gt3A_454 = arith.cmpf ogt, %slice3A_452, %select_n3A_441 : vector<512x128xf32>
    %gt3A_455 = arith.cmpf ogt, %slice3A_452, %select_n3A_447 : vector<512x128xf32>
    %select_n3A_456 = arith.select %gt3A_453, %slice3A_452, %select_n3A_436 : vector<512x128xi1>, vector<512x128xf32>
    %jit3A_457 = arith.constant 22 : i32
    %broadcast_in_dim3A_458 = vector.broadcast %jit3A_457 : i32 to vector<512x128xi32>
    %select_n3A_459 = arith.select %gt3A_453, %broadcast_in_dim3A_458, %select_n3A_439 : vector<512x128xi1>, vector<512x128xi32>
    %select_n3A_460 = arith.select %gt3A_454, %slice3A_452, %select_n3A_441 : vector<512x128xi1>, vector<512x128xf32>
    %select_n3A_461 = arith.select %gt3A_453, %select_n3A_436, %select_n3A_460 : vector<512x128xi1>, vector<512x128xf32>
    %jit3A_462 = arith.constant 22 : i32
    %broadcast_in_dim3A_463 = vector.broadcast %jit3A_462 : i32 to vector<512x128xi32>
    %select_n3A_464 = arith.select %gt3A_454, %broadcast_in_dim3A_463, %select_n3A_445 : vector<512x128xi1>, vector<512x128xi32>
    %select_n3A_465 = arith.select %gt3A_453, %select_n3A_439, %select_n3A_464 : vector<512x128xi1>, vector<512x128xi32>
    %select_n3A_466 = arith.select %gt3A_455, %slice3A_452, %select_n3A_447 : vector<512x128xi1>, vector<512x128xf32>
    %select_n3A_467 = arith.select %gt3A_454, %select_n3A_441, %select_n3A_466 : vector<512x128xi1>, vector<512x128xf32>
    %jit3A_468 = arith.constant 22 : i32
    %broadcast_in_dim3A_469 = vector.broadcast %jit3A_468 : i32 to vector<512x128xi32>
    %select_n3A_470 = arith.select %gt3A_455, %broadcast_in_dim3A_469, %select_n3A_451 : vector<512x128xi1>, vector<512x128xi32>
    %select_n3A_471 = arith.select %gt3A_454, %select_n3A_445, %select_n3A_470 : vector<512x128xi1>, vector<512x128xi32>
    %slice3A_472 = vector.extract_strided_slice %dot_general3A_11 {offsets = [0, 2944], sizes = [512, 128], strides = [1, 1]} : vector<512x8192xf32> to vector<512x128xf32>
    %gt3A_473 = arith.cmpf ogt, %slice3A_472, %select_n3A_456 : vector<512x128xf32>
    %gt3A_474 = arith.cmpf ogt, %slice3A_472, %select_n3A_461 : vector<512x128xf32>
    %gt3A_475 = arith.cmpf ogt, %slice3A_472, %select_n3A_467 : vector<512x128xf32>
    %select_n3A_476 = arith.select %gt3A_473, %slice3A_472, %select_n3A_456 : vector<512x128xi1>, vector<512x128xf32>
    %jit3A_477 = arith.constant 23 : i32
    %broadcast_in_dim3A_478 = vector.broadcast %jit3A_477 : i32 to vector<512x128xi32>
    %select_n3A_479 = arith.select %gt3A_473, %broadcast_in_dim3A_478, %select_n3A_459 : vector<512x128xi1>, vector<512x128xi32>
    %select_n3A_480 = arith.select %gt3A_474, %slice3A_472, %select_n3A_461 : vector<512x128xi1>, vector<512x128xf32>
    %select_n3A_481 = arith.select %gt3A_473, %select_n3A_456, %select_n3A_480 : vector<512x128xi1>, vector<512x128xf32>
    %jit3A_482 = arith.constant 23 : i32
    %broadcast_in_dim3A_483 = vector.broadcast %jit3A_482 : i32 to vector<512x128xi32>
    %select_n3A_484 = arith.select %gt3A_474, %broadcast_in_dim3A_483, %select_n3A_465 : vector<512x128xi1>, vector<512x128xi32>
    %select_n3A_485 = arith.select %gt3A_473, %select_n3A_459, %select_n3A_484 : vector<512x128xi1>, vector<512x128xi32>
    %select_n3A_486 = arith.select %gt3A_475, %slice3A_472, %select_n3A_467 : vector<512x128xi1>, vector<512x128xf32>
    %select_n3A_487 = arith.select %gt3A_474, %select_n3A_461, %select_n3A_486 : vector<512x128xi1>, vector<512x128xf32>
    %jit3A_488 = arith.constant 23 : i32
    %broadcast_in_dim3A_489 = vector.broadcast %jit3A_488 : i32 to vector<512x128xi32>
    %select_n3A_490 = arith.select %gt3A_475, %broadcast_in_dim3A_489, %select_n3A_471 : vector<512x128xi1>, vector<512x128xi32>
    %select_n3A_491 = arith.select %gt3A_474, %select_n3A_465, %select_n3A_490 : vector<512x128xi1>, vector<512x128xi32>
    %slice3A_492 = vector.extract_strided_slice %dot_general3A_11 {offsets = [0, 3072], sizes = [512, 128], strides = [1, 1]} : vector<512x8192xf32> to vector<512x128xf32>
    %gt3A_493 = arith.cmpf ogt, %slice3A_492, %select_n3A_476 : vector<512x128xf32>
    %gt3A_494 = arith.cmpf ogt, %slice3A_492, %select_n3A_481 : vector<512x128xf32>
    %gt3A_495 = arith.cmpf ogt, %slice3A_492, %select_n3A_487 : vector<512x128xf32>
    %select_n3A_496 = arith.select %gt3A_493, %slice3A_492, %select_n3A_476 : vector<512x128xi1>, vector<512x128xf32>
    %jit3A_497 = arith.constant 24 : i32
    %broadcast_in_dim3A_498 = vector.broadcast %jit3A_497 : i32 to vector<512x128xi32>
    %select_n3A_499 = arith.select %gt3A_493, %broadcast_in_dim3A_498, %select_n3A_479 : vector<512x128xi1>, vector<512x128xi32>
    %select_n3A_500 = arith.select %gt3A_494, %slice3A_492, %select_n3A_481 : vector<512x128xi1>, vector<512x128xf32>
    %select_n3A_501 = arith.select %gt3A_493, %select_n3A_476, %select_n3A_500 : vector<512x128xi1>, vector<512x128xf32>
    %jit3A_502 = arith.constant 24 : i32
    %broadcast_in_dim3A_503 = vector.broadcast %jit3A_502 : i32 to vector<512x128xi32>
    %select_n3A_504 = arith.select %gt3A_494, %broadcast_in_dim3A_503, %select_n3A_485 : vector<512x128xi1>, vector<512x128xi32>
    %select_n3A_505 = arith.select %gt3A_493, %select_n3A_479, %select_n3A_504 : vector<512x128xi1>, vector<512x128xi32>
    %select_n3A_506 = arith.select %gt3A_495, %slice3A_492, %select_n3A_487 : vector<512x128xi1>, vector<512x128xf32>
    %select_n3A_507 = arith.select %gt3A_494, %select_n3A_481, %select_n3A_506 : vector<512x128xi1>, vector<512x128xf32>
    %jit3A_508 = arith.constant 24 : i32
    %broadcast_in_dim3A_509 = vector.broadcast %jit3A_508 : i32 to vector<512x128xi32>
    %select_n3A_510 = arith.select %gt3A_495, %broadcast_in_dim3A_509, %select_n3A_491 : vector<512x128xi1>, vector<512x128xi32>
    %select_n3A_511 = arith.select %gt3A_494, %select_n3A_485, %select_n3A_510 : vector<512x128xi1>, vector<512x128xi32>
    %slice3A_512 = vector.extract_strided_slice %dot_general3A_11 {offsets = [0, 3200], sizes = [512, 128], strides = [1, 1]} : vector<512x8192xf32> to vector<512x128xf32>
    %gt3A_513 = arith.cmpf ogt, %slice3A_512, %select_n3A_496 : vector<512x128xf32>
    %gt3A_514 = arith.cmpf ogt, %slice3A_512, %select_n3A_501 : vector<512x128xf32>
    %gt3A_515 = arith.cmpf ogt, %slice3A_512, %select_n3A_507 : vector<512x128xf32>
    %select_n3A_516 = arith.select %gt3A_513, %slice3A_512, %select_n3A_496 : vector<512x128xi1>, vector<512x128xf32>
    %jit3A_517 = arith.constant 25 : i32
    %broadcast_in_dim3A_518 = vector.broadcast %jit3A_517 : i32 to vector<512x128xi32>
    %select_n3A_519 = arith.select %gt3A_513, %broadcast_in_dim3A_518, %select_n3A_499 : vector<512x128xi1>, vector<512x128xi32>
    %select_n3A_520 = arith.select %gt3A_514, %slice3A_512, %select_n3A_501 : vector<512x128xi1>, vector<512x128xf32>
    %select_n3A_521 = arith.select %gt3A_513, %select_n3A_496, %select_n3A_520 : vector<512x128xi1>, vector<512x128xf32>
    %jit3A_522 = arith.constant 25 : i32
    %broadcast_in_dim3A_523 = vector.broadcast %jit3A_522 : i32 to vector<512x128xi32>
    %select_n3A_524 = arith.select %gt3A_514, %broadcast_in_dim3A_523, %select_n3A_505 : vector<512x128xi1>, vector<512x128xi32>
    %select_n3A_525 = arith.select %gt3A_513, %select_n3A_499, %select_n3A_524 : vector<512x128xi1>, vector<512x128xi32>
    %select_n3A_526 = arith.select %gt3A_515, %slice3A_512, %select_n3A_507 : vector<512x128xi1>, vector<512x128xf32>
    %select_n3A_527 = arith.select %gt3A_514, %select_n3A_501, %select_n3A_526 : vector<512x128xi1>, vector<512x128xf32>
    %jit3A_528 = arith.constant 25 : i32
    %broadcast_in_dim3A_529 = vector.broadcast %jit3A_528 : i32 to vector<512x128xi32>
    %select_n3A_530 = arith.select %gt3A_515, %broadcast_in_dim3A_529, %select_n3A_511 : vector<512x128xi1>, vector<512x128xi32>
    %select_n3A_531 = arith.select %gt3A_514, %select_n3A_505, %select_n3A_530 : vector<512x128xi1>, vector<512x128xi32>
    %slice3A_532 = vector.extract_strided_slice %dot_general3A_11 {offsets = [0, 3328], sizes = [512, 128], strides = [1, 1]} : vector<512x8192xf32> to vector<512x128xf32>
    %gt3A_533 = arith.cmpf ogt, %slice3A_532, %select_n3A_516 : vector<512x128xf32>
    %gt3A_534 = arith.cmpf ogt, %slice3A_532, %select_n3A_521 : vector<512x128xf32>
    %gt3A_535 = arith.cmpf ogt, %slice3A_532, %select_n3A_527 : vector<512x128xf32>
    %select_n3A_536 = arith.select %gt3A_533, %slice3A_532, %select_n3A_516 : vector<512x128xi1>, vector<512x128xf32>
    %jit3A_537 = arith.constant 26 : i32
    %broadcast_in_dim3A_538 = vector.broadcast %jit3A_537 : i32 to vector<512x128xi32>
    %select_n3A_539 = arith.select %gt3A_533, %broadcast_in_dim3A_538, %select_n3A_519 : vector<512x128xi1>, vector<512x128xi32>
    %select_n3A_540 = arith.select %gt3A_534, %slice3A_532, %select_n3A_521 : vector<512x128xi1>, vector<512x128xf32>
    %select_n3A_541 = arith.select %gt3A_533, %select_n3A_516, %select_n3A_540 : vector<512x128xi1>, vector<512x128xf32>
    %jit3A_542 = arith.constant 26 : i32
    %broadcast_in_dim3A_543 = vector.broadcast %jit3A_542 : i32 to vector<512x128xi32>
    %select_n3A_544 = arith.select %gt3A_534, %broadcast_in_dim3A_543, %select_n3A_525 : vector<512x128xi1>, vector<512x128xi32>
    %select_n3A_545 = arith.select %gt3A_533, %select_n3A_519, %select_n3A_544 : vector<512x128xi1>, vector<512x128xi32>
    %select_n3A_546 = arith.select %gt3A_535, %slice3A_532, %select_n3A_527 : vector<512x128xi1>, vector<512x128xf32>
    %select_n3A_547 = arith.select %gt3A_534, %select_n3A_521, %select_n3A_546 : vector<512x128xi1>, vector<512x128xf32>
    %jit3A_548 = arith.constant 26 : i32
    %broadcast_in_dim3A_549 = vector.broadcast %jit3A_548 : i32 to vector<512x128xi32>
    %select_n3A_550 = arith.select %gt3A_535, %broadcast_in_dim3A_549, %select_n3A_531 : vector<512x128xi1>, vector<512x128xi32>
    %select_n3A_551 = arith.select %gt3A_534, %select_n3A_525, %select_n3A_550 : vector<512x128xi1>, vector<512x128xi32>
    %slice3A_552 = vector.extract_strided_slice %dot_general3A_11 {offsets = [0, 3456], sizes = [512, 128], strides = [1, 1]} : vector<512x8192xf32> to vector<512x128xf32>
    %gt3A_553 = arith.cmpf ogt, %slice3A_552, %select_n3A_536 : vector<512x128xf32>
    %gt3A_554 = arith.cmpf ogt, %slice3A_552, %select_n3A_541 : vector<512x128xf32>
    %gt3A_555 = arith.cmpf ogt, %slice3A_552, %select_n3A_547 : vector<512x128xf32>
    %select_n3A_556 = arith.select %gt3A_553, %slice3A_552, %select_n3A_536 : vector<512x128xi1>, vector<512x128xf32>
    %jit3A_557 = arith.constant 27 : i32
    %broadcast_in_dim3A_558 = vector.broadcast %jit3A_557 : i32 to vector<512x128xi32>
    %select_n3A_559 = arith.select %gt3A_553, %broadcast_in_dim3A_558, %select_n3A_539 : vector<512x128xi1>, vector<512x128xi32>
    %select_n3A_560 = arith.select %gt3A_554, %slice3A_552, %select_n3A_541 : vector<512x128xi1>, vector<512x128xf32>
    %select_n3A_561 = arith.select %gt3A_553, %select_n3A_536, %select_n3A_560 : vector<512x128xi1>, vector<512x128xf32>
    %jit3A_562 = arith.constant 27 : i32
    %broadcast_in_dim3A_563 = vector.broadcast %jit3A_562 : i32 to vector<512x128xi32>
    %select_n3A_564 = arith.select %gt3A_554, %broadcast_in_dim3A_563, %select_n3A_545 : vector<512x128xi1>, vector<512x128xi32>
    %select_n3A_565 = arith.select %gt3A_553, %select_n3A_539, %select_n3A_564 : vector<512x128xi1>, vector<512x128xi32>
    %select_n3A_566 = arith.select %gt3A_555, %slice3A_552, %select_n3A_547 : vector<512x128xi1>, vector<512x128xf32>
    %select_n3A_567 = arith.select %gt3A_554, %select_n3A_541, %select_n3A_566 : vector<512x128xi1>, vector<512x128xf32>
    %jit3A_568 = arith.constant 27 : i32
    %broadcast_in_dim3A_569 = vector.broadcast %jit3A_568 : i32 to vector<512x128xi32>
    %select_n3A_570 = arith.select %gt3A_555, %broadcast_in_dim3A_569, %select_n3A_551 : vector<512x128xi1>, vector<512x128xi32>
    %select_n3A_571 = arith.select %gt3A_554, %select_n3A_545, %select_n3A_570 : vector<512x128xi1>, vector<512x128xi32>
    %slice3A_572 = vector.extract_strided_slice %dot_general3A_11 {offsets = [0, 3584], sizes = [512, 128], strides = [1, 1]} : vector<512x8192xf32> to vector<512x128xf32>
    %gt3A_573 = arith.cmpf ogt, %slice3A_572, %select_n3A_556 : vector<512x128xf32>
    %gt3A_574 = arith.cmpf ogt, %slice3A_572, %select_n3A_561 : vector<512x128xf32>
    %gt3A_575 = arith.cmpf ogt, %slice3A_572, %select_n3A_567 : vector<512x128xf32>
    %select_n3A_576 = arith.select %gt3A_573, %slice3A_572, %select_n3A_556 : vector<512x128xi1>, vector<512x128xf32>
    %jit3A_577 = arith.constant 28 : i32
    %broadcast_in_dim3A_578 = vector.broadcast %jit3A_577 : i32 to vector<512x128xi32>
    %select_n3A_579 = arith.select %gt3A_573, %broadcast_in_dim3A_578, %select_n3A_559 : vector<512x128xi1>, vector<512x128xi32>
    %select_n3A_580 = arith.select %gt3A_574, %slice3A_572, %select_n3A_561 : vector<512x128xi1>, vector<512x128xf32>
    %select_n3A_581 = arith.select %gt3A_573, %select_n3A_556, %select_n3A_580 : vector<512x128xi1>, vector<512x128xf32>
    %jit3A_582 = arith.constant 28 : i32
    %broadcast_in_dim3A_583 = vector.broadcast %jit3A_582 : i32 to vector<512x128xi32>
    %select_n3A_584 = arith.select %gt3A_574, %broadcast_in_dim3A_583, %select_n3A_565 : vector<512x128xi1>, vector<512x128xi32>
    %select_n3A_585 = arith.select %gt3A_573, %select_n3A_559, %select_n3A_584 : vector<512x128xi1>, vector<512x128xi32>
    %select_n3A_586 = arith.select %gt3A_575, %slice3A_572, %select_n3A_567 : vector<512x128xi1>, vector<512x128xf32>
    %select_n3A_587 = arith.select %gt3A_574, %select_n3A_561, %select_n3A_586 : vector<512x128xi1>, vector<512x128xf32>
    %jit3A_588 = arith.constant 28 : i32
    %broadcast_in_dim3A_589 = vector.broadcast %jit3A_588 : i32 to vector<512x128xi32>
    %select_n3A_590 = arith.select %gt3A_575, %broadcast_in_dim3A_589, %select_n3A_571 : vector<512x128xi1>, vector<512x128xi32>
    %select_n3A_591 = arith.select %gt3A_574, %select_n3A_565, %select_n3A_590 : vector<512x128xi1>, vector<512x128xi32>
    %slice3A_592 = vector.extract_strided_slice %dot_general3A_11 {offsets = [0, 3712], sizes = [512, 128], strides = [1, 1]} : vector<512x8192xf32> to vector<512x128xf32>
    %gt3A_593 = arith.cmpf ogt, %slice3A_592, %select_n3A_576 : vector<512x128xf32>
    %gt3A_594 = arith.cmpf ogt, %slice3A_592, %select_n3A_581 : vector<512x128xf32>
    %gt3A_595 = arith.cmpf ogt, %slice3A_592, %select_n3A_587 : vector<512x128xf32>
    %select_n3A_596 = arith.select %gt3A_593, %slice3A_592, %select_n3A_576 : vector<512x128xi1>, vector<512x128xf32>
    %jit3A_597 = arith.constant 29 : i32
    %broadcast_in_dim3A_598 = vector.broadcast %jit3A_597 : i32 to vector<512x128xi32>
    %select_n3A_599 = arith.select %gt3A_593, %broadcast_in_dim3A_598, %select_n3A_579 : vector<512x128xi1>, vector<512x128xi32>
    %select_n3A_600 = arith.select %gt3A_594, %slice3A_592, %select_n3A_581 : vector<512x128xi1>, vector<512x128xf32>
    %select_n3A_601 = arith.select %gt3A_593, %select_n3A_576, %select_n3A_600 : vector<512x128xi1>, vector<512x128xf32>
    %jit3A_602 = arith.constant 29 : i32
    %broadcast_in_dim3A_603 = vector.broadcast %jit3A_602 : i32 to vector<512x128xi32>
    %select_n3A_604 = arith.select %gt3A_594, %broadcast_in_dim3A_603, %select_n3A_585 : vector<512x128xi1>, vector<512x128xi32>
    %select_n3A_605 = arith.select %gt3A_593, %select_n3A_579, %select_n3A_604 : vector<512x128xi1>, vector<512x128xi32>
    %select_n3A_606 = arith.select %gt3A_595, %slice3A_592, %select_n3A_587 : vector<512x128xi1>, vector<512x128xf32>
    %select_n3A_607 = arith.select %gt3A_594, %select_n3A_581, %select_n3A_606 : vector<512x128xi1>, vector<512x128xf32>
    %jit3A_608 = arith.constant 29 : i32
    %broadcast_in_dim3A_609 = vector.broadcast %jit3A_608 : i32 to vector<512x128xi32>
    %select_n3A_610 = arith.select %gt3A_595, %broadcast_in_dim3A_609, %select_n3A_591 : vector<512x128xi1>, vector<512x128xi32>
    %select_n3A_611 = arith.select %gt3A_594, %select_n3A_585, %select_n3A_610 : vector<512x128xi1>, vector<512x128xi32>
    %slice3A_612 = vector.extract_strided_slice %dot_general3A_11 {offsets = [0, 3840], sizes = [512, 128], strides = [1, 1]} : vector<512x8192xf32> to vector<512x128xf32>
    %gt3A_613 = arith.cmpf ogt, %slice3A_612, %select_n3A_596 : vector<512x128xf32>
    %gt3A_614 = arith.cmpf ogt, %slice3A_612, %select_n3A_601 : vector<512x128xf32>
    %gt3A_615 = arith.cmpf ogt, %slice3A_612, %select_n3A_607 : vector<512x128xf32>
    %select_n3A_616 = arith.select %gt3A_613, %slice3A_612, %select_n3A_596 : vector<512x128xi1>, vector<512x128xf32>
    %jit3A_617 = arith.constant 30 : i32
    %broadcast_in_dim3A_618 = vector.broadcast %jit3A_617 : i32 to vector<512x128xi32>
    %select_n3A_619 = arith.select %gt3A_613, %broadcast_in_dim3A_618, %select_n3A_599 : vector<512x128xi1>, vector<512x128xi32>
    %select_n3A_620 = arith.select %gt3A_614, %slice3A_612, %select_n3A_601 : vector<512x128xi1>, vector<512x128xf32>
    %select_n3A_621 = arith.select %gt3A_613, %select_n3A_596, %select_n3A_620 : vector<512x128xi1>, vector<512x128xf32>
    %jit3A_622 = arith.constant 30 : i32
    %broadcast_in_dim3A_623 = vector.broadcast %jit3A_622 : i32 to vector<512x128xi32>
    %select_n3A_624 = arith.select %gt3A_614, %broadcast_in_dim3A_623, %select_n3A_605 : vector<512x128xi1>, vector<512x128xi32>
    %select_n3A_625 = arith.select %gt3A_613, %select_n3A_599, %select_n3A_624 : vector<512x128xi1>, vector<512x128xi32>
    %select_n3A_626 = arith.select %gt3A_615, %slice3A_612, %select_n3A_607 : vector<512x128xi1>, vector<512x128xf32>
    %select_n3A_627 = arith.select %gt3A_614, %select_n3A_601, %select_n3A_626 : vector<512x128xi1>, vector<512x128xf32>
    %jit3A_628 = arith.constant 30 : i32
    %broadcast_in_dim3A_629 = vector.broadcast %jit3A_628 : i32 to vector<512x128xi32>
    %select_n3A_630 = arith.select %gt3A_615, %broadcast_in_dim3A_629, %select_n3A_611 : vector<512x128xi1>, vector<512x128xi32>
    %select_n3A_631 = arith.select %gt3A_614, %select_n3A_605, %select_n3A_630 : vector<512x128xi1>, vector<512x128xi32>
    %slice3A_632 = vector.extract_strided_slice %dot_general3A_11 {offsets = [0, 3968], sizes = [512, 128], strides = [1, 1]} : vector<512x8192xf32> to vector<512x128xf32>
    %gt3A_633 = arith.cmpf ogt, %slice3A_632, %select_n3A_616 : vector<512x128xf32>
    %gt3A_634 = arith.cmpf ogt, %slice3A_632, %select_n3A_621 : vector<512x128xf32>
    %gt3A_635 = arith.cmpf ogt, %slice3A_632, %select_n3A_627 : vector<512x128xf32>
    %select_n3A_636 = arith.select %gt3A_633, %slice3A_632, %select_n3A_616 : vector<512x128xi1>, vector<512x128xf32>
    %jit3A_637 = arith.constant 31 : i32
    %broadcast_in_dim3A_638 = vector.broadcast %jit3A_637 : i32 to vector<512x128xi32>
    %select_n3A_639 = arith.select %gt3A_633, %broadcast_in_dim3A_638, %select_n3A_619 : vector<512x128xi1>, vector<512x128xi32>
    %select_n3A_640 = arith.select %gt3A_634, %slice3A_632, %select_n3A_621 : vector<512x128xi1>, vector<512x128xf32>
    %select_n3A_641 = arith.select %gt3A_633, %select_n3A_616, %select_n3A_640 : vector<512x128xi1>, vector<512x128xf32>
    %jit3A_642 = arith.constant 31 : i32
    %broadcast_in_dim3A_643 = vector.broadcast %jit3A_642 : i32 to vector<512x128xi32>
    %select_n3A_644 = arith.select %gt3A_634, %broadcast_in_dim3A_643, %select_n3A_625 : vector<512x128xi1>, vector<512x128xi32>
    %select_n3A_645 = arith.select %gt3A_633, %select_n3A_619, %select_n3A_644 : vector<512x128xi1>, vector<512x128xi32>
    %select_n3A_646 = arith.select %gt3A_635, %slice3A_632, %select_n3A_627 : vector<512x128xi1>, vector<512x128xf32>
    %select_n3A_647 = arith.select %gt3A_634, %select_n3A_621, %select_n3A_646 : vector<512x128xi1>, vector<512x128xf32>
    %jit3A_648 = arith.constant 31 : i32
    %broadcast_in_dim3A_649 = vector.broadcast %jit3A_648 : i32 to vector<512x128xi32>
    %select_n3A_650 = arith.select %gt3A_635, %broadcast_in_dim3A_649, %select_n3A_631 : vector<512x128xi1>, vector<512x128xi32>
    %select_n3A_651 = arith.select %gt3A_634, %select_n3A_625, %select_n3A_650 : vector<512x128xi1>, vector<512x128xi32>
    %slice3A_652 = vector.extract_strided_slice %dot_general3A_11 {offsets = [0, 4096], sizes = [512, 128], strides = [1, 1]} : vector<512x8192xf32> to vector<512x128xf32>
    %gt3A_653 = arith.cmpf ogt, %slice3A_652, %select_n3A_636 : vector<512x128xf32>
    %gt3A_654 = arith.cmpf ogt, %slice3A_652, %select_n3A_641 : vector<512x128xf32>
    %gt3A_655 = arith.cmpf ogt, %slice3A_652, %select_n3A_647 : vector<512x128xf32>
    %select_n3A_656 = arith.select %gt3A_653, %slice3A_652, %select_n3A_636 : vector<512x128xi1>, vector<512x128xf32>
    %jit3A_657 = arith.constant 32 : i32
    %broadcast_in_dim3A_658 = vector.broadcast %jit3A_657 : i32 to vector<512x128xi32>
    %select_n3A_659 = arith.select %gt3A_653, %broadcast_in_dim3A_658, %select_n3A_639 : vector<512x128xi1>, vector<512x128xi32>
    %select_n3A_660 = arith.select %gt3A_654, %slice3A_652, %select_n3A_641 : vector<512x128xi1>, vector<512x128xf32>
    %select_n3A_661 = arith.select %gt3A_653, %select_n3A_636, %select_n3A_660 : vector<512x128xi1>, vector<512x128xf32>
    %jit3A_662 = arith.constant 32 : i32
    %broadcast_in_dim3A_663 = vector.broadcast %jit3A_662 : i32 to vector<512x128xi32>
    %select_n3A_664 = arith.select %gt3A_654, %broadcast_in_dim3A_663, %select_n3A_645 : vector<512x128xi1>, vector<512x128xi32>
    %select_n3A_665 = arith.select %gt3A_653, %select_n3A_639, %select_n3A_664 : vector<512x128xi1>, vector<512x128xi32>
    %select_n3A_666 = arith.select %gt3A_655, %slice3A_652, %select_n3A_647 : vector<512x128xi1>, vector<512x128xf32>
    %select_n3A_667 = arith.select %gt3A_654, %select_n3A_641, %select_n3A_666 : vector<512x128xi1>, vector<512x128xf32>
    %jit3A_668 = arith.constant 32 : i32
    %broadcast_in_dim3A_669 = vector.broadcast %jit3A_668 : i32 to vector<512x128xi32>
    %select_n3A_670 = arith.select %gt3A_655, %broadcast_in_dim3A_669, %select_n3A_651 : vector<512x128xi1>, vector<512x128xi32>
    %select_n3A_671 = arith.select %gt3A_654, %select_n3A_645, %select_n3A_670 : vector<512x128xi1>, vector<512x128xi32>
    %slice3A_672 = vector.extract_strided_slice %dot_general3A_11 {offsets = [0, 4224], sizes = [512, 128], strides = [1, 1]} : vector<512x8192xf32> to vector<512x128xf32>
    %gt3A_673 = arith.cmpf ogt, %slice3A_672, %select_n3A_656 : vector<512x128xf32>
    %gt3A_674 = arith.cmpf ogt, %slice3A_672, %select_n3A_661 : vector<512x128xf32>
    %gt3A_675 = arith.cmpf ogt, %slice3A_672, %select_n3A_667 : vector<512x128xf32>
    %select_n3A_676 = arith.select %gt3A_673, %slice3A_672, %select_n3A_656 : vector<512x128xi1>, vector<512x128xf32>
    %jit3A_677 = arith.constant 33 : i32
    %broadcast_in_dim3A_678 = vector.broadcast %jit3A_677 : i32 to vector<512x128xi32>
    %select_n3A_679 = arith.select %gt3A_673, %broadcast_in_dim3A_678, %select_n3A_659 : vector<512x128xi1>, vector<512x128xi32>
    %select_n3A_680 = arith.select %gt3A_674, %slice3A_672, %select_n3A_661 : vector<512x128xi1>, vector<512x128xf32>
    %select_n3A_681 = arith.select %gt3A_673, %select_n3A_656, %select_n3A_680 : vector<512x128xi1>, vector<512x128xf32>
    %jit3A_682 = arith.constant 33 : i32
    %broadcast_in_dim3A_683 = vector.broadcast %jit3A_682 : i32 to vector<512x128xi32>
    %select_n3A_684 = arith.select %gt3A_674, %broadcast_in_dim3A_683, %select_n3A_665 : vector<512x128xi1>, vector<512x128xi32>
    %select_n3A_685 = arith.select %gt3A_673, %select_n3A_659, %select_n3A_684 : vector<512x128xi1>, vector<512x128xi32>
    %select_n3A_686 = arith.select %gt3A_675, %slice3A_672, %select_n3A_667 : vector<512x128xi1>, vector<512x128xf32>
    %select_n3A_687 = arith.select %gt3A_674, %select_n3A_661, %select_n3A_686 : vector<512x128xi1>, vector<512x128xf32>
    %jit3A_688 = arith.constant 33 : i32
    %broadcast_in_dim3A_689 = vector.broadcast %jit3A_688 : i32 to vector<512x128xi32>
    %select_n3A_690 = arith.select %gt3A_675, %broadcast_in_dim3A_689, %select_n3A_671 : vector<512x128xi1>, vector<512x128xi32>
    %select_n3A_691 = arith.select %gt3A_674, %select_n3A_665, %select_n3A_690 : vector<512x128xi1>, vector<512x128xi32>
    %slice3A_692 = vector.extract_strided_slice %dot_general3A_11 {offsets = [0, 4352], sizes = [512, 128], strides = [1, 1]} : vector<512x8192xf32> to vector<512x128xf32>
    %gt3A_693 = arith.cmpf ogt, %slice3A_692, %select_n3A_676 : vector<512x128xf32>
    %gt3A_694 = arith.cmpf ogt, %slice3A_692, %select_n3A_681 : vector<512x128xf32>
    %gt3A_695 = arith.cmpf ogt, %slice3A_692, %select_n3A_687 : vector<512x128xf32>
    %select_n3A_696 = arith.select %gt3A_693, %slice3A_692, %select_n3A_676 : vector<512x128xi1>, vector<512x128xf32>
    %jit3A_697 = arith.constant 34 : i32
    %broadcast_in_dim3A_698 = vector.broadcast %jit3A_697 : i32 to vector<512x128xi32>
    %select_n3A_699 = arith.select %gt3A_693, %broadcast_in_dim3A_698, %select_n3A_679 : vector<512x128xi1>, vector<512x128xi32>
    %select_n3A_700 = arith.select %gt3A_694, %slice3A_692, %select_n3A_681 : vector<512x128xi1>, vector<512x128xf32>
    %select_n3A_701 = arith.select %gt3A_693, %select_n3A_676, %select_n3A_700 : vector<512x128xi1>, vector<512x128xf32>
    %jit3A_702 = arith.constant 34 : i32
    %broadcast_in_dim3A_703 = vector.broadcast %jit3A_702 : i32 to vector<512x128xi32>
    %select_n3A_704 = arith.select %gt3A_694, %broadcast_in_dim3A_703, %select_n3A_685 : vector<512x128xi1>, vector<512x128xi32>
    %select_n3A_705 = arith.select %gt3A_693, %select_n3A_679, %select_n3A_704 : vector<512x128xi1>, vector<512x128xi32>
    %select_n3A_706 = arith.select %gt3A_695, %slice3A_692, %select_n3A_687 : vector<512x128xi1>, vector<512x128xf32>
    %select_n3A_707 = arith.select %gt3A_694, %select_n3A_681, %select_n3A_706 : vector<512x128xi1>, vector<512x128xf32>
    %jit3A_708 = arith.constant 34 : i32
    %broadcast_in_dim3A_709 = vector.broadcast %jit3A_708 : i32 to vector<512x128xi32>
    %select_n3A_710 = arith.select %gt3A_695, %broadcast_in_dim3A_709, %select_n3A_691 : vector<512x128xi1>, vector<512x128xi32>
    %select_n3A_711 = arith.select %gt3A_694, %select_n3A_685, %select_n3A_710 : vector<512x128xi1>, vector<512x128xi32>
    %slice3A_712 = vector.extract_strided_slice %dot_general3A_11 {offsets = [0, 4480], sizes = [512, 128], strides = [1, 1]} : vector<512x8192xf32> to vector<512x128xf32>
    %gt3A_713 = arith.cmpf ogt, %slice3A_712, %select_n3A_696 : vector<512x128xf32>
    %gt3A_714 = arith.cmpf ogt, %slice3A_712, %select_n3A_701 : vector<512x128xf32>
    %gt3A_715 = arith.cmpf ogt, %slice3A_712, %select_n3A_707 : vector<512x128xf32>
    %select_n3A_716 = arith.select %gt3A_713, %slice3A_712, %select_n3A_696 : vector<512x128xi1>, vector<512x128xf32>
    %jit3A_717 = arith.constant 35 : i32
    %broadcast_in_dim3A_718 = vector.broadcast %jit3A_717 : i32 to vector<512x128xi32>
    %select_n3A_719 = arith.select %gt3A_713, %broadcast_in_dim3A_718, %select_n3A_699 : vector<512x128xi1>, vector<512x128xi32>
    %select_n3A_720 = arith.select %gt3A_714, %slice3A_712, %select_n3A_701 : vector<512x128xi1>, vector<512x128xf32>
    %select_n3A_721 = arith.select %gt3A_713, %select_n3A_696, %select_n3A_720 : vector<512x128xi1>, vector<512x128xf32>
    %jit3A_722 = arith.constant 35 : i32
    %broadcast_in_dim3A_723 = vector.broadcast %jit3A_722 : i32 to vector<512x128xi32>
    %select_n3A_724 = arith.select %gt3A_714, %broadcast_in_dim3A_723, %select_n3A_705 : vector<512x128xi1>, vector<512x128xi32>
    %select_n3A_725 = arith.select %gt3A_713, %select_n3A_699, %select_n3A_724 : vector<512x128xi1>, vector<512x128xi32>
    %select_n3A_726 = arith.select %gt3A_715, %slice3A_712, %select_n3A_707 : vector<512x128xi1>, vector<512x128xf32>
    %select_n3A_727 = arith.select %gt3A_714, %select_n3A_701, %select_n3A_726 : vector<512x128xi1>, vector<512x128xf32>
    %jit3A_728 = arith.constant 35 : i32
    %broadcast_in_dim3A_729 = vector.broadcast %jit3A_728 : i32 to vector<512x128xi32>
    %select_n3A_730 = arith.select %gt3A_715, %broadcast_in_dim3A_729, %select_n3A_711 : vector<512x128xi1>, vector<512x128xi32>
    %select_n3A_731 = arith.select %gt3A_714, %select_n3A_705, %select_n3A_730 : vector<512x128xi1>, vector<512x128xi32>
    %slice3A_732 = vector.extract_strided_slice %dot_general3A_11 {offsets = [0, 4608], sizes = [512, 128], strides = [1, 1]} : vector<512x8192xf32> to vector<512x128xf32>
    %gt3A_733 = arith.cmpf ogt, %slice3A_732, %select_n3A_716 : vector<512x128xf32>
    %gt3A_734 = arith.cmpf ogt, %slice3A_732, %select_n3A_721 : vector<512x128xf32>
    %gt3A_735 = arith.cmpf ogt, %slice3A_732, %select_n3A_727 : vector<512x128xf32>
    %select_n3A_736 = arith.select %gt3A_733, %slice3A_732, %select_n3A_716 : vector<512x128xi1>, vector<512x128xf32>
    %jit3A_737 = arith.constant 36 : i32
    %broadcast_in_dim3A_738 = vector.broadcast %jit3A_737 : i32 to vector<512x128xi32>
    %select_n3A_739 = arith.select %gt3A_733, %broadcast_in_dim3A_738, %select_n3A_719 : vector<512x128xi1>, vector<512x128xi32>
    %select_n3A_740 = arith.select %gt3A_734, %slice3A_732, %select_n3A_721 : vector<512x128xi1>, vector<512x128xf32>
    %select_n3A_741 = arith.select %gt3A_733, %select_n3A_716, %select_n3A_740 : vector<512x128xi1>, vector<512x128xf32>
    %jit3A_742 = arith.constant 36 : i32
    %broadcast_in_dim3A_743 = vector.broadcast %jit3A_742 : i32 to vector<512x128xi32>
    %select_n3A_744 = arith.select %gt3A_734, %broadcast_in_dim3A_743, %select_n3A_725 : vector<512x128xi1>, vector<512x128xi32>
    %select_n3A_745 = arith.select %gt3A_733, %select_n3A_719, %select_n3A_744 : vector<512x128xi1>, vector<512x128xi32>
    %select_n3A_746 = arith.select %gt3A_735, %slice3A_732, %select_n3A_727 : vector<512x128xi1>, vector<512x128xf32>
    %select_n3A_747 = arith.select %gt3A_734, %select_n3A_721, %select_n3A_746 : vector<512x128xi1>, vector<512x128xf32>
    %jit3A_748 = arith.constant 36 : i32
    %broadcast_in_dim3A_749 = vector.broadcast %jit3A_748 : i32 to vector<512x128xi32>
    %select_n3A_750 = arith.select %gt3A_735, %broadcast_in_dim3A_749, %select_n3A_731 : vector<512x128xi1>, vector<512x128xi32>
    %select_n3A_751 = arith.select %gt3A_734, %select_n3A_725, %select_n3A_750 : vector<512x128xi1>, vector<512x128xi32>
    %slice3A_752 = vector.extract_strided_slice %dot_general3A_11 {offsets = [0, 4736], sizes = [512, 128], strides = [1, 1]} : vector<512x8192xf32> to vector<512x128xf32>
    %gt3A_753 = arith.cmpf ogt, %slice3A_752, %select_n3A_736 : vector<512x128xf32>
    %gt3A_754 = arith.cmpf ogt, %slice3A_752, %select_n3A_741 : vector<512x128xf32>
    %gt3A_755 = arith.cmpf ogt, %slice3A_752, %select_n3A_747 : vector<512x128xf32>
    %select_n3A_756 = arith.select %gt3A_753, %slice3A_752, %select_n3A_736 : vector<512x128xi1>, vector<512x128xf32>
    %jit3A_757 = arith.constant 37 : i32
    %broadcast_in_dim3A_758 = vector.broadcast %jit3A_757 : i32 to vector<512x128xi32>
    %select_n3A_759 = arith.select %gt3A_753, %broadcast_in_dim3A_758, %select_n3A_739 : vector<512x128xi1>, vector<512x128xi32>
    %select_n3A_760 = arith.select %gt3A_754, %slice3A_752, %select_n3A_741 : vector<512x128xi1>, vector<512x128xf32>
    %select_n3A_761 = arith.select %gt3A_753, %select_n3A_736, %select_n3A_760 : vector<512x128xi1>, vector<512x128xf32>
    %jit3A_762 = arith.constant 37 : i32
    %broadcast_in_dim3A_763 = vector.broadcast %jit3A_762 : i32 to vector<512x128xi32>
    %select_n3A_764 = arith.select %gt3A_754, %broadcast_in_dim3A_763, %select_n3A_745 : vector<512x128xi1>, vector<512x128xi32>
    %select_n3A_765 = arith.select %gt3A_753, %select_n3A_739, %select_n3A_764 : vector<512x128xi1>, vector<512x128xi32>
    %select_n3A_766 = arith.select %gt3A_755, %slice3A_752, %select_n3A_747 : vector<512x128xi1>, vector<512x128xf32>
    %select_n3A_767 = arith.select %gt3A_754, %select_n3A_741, %select_n3A_766 : vector<512x128xi1>, vector<512x128xf32>
    %jit3A_768 = arith.constant 37 : i32
    %broadcast_in_dim3A_769 = vector.broadcast %jit3A_768 : i32 to vector<512x128xi32>
    %select_n3A_770 = arith.select %gt3A_755, %broadcast_in_dim3A_769, %select_n3A_751 : vector<512x128xi1>, vector<512x128xi32>
    %select_n3A_771 = arith.select %gt3A_754, %select_n3A_745, %select_n3A_770 : vector<512x128xi1>, vector<512x128xi32>
    %slice3A_772 = vector.extract_strided_slice %dot_general3A_11 {offsets = [0, 4864], sizes = [512, 128], strides = [1, 1]} : vector<512x8192xf32> to vector<512x128xf32>
    %gt3A_773 = arith.cmpf ogt, %slice3A_772, %select_n3A_756 : vector<512x128xf32>
    %gt3A_774 = arith.cmpf ogt, %slice3A_772, %select_n3A_761 : vector<512x128xf32>
    %gt3A_775 = arith.cmpf ogt, %slice3A_772, %select_n3A_767 : vector<512x128xf32>
    %select_n3A_776 = arith.select %gt3A_773, %slice3A_772, %select_n3A_756 : vector<512x128xi1>, vector<512x128xf32>
    %jit3A_777 = arith.constant 38 : i32
    %broadcast_in_dim3A_778 = vector.broadcast %jit3A_777 : i32 to vector<512x128xi32>
    %select_n3A_779 = arith.select %gt3A_773, %broadcast_in_dim3A_778, %select_n3A_759 : vector<512x128xi1>, vector<512x128xi32>
    %select_n3A_780 = arith.select %gt3A_774, %slice3A_772, %select_n3A_761 : vector<512x128xi1>, vector<512x128xf32>
    %select_n3A_781 = arith.select %gt3A_773, %select_n3A_756, %select_n3A_780 : vector<512x128xi1>, vector<512x128xf32>
    %jit3A_782 = arith.constant 38 : i32
    %broadcast_in_dim3A_783 = vector.broadcast %jit3A_782 : i32 to vector<512x128xi32>
    %select_n3A_784 = arith.select %gt3A_774, %broadcast_in_dim3A_783, %select_n3A_765 : vector<512x128xi1>, vector<512x128xi32>
    %select_n3A_785 = arith.select %gt3A_773, %select_n3A_759, %select_n3A_784 : vector<512x128xi1>, vector<512x128xi32>
    %select_n3A_786 = arith.select %gt3A_775, %slice3A_772, %select_n3A_767 : vector<512x128xi1>, vector<512x128xf32>
    %select_n3A_787 = arith.select %gt3A_774, %select_n3A_761, %select_n3A_786 : vector<512x128xi1>, vector<512x128xf32>
    %jit3A_788 = arith.constant 38 : i32
    %broadcast_in_dim3A_789 = vector.broadcast %jit3A_788 : i32 to vector<512x128xi32>
    %select_n3A_790 = arith.select %gt3A_775, %broadcast_in_dim3A_789, %select_n3A_771 : vector<512x128xi1>, vector<512x128xi32>
    %select_n3A_791 = arith.select %gt3A_774, %select_n3A_765, %select_n3A_790 : vector<512x128xi1>, vector<512x128xi32>
    %slice3A_792 = vector.extract_strided_slice %dot_general3A_11 {offsets = [0, 4992], sizes = [512, 128], strides = [1, 1]} : vector<512x8192xf32> to vector<512x128xf32>
    %gt3A_793 = arith.cmpf ogt, %slice3A_792, %select_n3A_776 : vector<512x128xf32>
    %gt3A_794 = arith.cmpf ogt, %slice3A_792, %select_n3A_781 : vector<512x128xf32>
    %gt3A_795 = arith.cmpf ogt, %slice3A_792, %select_n3A_787 : vector<512x128xf32>
    %select_n3A_796 = arith.select %gt3A_793, %slice3A_792, %select_n3A_776 : vector<512x128xi1>, vector<512x128xf32>
    %jit3A_797 = arith.constant 39 : i32
    %broadcast_in_dim3A_798 = vector.broadcast %jit3A_797 : i32 to vector<512x128xi32>
    %select_n3A_799 = arith.select %gt3A_793, %broadcast_in_dim3A_798, %select_n3A_779 : vector<512x128xi1>, vector<512x128xi32>
    %select_n3A_800 = arith.select %gt3A_794, %slice3A_792, %select_n3A_781 : vector<512x128xi1>, vector<512x128xf32>
    %select_n3A_801 = arith.select %gt3A_793, %select_n3A_776, %select_n3A_800 : vector<512x128xi1>, vector<512x128xf32>
    %jit3A_802 = arith.constant 39 : i32
    %broadcast_in_dim3A_803 = vector.broadcast %jit3A_802 : i32 to vector<512x128xi32>
    %select_n3A_804 = arith.select %gt3A_794, %broadcast_in_dim3A_803, %select_n3A_785 : vector<512x128xi1>, vector<512x128xi32>
    %select_n3A_805 = arith.select %gt3A_793, %select_n3A_779, %select_n3A_804 : vector<512x128xi1>, vector<512x128xi32>
    %select_n3A_806 = arith.select %gt3A_795, %slice3A_792, %select_n3A_787 : vector<512x128xi1>, vector<512x128xf32>
    %select_n3A_807 = arith.select %gt3A_794, %select_n3A_781, %select_n3A_806 : vector<512x128xi1>, vector<512x128xf32>
    %jit3A_808 = arith.constant 39 : i32
    %broadcast_in_dim3A_809 = vector.broadcast %jit3A_808 : i32 to vector<512x128xi32>
    %select_n3A_810 = arith.select %gt3A_795, %broadcast_in_dim3A_809, %select_n3A_791 : vector<512x128xi1>, vector<512x128xi32>
    %select_n3A_811 = arith.select %gt3A_794, %select_n3A_785, %select_n3A_810 : vector<512x128xi1>, vector<512x128xi32>
    %slice3A_812 = vector.extract_strided_slice %dot_general3A_11 {offsets = [0, 5120], sizes = [512, 128], strides = [1, 1]} : vector<512x8192xf32> to vector<512x128xf32>
    %gt3A_813 = arith.cmpf ogt, %slice3A_812, %select_n3A_796 : vector<512x128xf32>
    %gt3A_814 = arith.cmpf ogt, %slice3A_812, %select_n3A_801 : vector<512x128xf32>
    %gt3A_815 = arith.cmpf ogt, %slice3A_812, %select_n3A_807 : vector<512x128xf32>
    %select_n3A_816 = arith.select %gt3A_813, %slice3A_812, %select_n3A_796 : vector<512x128xi1>, vector<512x128xf32>
    %jit3A_817 = arith.constant 40 : i32
    %broadcast_in_dim3A_818 = vector.broadcast %jit3A_817 : i32 to vector<512x128xi32>
    %select_n3A_819 = arith.select %gt3A_813, %broadcast_in_dim3A_818, %select_n3A_799 : vector<512x128xi1>, vector<512x128xi32>
    %select_n3A_820 = arith.select %gt3A_814, %slice3A_812, %select_n3A_801 : vector<512x128xi1>, vector<512x128xf32>
    %select_n3A_821 = arith.select %gt3A_813, %select_n3A_796, %select_n3A_820 : vector<512x128xi1>, vector<512x128xf32>
    %jit3A_822 = arith.constant 40 : i32
    %broadcast_in_dim3A_823 = vector.broadcast %jit3A_822 : i32 to vector<512x128xi32>
    %select_n3A_824 = arith.select %gt3A_814, %broadcast_in_dim3A_823, %select_n3A_805 : vector<512x128xi1>, vector<512x128xi32>
    %select_n3A_825 = arith.select %gt3A_813, %select_n3A_799, %select_n3A_824 : vector<512x128xi1>, vector<512x128xi32>
    %select_n3A_826 = arith.select %gt3A_815, %slice3A_812, %select_n3A_807 : vector<512x128xi1>, vector<512x128xf32>
    %select_n3A_827 = arith.select %gt3A_814, %select_n3A_801, %select_n3A_826 : vector<512x128xi1>, vector<512x128xf32>
    %jit3A_828 = arith.constant 40 : i32
    %broadcast_in_dim3A_829 = vector.broadcast %jit3A_828 : i32 to vector<512x128xi32>
    %select_n3A_830 = arith.select %gt3A_815, %broadcast_in_dim3A_829, %select_n3A_811 : vector<512x128xi1>, vector<512x128xi32>
    %select_n3A_831 = arith.select %gt3A_814, %select_n3A_805, %select_n3A_830 : vector<512x128xi1>, vector<512x128xi32>
    %slice3A_832 = vector.extract_strided_slice %dot_general3A_11 {offsets = [0, 5248], sizes = [512, 128], strides = [1, 1]} : vector<512x8192xf32> to vector<512x128xf32>
    %gt3A_833 = arith.cmpf ogt, %slice3A_832, %select_n3A_816 : vector<512x128xf32>
    %gt3A_834 = arith.cmpf ogt, %slice3A_832, %select_n3A_821 : vector<512x128xf32>
    %gt3A_835 = arith.cmpf ogt, %slice3A_832, %select_n3A_827 : vector<512x128xf32>
    %select_n3A_836 = arith.select %gt3A_833, %slice3A_832, %select_n3A_816 : vector<512x128xi1>, vector<512x128xf32>
    %jit3A_837 = arith.constant 41 : i32
    %broadcast_in_dim3A_838 = vector.broadcast %jit3A_837 : i32 to vector<512x128xi32>
    %select_n3A_839 = arith.select %gt3A_833, %broadcast_in_dim3A_838, %select_n3A_819 : vector<512x128xi1>, vector<512x128xi32>
    %select_n3A_840 = arith.select %gt3A_834, %slice3A_832, %select_n3A_821 : vector<512x128xi1>, vector<512x128xf32>
    %select_n3A_841 = arith.select %gt3A_833, %select_n3A_816, %select_n3A_840 : vector<512x128xi1>, vector<512x128xf32>
    %jit3A_842 = arith.constant 41 : i32
    %broadcast_in_dim3A_843 = vector.broadcast %jit3A_842 : i32 to vector<512x128xi32>
    %select_n3A_844 = arith.select %gt3A_834, %broadcast_in_dim3A_843, %select_n3A_825 : vector<512x128xi1>, vector<512x128xi32>
    %select_n3A_845 = arith.select %gt3A_833, %select_n3A_819, %select_n3A_844 : vector<512x128xi1>, vector<512x128xi32>
    %select_n3A_846 = arith.select %gt3A_835, %slice3A_832, %select_n3A_827 : vector<512x128xi1>, vector<512x128xf32>
    %select_n3A_847 = arith.select %gt3A_834, %select_n3A_821, %select_n3A_846 : vector<512x128xi1>, vector<512x128xf32>
    %jit3A_848 = arith.constant 41 : i32
    %broadcast_in_dim3A_849 = vector.broadcast %jit3A_848 : i32 to vector<512x128xi32>
    %select_n3A_850 = arith.select %gt3A_835, %broadcast_in_dim3A_849, %select_n3A_831 : vector<512x128xi1>, vector<512x128xi32>
    %select_n3A_851 = arith.select %gt3A_834, %select_n3A_825, %select_n3A_850 : vector<512x128xi1>, vector<512x128xi32>
    %slice3A_852 = vector.extract_strided_slice %dot_general3A_11 {offsets = [0, 5376], sizes = [512, 128], strides = [1, 1]} : vector<512x8192xf32> to vector<512x128xf32>
    %gt3A_853 = arith.cmpf ogt, %slice3A_852, %select_n3A_836 : vector<512x128xf32>
    %gt3A_854 = arith.cmpf ogt, %slice3A_852, %select_n3A_841 : vector<512x128xf32>
    %gt3A_855 = arith.cmpf ogt, %slice3A_852, %select_n3A_847 : vector<512x128xf32>
    %select_n3A_856 = arith.select %gt3A_853, %slice3A_852, %select_n3A_836 : vector<512x128xi1>, vector<512x128xf32>
    %jit3A_857 = arith.constant 42 : i32
    %broadcast_in_dim3A_858 = vector.broadcast %jit3A_857 : i32 to vector<512x128xi32>
    %select_n3A_859 = arith.select %gt3A_853, %broadcast_in_dim3A_858, %select_n3A_839 : vector<512x128xi1>, vector<512x128xi32>
    %select_n3A_860 = arith.select %gt3A_854, %slice3A_852, %select_n3A_841 : vector<512x128xi1>, vector<512x128xf32>
    %select_n3A_861 = arith.select %gt3A_853, %select_n3A_836, %select_n3A_860 : vector<512x128xi1>, vector<512x128xf32>
    %jit3A_862 = arith.constant 42 : i32
    %broadcast_in_dim3A_863 = vector.broadcast %jit3A_862 : i32 to vector<512x128xi32>
    %select_n3A_864 = arith.select %gt3A_854, %broadcast_in_dim3A_863, %select_n3A_845 : vector<512x128xi1>, vector<512x128xi32>
    %select_n3A_865 = arith.select %gt3A_853, %select_n3A_839, %select_n3A_864 : vector<512x128xi1>, vector<512x128xi32>
    %select_n3A_866 = arith.select %gt3A_855, %slice3A_852, %select_n3A_847 : vector<512x128xi1>, vector<512x128xf32>
    %select_n3A_867 = arith.select %gt3A_854, %select_n3A_841, %select_n3A_866 : vector<512x128xi1>, vector<512x128xf32>
    %jit3A_868 = arith.constant 42 : i32
    %broadcast_in_dim3A_869 = vector.broadcast %jit3A_868 : i32 to vector<512x128xi32>
    %select_n3A_870 = arith.select %gt3A_855, %broadcast_in_dim3A_869, %select_n3A_851 : vector<512x128xi1>, vector<512x128xi32>
    %select_n3A_871 = arith.select %gt3A_854, %select_n3A_845, %select_n3A_870 : vector<512x128xi1>, vector<512x128xi32>
    %slice3A_872 = vector.extract_strided_slice %dot_general3A_11 {offsets = [0, 5504], sizes = [512, 128], strides = [1, 1]} : vector<512x8192xf32> to vector<512x128xf32>
    %gt3A_873 = arith.cmpf ogt, %slice3A_872, %select_n3A_856 : vector<512x128xf32>
    %gt3A_874 = arith.cmpf ogt, %slice3A_872, %select_n3A_861 : vector<512x128xf32>
    %gt3A_875 = arith.cmpf ogt, %slice3A_872, %select_n3A_867 : vector<512x128xf32>
    %select_n3A_876 = arith.select %gt3A_873, %slice3A_872, %select_n3A_856 : vector<512x128xi1>, vector<512x128xf32>
    %jit3A_877 = arith.constant 43 : i32
    %broadcast_in_dim3A_878 = vector.broadcast %jit3A_877 : i32 to vector<512x128xi32>
    %select_n3A_879 = arith.select %gt3A_873, %broadcast_in_dim3A_878, %select_n3A_859 : vector<512x128xi1>, vector<512x128xi32>
    %select_n3A_880 = arith.select %gt3A_874, %slice3A_872, %select_n3A_861 : vector<512x128xi1>, vector<512x128xf32>
    %select_n3A_881 = arith.select %gt3A_873, %select_n3A_856, %select_n3A_880 : vector<512x128xi1>, vector<512x128xf32>
    %jit3A_882 = arith.constant 43 : i32
    %broadcast_in_dim3A_883 = vector.broadcast %jit3A_882 : i32 to vector<512x128xi32>
    %select_n3A_884 = arith.select %gt3A_874, %broadcast_in_dim3A_883, %select_n3A_865 : vector<512x128xi1>, vector<512x128xi32>
    %select_n3A_885 = arith.select %gt3A_873, %select_n3A_859, %select_n3A_884 : vector<512x128xi1>, vector<512x128xi32>
    %select_n3A_886 = arith.select %gt3A_875, %slice3A_872, %select_n3A_867 : vector<512x128xi1>, vector<512x128xf32>
    %select_n3A_887 = arith.select %gt3A_874, %select_n3A_861, %select_n3A_886 : vector<512x128xi1>, vector<512x128xf32>
    %jit3A_888 = arith.constant 43 : i32
    %broadcast_in_dim3A_889 = vector.broadcast %jit3A_888 : i32 to vector<512x128xi32>
    %select_n3A_890 = arith.select %gt3A_875, %broadcast_in_dim3A_889, %select_n3A_871 : vector<512x128xi1>, vector<512x128xi32>
    %select_n3A_891 = arith.select %gt3A_874, %select_n3A_865, %select_n3A_890 : vector<512x128xi1>, vector<512x128xi32>
    %slice3A_892 = vector.extract_strided_slice %dot_general3A_11 {offsets = [0, 5632], sizes = [512, 128], strides = [1, 1]} : vector<512x8192xf32> to vector<512x128xf32>
    %gt3A_893 = arith.cmpf ogt, %slice3A_892, %select_n3A_876 : vector<512x128xf32>
    %gt3A_894 = arith.cmpf ogt, %slice3A_892, %select_n3A_881 : vector<512x128xf32>
    %gt3A_895 = arith.cmpf ogt, %slice3A_892, %select_n3A_887 : vector<512x128xf32>
    %select_n3A_896 = arith.select %gt3A_893, %slice3A_892, %select_n3A_876 : vector<512x128xi1>, vector<512x128xf32>
    %jit3A_897 = arith.constant 44 : i32
    %broadcast_in_dim3A_898 = vector.broadcast %jit3A_897 : i32 to vector<512x128xi32>
    %select_n3A_899 = arith.select %gt3A_893, %broadcast_in_dim3A_898, %select_n3A_879 : vector<512x128xi1>, vector<512x128xi32>
    %select_n3A_900 = arith.select %gt3A_894, %slice3A_892, %select_n3A_881 : vector<512x128xi1>, vector<512x128xf32>
    %select_n3A_901 = arith.select %gt3A_893, %select_n3A_876, %select_n3A_900 : vector<512x128xi1>, vector<512x128xf32>
    %jit3A_902 = arith.constant 44 : i32
    %broadcast_in_dim3A_903 = vector.broadcast %jit3A_902 : i32 to vector<512x128xi32>
    %select_n3A_904 = arith.select %gt3A_894, %broadcast_in_dim3A_903, %select_n3A_885 : vector<512x128xi1>, vector<512x128xi32>
    %select_n3A_905 = arith.select %gt3A_893, %select_n3A_879, %select_n3A_904 : vector<512x128xi1>, vector<512x128xi32>
    %select_n3A_906 = arith.select %gt3A_895, %slice3A_892, %select_n3A_887 : vector<512x128xi1>, vector<512x128xf32>
    %select_n3A_907 = arith.select %gt3A_894, %select_n3A_881, %select_n3A_906 : vector<512x128xi1>, vector<512x128xf32>
    %jit3A_908 = arith.constant 44 : i32
    %broadcast_in_dim3A_909 = vector.broadcast %jit3A_908 : i32 to vector<512x128xi32>
    %select_n3A_910 = arith.select %gt3A_895, %broadcast_in_dim3A_909, %select_n3A_891 : vector<512x128xi1>, vector<512x128xi32>
    %select_n3A_911 = arith.select %gt3A_894, %select_n3A_885, %select_n3A_910 : vector<512x128xi1>, vector<512x128xi32>
    %slice3A_912 = vector.extract_strided_slice %dot_general3A_11 {offsets = [0, 5760], sizes = [512, 128], strides = [1, 1]} : vector<512x8192xf32> to vector<512x128xf32>
    %gt3A_913 = arith.cmpf ogt, %slice3A_912, %select_n3A_896 : vector<512x128xf32>
    %gt3A_914 = arith.cmpf ogt, %slice3A_912, %select_n3A_901 : vector<512x128xf32>
    %gt3A_915 = arith.cmpf ogt, %slice3A_912, %select_n3A_907 : vector<512x128xf32>
    %select_n3A_916 = arith.select %gt3A_913, %slice3A_912, %select_n3A_896 : vector<512x128xi1>, vector<512x128xf32>
    %jit3A_917 = arith.constant 45 : i32
    %broadcast_in_dim3A_918 = vector.broadcast %jit3A_917 : i32 to vector<512x128xi32>
    %select_n3A_919 = arith.select %gt3A_913, %broadcast_in_dim3A_918, %select_n3A_899 : vector<512x128xi1>, vector<512x128xi32>
    %select_n3A_920 = arith.select %gt3A_914, %slice3A_912, %select_n3A_901 : vector<512x128xi1>, vector<512x128xf32>
    %select_n3A_921 = arith.select %gt3A_913, %select_n3A_896, %select_n3A_920 : vector<512x128xi1>, vector<512x128xf32>
    %jit3A_922 = arith.constant 45 : i32
    %broadcast_in_dim3A_923 = vector.broadcast %jit3A_922 : i32 to vector<512x128xi32>
    %select_n3A_924 = arith.select %gt3A_914, %broadcast_in_dim3A_923, %select_n3A_905 : vector<512x128xi1>, vector<512x128xi32>
    %select_n3A_925 = arith.select %gt3A_913, %select_n3A_899, %select_n3A_924 : vector<512x128xi1>, vector<512x128xi32>
    %select_n3A_926 = arith.select %gt3A_915, %slice3A_912, %select_n3A_907 : vector<512x128xi1>, vector<512x128xf32>
    %select_n3A_927 = arith.select %gt3A_914, %select_n3A_901, %select_n3A_926 : vector<512x128xi1>, vector<512x128xf32>
    %jit3A_928 = arith.constant 45 : i32
    %broadcast_in_dim3A_929 = vector.broadcast %jit3A_928 : i32 to vector<512x128xi32>
    %select_n3A_930 = arith.select %gt3A_915, %broadcast_in_dim3A_929, %select_n3A_911 : vector<512x128xi1>, vector<512x128xi32>
    %select_n3A_931 = arith.select %gt3A_914, %select_n3A_905, %select_n3A_930 : vector<512x128xi1>, vector<512x128xi32>
    %slice3A_932 = vector.extract_strided_slice %dot_general3A_11 {offsets = [0, 5888], sizes = [512, 128], strides = [1, 1]} : vector<512x8192xf32> to vector<512x128xf32>
    %gt3A_933 = arith.cmpf ogt, %slice3A_932, %select_n3A_916 : vector<512x128xf32>
    %gt3A_934 = arith.cmpf ogt, %slice3A_932, %select_n3A_921 : vector<512x128xf32>
    %gt3A_935 = arith.cmpf ogt, %slice3A_932, %select_n3A_927 : vector<512x128xf32>
    %select_n3A_936 = arith.select %gt3A_933, %slice3A_932, %select_n3A_916 : vector<512x128xi1>, vector<512x128xf32>
    %jit3A_937 = arith.constant 46 : i32
    %broadcast_in_dim3A_938 = vector.broadcast %jit3A_937 : i32 to vector<512x128xi32>
    %select_n3A_939 = arith.select %gt3A_933, %broadcast_in_dim3A_938, %select_n3A_919 : vector<512x128xi1>, vector<512x128xi32>
    %select_n3A_940 = arith.select %gt3A_934, %slice3A_932, %select_n3A_921 : vector<512x128xi1>, vector<512x128xf32>
    %select_n3A_941 = arith.select %gt3A_933, %select_n3A_916, %select_n3A_940 : vector<512x128xi1>, vector<512x128xf32>
    %jit3A_942 = arith.constant 46 : i32
    %broadcast_in_dim3A_943 = vector.broadcast %jit3A_942 : i32 to vector<512x128xi32>
    %select_n3A_944 = arith.select %gt3A_934, %broadcast_in_dim3A_943, %select_n3A_925 : vector<512x128xi1>, vector<512x128xi32>
    %select_n3A_945 = arith.select %gt3A_933, %select_n3A_919, %select_n3A_944 : vector<512x128xi1>, vector<512x128xi32>
    %select_n3A_946 = arith.select %gt3A_935, %slice3A_932, %select_n3A_927 : vector<512x128xi1>, vector<512x128xf32>
    %select_n3A_947 = arith.select %gt3A_934, %select_n3A_921, %select_n3A_946 : vector<512x128xi1>, vector<512x128xf32>
    %jit3A_948 = arith.constant 46 : i32
    %broadcast_in_dim3A_949 = vector.broadcast %jit3A_948 : i32 to vector<512x128xi32>
    %select_n3A_950 = arith.select %gt3A_935, %broadcast_in_dim3A_949, %select_n3A_931 : vector<512x128xi1>, vector<512x128xi32>
    %select_n3A_951 = arith.select %gt3A_934, %select_n3A_925, %select_n3A_950 : vector<512x128xi1>, vector<512x128xi32>
    %slice3A_952 = vector.extract_strided_slice %dot_general3A_11 {offsets = [0, 6016], sizes = [512, 128], strides = [1, 1]} : vector<512x8192xf32> to vector<512x128xf32>
    %gt3A_953 = arith.cmpf ogt, %slice3A_952, %select_n3A_936 : vector<512x128xf32>
    %gt3A_954 = arith.cmpf ogt, %slice3A_952, %select_n3A_941 : vector<512x128xf32>
    %gt3A_955 = arith.cmpf ogt, %slice3A_952, %select_n3A_947 : vector<512x128xf32>
    %select_n3A_956 = arith.select %gt3A_953, %slice3A_952, %select_n3A_936 : vector<512x128xi1>, vector<512x128xf32>
    %jit3A_957 = arith.constant 47 : i32
    %broadcast_in_dim3A_958 = vector.broadcast %jit3A_957 : i32 to vector<512x128xi32>
    %select_n3A_959 = arith.select %gt3A_953, %broadcast_in_dim3A_958, %select_n3A_939 : vector<512x128xi1>, vector<512x128xi32>
    %select_n3A_960 = arith.select %gt3A_954, %slice3A_952, %select_n3A_941 : vector<512x128xi1>, vector<512x128xf32>
    %select_n3A_961 = arith.select %gt3A_953, %select_n3A_936, %select_n3A_960 : vector<512x128xi1>, vector<512x128xf32>
    %jit3A_962 = arith.constant 47 : i32
    %broadcast_in_dim3A_963 = vector.broadcast %jit3A_962 : i32 to vector<512x128xi32>
    %select_n3A_964 = arith.select %gt3A_954, %broadcast_in_dim3A_963, %select_n3A_945 : vector<512x128xi1>, vector<512x128xi32>
    %select_n3A_965 = arith.select %gt3A_953, %select_n3A_939, %select_n3A_964 : vector<512x128xi1>, vector<512x128xi32>
    %select_n3A_966 = arith.select %gt3A_955, %slice3A_952, %select_n3A_947 : vector<512x128xi1>, vector<512x128xf32>
    %select_n3A_967 = arith.select %gt3A_954, %select_n3A_941, %select_n3A_966 : vector<512x128xi1>, vector<512x128xf32>
    %jit3A_968 = arith.constant 47 : i32
    %broadcast_in_dim3A_969 = vector.broadcast %jit3A_968 : i32 to vector<512x128xi32>
    %select_n3A_970 = arith.select %gt3A_955, %broadcast_in_dim3A_969, %select_n3A_951 : vector<512x128xi1>, vector<512x128xi32>
    %select_n3A_971 = arith.select %gt3A_954, %select_n3A_945, %select_n3A_970 : vector<512x128xi1>, vector<512x128xi32>
    %slice3A_972 = vector.extract_strided_slice %dot_general3A_11 {offsets = [0, 6144], sizes = [512, 128], strides = [1, 1]} : vector<512x8192xf32> to vector<512x128xf32>
    %gt3A_973 = arith.cmpf ogt, %slice3A_972, %select_n3A_956 : vector<512x128xf32>
    %gt3A_974 = arith.cmpf ogt, %slice3A_972, %select_n3A_961 : vector<512x128xf32>
    %gt3A_975 = arith.cmpf ogt, %slice3A_972, %select_n3A_967 : vector<512x128xf32>
    %select_n3A_976 = arith.select %gt3A_973, %slice3A_972, %select_n3A_956 : vector<512x128xi1>, vector<512x128xf32>
    %jit3A_977 = arith.constant 48 : i32
    %broadcast_in_dim3A_978 = vector.broadcast %jit3A_977 : i32 to vector<512x128xi32>
    %select_n3A_979 = arith.select %gt3A_973, %broadcast_in_dim3A_978, %select_n3A_959 : vector<512x128xi1>, vector<512x128xi32>
    %select_n3A_980 = arith.select %gt3A_974, %slice3A_972, %select_n3A_961 : vector<512x128xi1>, vector<512x128xf32>
    %select_n3A_981 = arith.select %gt3A_973, %select_n3A_956, %select_n3A_980 : vector<512x128xi1>, vector<512x128xf32>
    %jit3A_982 = arith.constant 48 : i32
    %broadcast_in_dim3A_983 = vector.broadcast %jit3A_982 : i32 to vector<512x128xi32>
    %select_n3A_984 = arith.select %gt3A_974, %broadcast_in_dim3A_983, %select_n3A_965 : vector<512x128xi1>, vector<512x128xi32>
    %select_n3A_985 = arith.select %gt3A_973, %select_n3A_959, %select_n3A_984 : vector<512x128xi1>, vector<512x128xi32>
    %select_n3A_986 = arith.select %gt3A_975, %slice3A_972, %select_n3A_967 : vector<512x128xi1>, vector<512x128xf32>
    %select_n3A_987 = arith.select %gt3A_974, %select_n3A_961, %select_n3A_986 : vector<512x128xi1>, vector<512x128xf32>
    %jit3A_988 = arith.constant 48 : i32
    %broadcast_in_dim3A_989 = vector.broadcast %jit3A_988 : i32 to vector<512x128xi32>
    %select_n3A_990 = arith.select %gt3A_975, %broadcast_in_dim3A_989, %select_n3A_971 : vector<512x128xi1>, vector<512x128xi32>
    %select_n3A_991 = arith.select %gt3A_974, %select_n3A_965, %select_n3A_990 : vector<512x128xi1>, vector<512x128xi32>
    %slice3A_992 = vector.extract_strided_slice %dot_general3A_11 {offsets = [0, 6272], sizes = [512, 128], strides = [1, 1]} : vector<512x8192xf32> to vector<512x128xf32>
    %gt3A_993 = arith.cmpf ogt, %slice3A_992, %select_n3A_976 : vector<512x128xf32>
    %gt3A_994 = arith.cmpf ogt, %slice3A_992, %select_n3A_981 : vector<512x128xf32>
    %gt3A_995 = arith.cmpf ogt, %slice3A_992, %select_n3A_987 : vector<512x128xf32>
    %select_n3A_996 = arith.select %gt3A_993, %slice3A_992, %select_n3A_976 : vector<512x128xi1>, vector<512x128xf32>
    %jit3A_997 = arith.constant 49 : i32
    %broadcast_in_dim3A_998 = vector.broadcast %jit3A_997 : i32 to vector<512x128xi32>
    %select_n3A_999 = arith.select %gt3A_993, %broadcast_in_dim3A_998, %select_n3A_979 : vector<512x128xi1>, vector<512x128xi32>
    %select_n3A_1000 = arith.select %gt3A_994, %slice3A_992, %select_n3A_981 : vector<512x128xi1>, vector<512x128xf32>
    %select_n3A_1001 = arith.select %gt3A_993, %select_n3A_976, %select_n3A_1000 : vector<512x128xi1>, vector<512x128xf32>
    %jit3A_1002 = arith.constant 49 : i32
    %broadcast_in_dim3A_1003 = vector.broadcast %jit3A_1002 : i32 to vector<512x128xi32>
    %select_n3A_1004 = arith.select %gt3A_994, %broadcast_in_dim3A_1003, %select_n3A_985 : vector<512x128xi1>, vector<512x128xi32>
    %select_n3A_1005 = arith.select %gt3A_993, %select_n3A_979, %select_n3A_1004 : vector<512x128xi1>, vector<512x128xi32>
    %select_n3A_1006 = arith.select %gt3A_995, %slice3A_992, %select_n3A_987 : vector<512x128xi1>, vector<512x128xf32>
    %select_n3A_1007 = arith.select %gt3A_994, %select_n3A_981, %select_n3A_1006 : vector<512x128xi1>, vector<512x128xf32>
    %jit3A_1008 = arith.constant 49 : i32
    %broadcast_in_dim3A_1009 = vector.broadcast %jit3A_1008 : i32 to vector<512x128xi32>
    %select_n3A_1010 = arith.select %gt3A_995, %broadcast_in_dim3A_1009, %select_n3A_991 : vector<512x128xi1>, vector<512x128xi32>
    %select_n3A_1011 = arith.select %gt3A_994, %select_n3A_985, %select_n3A_1010 : vector<512x128xi1>, vector<512x128xi32>
    %slice3A_1012 = vector.extract_strided_slice %dot_general3A_11 {offsets = [0, 6400], sizes = [512, 128], strides = [1, 1]} : vector<512x8192xf32> to vector<512x128xf32>
    %gt3A_1013 = arith.cmpf ogt, %slice3A_1012, %select_n3A_996 : vector<512x128xf32>
    %gt3A_1014 = arith.cmpf ogt, %slice3A_1012, %select_n3A_1001 : vector<512x128xf32>
    %gt3A_1015 = arith.cmpf ogt, %slice3A_1012, %select_n3A_1007 : vector<512x128xf32>
    %select_n3A_1016 = arith.select %gt3A_1013, %slice3A_1012, %select_n3A_996 : vector<512x128xi1>, vector<512x128xf32>
    %jit3A_1017 = arith.constant 50 : i32
    %broadcast_in_dim3A_1018 = vector.broadcast %jit3A_1017 : i32 to vector<512x128xi32>
    %select_n3A_1019 = arith.select %gt3A_1013, %broadcast_in_dim3A_1018, %select_n3A_999 : vector<512x128xi1>, vector<512x128xi32>
    %select_n3A_1020 = arith.select %gt3A_1014, %slice3A_1012, %select_n3A_1001 : vector<512x128xi1>, vector<512x128xf32>
    %select_n3A_1021 = arith.select %gt3A_1013, %select_n3A_996, %select_n3A_1020 : vector<512x128xi1>, vector<512x128xf32>
    %jit3A_1022 = arith.constant 50 : i32
    %broadcast_in_dim3A_1023 = vector.broadcast %jit3A_1022 : i32 to vector<512x128xi32>
    %select_n3A_1024 = arith.select %gt3A_1014, %broadcast_in_dim3A_1023, %select_n3A_1005 : vector<512x128xi1>, vector<512x128xi32>
    %select_n3A_1025 = arith.select %gt3A_1013, %select_n3A_999, %select_n3A_1024 : vector<512x128xi1>, vector<512x128xi32>
    %select_n3A_1026 = arith.select %gt3A_1015, %slice3A_1012, %select_n3A_1007 : vector<512x128xi1>, vector<512x128xf32>
    %select_n3A_1027 = arith.select %gt3A_1014, %select_n3A_1001, %select_n3A_1026 : vector<512x128xi1>, vector<512x128xf32>
    %jit3A_1028 = arith.constant 50 : i32
    %broadcast_in_dim3A_1029 = vector.broadcast %jit3A_1028 : i32 to vector<512x128xi32>
    %select_n3A_1030 = arith.select %gt3A_1015, %broadcast_in_dim3A_1029, %select_n3A_1011 : vector<512x128xi1>, vector<512x128xi32>
    %select_n3A_1031 = arith.select %gt3A_1014, %select_n3A_1005, %select_n3A_1030 : vector<512x128xi1>, vector<512x128xi32>
    %slice3A_1032 = vector.extract_strided_slice %dot_general3A_11 {offsets = [0, 6528], sizes = [512, 128], strides = [1, 1]} : vector<512x8192xf32> to vector<512x128xf32>
    %gt3A_1033 = arith.cmpf ogt, %slice3A_1032, %select_n3A_1016 : vector<512x128xf32>
    %gt3A_1034 = arith.cmpf ogt, %slice3A_1032, %select_n3A_1021 : vector<512x128xf32>
    %gt3A_1035 = arith.cmpf ogt, %slice3A_1032, %select_n3A_1027 : vector<512x128xf32>
    %select_n3A_1036 = arith.select %gt3A_1033, %slice3A_1032, %select_n3A_1016 : vector<512x128xi1>, vector<512x128xf32>
    %jit3A_1037 = arith.constant 51 : i32
    %broadcast_in_dim3A_1038 = vector.broadcast %jit3A_1037 : i32 to vector<512x128xi32>
    %select_n3A_1039 = arith.select %gt3A_1033, %broadcast_in_dim3A_1038, %select_n3A_1019 : vector<512x128xi1>, vector<512x128xi32>
    %select_n3A_1040 = arith.select %gt3A_1034, %slice3A_1032, %select_n3A_1021 : vector<512x128xi1>, vector<512x128xf32>
    %select_n3A_1041 = arith.select %gt3A_1033, %select_n3A_1016, %select_n3A_1040 : vector<512x128xi1>, vector<512x128xf32>
    %jit3A_1042 = arith.constant 51 : i32
    %broadcast_in_dim3A_1043 = vector.broadcast %jit3A_1042 : i32 to vector<512x128xi32>
    %select_n3A_1044 = arith.select %gt3A_1034, %broadcast_in_dim3A_1043, %select_n3A_1025 : vector<512x128xi1>, vector<512x128xi32>
    %select_n3A_1045 = arith.select %gt3A_1033, %select_n3A_1019, %select_n3A_1044 : vector<512x128xi1>, vector<512x128xi32>
    %select_n3A_1046 = arith.select %gt3A_1035, %slice3A_1032, %select_n3A_1027 : vector<512x128xi1>, vector<512x128xf32>
    %select_n3A_1047 = arith.select %gt3A_1034, %select_n3A_1021, %select_n3A_1046 : vector<512x128xi1>, vector<512x128xf32>
    %jit3A_1048 = arith.constant 51 : i32
    %broadcast_in_dim3A_1049 = vector.broadcast %jit3A_1048 : i32 to vector<512x128xi32>
    %select_n3A_1050 = arith.select %gt3A_1035, %broadcast_in_dim3A_1049, %select_n3A_1031 : vector<512x128xi1>, vector<512x128xi32>
    %select_n3A_1051 = arith.select %gt3A_1034, %select_n3A_1025, %select_n3A_1050 : vector<512x128xi1>, vector<512x128xi32>
    %slice3A_1052 = vector.extract_strided_slice %dot_general3A_11 {offsets = [0, 6656], sizes = [512, 128], strides = [1, 1]} : vector<512x8192xf32> to vector<512x128xf32>
    %gt3A_1053 = arith.cmpf ogt, %slice3A_1052, %select_n3A_1036 : vector<512x128xf32>
    %gt3A_1054 = arith.cmpf ogt, %slice3A_1052, %select_n3A_1041 : vector<512x128xf32>
    %gt3A_1055 = arith.cmpf ogt, %slice3A_1052, %select_n3A_1047 : vector<512x128xf32>
    %select_n3A_1056 = arith.select %gt3A_1053, %slice3A_1052, %select_n3A_1036 : vector<512x128xi1>, vector<512x128xf32>
    %jit3A_1057 = arith.constant 52 : i32
    %broadcast_in_dim3A_1058 = vector.broadcast %jit3A_1057 : i32 to vector<512x128xi32>
    %select_n3A_1059 = arith.select %gt3A_1053, %broadcast_in_dim3A_1058, %select_n3A_1039 : vector<512x128xi1>, vector<512x128xi32>
    %select_n3A_1060 = arith.select %gt3A_1054, %slice3A_1052, %select_n3A_1041 : vector<512x128xi1>, vector<512x128xf32>
    %select_n3A_1061 = arith.select %gt3A_1053, %select_n3A_1036, %select_n3A_1060 : vector<512x128xi1>, vector<512x128xf32>
    %jit3A_1062 = arith.constant 52 : i32
    %broadcast_in_dim3A_1063 = vector.broadcast %jit3A_1062 : i32 to vector<512x128xi32>
    %select_n3A_1064 = arith.select %gt3A_1054, %broadcast_in_dim3A_1063, %select_n3A_1045 : vector<512x128xi1>, vector<512x128xi32>
    %select_n3A_1065 = arith.select %gt3A_1053, %select_n3A_1039, %select_n3A_1064 : vector<512x128xi1>, vector<512x128xi32>
    %select_n3A_1066 = arith.select %gt3A_1055, %slice3A_1052, %select_n3A_1047 : vector<512x128xi1>, vector<512x128xf32>
    %select_n3A_1067 = arith.select %gt3A_1054, %select_n3A_1041, %select_n3A_1066 : vector<512x128xi1>, vector<512x128xf32>
    %jit3A_1068 = arith.constant 52 : i32
    %broadcast_in_dim3A_1069 = vector.broadcast %jit3A_1068 : i32 to vector<512x128xi32>
    %select_n3A_1070 = arith.select %gt3A_1055, %broadcast_in_dim3A_1069, %select_n3A_1051 : vector<512x128xi1>, vector<512x128xi32>
    %select_n3A_1071 = arith.select %gt3A_1054, %select_n3A_1045, %select_n3A_1070 : vector<512x128xi1>, vector<512x128xi32>
    %slice3A_1072 = vector.extract_strided_slice %dot_general3A_11 {offsets = [0, 6784], sizes = [512, 128], strides = [1, 1]} : vector<512x8192xf32> to vector<512x128xf32>
    %gt3A_1073 = arith.cmpf ogt, %slice3A_1072, %select_n3A_1056 : vector<512x128xf32>
    %gt3A_1074 = arith.cmpf ogt, %slice3A_1072, %select_n3A_1061 : vector<512x128xf32>
    %gt3A_1075 = arith.cmpf ogt, %slice3A_1072, %select_n3A_1067 : vector<512x128xf32>
    %select_n3A_1076 = arith.select %gt3A_1073, %slice3A_1072, %select_n3A_1056 : vector<512x128xi1>, vector<512x128xf32>
    %jit3A_1077 = arith.constant 53 : i32
    %broadcast_in_dim3A_1078 = vector.broadcast %jit3A_1077 : i32 to vector<512x128xi32>
    %select_n3A_1079 = arith.select %gt3A_1073, %broadcast_in_dim3A_1078, %select_n3A_1059 : vector<512x128xi1>, vector<512x128xi32>
    %select_n3A_1080 = arith.select %gt3A_1074, %slice3A_1072, %select_n3A_1061 : vector<512x128xi1>, vector<512x128xf32>
    %select_n3A_1081 = arith.select %gt3A_1073, %select_n3A_1056, %select_n3A_1080 : vector<512x128xi1>, vector<512x128xf32>
    %jit3A_1082 = arith.constant 53 : i32
    %broadcast_in_dim3A_1083 = vector.broadcast %jit3A_1082 : i32 to vector<512x128xi32>
    %select_n3A_1084 = arith.select %gt3A_1074, %broadcast_in_dim3A_1083, %select_n3A_1065 : vector<512x128xi1>, vector<512x128xi32>
    %select_n3A_1085 = arith.select %gt3A_1073, %select_n3A_1059, %select_n3A_1084 : vector<512x128xi1>, vector<512x128xi32>
    %select_n3A_1086 = arith.select %gt3A_1075, %slice3A_1072, %select_n3A_1067 : vector<512x128xi1>, vector<512x128xf32>
    %select_n3A_1087 = arith.select %gt3A_1074, %select_n3A_1061, %select_n3A_1086 : vector<512x128xi1>, vector<512x128xf32>
    %jit3A_1088 = arith.constant 53 : i32
    %broadcast_in_dim3A_1089 = vector.broadcast %jit3A_1088 : i32 to vector<512x128xi32>
    %select_n3A_1090 = arith.select %gt3A_1075, %broadcast_in_dim3A_1089, %select_n3A_1071 : vector<512x128xi1>, vector<512x128xi32>
    %select_n3A_1091 = arith.select %gt3A_1074, %select_n3A_1065, %select_n3A_1090 : vector<512x128xi1>, vector<512x128xi32>
    %slice3A_1092 = vector.extract_strided_slice %dot_general3A_11 {offsets = [0, 6912], sizes = [512, 128], strides = [1, 1]} : vector<512x8192xf32> to vector<512x128xf32>
    %gt3A_1093 = arith.cmpf ogt, %slice3A_1092, %select_n3A_1076 : vector<512x128xf32>
    %gt3A_1094 = arith.cmpf ogt, %slice3A_1092, %select_n3A_1081 : vector<512x128xf32>
    %gt3A_1095 = arith.cmpf ogt, %slice3A_1092, %select_n3A_1087 : vector<512x128xf32>
    %select_n3A_1096 = arith.select %gt3A_1093, %slice3A_1092, %select_n3A_1076 : vector<512x128xi1>, vector<512x128xf32>
    %jit3A_1097 = arith.constant 54 : i32
    %broadcast_in_dim3A_1098 = vector.broadcast %jit3A_1097 : i32 to vector<512x128xi32>
    %select_n3A_1099 = arith.select %gt3A_1093, %broadcast_in_dim3A_1098, %select_n3A_1079 : vector<512x128xi1>, vector<512x128xi32>
    %select_n3A_1100 = arith.select %gt3A_1094, %slice3A_1092, %select_n3A_1081 : vector<512x128xi1>, vector<512x128xf32>
    %select_n3A_1101 = arith.select %gt3A_1093, %select_n3A_1076, %select_n3A_1100 : vector<512x128xi1>, vector<512x128xf32>
    %jit3A_1102 = arith.constant 54 : i32
    %broadcast_in_dim3A_1103 = vector.broadcast %jit3A_1102 : i32 to vector<512x128xi32>
    %select_n3A_1104 = arith.select %gt3A_1094, %broadcast_in_dim3A_1103, %select_n3A_1085 : vector<512x128xi1>, vector<512x128xi32>
    %select_n3A_1105 = arith.select %gt3A_1093, %select_n3A_1079, %select_n3A_1104 : vector<512x128xi1>, vector<512x128xi32>
    %select_n3A_1106 = arith.select %gt3A_1095, %slice3A_1092, %select_n3A_1087 : vector<512x128xi1>, vector<512x128xf32>
    %select_n3A_1107 = arith.select %gt3A_1094, %select_n3A_1081, %select_n3A_1106 : vector<512x128xi1>, vector<512x128xf32>
    %jit3A_1108 = arith.constant 54 : i32
    %broadcast_in_dim3A_1109 = vector.broadcast %jit3A_1108 : i32 to vector<512x128xi32>
    %select_n3A_1110 = arith.select %gt3A_1095, %broadcast_in_dim3A_1109, %select_n3A_1091 : vector<512x128xi1>, vector<512x128xi32>
    %select_n3A_1111 = arith.select %gt3A_1094, %select_n3A_1085, %select_n3A_1110 : vector<512x128xi1>, vector<512x128xi32>
    %slice3A_1112 = vector.extract_strided_slice %dot_general3A_11 {offsets = [0, 7040], sizes = [512, 128], strides = [1, 1]} : vector<512x8192xf32> to vector<512x128xf32>
    %gt3A_1113 = arith.cmpf ogt, %slice3A_1112, %select_n3A_1096 : vector<512x128xf32>
    %gt3A_1114 = arith.cmpf ogt, %slice3A_1112, %select_n3A_1101 : vector<512x128xf32>
    %gt3A_1115 = arith.cmpf ogt, %slice3A_1112, %select_n3A_1107 : vector<512x128xf32>
    %select_n3A_1116 = arith.select %gt3A_1113, %slice3A_1112, %select_n3A_1096 : vector<512x128xi1>, vector<512x128xf32>
    %jit3A_1117 = arith.constant 55 : i32
    %broadcast_in_dim3A_1118 = vector.broadcast %jit3A_1117 : i32 to vector<512x128xi32>
    %select_n3A_1119 = arith.select %gt3A_1113, %broadcast_in_dim3A_1118, %select_n3A_1099 : vector<512x128xi1>, vector<512x128xi32>
    %select_n3A_1120 = arith.select %gt3A_1114, %slice3A_1112, %select_n3A_1101 : vector<512x128xi1>, vector<512x128xf32>
    %select_n3A_1121 = arith.select %gt3A_1113, %select_n3A_1096, %select_n3A_1120 : vector<512x128xi1>, vector<512x128xf32>
    %jit3A_1122 = arith.constant 55 : i32
    %broadcast_in_dim3A_1123 = vector.broadcast %jit3A_1122 : i32 to vector<512x128xi32>
    %select_n3A_1124 = arith.select %gt3A_1114, %broadcast_in_dim3A_1123, %select_n3A_1105 : vector<512x128xi1>, vector<512x128xi32>
    %select_n3A_1125 = arith.select %gt3A_1113, %select_n3A_1099, %select_n3A_1124 : vector<512x128xi1>, vector<512x128xi32>
    %select_n3A_1126 = arith.select %gt3A_1115, %slice3A_1112, %select_n3A_1107 : vector<512x128xi1>, vector<512x128xf32>
    %select_n3A_1127 = arith.select %gt3A_1114, %select_n3A_1101, %select_n3A_1126 : vector<512x128xi1>, vector<512x128xf32>
    %jit3A_1128 = arith.constant 55 : i32
    %broadcast_in_dim3A_1129 = vector.broadcast %jit3A_1128 : i32 to vector<512x128xi32>
    %select_n3A_1130 = arith.select %gt3A_1115, %broadcast_in_dim3A_1129, %select_n3A_1111 : vector<512x128xi1>, vector<512x128xi32>
    %select_n3A_1131 = arith.select %gt3A_1114, %select_n3A_1105, %select_n3A_1130 : vector<512x128xi1>, vector<512x128xi32>
    %slice3A_1132 = vector.extract_strided_slice %dot_general3A_11 {offsets = [0, 7168], sizes = [512, 128], strides = [1, 1]} : vector<512x8192xf32> to vector<512x128xf32>
    %gt3A_1133 = arith.cmpf ogt, %slice3A_1132, %select_n3A_1116 : vector<512x128xf32>
    %gt3A_1134 = arith.cmpf ogt, %slice3A_1132, %select_n3A_1121 : vector<512x128xf32>
    %gt3A_1135 = arith.cmpf ogt, %slice3A_1132, %select_n3A_1127 : vector<512x128xf32>
    %select_n3A_1136 = arith.select %gt3A_1133, %slice3A_1132, %select_n3A_1116 : vector<512x128xi1>, vector<512x128xf32>
    %jit3A_1137 = arith.constant 56 : i32
    %broadcast_in_dim3A_1138 = vector.broadcast %jit3A_1137 : i32 to vector<512x128xi32>
    %select_n3A_1139 = arith.select %gt3A_1133, %broadcast_in_dim3A_1138, %select_n3A_1119 : vector<512x128xi1>, vector<512x128xi32>
    %select_n3A_1140 = arith.select %gt3A_1134, %slice3A_1132, %select_n3A_1121 : vector<512x128xi1>, vector<512x128xf32>
    %select_n3A_1141 = arith.select %gt3A_1133, %select_n3A_1116, %select_n3A_1140 : vector<512x128xi1>, vector<512x128xf32>
    %jit3A_1142 = arith.constant 56 : i32
    %broadcast_in_dim3A_1143 = vector.broadcast %jit3A_1142 : i32 to vector<512x128xi32>
    %select_n3A_1144 = arith.select %gt3A_1134, %broadcast_in_dim3A_1143, %select_n3A_1125 : vector<512x128xi1>, vector<512x128xi32>
    %select_n3A_1145 = arith.select %gt3A_1133, %select_n3A_1119, %select_n3A_1144 : vector<512x128xi1>, vector<512x128xi32>
    %select_n3A_1146 = arith.select %gt3A_1135, %slice3A_1132, %select_n3A_1127 : vector<512x128xi1>, vector<512x128xf32>
    %select_n3A_1147 = arith.select %gt3A_1134, %select_n3A_1121, %select_n3A_1146 : vector<512x128xi1>, vector<512x128xf32>
    %jit3A_1148 = arith.constant 56 : i32
    %broadcast_in_dim3A_1149 = vector.broadcast %jit3A_1148 : i32 to vector<512x128xi32>
    %select_n3A_1150 = arith.select %gt3A_1135, %broadcast_in_dim3A_1149, %select_n3A_1131 : vector<512x128xi1>, vector<512x128xi32>
    %select_n3A_1151 = arith.select %gt3A_1134, %select_n3A_1125, %select_n3A_1150 : vector<512x128xi1>, vector<512x128xi32>
    %slice3A_1152 = vector.extract_strided_slice %dot_general3A_11 {offsets = [0, 7296], sizes = [512, 128], strides = [1, 1]} : vector<512x8192xf32> to vector<512x128xf32>
    %gt3A_1153 = arith.cmpf ogt, %slice3A_1152, %select_n3A_1136 : vector<512x128xf32>
    %gt3A_1154 = arith.cmpf ogt, %slice3A_1152, %select_n3A_1141 : vector<512x128xf32>
    %gt3A_1155 = arith.cmpf ogt, %slice3A_1152, %select_n3A_1147 : vector<512x128xf32>
    %select_n3A_1156 = arith.select %gt3A_1153, %slice3A_1152, %select_n3A_1136 : vector<512x128xi1>, vector<512x128xf32>
    %jit3A_1157 = arith.constant 57 : i32
    %broadcast_in_dim3A_1158 = vector.broadcast %jit3A_1157 : i32 to vector<512x128xi32>
    %select_n3A_1159 = arith.select %gt3A_1153, %broadcast_in_dim3A_1158, %select_n3A_1139 : vector<512x128xi1>, vector<512x128xi32>
    %select_n3A_1160 = arith.select %gt3A_1154, %slice3A_1152, %select_n3A_1141 : vector<512x128xi1>, vector<512x128xf32>
    %select_n3A_1161 = arith.select %gt3A_1153, %select_n3A_1136, %select_n3A_1160 : vector<512x128xi1>, vector<512x128xf32>
    %jit3A_1162 = arith.constant 57 : i32
    %broadcast_in_dim3A_1163 = vector.broadcast %jit3A_1162 : i32 to vector<512x128xi32>
    %select_n3A_1164 = arith.select %gt3A_1154, %broadcast_in_dim3A_1163, %select_n3A_1145 : vector<512x128xi1>, vector<512x128xi32>
    %select_n3A_1165 = arith.select %gt3A_1153, %select_n3A_1139, %select_n3A_1164 : vector<512x128xi1>, vector<512x128xi32>
    %select_n3A_1166 = arith.select %gt3A_1155, %slice3A_1152, %select_n3A_1147 : vector<512x128xi1>, vector<512x128xf32>
    %select_n3A_1167 = arith.select %gt3A_1154, %select_n3A_1141, %select_n3A_1166 : vector<512x128xi1>, vector<512x128xf32>
    %jit3A_1168 = arith.constant 57 : i32
    %broadcast_in_dim3A_1169 = vector.broadcast %jit3A_1168 : i32 to vector<512x128xi32>
    %select_n3A_1170 = arith.select %gt3A_1155, %broadcast_in_dim3A_1169, %select_n3A_1151 : vector<512x128xi1>, vector<512x128xi32>
    %select_n3A_1171 = arith.select %gt3A_1154, %select_n3A_1145, %select_n3A_1170 : vector<512x128xi1>, vector<512x128xi32>
    %slice3A_1172 = vector.extract_strided_slice %dot_general3A_11 {offsets = [0, 7424], sizes = [512, 128], strides = [1, 1]} : vector<512x8192xf32> to vector<512x128xf32>
    %gt3A_1173 = arith.cmpf ogt, %slice3A_1172, %select_n3A_1156 : vector<512x128xf32>
    %gt3A_1174 = arith.cmpf ogt, %slice3A_1172, %select_n3A_1161 : vector<512x128xf32>
    %gt3A_1175 = arith.cmpf ogt, %slice3A_1172, %select_n3A_1167 : vector<512x128xf32>
    %select_n3A_1176 = arith.select %gt3A_1173, %slice3A_1172, %select_n3A_1156 : vector<512x128xi1>, vector<512x128xf32>
    %jit3A_1177 = arith.constant 58 : i32
    %broadcast_in_dim3A_1178 = vector.broadcast %jit3A_1177 : i32 to vector<512x128xi32>
    %select_n3A_1179 = arith.select %gt3A_1173, %broadcast_in_dim3A_1178, %select_n3A_1159 : vector<512x128xi1>, vector<512x128xi32>
    %select_n3A_1180 = arith.select %gt3A_1174, %slice3A_1172, %select_n3A_1161 : vector<512x128xi1>, vector<512x128xf32>
    %select_n3A_1181 = arith.select %gt3A_1173, %select_n3A_1156, %select_n3A_1180 : vector<512x128xi1>, vector<512x128xf32>
    %jit3A_1182 = arith.constant 58 : i32
    %broadcast_in_dim3A_1183 = vector.broadcast %jit3A_1182 : i32 to vector<512x128xi32>
    %select_n3A_1184 = arith.select %gt3A_1174, %broadcast_in_dim3A_1183, %select_n3A_1165 : vector<512x128xi1>, vector<512x128xi32>
    %select_n3A_1185 = arith.select %gt3A_1173, %select_n3A_1159, %select_n3A_1184 : vector<512x128xi1>, vector<512x128xi32>
    %select_n3A_1186 = arith.select %gt3A_1175, %slice3A_1172, %select_n3A_1167 : vector<512x128xi1>, vector<512x128xf32>
    %select_n3A_1187 = arith.select %gt3A_1174, %select_n3A_1161, %select_n3A_1186 : vector<512x128xi1>, vector<512x128xf32>
    %jit3A_1188 = arith.constant 58 : i32
    %broadcast_in_dim3A_1189 = vector.broadcast %jit3A_1188 : i32 to vector<512x128xi32>
    %select_n3A_1190 = arith.select %gt3A_1175, %broadcast_in_dim3A_1189, %select_n3A_1171 : vector<512x128xi1>, vector<512x128xi32>
    %select_n3A_1191 = arith.select %gt3A_1174, %select_n3A_1165, %select_n3A_1190 : vector<512x128xi1>, vector<512x128xi32>
    %slice3A_1192 = vector.extract_strided_slice %dot_general3A_11 {offsets = [0, 7552], sizes = [512, 128], strides = [1, 1]} : vector<512x8192xf32> to vector<512x128xf32>
    %gt3A_1193 = arith.cmpf ogt, %slice3A_1192, %select_n3A_1176 : vector<512x128xf32>
    %gt3A_1194 = arith.cmpf ogt, %slice3A_1192, %select_n3A_1181 : vector<512x128xf32>
    %gt3A_1195 = arith.cmpf ogt, %slice3A_1192, %select_n3A_1187 : vector<512x128xf32>
    %select_n3A_1196 = arith.select %gt3A_1193, %slice3A_1192, %select_n3A_1176 : vector<512x128xi1>, vector<512x128xf32>
    %jit3A_1197 = arith.constant 59 : i32
    %broadcast_in_dim3A_1198 = vector.broadcast %jit3A_1197 : i32 to vector<512x128xi32>
    %select_n3A_1199 = arith.select %gt3A_1193, %broadcast_in_dim3A_1198, %select_n3A_1179 : vector<512x128xi1>, vector<512x128xi32>
    %select_n3A_1200 = arith.select %gt3A_1194, %slice3A_1192, %select_n3A_1181 : vector<512x128xi1>, vector<512x128xf32>
    %select_n3A_1201 = arith.select %gt3A_1193, %select_n3A_1176, %select_n3A_1200 : vector<512x128xi1>, vector<512x128xf32>
    %jit3A_1202 = arith.constant 59 : i32
    %broadcast_in_dim3A_1203 = vector.broadcast %jit3A_1202 : i32 to vector<512x128xi32>
    %select_n3A_1204 = arith.select %gt3A_1194, %broadcast_in_dim3A_1203, %select_n3A_1185 : vector<512x128xi1>, vector<512x128xi32>
    %select_n3A_1205 = arith.select %gt3A_1193, %select_n3A_1179, %select_n3A_1204 : vector<512x128xi1>, vector<512x128xi32>
    %select_n3A_1206 = arith.select %gt3A_1195, %slice3A_1192, %select_n3A_1187 : vector<512x128xi1>, vector<512x128xf32>
    %select_n3A_1207 = arith.select %gt3A_1194, %select_n3A_1181, %select_n3A_1206 : vector<512x128xi1>, vector<512x128xf32>
    %jit3A_1208 = arith.constant 59 : i32
    %broadcast_in_dim3A_1209 = vector.broadcast %jit3A_1208 : i32 to vector<512x128xi32>
    %select_n3A_1210 = arith.select %gt3A_1195, %broadcast_in_dim3A_1209, %select_n3A_1191 : vector<512x128xi1>, vector<512x128xi32>
    %select_n3A_1211 = arith.select %gt3A_1194, %select_n3A_1185, %select_n3A_1210 : vector<512x128xi1>, vector<512x128xi32>
    %slice3A_1212 = vector.extract_strided_slice %dot_general3A_11 {offsets = [0, 7680], sizes = [512, 128], strides = [1, 1]} : vector<512x8192xf32> to vector<512x128xf32>
    %gt3A_1213 = arith.cmpf ogt, %slice3A_1212, %select_n3A_1196 : vector<512x128xf32>
    %gt3A_1214 = arith.cmpf ogt, %slice3A_1212, %select_n3A_1201 : vector<512x128xf32>
    %gt3A_1215 = arith.cmpf ogt, %slice3A_1212, %select_n3A_1207 : vector<512x128xf32>
    %select_n3A_1216 = arith.select %gt3A_1213, %slice3A_1212, %select_n3A_1196 : vector<512x128xi1>, vector<512x128xf32>
    %jit3A_1217 = arith.constant 60 : i32
    %broadcast_in_dim3A_1218 = vector.broadcast %jit3A_1217 : i32 to vector<512x128xi32>
    %select_n3A_1219 = arith.select %gt3A_1213, %broadcast_in_dim3A_1218, %select_n3A_1199 : vector<512x128xi1>, vector<512x128xi32>
    %select_n3A_1220 = arith.select %gt3A_1214, %slice3A_1212, %select_n3A_1201 : vector<512x128xi1>, vector<512x128xf32>
    %select_n3A_1221 = arith.select %gt3A_1213, %select_n3A_1196, %select_n3A_1220 : vector<512x128xi1>, vector<512x128xf32>
    %jit3A_1222 = arith.constant 60 : i32
    %broadcast_in_dim3A_1223 = vector.broadcast %jit3A_1222 : i32 to vector<512x128xi32>
    %select_n3A_1224 = arith.select %gt3A_1214, %broadcast_in_dim3A_1223, %select_n3A_1205 : vector<512x128xi1>, vector<512x128xi32>
    %select_n3A_1225 = arith.select %gt3A_1213, %select_n3A_1199, %select_n3A_1224 : vector<512x128xi1>, vector<512x128xi32>
    %select_n3A_1226 = arith.select %gt3A_1215, %slice3A_1212, %select_n3A_1207 : vector<512x128xi1>, vector<512x128xf32>
    %select_n3A_1227 = arith.select %gt3A_1214, %select_n3A_1201, %select_n3A_1226 : vector<512x128xi1>, vector<512x128xf32>
    %jit3A_1228 = arith.constant 60 : i32
    %broadcast_in_dim3A_1229 = vector.broadcast %jit3A_1228 : i32 to vector<512x128xi32>
    %select_n3A_1230 = arith.select %gt3A_1215, %broadcast_in_dim3A_1229, %select_n3A_1211 : vector<512x128xi1>, vector<512x128xi32>
    %select_n3A_1231 = arith.select %gt3A_1214, %select_n3A_1205, %select_n3A_1230 : vector<512x128xi1>, vector<512x128xi32>
    %slice3A_1232 = vector.extract_strided_slice %dot_general3A_11 {offsets = [0, 7808], sizes = [512, 128], strides = [1, 1]} : vector<512x8192xf32> to vector<512x128xf32>
    %gt3A_1233 = arith.cmpf ogt, %slice3A_1232, %select_n3A_1216 : vector<512x128xf32>
    %gt3A_1234 = arith.cmpf ogt, %slice3A_1232, %select_n3A_1221 : vector<512x128xf32>
    %gt3A_1235 = arith.cmpf ogt, %slice3A_1232, %select_n3A_1227 : vector<512x128xf32>
    %select_n3A_1236 = arith.select %gt3A_1233, %slice3A_1232, %select_n3A_1216 : vector<512x128xi1>, vector<512x128xf32>
    %jit3A_1237 = arith.constant 61 : i32
    %broadcast_in_dim3A_1238 = vector.broadcast %jit3A_1237 : i32 to vector<512x128xi32>
    %select_n3A_1239 = arith.select %gt3A_1233, %broadcast_in_dim3A_1238, %select_n3A_1219 : vector<512x128xi1>, vector<512x128xi32>
    %select_n3A_1240 = arith.select %gt3A_1234, %slice3A_1232, %select_n3A_1221 : vector<512x128xi1>, vector<512x128xf32>
    %select_n3A_1241 = arith.select %gt3A_1233, %select_n3A_1216, %select_n3A_1240 : vector<512x128xi1>, vector<512x128xf32>
    %jit3A_1242 = arith.constant 61 : i32
    %broadcast_in_dim3A_1243 = vector.broadcast %jit3A_1242 : i32 to vector<512x128xi32>
    %select_n3A_1244 = arith.select %gt3A_1234, %broadcast_in_dim3A_1243, %select_n3A_1225 : vector<512x128xi1>, vector<512x128xi32>
    %select_n3A_1245 = arith.select %gt3A_1233, %select_n3A_1219, %select_n3A_1244 : vector<512x128xi1>, vector<512x128xi32>
    %select_n3A_1246 = arith.select %gt3A_1235, %slice3A_1232, %select_n3A_1227 : vector<512x128xi1>, vector<512x128xf32>
    %select_n3A_1247 = arith.select %gt3A_1234, %select_n3A_1221, %select_n3A_1246 : vector<512x128xi1>, vector<512x128xf32>
    %jit3A_1248 = arith.constant 61 : i32
    %broadcast_in_dim3A_1249 = vector.broadcast %jit3A_1248 : i32 to vector<512x128xi32>
    %select_n3A_1250 = arith.select %gt3A_1235, %broadcast_in_dim3A_1249, %select_n3A_1231 : vector<512x128xi1>, vector<512x128xi32>
    %select_n3A_1251 = arith.select %gt3A_1234, %select_n3A_1225, %select_n3A_1250 : vector<512x128xi1>, vector<512x128xi32>
    %slice3A_1252 = vector.extract_strided_slice %dot_general3A_11 {offsets = [0, 7936], sizes = [512, 128], strides = [1, 1]} : vector<512x8192xf32> to vector<512x128xf32>
    %gt3A_1253 = arith.cmpf ogt, %slice3A_1252, %select_n3A_1236 : vector<512x128xf32>
    %gt3A_1254 = arith.cmpf ogt, %slice3A_1252, %select_n3A_1241 : vector<512x128xf32>
    %gt3A_1255 = arith.cmpf ogt, %slice3A_1252, %select_n3A_1247 : vector<512x128xf32>
    %select_n3A_1256 = arith.select %gt3A_1253, %slice3A_1252, %select_n3A_1236 : vector<512x128xi1>, vector<512x128xf32>
    %jit3A_1257 = arith.constant 62 : i32
    %broadcast_in_dim3A_1258 = vector.broadcast %jit3A_1257 : i32 to vector<512x128xi32>
    %select_n3A_1259 = arith.select %gt3A_1253, %broadcast_in_dim3A_1258, %select_n3A_1239 : vector<512x128xi1>, vector<512x128xi32>
    %select_n3A_1260 = arith.select %gt3A_1254, %slice3A_1252, %select_n3A_1241 : vector<512x128xi1>, vector<512x128xf32>
    %select_n3A_1261 = arith.select %gt3A_1253, %select_n3A_1236, %select_n3A_1260 : vector<512x128xi1>, vector<512x128xf32>
    %jit3A_1262 = arith.constant 62 : i32
    %broadcast_in_dim3A_1263 = vector.broadcast %jit3A_1262 : i32 to vector<512x128xi32>
    %select_n3A_1264 = arith.select %gt3A_1254, %broadcast_in_dim3A_1263, %select_n3A_1245 : vector<512x128xi1>, vector<512x128xi32>
    %select_n3A_1265 = arith.select %gt3A_1253, %select_n3A_1239, %select_n3A_1264 : vector<512x128xi1>, vector<512x128xi32>
    %select_n3A_1266 = arith.select %gt3A_1255, %slice3A_1252, %select_n3A_1247 : vector<512x128xi1>, vector<512x128xf32>
    %select_n3A_1267 = arith.select %gt3A_1254, %select_n3A_1241, %select_n3A_1266 : vector<512x128xi1>, vector<512x128xf32>
    %jit3A_1268 = arith.constant 62 : i32
    %broadcast_in_dim3A_1269 = vector.broadcast %jit3A_1268 : i32 to vector<512x128xi32>
    %select_n3A_1270 = arith.select %gt3A_1255, %broadcast_in_dim3A_1269, %select_n3A_1251 : vector<512x128xi1>, vector<512x128xi32>
    %select_n3A_1271 = arith.select %gt3A_1254, %select_n3A_1245, %select_n3A_1270 : vector<512x128xi1>, vector<512x128xi32>
    %slice3A_1272 = vector.extract_strided_slice %dot_general3A_11 {offsets = [0, 8064], sizes = [512, 128], strides = [1, 1]} : vector<512x8192xf32> to vector<512x128xf32>
    %gt3A_1273 = arith.cmpf ogt, %slice3A_1272, %select_n3A_1256 : vector<512x128xf32>
    %gt3A_1274 = arith.cmpf ogt, %slice3A_1272, %select_n3A_1261 : vector<512x128xf32>
    %gt3A_1275 = arith.cmpf ogt, %slice3A_1272, %select_n3A_1267 : vector<512x128xf32>
    %select_n3A_1276 = arith.select %gt3A_1273, %slice3A_1272, %select_n3A_1256 : vector<512x128xi1>, vector<512x128xf32>
    %jit3A_1277 = arith.constant 63 : i32
    %broadcast_in_dim3A_1278 = vector.broadcast %jit3A_1277 : i32 to vector<512x128xi32>
    %select_n3A_1279 = arith.select %gt3A_1273, %broadcast_in_dim3A_1278, %select_n3A_1259 : vector<512x128xi1>, vector<512x128xi32>
    %select_n3A_1280 = arith.select %gt3A_1274, %slice3A_1272, %select_n3A_1261 : vector<512x128xi1>, vector<512x128xf32>
    %select_n3A_1281 = arith.select %gt3A_1273, %select_n3A_1256, %select_n3A_1280 : vector<512x128xi1>, vector<512x128xf32>
    %jit3A_1282 = arith.constant 63 : i32
    %broadcast_in_dim3A_1283 = vector.broadcast %jit3A_1282 : i32 to vector<512x128xi32>
    %select_n3A_1284 = arith.select %gt3A_1274, %broadcast_in_dim3A_1283, %select_n3A_1265 : vector<512x128xi1>, vector<512x128xi32>
    %select_n3A_1285 = arith.select %gt3A_1273, %select_n3A_1259, %select_n3A_1284 : vector<512x128xi1>, vector<512x128xi32>
    %select_n3A_1286 = arith.select %gt3A_1275, %slice3A_1272, %select_n3A_1267 : vector<512x128xi1>, vector<512x128xf32>
    %select_n3A_1287 = arith.select %gt3A_1274, %select_n3A_1261, %select_n3A_1286 : vector<512x128xi1>, vector<512x128xf32>
    %jit3A_1288 = arith.constant 63 : i32
    %broadcast_in_dim3A_1289 = vector.broadcast %jit3A_1288 : i32 to vector<512x128xi32>
    %select_n3A_1290 = arith.select %gt3A_1275, %broadcast_in_dim3A_1289, %select_n3A_1271 : vector<512x128xi1>, vector<512x128xi32>
    %select_n3A_1291 = arith.select %gt3A_1274, %select_n3A_1265, %select_n3A_1290 : vector<512x128xi1>, vector<512x128xi32>
    %concatenate3A = tpu.concatenate %select_n3A_1276, %select_n3A_1281, %select_n3A_1287 in 1 : vector<512x128xf32>, vector<512x128xf32>, vector<512x128xf32> -> vector<512x384xf32>
    %mul3A_1292 = arith.constant 128 : i32
    %mul3A_1293 = vector.broadcast %mul3A_1292 : i32 to vector<512x128xi32>
    %mul3A_1294 = arith.muli %select_n3A_1279, %mul3A_1293 : vector<512x128xi32>
    %add3A = arith.addi %mul3A_1294, %iota3A : vector<512x128xi32>
    %mul3A_1295 = arith.constant 128 : i32
    %mul3A_1296 = vector.broadcast %mul3A_1295 : i32 to vector<512x128xi32>
    %mul3A_1297 = arith.muli %select_n3A_1285, %mul3A_1296 : vector<512x128xi32>
    %add3A_1298 = arith.addi %mul3A_1297, %iota3A : vector<512x128xi32>
    %mul3A_1299 = arith.constant 128 : i32
    %mul3A_1300 = vector.broadcast %mul3A_1299 : i32 to vector<512x128xi32>
    %mul3A_1301 = arith.muli %select_n3A_1291, %mul3A_1300 : vector<512x128xi32>
    %add3A_1302 = arith.addi %mul3A_1301, %iota3A : vector<512x128xi32>
    %concatenate3A_1303 = tpu.concatenate %add3A, %add3A_1298, %add3A_1302 in 1 : vector<512x128xi32>, vector<512x128xi32>, vector<512x128xi32> -> vector<512x384xi32>
    %reduce_max3A = arith.constant dense<0xFF800000> : vector<512xf32>
    %reduce_max3A_1304 = vector.multi_reduction <maximumf>, %concatenate3A, %reduce_max3A [1] : vector<512x384xf32> to vector<512xf32>
    %broadcast_in_dim3A_1305 = vector.shape_cast %reduce_max3A_1304 : vector<512xf32> to vector<512x1xf32>
    %eq3A_1306 = vector.broadcast %broadcast_in_dim3A_1305 : vector<512x1xf32> to vector<512x384xf32>
    %eq3A_1307 = arith.cmpf oeq, %concatenate3A, %eq3A_1306 : vector<512x384xf32>
    %jit3A_1308 = arith.constant 8192 : i32
    %broadcast_in_dim3A_1309 = vector.broadcast %jit3A_1308 : i32 to vector<512x384xi32>
    %select_n3A_1310 = arith.select %eq3A_1307, %concatenate3A_1303, %broadcast_in_dim3A_1309 : vector<512x384xi1>, vector<512x384xi32>
    %reduce_min3A = arith.constant dense<2147483647> : vector<512xi32>
    %reduce_min3A_1311 = vector.multi_reduction <minsi>, %select_n3A_1310, %reduce_min3A [1] : vector<512x384xi32> to vector<512xi32>
    %broadcast_in_dim3A_1312 = vector.shape_cast %reduce_min3A_1311 : vector<512xi32> to vector<512x1xi32>
    %eq3A_1313 = vector.broadcast %broadcast_in_dim3A_1312 : vector<512x1xi32> to vector<512x384xi32>
    %eq3A_1314 = arith.cmpi eq, %concatenate3A_1303, %eq3A_1313 : vector<512x384xi32>
    %jit3A_1315 = arith.constant 0xFF800000 : f32
    %broadcast_in_dim3A_1316 = vector.broadcast %jit3A_1315 : f32 to vector<512x384xf32>
    %select_n3A_1317 = arith.select %eq3A_1314, %broadcast_in_dim3A_1316, %concatenate3A : vector<512x384xi1>, vector<512x384xf32>
    %reduce_max3A_1318 = arith.constant dense<0xFF800000> : vector<512xf32>
    %reduce_max3A_1319 = vector.multi_reduction <maximumf>, %select_n3A_1317, %reduce_max3A_1318 [1] : vector<512x384xf32> to vector<512xf32>
    %broadcast_in_dim3A_1320 = vector.shape_cast %reduce_max3A_1319 : vector<512xf32> to vector<512x1xf32>
    %eq3A_1321 = vector.broadcast %broadcast_in_dim3A_1320 : vector<512x1xf32> to vector<512x384xf32>
    %eq3A_1322 = arith.cmpf oeq, %select_n3A_1317, %eq3A_1321 : vector<512x384xf32>
    %jit3A_1323 = arith.constant 8192 : i32
    %broadcast_in_dim3A_1324 = vector.broadcast %jit3A_1323 : i32 to vector<512x384xi32>
    %select_n3A_1325 = arith.select %eq3A_1322, %concatenate3A_1303, %broadcast_in_dim3A_1324 : vector<512x384xi1>, vector<512x384xi32>
    %reduce_min3A_1326 = arith.constant dense<2147483647> : vector<512xi32>
    %reduce_min3A_1327 = vector.multi_reduction <minsi>, %select_n3A_1325, %reduce_min3A_1326 [1] : vector<512x384xi32> to vector<512xi32>
    %broadcast_in_dim3A_1328 = vector.shape_cast %reduce_min3A_1327 : vector<512xi32> to vector<512x1xi32>
    %eq3A_1329 = vector.broadcast %broadcast_in_dim3A_1328 : vector<512x1xi32> to vector<512x384xi32>
    %eq3A_1330 = arith.cmpi eq, %concatenate3A_1303, %eq3A_1329 : vector<512x384xi32>
    %jit3A_1331 = arith.constant 0xFF800000 : f32
    %broadcast_in_dim3A_1332 = vector.broadcast %jit3A_1331 : f32 to vector<512x384xf32>
    %select_n3A_1333 = arith.select %eq3A_1330, %broadcast_in_dim3A_1332, %select_n3A_1317 : vector<512x384xi1>, vector<512x384xf32>
    %reduce_max3A_1334 = arith.constant dense<0xFF800000> : vector<512xf32>
    %reduce_max3A_1335 = vector.multi_reduction <maximumf>, %select_n3A_1333, %reduce_max3A_1334 [1] : vector<512x384xf32> to vector<512xf32>
    %broadcast_in_dim3A_1336 = vector.shape_cast %reduce_max3A_1335 : vector<512xf32> to vector<512x1xf32>
    %eq3A_1337 = vector.broadcast %broadcast_in_dim3A_1336 : vector<512x1xf32> to vector<512x384xf32>
    %eq3A_1338 = arith.cmpf oeq, %select_n3A_1333, %eq3A_1337 : vector<512x384xf32>
    %jit3A_1339 = arith.constant 8192 : i32
    %broadcast_in_dim3A_1340 = vector.broadcast %jit3A_1339 : i32 to vector<512x384xi32>
    %select_n3A_1341 = arith.select %eq3A_1338, %concatenate3A_1303, %broadcast_in_dim3A_1340 : vector<512x384xi1>, vector<512x384xi32>
    %reduce_min3A_1342 = arith.constant dense<2147483647> : vector<512xi32>
    %reduce_min3A_1343 = vector.multi_reduction <minsi>, %select_n3A_1341, %reduce_min3A_1342 [1] : vector<512x384xi32> to vector<512xi32>
    %broadcast_in_dim3A_1344 = vector.shape_cast %reduce_min3A_1343 : vector<512xi32> to vector<512x1xi32>
    %eq3A_1345 = vector.broadcast %broadcast_in_dim3A_1344 : vector<512x1xi32> to vector<512x384xi32>
    %eq3A_1346 = arith.cmpi eq, %concatenate3A_1303, %eq3A_1345 : vector<512x384xi32>
    %jit3A_1347 = arith.constant 0xFF800000 : f32
    %broadcast_in_dim3A_1348 = vector.broadcast %jit3A_1347 : f32 to vector<512x384xf32>
    %select_n3A_1349 = arith.select %eq3A_1346, %broadcast_in_dim3A_1348, %select_n3A_1333 : vector<512x384xi1>, vector<512x384xf32>
    %reduce_max3A_1350 = arith.constant dense<0xFF800000> : vector<512xf32>
    %reduce_max3A_1351 = vector.multi_reduction <maximumf>, %select_n3A_1349, %reduce_max3A_1350 [1] : vector<512x384xf32> to vector<512xf32>
    %broadcast_in_dim3A_1352 = vector.shape_cast %reduce_max3A_1351 : vector<512xf32> to vector<512x1xf32>
    %eq3A_1353 = vector.broadcast %broadcast_in_dim3A_1352 : vector<512x1xf32> to vector<512x384xf32>
    %eq3A_1354 = arith.cmpf oeq, %select_n3A_1349, %eq3A_1353 : vector<512x384xf32>
    %jit3A_1355 = arith.constant 8192 : i32
    %broadcast_in_dim3A_1356 = vector.broadcast %jit3A_1355 : i32 to vector<512x384xi32>
    %select_n3A_1357 = arith.select %eq3A_1354, %concatenate3A_1303, %broadcast_in_dim3A_1356 : vector<512x384xi1>, vector<512x384xi32>
    %reduce_min3A_1358 = arith.constant dense<2147483647> : vector<512xi32>
    %reduce_min3A_1359 = vector.multi_reduction <minsi>, %select_n3A_1357, %reduce_min3A_1358 [1] : vector<512x384xi32> to vector<512xi32>
    %broadcast_in_dim3A_1360 = vector.shape_cast %reduce_min3A_1359 : vector<512xi32> to vector<512x1xi32>
    %eq3A_1361 = vector.broadcast %broadcast_in_dim3A_1360 : vector<512x1xi32> to vector<512x384xi32>
    %eq3A_1362 = arith.cmpi eq, %concatenate3A_1303, %eq3A_1361 : vector<512x384xi32>
    %jit3A_1363 = arith.constant 0xFF800000 : f32
    %broadcast_in_dim3A_1364 = vector.broadcast %jit3A_1363 : f32 to vector<512x384xf32>
    %select_n3A_1365 = arith.select %eq3A_1362, %broadcast_in_dim3A_1364, %select_n3A_1349 : vector<512x384xi1>, vector<512x384xf32>
    %reduce_max3A_1366 = arith.constant dense<0xFF800000> : vector<512xf32>
    %reduce_max3A_1367 = vector.multi_reduction <maximumf>, %select_n3A_1365, %reduce_max3A_1366 [1] : vector<512x384xf32> to vector<512xf32>
    %broadcast_in_dim3A_1368 = vector.shape_cast %reduce_max3A_1367 : vector<512xf32> to vector<512x1xf32>
    %eq3A_1369 = vector.broadcast %broadcast_in_dim3A_1368 : vector<512x1xf32> to vector<512x384xf32>
    %eq3A_1370 = arith.cmpf oeq, %select_n3A_1365, %eq3A_1369 : vector<512x384xf32>
    %jit3A_1371 = arith.constant 8192 : i32
    %broadcast_in_dim3A_1372 = vector.broadcast %jit3A_1371 : i32 to vector<512x384xi32>
    %select_n3A_1373 = arith.select %eq3A_1370, %concatenate3A_1303, %broadcast_in_dim3A_1372 : vector<512x384xi1>, vector<512x384xi32>
    %reduce_min3A_1374 = arith.constant dense<2147483647> : vector<512xi32>
    %reduce_min3A_1375 = vector.multi_reduction <minsi>, %select_n3A_1373, %reduce_min3A_1374 [1] : vector<512x384xi32> to vector<512xi32>
    %broadcast_in_dim3A_1376 = vector.shape_cast %reduce_min3A_1375 : vector<512xi32> to vector<512x1xi32>
    %eq3A_1377 = vector.broadcast %broadcast_in_dim3A_1376 : vector<512x1xi32> to vector<512x384xi32>
    %eq3A_1378 = arith.cmpi eq, %concatenate3A_1303, %eq3A_1377 : vector<512x384xi32>
    %jit3A_1379 = arith.constant 0xFF800000 : f32
    %broadcast_in_dim3A_1380 = vector.broadcast %jit3A_1379 : f32 to vector<512x384xf32>
    %select_n3A_1381 = arith.select %eq3A_1378, %broadcast_in_dim3A_1380, %select_n3A_1365 : vector<512x384xi1>, vector<512x384xf32>
    %reduce_max3A_1382 = arith.constant dense<0xFF800000> : vector<512xf32>
    %reduce_max3A_1383 = vector.multi_reduction <maximumf>, %select_n3A_1381, %reduce_max3A_1382 [1] : vector<512x384xf32> to vector<512xf32>
    %broadcast_in_dim3A_1384 = vector.shape_cast %reduce_max3A_1383 : vector<512xf32> to vector<512x1xf32>
    %eq3A_1385 = vector.broadcast %broadcast_in_dim3A_1384 : vector<512x1xf32> to vector<512x384xf32>
    %eq3A_1386 = arith.cmpf oeq, %select_n3A_1381, %eq3A_1385 : vector<512x384xf32>
    %jit3A_1387 = arith.constant 8192 : i32
    %broadcast_in_dim3A_1388 = vector.broadcast %jit3A_1387 : i32 to vector<512x384xi32>
    %select_n3A_1389 = arith.select %eq3A_1386, %concatenate3A_1303, %broadcast_in_dim3A_1388 : vector<512x384xi1>, vector<512x384xi32>
    %reduce_min3A_1390 = arith.constant dense<2147483647> : vector<512xi32>
    %reduce_min3A_1391 = vector.multi_reduction <minsi>, %select_n3A_1389, %reduce_min3A_1390 [1] : vector<512x384xi32> to vector<512xi32>
    %broadcast_in_dim3A_1392 = vector.shape_cast %reduce_min3A_1391 : vector<512xi32> to vector<512x1xi32>
    %eq3A_1393 = vector.broadcast %broadcast_in_dim3A_1392 : vector<512x1xi32> to vector<512x384xi32>
    %eq3A_1394 = arith.cmpi eq, %concatenate3A_1303, %eq3A_1393 : vector<512x384xi32>
    %jit3A_1395 = arith.constant 0xFF800000 : f32
    %broadcast_in_dim3A_1396 = vector.broadcast %jit3A_1395 : f32 to vector<512x384xf32>
    %select_n3A_1397 = arith.select %eq3A_1394, %broadcast_in_dim3A_1396, %select_n3A_1381 : vector<512x384xi1>, vector<512x384xf32>
    %reduce_max3A_1398 = arith.constant dense<0xFF800000> : vector<512xf32>
    %reduce_max3A_1399 = vector.multi_reduction <maximumf>, %select_n3A_1397, %reduce_max3A_1398 [1] : vector<512x384xf32> to vector<512xf32>
    %broadcast_in_dim3A_1400 = vector.shape_cast %reduce_max3A_1399 : vector<512xf32> to vector<512x1xf32>
    %eq3A_1401 = vector.broadcast %broadcast_in_dim3A_1400 : vector<512x1xf32> to vector<512x384xf32>
    %eq3A_1402 = arith.cmpf oeq, %select_n3A_1397, %eq3A_1401 : vector<512x384xf32>
    %jit3A_1403 = arith.constant 8192 : i32
    %broadcast_in_dim3A_1404 = vector.broadcast %jit3A_1403 : i32 to vector<512x384xi32>
    %select_n3A_1405 = arith.select %eq3A_1402, %concatenate3A_1303, %broadcast_in_dim3A_1404 : vector<512x384xi1>, vector<512x384xi32>
    %reduce_min3A_1406 = arith.constant dense<2147483647> : vector<512xi32>
    %reduce_min3A_1407 = vector.multi_reduction <minsi>, %select_n3A_1405, %reduce_min3A_1406 [1] : vector<512x384xi32> to vector<512xi32>
    %broadcast_in_dim3A_1408 = vector.shape_cast %reduce_min3A_1407 : vector<512xi32> to vector<512x1xi32>
    %eq3A_1409 = vector.broadcast %broadcast_in_dim3A_1408 : vector<512x1xi32> to vector<512x384xi32>
    %eq3A_1410 = arith.cmpi eq, %concatenate3A_1303, %eq3A_1409 : vector<512x384xi32>
    %jit3A_1411 = arith.constant 0xFF800000 : f32
    %broadcast_in_dim3A_1412 = vector.broadcast %jit3A_1411 : f32 to vector<512x384xf32>
    %select_n3A_1413 = arith.select %eq3A_1410, %broadcast_in_dim3A_1412, %select_n3A_1397 : vector<512x384xi1>, vector<512x384xf32>
    %reduce_max3A_1414 = arith.constant dense<0xFF800000> : vector<512xf32>
    %reduce_max3A_1415 = vector.multi_reduction <maximumf>, %select_n3A_1413, %reduce_max3A_1414 [1] : vector<512x384xf32> to vector<512xf32>
    %broadcast_in_dim3A_1416 = vector.shape_cast %reduce_max3A_1415 : vector<512xf32> to vector<512x1xf32>
    %eq3A_1417 = vector.broadcast %broadcast_in_dim3A_1416 : vector<512x1xf32> to vector<512x384xf32>
    %eq3A_1418 = arith.cmpf oeq, %select_n3A_1413, %eq3A_1417 : vector<512x384xf32>
    %jit3A_1419 = arith.constant 8192 : i32
    %broadcast_in_dim3A_1420 = vector.broadcast %jit3A_1419 : i32 to vector<512x384xi32>
    %select_n3A_1421 = arith.select %eq3A_1418, %concatenate3A_1303, %broadcast_in_dim3A_1420 : vector<512x384xi1>, vector<512x384xi32>
    %reduce_min3A_1422 = arith.constant dense<2147483647> : vector<512xi32>
    %reduce_min3A_1423 = vector.multi_reduction <minsi>, %select_n3A_1421, %reduce_min3A_1422 [1] : vector<512x384xi32> to vector<512xi32>
    %broadcast_in_dim3A_1424 = vector.shape_cast %reduce_min3A_1423 : vector<512xi32> to vector<512x1xi32>
    %concatenate3A_1425 = tpu.concatenate %broadcast_in_dim3A_1305, %broadcast_in_dim3A_1320, %broadcast_in_dim3A_1336, %broadcast_in_dim3A_1352, %broadcast_in_dim3A_1368, %broadcast_in_dim3A_1384, %broadcast_in_dim3A_1400, %broadcast_in_dim3A_1416 in 1 : vector<512x1xf32>, vector<512x1xf32>, vector<512x1xf32>, vector<512x1xf32>, vector<512x1xf32>, vector<512x1xf32>, vector<512x1xf32>, vector<512x1xf32> -> vector<512x8xf32>
    %concatenate3A_1426 = tpu.concatenate %broadcast_in_dim3A_1312, %broadcast_in_dim3A_1328, %broadcast_in_dim3A_1344, %broadcast_in_dim3A_1360, %broadcast_in_dim3A_1376, %broadcast_in_dim3A_1392, %broadcast_in_dim3A_1408, %broadcast_in_dim3A_1424 in 1 : vector<512x1xi32>, vector<512x1xi32>, vector<512x1xi32>, vector<512x1xi32>, vector<512x1xi32>, vector<512x1xi32>, vector<512x1xi32>, vector<512x1xi32> -> vector<512x8xi32>
    %sub3A = vector.broadcast %broadcast_in_dim3A_1305 : vector<512x1xf32> to vector<512x8xf32>
    %sub3A_1427 = arith.subf %concatenate3A_1425, %sub3A : vector<512x8xf32>
    %exp3A = math.exp %sub3A_1427 : vector<512x8xf32>
    %reduce_sum3A_1428 = arith.constant dense<0.000000e+00> : vector<512xf32>
    %reduce_sum3A_1429 = vector.multi_reduction <add>, %exp3A, %reduce_sum3A_1428 [1] : vector<512x8xf32> to vector<512xf32>
    %broadcast_in_dim3A_1430 = vector.shape_cast %reduce_sum3A_1429 : vector<512xf32> to vector<512x1xf32>
    %div3A_1431 = arith.constant 1.000000e+00 : f32
    %div3A_1432 = vector.broadcast %div3A_1431 : f32 to vector<512x1xf32>
    %div3A_1433 = arith.divf %div3A_1432, %broadcast_in_dim3A_1430 : vector<512x1xf32>
    %mul3A_1434 = vector.broadcast %div3A_1433 : vector<512x1xf32> to vector<512x8xf32>
    %mul3A_1435 = arith.mulf %exp3A, %mul3A_1434 : vector<512x8xf32>
    %swap3A = arith.constant 0 : index
    %swap3A_1436 = arith.constant 0 : index
    %swap3A_1437 = vector.load %arg3[%swap3A, %swap3A_1436] : memref<512x8xi32, #tpu.memory_space<vmem>>, vector<512x8xi32>
    tpu.vector_store %arg3[%swap3A, %swap3A_1436], %concatenate3A_1426 {strides = array<i32>} : memref<512x8xi32, #tpu.memory_space<vmem>>, vector<512x8xi32>,
    %swap3A_1438 = arith.constant 0 : index
    %swap3A_1439 = arith.constant 0 : index
    %swap3A_1440 = vector.load %arg4[%swap3A_1438, %swap3A_1439] : memref<512x8xf32, #tpu.memory_space<vmem>>, vector<512x8xf32>
    tpu.vector_store %arg4[%swap3A_1438, %swap3A_1439], %concatenate3A_1425 {strides = array<i32>} : memref<512x8xf32, #tpu.memory_space<vmem>>, vector<512x8xf32>,
    %swap3A_1441 = arith.constant 0 : index
    %swap3A_1442 = arith.constant 0 : index
    %swap3A_1443 = vector.load %arg5[%swap3A_1441, %swap3A_1442] : memref<512x8xf32, #tpu.memory_space<vmem>>, vector<512x8xf32>
    tpu.vector_store %arg5[%swap3A_1441, %swap3A_1442], %mul3A_1435 {strides = array<i32>} : memref<512x8xf32, #tpu.memory_space<vmem>>, vector<512x8xf32>,
    return
  }
  func.func @transform_0(%arg0: i32) -> (i32, i32) {
    %c0_i32 = arith.constant 0 : i32
    %c0_i32_0 = arith.constant 0 : i32
    return %arg0, %c0_i32 : i32, i32
  }
  func.func @transform_1(%arg0: i32) -> (i32, i32) {
    %c0_i32 = arith.constant 0 : i32
    %c0_i32_0 = arith.constant 0 : i32
    %c0_i32_1 = arith.constant 0 : i32
    return %c0_i32, %c0_i32_0 : i32, i32
  }
  func.func @transform_2(%arg0: i32) -> (i32, i32) {
    %c0_i32 = arith.constant 0 : i32
    %c0_i32_0 = arith.constant 0 : i32
    return %arg0, %c0_i32 : i32, i32
  }
  func.func @transform_3(%arg0: i32) -> (i32, i32) {
    %c0_i32 = arith.constant 0 : i32
    %c0_i32_0 = arith.constant 0 : i32
    return %arg0, %c0_i32 : i32, i32
  }
  func.func @transform_4(%arg0: i32) -> (i32, i32) {
    %c0_i32 = arith.constant 0 : i32
    %c0_i32_0 = arith.constant 0 : i32
    return %arg0, %c0_i32 : i32, i32
  }
}

module attributes {stable_mosaic.version = 14 : i64} {
  func.func @_combine_kernel(%arg0: i32, %arg1: memref<8192x128xf32, #tpu.memory_space<vmem>>, %arg2: memref<8192x1xf32, #tpu.memory_space<vmem>>, %arg3: memref<1024x32xf32, #tpu.memory_space<vmem>>, %arg4: memref<1024x32xf32, #tpu.memory_space<vmem>>) attributes {dimension_semantics = [#tpu.dimension_semantics<arbitrary>], iteration_bounds = array<i64: 4>, scalar_prefetch = 0 : i64, scratch_operands = 0 : i64, tpu.core_type = #tpu.core_type<tc>, window_params = [{transform_indices = @transform_0, window_bounds = array<i64: 8192, 128>}, {transform_indices = @transform_1, window_bounds = array<i64: 8192, 1>}, {transform_indices = @transform_2, window_bounds = array<i64: 1024, 32>}, {transform_indices = @transform_3, window_bounds = array<i64: 1024, 32>}]} {
    %get3A = arith.constant 0 : index
    %get3A_0 = arith.constant 0 : index
    %get3A_1 = vector.load %arg1[%get3A, %get3A_0] : memref<8192x128xf32, #tpu.memory_space<vmem>>, vector<8192x128xf32>
    %slice3A = vector.extract_strided_slice %get3A_1 {offsets = [0, 0], sizes = [8192, 32], strides = [1, 1]} : vector<8192x128xf32> to vector<8192x32xf32>
    %get3A_2 = arith.constant 0 : index
    %get3A_3 = arith.constant 0 : index
    %get3A_4 = vector.load %arg2[%get3A_2, %get3A_3] : memref<8192x1xf32, #tpu.memory_space<vmem>>, vector<8192x1xf32>
    %mul3A = vector.broadcast %get3A_4 : vector<8192x1xf32> to vector<8192x32xf32>
    %mul3A_5 = arith.mulf %slice3A, %mul3A : vector<8192x32xf32>
    %reshape3A = vector.shape_cast %mul3A_5 : vector<8192x32xf32> to vector<1024x8x32xf32>
    %reduce_sum3A = arith.constant dense<0.000000e+00> : vector<1024x32xf32>
    %reduce_sum3A_6 = vector.multi_reduction <add>, %reshape3A, %reduce_sum3A [1] : vector<1024x8x32xf32> to vector<1024x32xf32>
    %swap3A = arith.constant 0 : index
    %swap3A_7 = arith.constant 0 : index
    %swap3A_8 = vector.load %arg3[%swap3A, %swap3A_7] : memref<1024x32xf32, #tpu.memory_space<vmem>>, vector<1024x32xf32>
    tpu.vector_store %arg3[%swap3A, %swap3A_7], %reduce_sum3A_6 {strides = array<i32>} : memref<1024x32xf32, #tpu.memory_space<vmem>>, vector<1024x32xf32>,
    %reshape3A_9 = vector.shape_cast %slice3A : vector<8192x32xf32> to vector<1024x8x32xf32>
    %slice3A_10 = vector.extract_strided_slice %reshape3A_9 {offsets = [0, 0, 0], sizes = [1024, 1, 32], strides = [1, 1, 1]} : vector<1024x8x32xf32> to vector<1024x1x32xf32>
    %squeeze3A = vector.shape_cast %slice3A_10 : vector<1024x1x32xf32> to vector<1024x32xf32>
    %swap3A_11 = arith.constant 0 : index
    %swap3A_12 = arith.constant 0 : index
    %swap3A_13 = vector.load %arg4[%swap3A_11, %swap3A_12] : memref<1024x32xf32, #tpu.memory_space<vmem>>, vector<1024x32xf32>
    tpu.vector_store %arg4[%swap3A_11, %swap3A_12], %squeeze3A {strides = array<i32>} : memref<1024x32xf32, #tpu.memory_space<vmem>>, vector<1024x32xf32>,
    return
  }
  func.func @transform_0(%arg0: i32) -> (i32, i32) {
    %c0_i32 = arith.constant 0 : i32
    %c0_i32_0 = arith.constant 0 : i32
    return %arg0, %c0_i32 : i32, i32
  }
  func.func @transform_1(%arg0: i32) -> (i32, i32) {
    %c0_i32 = arith.constant 0 : i32
    %c0_i32_0 = arith.constant 0 : i32
    return %arg0, %c0_i32 : i32, i32
  }
  func.func @transform_2(%arg0: i32) -> (i32, i32) {
    %c0_i32 = arith.constant 0 : i32
    %c0_i32_0 = arith.constant 0 : i32
    return %arg0, %c0_i32 : i32, i32
  }
  func.func @transform_3(%arg0: i32) -> (i32, i32) {
    %c0_i32 = arith.constant 0 : i32
    %c0_i32_0 = arith.constant 0 : i32
    return %arg0, %c0_i32 : i32, i32
  }
}

</mosaic_0001>

<sc_bundles>
// kernel: kernel.14.cloned.1.call-start
scs
__scs_entry_jumppad:
0x0: {  	(pc) =	sbr.rel $0x88, $3  }
0x1: {  	(tag) =	ssettag $0x0;
	lr =	simm.s32 $0x1  }
0x2: {  	[smem:$0x3F9F] =	sst lr;
	_ =	strace $0xD0000000  }
0x3: {  	_ = 	snop  }
0x4: {  	_ = 	snop  }
0x5: {  	_ = 	snop  }
0x6: {  	_ = 	snop  }
0x7: {  	_ = 	snop  }
__scs_overlays_trampoline_lowered:
0x8: {  	[smem:$0x3FAE] =	sst s0  }
0x9: {  	[smem:$0x3FAF] =	sst s1  }
0xa: {  	[smem:$0x3FB0] =	sst s2  }
0xb: {  	[smem:$0x3FB1] =	sst s3  }
0xc: {  	[smem:$0x3FB2] =	sst s4  }
0xd: {  	[smem:$0x3FB3] =	sst s5  }
0xe: {  	[smem:$0x3FB4] =	sst s6  }
0xf: {  	[smem:$0x3FB5] =	sst s7  }
0x10: {  	[smem:$0x3FB6] =	sst s8  }
0x11: {  	[smem:$0x3FB7] =	sst s9;
	s0 =	simm.s32 @!p0 $0x0  }
0x12: {  	s1 =	sld [smem:$0x3F9D];
	s0 =	simm.s32 @p0 $0x1  }
0x13: {  	[smem:$0x3FB8] =	sst s0;
	s0 =	simm.s32 @!p1 $0x0  }
0x14: {  	s2 =	sld [smem:$0x3F9C];
	s0 =	simm.s32 @p1 $0x1  }
0x15: {  	[smem:$0x3FB9] =	sst s0;
	s0 =	simm.s32 @!p2 $0x0  }
0x16: {  	s3 =	sld [smem:$0x3FDB];
	s0 =	simm.s32 @p2 $0x1  }
0x17: {  	s4 =	simm.s32 $0x1BF5;
	[smem:$0x3FBB] =	sst s0  }
0x18: {  	s0 =	sld [smem:$0x3F9E];
	_ =	swait.ge [sflag:s4], $0x0  }
0x19: {  	s7 =	sld [smem:$0x3F9F]  }
0x1a: {  	s8 =	sadd.s32 $0xFFFFE003, lr  }
0x1b: {  	s9 =	sadd.s32 $0xFFFFFEF7, lr;
	s5 =	simm.s32 $0xFFFFFFFF;
	p2 =	slt.u32 s8, $0xFFFFF086  }
0x1c: {  	p1 =	slt.u32 s9, $0xF7A;
	s5 =	simm.s32 @!p2 $0x0  }
0x1d: {  	s5 =	simm.s32 @p1 $0x1;
	p0 =	seq.s32 s7, s2  }
0x1e: {  	s7 =	smul.u32 @!p0 $0xF7A, s2;
	p2 =	seq.s32 @!p0 s5, $0x0  }
0x1f: {  	s9 =	smul.u32 $0xF7A, s1;
	s8 =	simm.s32 @!p0 $0x1BF5;
	p2 =	por !p2, p0  }
0x20: {  	[sflag:s8] =	ssyncset.s32 @!p0 $0xFFFFF086;
	s6 =	sadd.s32 @!p0 s3, s7;
	s7 =	simm.s32 @!p0 $0x108  }
0x21: {  	s3 =	sadd.s32 s3, s9;
	s6 =	sadd.s32 @!p0 $0x88, s6;
	s7 =	simm.s32 @p2 $0x1082  }
0x22: {  	[simem:s7], [sflag:s8] =	dma.local @!p0 [hbm:s6], $0xF7A  }
0x23: {  	s9 =	sor.u32 $0xD0000000, s2;
	s6 =	simm.s32 $0x108;
	_ =	swait.ge @!p0 [sflag:s8], $0x0  }
0x24: {  	s3 =	sadd.s32 $0x88, s3;
	s6 =	simm.s32 @!p1 $0x1082;
	[sflag:s4] =	ssyncset.s32 $0xFFFFF086  }
0x25: {  	[simem:s6], [sflag:s4] =	dma.local [hbm:s3], $0xF7A  }
0x26: {  	[smem:$0x3F9F] =	sst s1;
	(tag) =	ssettag s2;
	_ =	strace s9  }
0x27: {  	s1 =	sld [smem:$0x3FAF]  }
0x28: {  	s2 =	sld [smem:$0x3FB0]  }
0x29: {  	s4 =	sld [smem:$0x3FB2]  }
0x2a: {  	p0 =	seq.s32 s5, $0x0;
	s5 =	sld [smem:$0x3FB3]  }
0x2b: {  	s6 =	sld [smem:$0x3FB4]  }
0x2c: {  	s7 =	sld [smem:$0x3FB5]  }
0x2d: {  	s3 =	simm.s32 $0x108;
	s8 =	sld [smem:$0x3FB6]  }
0x2e: {  	s3 =	simm.s32 @!p0 $0x1082;
	s9 =	sld [smem:$0x3FB7]  }
0x2f: {  	lr =	sadd.s32 s0, s3;
	s0 =	sld [smem:$0x3FAE]  }
0x30: {  	s3 =	sld [smem:$0x3FB1]  }
0x31: {  	[smem:$0x3FBA] =	sst s10  }
0x32: {  	s10 =	sld [smem:$0x3FB8];
	_ =	sdelay $0x3  }
0x33: {  	p0 =	seq.s32 s10, $0x1;
	s10 =	sld [smem:$0x3FBA];
	_ =	sdelay $0x3  }
0x34: {  	[smem:$0x3FBA] =	sst s10  }
0x35: {  	s10 =	sld [smem:$0x3FB9];
	_ =	sdelay $0x3  }
0x36: {  	p1 =	seq.s32 s10, $0x1;
	s10 =	sld [smem:$0x3FBA];
	_ =	sdelay $0x3  }
0x37: {  	[smem:$0x3FBA] =	sst s10  }
0x38: {  	s10 =	sld [smem:$0x3FBB]  }
0x39: {  	_ = 	snop;
	(pc) =	sbr.ind lr, $3  }
0x3a: {  	_ = 	snop  }
0x3b: {  	_ = 	snop  }
0x3c: {  	p2 =	seq.s32 s10, $0x1;
	s10 =	sld [smem:$0x3FBA]  }
0x3d: {  	_ =	shalt  }
0x3e: {  	_ =	shalt  }
0x3f: {  	_ =	shalt  }
0x40: {  	_ =	shalt  }
0x41: {  	_ =	shalt  }
0x42: {  	_ =	shalt  }
0x43: {  	_ =	shalt  }
0x44: {  	_ =	shalt  }
0x45: {  	_ =	shalt  }
0x46: {  	_ =	shalt  }
0x47: {  	_ =	shalt  }
0x48: {  	_ =	shalt  }
0x49: {  	_ =	shalt  }
0x4a: {  	_ =	shalt  }
0x4b: {  	_ =	shalt  }
0x4c: {  	_ =	shalt  }
0x4d: {  	_ =	shalt  }
0x4e: {  	_ =	shalt  }
0x4f: {  	_ =	shalt  }
0x50: {  	_ =	shalt  }
0x51: {  	_ =	shalt  }
0x52: {  	_ =	shalt  }
0x53: {  	_ =	shalt  }
0x54: {  	_ =	shalt  }
0x55: {  	_ =	shalt  }
0x56: {  	_ =	shalt  }
0x57: {  	_ =	shalt  }
0x58: {  	_ =	shalt  }
0x59: {  	_ =	shalt  }
0x5a: {  	_ =	shalt  }
0x5b: {  	_ =	shalt  }
0x5c: {  	_ =	shalt  }
0x5d: {  	_ =	shalt  }
0x5e: {  	_ =	shalt  }
0x5f: {  	_ =	shalt  }
0x60: {  	_ =	shalt  }
0x61: {  	_ =	shalt  }
0x62: {  	_ =	shalt  }
0x63: {  	_ =	shalt  }
0x64: {  	_ =	shalt  }
0x65: {  	_ =	shalt  }
0x66: {  	_ =	shalt  }
0x67: {  	_ =	shalt  }
0x68: {  	_ =	shalt  }
0x69: {  	_ =	shalt  }
0x6a: {  	_ =	shalt  }
0x6b: {  	_ =	shalt  }
0x6c: {  	_ =	shalt  }
0x6d: {  	_ =	shalt  }
0x6e: {  	_ =	shalt  }
0x6f: {  	_ =	shalt  }
0x70: {  	_ =	shalt  }
0x71: {  	_ =	shalt  }
0x72: {  	_ =	shalt  }
0x73: {  	_ =	shalt  }
0x74: {  	_ =	shalt  }
0x75: {  	_ =	shalt  }
0x76: {  	_ =	shalt  }
0x77: {  	_ =	shalt  }
0x78: {  	_ =	shalt  }
0x79: {  	_ =	shalt  }
0x7a: {  	_ =	shalt  }
0x7b: {  	_ =	shalt  }
0x7c: {  	_ =	shalt  }
0x7d: {  	_ =	shalt  }
0x7e: {  	_ =	shalt  }
0x7f: {  	_ =	shalt  }
0x80: {  	_ =	shalt  }
0x81: {  	_ =	shalt  }
0x82: {  	_ =	shalt  }
0x83: {  	_ =	shalt  }
0x84: {  	_ =	shalt  }
0x85: {  	_ =	shalt  }
0x86: {  	_ =	shalt  }
0x87: {  	_ =	shalt  }
.Lfunc_end0:
.L_simem_size_0:
called_computation_lowered:
.L_overlay_start_0:
0x88: {  	s2 =	sld [smem:$0x3FD9]  }
0x89: {  	s3 =	sld [smem:$0x3FFE];
	_ =	sdelay $0x1  }
0x8a: {  	s1 =	srdreg.scid  }
0x8b: {  	s0 =	sand.u32 $0x1, s1  }
0x8c: {  	s16 =	sshll.u32 s0, $0xA;
	s2 =	sadd.s32 s3, s2  }
0x8d: {  	s2 =	sadd.s32 s2, s16  }
0x8e: {  	[smem:$0x3FC6] =	sst s2  }
0x8f: {  	_ = 	snop  }
0x90: {  	(tm) =	ssettm $0x1  }
0x91: {  	s17 =	sld [smem:$0x3FFB];
	_ =	sdelay $0x3  }
0x92: {  	_ =	strace s17  }
0x93: {  	s2 =	sld [smem:$0x3FFC];
	_ =	sdelay $0x3  }
0x94: {  	_ =	strace s2  }
0x95: {  	s2 =	sld [smem:$0x3FFD];
	_ =	sdelay $0x3  }
0x96: {  	_ =	strace s2  }
0x97: {  	_ =	strace $0x8FFFFFFF  }
0x98: {  	s18 =	sld [smem:$0x3FDB];
	_ =	sdelay $0x1  }
0x99: {  	s19 =	simm.s32 $_scs_section_size  }
0x9a: {  	s4 =	simm.s32 $_size__tile_overlayer_lowered;
	s5 =	simm.s32 $_tile_overlayer_lowered  }
0x9b: {  	s22 =	simm.s32 $0x1BFF;
	s21 =	sshll.u32 s5, $0x1;
	s2 =	sadd.s32 s19, s18  }
0x9c: {  	s6 =	simm.s32 $0x0;
	s20 =	sshll.u32 s4, $0x1;
	s4 =	sadd.s32 s21, s2  }
0x9d: {  	[timem:s6], [sflag:s22] =	dma.local [hbm:s4], s20  }
0x9e: {  	_ =	swait.ge [sflag:s22], s20  }
0x9f: {  	s3 =	ssub.s32 $0x0, s20;
	[sflag:s22] =	ssyncset.done $0x0  }
0xa0: {  	[sflag:s22] =	ssyncadd.s32 s3;
	_ =	sdelay $0x1  }
0xa1: {  	s23 =	simm.s32 $0x1B8B  }
0xa2: {  	_ =	swait.ge [sflag:s23], $0x1  }
0xa3: {  	[sflag:s23] =	ssyncset.done $0x0  }
0xa4: {  	s25 =	simm.s32 $0x1B8E;
	s24 =	sld [smem:$0x3FFE];
	[sflag:s23] =	ssyncadd.s32 $0xFFFFFFFF  }
0xa5: {  	s26 =	simm.s32 $execute0_lowered;
	[smem:$0x3FD2] =	sst s25  }
0xa6: {  	s4 =	sshll.u32 s26, $0x1;
	_ =	strace $0x80000046;
	[dreg:$0x1] =	wrdreg $0xFFFFFFFF  }
0xa7: {  	s28 =	simm.s32 $_size_execute0_lowered;
	s2 =	sadd.s32 s2, s4;
	[dreg:$0x0] =	wrdreg $0x0  }
0xa8: {  	s4 =	sshll.u32 s28, $0x1;
	[dreg:$0x2] =	wrdreg s2  }
0xa9: {  	[dreg:$0x3] =	wrdreg s4  }
0xaa: {  	[dreg:$0x4] =	wrdreg $0xC0  }
0xab: {  	_ =	task [dreg:s6], $0x5FFFF  }
0xac: {  	[dreg:$0x1] =	wrdreg $0xFFFFFFFF  }
0xad: {  	[dreg:$0x0] =	wrdreg $0x60  }
0xae: {  	[dreg:$0x2] =	wrdreg s24  }
0xaf: {  	[dreg:$0x3] =	wrdreg $0x9  }
0xb0: {  	_ =	task.clear_ibuf [dreg:s6], $0x4FFFF;
	_ =	strace $0x90000046  }
0xb1: {  	s29 =	simm.s32 $0x9;
	_ =	strace $0x8000004F  }
0xb2: {  	_ =	swait.ge [sflag:s29], $0x1  }
0xb3: {  	[sflag:s29] =	ssyncadd.s32 $0xFFFFFFFF  }
0xb4: {  	_ =	strace $0x9000004F  }
0xb5: {  	_ =	sfence  }
0xb6: {  	s30 =	sld [smem:$0x0];
	_ =	sdelay $0x2  }
0xb7: {  	s31 =	sshll.u32 s1, $0xD;
	s1 =	sshrl.u32 s1, $0x2  }
0xb8: {  	s3 =	sand.u32 $0x4000, s31;
	s1 =	sadd.s32 s1, s30  }
0xb9: {  	s0 =	sor.u32 s3, s0;
	s1 =	sshll.u32 s1, $0x11  }
0xba: {  	s0 =	sor.u32 s1, s0  }
0xbb: {  	s0 =	sadd.s32 $0x8F2B, s0  }
0xbc: {  	[sflag:s0] =	ssyncadd.remote.s32 $0x1  }
0xbd: {  	_ =	sfence.sel $0xFFFF  }
0xbe: {  	[dreg:$0x0] =	wrdreg $0xFFFFFFFF;
	(pc) =	sbr.abs _section_cstart, $3  }
0xbf: {  	[dreg:$0x1] =	wrdreg $0xFFFFFFFF  }
0xc0: {  	_ =	task.clear_ibuf [dreg:s6], $0x2FFFF;
	_ =	strace $0x9FFFFFFF  }
0xc1: {  	(tm) =	ssettm $0x7FFFFFFF  }
tec
execute0_lowered:
.L_overlay_start_1:
0x0: {  	(tag) =	ssettag $0x1  }
0x1: {  	s2 =	rddreg [dreg:$0x0]  }
0x2: {  	s0 =	rddreg [dreg:$0x1]  }
0x3: {  	s1 =	simm.s32 $0x0;
	s3 =	srdreg.scid;
	s8 =	simm.s32 $0x80  }
0x4: {  	s7 =	simm.s32 $0x1;
	s9 =	simm.s32 $0x4;
	s10 =	simm.s32 $0x0  }
0x5: {  	[smem:$0x7FF] =	sst s1;
	s4 =	sadd.s32 $0x3E00, s2;
	s5 =	sand.u32 $0x1, s3  }
0x6: {  	s3 =	sadd.s32 $0x2E00, s2;
	s30 =	sadd.s32 $0x23E00, s2;
	s2 =	stileid.u32  }
0x7: {  	_ =	strace $0x80000047;
	[dreg:$0x2] =	wrdreg s4;
	s29 =	ssub.s32 $0x2, s5  }
0x8: {  	[dreg:$0x4] =	wrdreg s30;
	s31 =	sshll.u32 s2, $0x8;
	s6 =	sshrl.u32 s29, $0x1  }
0x9: {  	s4 =	sshll.u32 s2, $0x4;
	[dreg:$0x3] =	wrdreg s8;
	s6 =	ssub.s32 s29, s6  }
0xa: {  	s8 =	simm.s32 $0x5;
	s5 =	sadd.s32 s3, s31;
	s6 =	smax.u32 s6, $0x1  }
.LBB2_1:
0xb: {  	_ =	strace $0x80000048;
	s11 =	simm.s32 $0x1;
	p0 =	por $0x0, $0x0  }
0xc: {  	[tilespmem:s1], [sflag:$0x1] =	stream.linear.gather [hbm4b:s5+s1], $0x80, $0x200038;
	[tilespmem:$0x8100] =	vst v63  }
0xd: {  	s11 =	simm.s32 @p0 $0x0  }
0xe: {  	p4 =	por $0x1, $0x1;
	s20 =	sand.u32 $0x1, s1;
	p1 =	sne.s32 s11, $0x0  }
0xf: {  	p2 =	por $0x1, $0x1;
	s18 =	simm.s32 $0xE;
	p0 =	por !p4, !p1  }
0x10: {  	s16 =	simm.s32 $0x0;
	p5 =	por $0x0, $0x0;
	p0 =	por !p0, !p0  }
0x11: {  	s23 =	sadd.s32 $0x0, s4;
	s30 =	sadd.s32 $0x1, s20;
	s12 =	sadd.s32 @p0 s4, s11  }
0x12: {  	_ =	strace $0x90000048;
	s13 =	sand.u32 @p0 $0x1, s7;
	s12 =	sshll.u32 @p0 s12, $0x4  }
0x13: {  	_ =	strace @p0 $0x80000049;
	s15 =	simm.s32 @p0 $0x0;
	s12 =	sand.u32 @p0 $0x1FFFFFF0, s12  }
0x14: {  	s14 =	sshll.u32 @p0 s13, $0x7;
	s13 =	sadd.s32 @p0 $0x1, s13;
	s12 =	sadd.s32 @p0 s3, s12  }
0x15: {  	[tilespmem:s14], [sflag:s13] =	stream.linear.gather @p0 [hbm4b:s12+s15], $0x80, $0x200038;
	[tilespmem:$0x8100] =	vst v63  }
0x16: {  	p3 =	por p2, p2;
	s21 =	sshll.u32 s20, $0xE;
	_ =	strace @p0 $0x90000049  }
0x17: {  	s16 =	sand.u32 $0x80, s16;
	p2 =	por p5, p5;
	_ =	strace $0x8000004A  }
0x18: {  	s17 =	sadd.s32 $0x1, s11;
	s22 =	sor.u32 $0x100, s21;
	_ =	swait.ge [sflag:s30], $0x80  }
0x19: {  	s21 =	simm.s32 $0x1;
	p6 =	por p1, p1;
	[sflag:s30] =	ssyncset.done $0x0  }
0x1a: {  	p1 =	por p3, p3;
	p4 =	por $0x1, $0x1;
	[sflag:s30] =	ssyncadd.s32 $0xFFFFFF80  }
0x1b: {  	s12 =	simm.s32 $0xF;
	s15 =	sand.u32 @!p3 $0x1, s1;
	_ =	strace $0x9000004A  }
0x1c: {  	s13 =	simm.s32 $0x1;
	p3 =	seq.s32 s17, $0x10;
	_ =	strace $0x8000004B  }
0x1d: {  	s13 =	simm.s32 @!p0 $0x0;
	s17 =	simm.s32 @p3 $0x0;
	s19 =	rddreg [dreg:$0x3]  }
0x1e: {  	p0 =	por $0x0, $0x0;
	s14 =	sadd.s32 $0x1, s13;
	s31 =	rddreg [dreg:$0x2]  }
0x1f: {  	[tilespmem:s22], [sflag:$0x5] =	stream.indirect.gather [hbm4b:s31+s19], $0x80, s16, s19, $0x2000b8;
	[tilespmem:$0x8100] =	vst v63  }
0x20: {  	p3 =	sne.s32 s11, s17;
	s21 =	simm.s32 @!p0 $0x0;
	_ =	swait.ge [sflag:s8], $0x4000  }
0x21: {  	p5 =	por !p4, !p3;
	p4 =	por $0x0, $0x0;
	[sflag:s8] =	ssyncset.done $0x0  }
0x22: {  	s13 =	simm.s32 $0x0;
	p6 =	por p4, p6;
	[sflag:s8] =	ssyncadd.s32 $0xFFFFC000  }
0x23: {  	s16 =	simm.s32 $0x0;
	s19 =	simm.s32 $0x0;
	_ =	strace $0x9000004B  }
.LBB2_2:
0x24: {  	_ =	strace @p6 $0x8000004C;
	s13 =	sadd.s32 s21, s13;
	s21 =	smov.u32 s12  }
0x25: {  	s12 =	smov.u32 s18;
	s18 =	sadd.s32 $0xFFFFFFFF, s18;
	p0 =	por p3, p3  }
0x26: {  	s28 =	sshll.u32 @p6 s23, $0xB;
	s20 =	sadd.s32 @p6 $0x3, s20;
	s24 =	simm.s32 @!p0 $0x0  }
0x27: {  	s25 =	rddreg [dreg:$0x4];
	s28 =	sand.u32 @p6 $0x1FFFF800, s28;
	s24 =	simm.s32 @p0 $0x1  }
0x28: {  	s25 =	sadd.s32 @p6 s25, s28;
	s28 =	simm.s32 @p6 $0x0;
	p0 =	sne.s32 s18, $0x0  }
0x29: {  	[hbm4b:s25+s28] =	stream.linear.scatter @p6 [tilespmem:s22], [sflag:s20], $0x4000, $0x200038;
	[tilespmem:$0x8100] =	vst v63  }
0x2a: {  	s20 =	sadd.s32 @!p1 $0x3, s15;
	s15 =	simm.s32 @!p0 $0x0  }
0x2b: {  	s26 =	simm.s32 $0x1;
	[smem:$0x7FC] =	sst s24;
	s15 =	simm.s32 @p0 $0x1  }
0x2c: {  	s26 =	simm.s32 @!p6 $0x0;
	_ =	strace @p6 $0x9000004C;
	[smem:$0x7FD] =	sst s15  }
0x2d: {  	p5 =	por !p5, !p5;
	s19 =	sadd.s32 s26, s19;
	_ =	strace @!p1 $0x8000004D  }
0x2e: {  	s24 =	sand.u32 @!p2 $0x1, s13;
	s22 =	sand.u32 @p5 $0x1, s14;
	_ =	swait.ge @!p1 [sflag:s20], $0x4000  }
0x2f: {  	s15 =	smov.u32 s24;
	s24 =	sadd.s32 @p5 s4, s17;
	[sflag:s20] =	ssyncset.done @!p1 $0x0  }
0x30: {  	s25 =	sshll.u32 @p5 s22, $0x7;
	s24 =	sshll.u32 @p5 s24, $0x4;
	[sflag:s20] =	ssyncadd.s32 @!p1 $0xFFFFC000  }
0x31: {  	s20 =	sadd.s32 @p5 $0x1, s22;
	s22 =	sand.u32 @p5 $0x1FFFFFF0, s24;
	_ =	strace @!p1 $0x9000004D  }
0x32: {  	s24 =	simm.s32 @p5 $0x0;
	s22 =	sadd.s32 @p5 s3, s22;
	_ =	strace @p5 $0x80000049  }
0x33: {  	[tilespmem:s25], [sflag:s20] =	stream.linear.gather @p5 [hbm4b:s22+s24], $0x80, $0x200038;
	[tilespmem:$0x8100] =	vst v63  }
0x34: {  	s16 =	sadd.s32 s26, s16;
	s26 =	sand.u32 $0x1, s19;
	_ =	strace @p5 $0x90000049  }
0x35: {  	s24 =	sadd.s32 $0x1, s26;
	_ =	strace $0x8000004A  }
0x36: {  	_ =	swait.ge [sflag:s24], $0x80  }
0x37: {  	[sflag:s24] =	ssyncset.done $0x0  }
0x38: {  	s20 =	simm.s32 $0x1;
	[sflag:s24] =	ssyncadd.s32 $0xFFFFFF80  }
0x39: {  	s20 =	simm.s32 @!p5 $0x0;
	_ =	strace $0x9000004A  }
0x3a: {  	s14 =	sadd.s32 s20, s14;
	s20 =	sand.u32 $0x1, s16;
	_ =	strace $0x8000004B  }
0x3b: {  	s29 =	sshll.u32 s19, $0x7;
	s25 =	sshll.u32 s20, $0xE;
	s26 =	rddreg [dreg:$0x3]  }
0x3c: {  	s29 =	sand.u32 $0x80, s29;
	s22 =	sor.u32 $0x100, s25;
	s30 =	rddreg [dreg:$0x2]  }
0x3d: {  	[tilespmem:s22], [sflag:$0x5] =	stream.indirect.gather [hbm4b:s30+s26], $0x80, s29, s26, $0x2000b8;
	[tilespmem:$0x8100] =	vst v63  }
0x3e: {  	_ =	swait.ge [sflag:s8], $0x4000  }
0x3f: {  	s31 =	sadd.s32 $0x1, s17;
	[sflag:s8] =	ssyncset.done $0x0  }
0x40: {  	s23 =	sadd.s32 s4, s11;
	s11 =	smov.u32 s17;
	[sflag:s8] =	ssyncadd.s32 $0xFFFFC000  }
0x41: {  	p3 =	seq.s32 s31, $0x10;
	s17 =	smov.u32 s31;
	_ =	strace $0x9000004B  }
0x42: {  	s17 =	simm.s32 @p3 $0x0;
	s31 =	sld [smem:$0x7FD]  }
0x43: {  	p6 =	sne.s32 s12, $0x1;
	p0 =	sne.s32 s21, $0x10;
	p3 =	sne.s32 s11, s17  }
0x44: {  	p5 =	por !p6, !p3;
	p6 =	seq.s32 s21, $0x1;
	s21 =	simm.s32 $0x1  }
0x45: {  	s21 =	simm.s32 @!p0 $0x0;
	p0 =	seq.s32 s31, $0x1  }
.Ltmp0:
0x46: {  	s30 =	sld [smem:$0x7FC];
	(pc) =	sbr.rel @p0 .LBB2_2-.Ltmp0, $4  }
0x47: {  	_ = 	snop  }
0x48: {  	p4 =	seq.s32 s12, $0x10  }
0x49: {  	p1 =	por p2, p2;
	p2 =	por p4, p4;
	p4 =	seq.s32 s30, $0x1  }
0x4a: {  	p6 =	por p6, p4  }
0x4b: {  	_ =	strace @p6 $0x8000004C;
	s23 =	sshll.u32 @p6 s23, $0xB  }
0x4c: {  	s18 =	rddreg [dreg:$0x4];
	s23 =	sand.u32 @p6 $0x1FFFF800, s23  }
0x4d: {  	s20 =	sadd.s32 @p6 $0x3, s20;
	s18 =	sadd.s32 @p6 s18, s23;
	s23 =	simm.s32 @p6 $0x0  }
0x4e: {  	[hbm4b:s18+s23] =	stream.linear.scatter @p6 [tilespmem:s22], [sflag:s20], $0x4000, $0x200038;
	[tilespmem:$0x8100] =	vst v63  }
0x4f: {  	p0 =	por !p5, !p5;
	_ =	strace @p6 $0x9000004C  }
0x50: {  	s15 =	sadd.s32 @!p1 $0x3, s15;
	s17 =	sadd.s32 @p0 s4, s17;
	_ =	strace @!p1 $0x8000004D  }
0x51: {  	s14 =	sand.u32 @p0 $0x1, s14;
	s17 =	sshll.u32 @p0 s17, $0x4;
	_ =	swait.ge @!p1 [sflag:s15], $0x4000  }
0x52: {  	s18 =	simm.s32 $0x1;
	s20 =	sshll.u32 @p0 s14, $0x7;
	[sflag:s15] =	ssyncset.done @!p1 $0x0  }
0x53: {  	s14 =	sadd.s32 @p0 $0x1, s14;
	s18 =	simm.s32 @!p6 $0x0;
	[sflag:s15] =	ssyncadd.s32 @!p1 $0xFFFFC000  }
0x54: {  	s19 =	sadd.s32 s18, s19;
	s15 =	sand.u32 @p0 $0x1FFFFFF0, s17;
	_ =	strace @!p1 $0x9000004D  }
0x55: {  	s17 =	simm.s32 @p0 $0x0;
	s15 =	sadd.s32 @p0 s3, s15;
	_ =	strace @p0 $0x80000049  }
0x56: {  	[tilespmem:s20], [sflag:s14] =	stream.linear.gather @p0 [hbm4b:s15+s17], $0x80, $0x200038;
	[tilespmem:$0x8100] =	vst v63  }
0x57: {  	s25 =	sand.u32 $0x1, s19;
	_ =	strace @p0 $0x90000049  }
0x58: {  	s14 =	sadd.s32 $0x1, s25;
	_ =	strace $0x8000004A  }
0x59: {  	_ =	swait.ge [sflag:s14], $0x80  }
0x5a: {  	[sflag:s14] =	ssyncset.done $0x0  }
0x5b: {  	[sflag:s14] =	ssyncadd.s32 $0xFFFFFF80  }
0x5c: {  	s26 =	sadd.s32 s18, s16;
	_ =	strace $0x9000004A  }
0x5d: {  	s14 =	sand.u32 $0x1, s26;
	_ =	strace $0x8000004B  }
0x5e: {  	s30 =	sshll.u32 s19, $0x7;
	s31 =	sshll.u32 s14, $0xE;
	s28 =	rddreg [dreg:$0x3]  }
0x5f: {  	s17 =	sand.u32 $0x80, s30;
	s18 =	sor.u32 $0x100, s31;
	s29 =	rddreg [dreg:$0x2]  }
0x60: {  	[tilespmem:s18], [sflag:$0x5] =	stream.indirect.gather [hbm4b:s29+s28], $0x80, s17, s28, $0x2000b8;
	[tilespmem:$0x8100] =	vst v63  }
0x61: {  	_ =	swait.ge [sflag:s8], $0x4000  }
0x62: {  	[sflag:s8] =	ssyncset.done $0x0  }
0x63: {  	p5 =	por p3, p3;
	p6 =	seq.s32 s12, $0x1;
	[sflag:s8] =	ssyncadd.s32 $0xFFFFC000  }
0x64: {  	s11 =	sadd.s32 s4, s11;
	p0 =	por p6, p5;
	_ =	strace $0x9000004B  }
0x65: {  	s11 =	sshll.u32 @p0 s11, $0xB;
	_ =	strace @p0 $0x8000004C  }
0x66: {  	s13 =	sadd.s32 s21, s13;
	s11 =	sand.u32 @p0 $0x1FFFF800, s11;
	s12 =	rddreg [dreg:$0x4]  }
0x67: {  	s14 =	sadd.s32 @p0 $0x3, s14;
	s11 =	sadd.s32 @p0 s12, s11;
	s12 =	simm.s32 @p0 $0x0  }
0x68: {  	[hbm4b:s11+s12] =	stream.linear.scatter @p0 [tilespmem:s18], [sflag:s14], $0x4000, $0x200038;
	[tilespmem:$0x8100] =	vst v63  }
0x69: {  	p1 =	por p2, p2;
	s11 =	sand.u32 @!p2 $0x1, s13;
	_ =	strace @p0 $0x9000004C  }
0x6a: {  	s11 =	sadd.s32 @!p1 $0x3, s11;
	_ =	strace @!p1 $0x8000004D  }
0x6b: {  	_ =	swait.ge @!p1 [sflag:s11], $0x4000  }
0x6c: {  	[sflag:s11] =	ssyncset.done @!p1 $0x0  }
0x6d: {  	s10 =	sadd.s32 $0x1, s10;
	[sflag:s11] =	ssyncadd.s32 @!p1 $0xFFFFC000  }
0x6e: {  	p0 =	sne.s32 s10, s6;
	_ =	strace @!p1 $0x9000004D  }
.Ltmp1:
0x6f: {  	_ =	strace $0x8000004E;
	(pc) =	sbr.rel @p0 .LBB2_1-.Ltmp1, $4  }
0x70: {  	_ =	swait.ge [sflag:s9], $0x4000  }
0x71: {  	[sflag:s9] =	ssyncset.done $0x0  }
0x72: {  	[sflag:s9] =	ssyncadd.s32 $0xFFFFC000  }
0x73: {  	_ =	strace $0x9000004E  }
0x74: {  	_ =	sfence.sel $0x180000  }
0x75: {  	[bflag:$0x0] =	sbarrier.arrive $0xFFFF  }
0x76: {  	p0 =	sne.s32 s2, $0x0;
	_ =	strace $0x90000047  }
0x77: {  	s0 =	sadd.s32 @!p0 $0x100000, s0;
	[bflag:$0x2] =	sbarrier.arrive $0xFFFF  }
0x78: {  	[sflag:s0] =	ssyncadd.tile.s32 @!p0 $0x1;
	_ =	shalt  }
.Lfunc_end2:
_tile_overlayer_lowered:
.L_overlay_start_2:
0x79: {  	(tag) =	ssettag $0x2  }
0x7a: {  	s0 =	rddreg [dreg:$0x0];
	s2 =	stileid.u32  }
0x7b: {  	s1 =	rddreg [dreg:$0x1];
	p0 =	sne.s32 s2, $0x0  }
0x7c: {  	s3 =	rddreg [dreg:$0x2];
	[bflag:$0x3] =	sbarrier.arrive $0xFFFF;
	s2 =	simm.s32 @!p0 $0x1C01  }
0x7d: {  	[timem:s3], [sflag:s2] =	dma.local @!p0 [hbm:s0], s1  }
0x7e: {  	s0 =	simm.s32 @!p0 $0x1  }
0x7f: {  	_ =	swait.ge @!p0 [sflag:s0], s1  }
0x80: {  	s1 =	ssub.s32 @!p0 $0x0, s1;
	[sflag:s0] =	ssyncset.done @!p0 $0x0  }
0x81: {  	[sflag:s0] =	ssyncadd.s32 @!p0 s1  }
0x82: {  	[bflag:$0x3] =	sbarrier.arrive $0xFFFF  }
0x83: {  	_ =	shalt  }

// kernel: kernel.17.cloned.1.call-start
scs
__scs_entry_jumppad:
0x0: {  	(pc) =	sbr.rel $0x88, $3  }
0x1: {  	(tag) =	ssettag $0x0;
	lr =	simm.s32 $0x1  }
0x2: {  	[smem:$0x3F9F] =	sst lr;
	_ =	strace $0xD0000000  }
0x3: {  	_ = 	snop  }
0x4: {  	_ = 	snop  }
0x5: {  	_ = 	snop  }
0x6: {  	_ = 	snop  }
0x7: {  	_ = 	snop  }
__scs_overlays_trampoline_lowered:
0x8: {  	[smem:$0x3FAE] =	sst s0  }
0x9: {  	[smem:$0x3FAF] =	sst s1  }
0xa: {  	[smem:$0x3FB0] =	sst s2  }
0xb: {  	[smem:$0x3FB1] =	sst s3  }
0xc: {  	[smem:$0x3FB2] =	sst s4  }
0xd: {  	[smem:$0x3FB3] =	sst s5  }
0xe: {  	[smem:$0x3FB4] =	sst s6  }
0xf: {  	[smem:$0x3FB5] =	sst s7  }
0x10: {  	[smem:$0x3FB6] =	sst s8  }
0x11: {  	[smem:$0x3FB7] =	sst s9;
	s0 =	simm.s32 @!p0 $0x0  }
0x12: {  	s1 =	sld [smem:$0x3F9D];
	s0 =	simm.s32 @p0 $0x1  }
0x13: {  	[smem:$0x3FB8] =	sst s0;
	s0 =	simm.s32 @!p1 $0x0  }
0x14: {  	s2 =	sld [smem:$0x3F9C];
	s0 =	simm.s32 @p1 $0x1  }
0x15: {  	[smem:$0x3FB9] =	sst s0;
	s0 =	simm.s32 @!p2 $0x0  }
0x16: {  	s3 =	sld [smem:$0x3FDB];
	s0 =	simm.s32 @p2 $0x1  }
0x17: {  	s4 =	simm.s32 $0x1BF5;
	[smem:$0x3FBB] =	sst s0  }
0x18: {  	s0 =	sld [smem:$0x3F9E];
	_ =	swait.ge [sflag:s4], $0x0  }
0x19: {  	s7 =	sld [smem:$0x3F9F]  }
0x1a: {  	s8 =	sadd.s32 $0xFFFFE003, lr  }
0x1b: {  	s9 =	sadd.s32 $0xFFFFFEF7, lr;
	s5 =	simm.s32 $0xFFFFFFFF;
	p2 =	slt.u32 s8, $0xFFFFF086  }
0x1c: {  	p1 =	slt.u32 s9, $0xF7A;
	s5 =	simm.s32 @!p2 $0x0  }
0x1d: {  	s5 =	simm.s32 @p1 $0x1;
	p0 =	seq.s32 s7, s2  }
0x1e: {  	s7 =	smul.u32 @!p0 $0xF7A, s2;
	p2 =	seq.s32 @!p0 s5, $0x0  }
0x1f: {  	s9 =	smul.u32 $0xF7A, s1;
	s8 =	simm.s32 @!p0 $0x1BF5;
	p2 =	por !p2, p0  }
0x20: {  	[sflag:s8] =	ssyncset.s32 @!p0 $0xFFFFF086;
	s6 =	sadd.s32 @!p0 s3, s7;
	s7 =	simm.s32 @!p0 $0x108  }
0x21: {  	s3 =	sadd.s32 s3, s9;
	s6 =	sadd.s32 @!p0 $0x88, s6;
	s7 =	simm.s32 @p2 $0x1082  }
0x22: {  	[simem:s7], [sflag:s8] =	dma.local @!p0 [hbm:s6], $0xF7A  }
0x23: {  	s9 =	sor.u32 $0xD0000000, s2;
	s6 =	simm.s32 $0x108;
	_ =	swait.ge @!p0 [sflag:s8], $0x0  }
0x24: {  	s3 =	sadd.s32 $0x88, s3;
	s6 =	simm.s32 @!p1 $0x1082;
	[sflag:s4] =	ssyncset.s32 $0xFFFFF086  }
0x25: {  	[simem:s6], [sflag:s4] =	dma.local [hbm:s3], $0xF7A  }
0x26: {  	[smem:$0x3F9F] =	sst s1;
	(tag) =	ssettag s2;
	_ =	strace s9  }
0x27: {  	s1 =	sld [smem:$0x3FAF]  }
0x28: {  	s2 =	sld [smem:$0x3FB0]  }
0x29: {  	s4 =	sld [smem:$0x3FB2]  }
0x2a: {  	p0 =	seq.s32 s5, $0x0;
	s5 =	sld [smem:$0x3FB3]  }
0x2b: {  	s6 =	sld [smem:$0x3FB4]  }
0x2c: {  	s7 =	sld [smem:$0x3FB5]  }
0x2d: {  	s3 =	simm.s32 $0x108;
	s8 =	sld [smem:$0x3FB6]  }
0x2e: {  	s3 =	simm.s32 @!p0 $0x1082;
	s9 =	sld [smem:$0x3FB7]  }
0x2f: {  	lr =	sadd.s32 s0, s3;
	s0 =	sld [smem:$0x3FAE]  }
0x30: {  	s3 =	sld [smem:$0x3FB1]  }
0x31: {  	[smem:$0x3FBA] =	sst s10  }
0x32: {  	s10 =	sld [smem:$0x3FB8];
	_ =	sdelay $0x3  }
0x33: {  	p0 =	seq.s32 s10, $0x1;
	s10 =	sld [smem:$0x3FBA];
	_ =	sdelay $0x3  }
0x34: {  	[smem:$0x3FBA] =	sst s10  }
0x35: {  	s10 =	sld [smem:$0x3FB9];
	_ =	sdelay $0x3  }
0x36: {  	p1 =	seq.s32 s10, $0x1;
	s10 =	sld [smem:$0x3FBA];
	_ =	sdelay $0x3  }
0x37: {  	[smem:$0x3FBA] =	sst s10  }
0x38: {  	s10 =	sld [smem:$0x3FBB]  }
0x39: {  	_ = 	snop;
	(pc) =	sbr.ind lr, $3  }
0x3a: {  	_ = 	snop  }
0x3b: {  	_ = 	snop  }
0x3c: {  	p2 =	seq.s32 s10, $0x1;
	s10 =	sld [smem:$0x3FBA]  }
0x3d: {  	_ =	shalt  }
0x3e: {  	_ =	shalt  }
0x3f: {  	_ =	shalt  }
0x40: {  	_ =	shalt  }
0x41: {  	_ =	shalt  }
0x42: {  	_ =	shalt  }
0x43: {  	_ =	shalt  }
0x44: {  	_ =	shalt  }
0x45: {  	_ =	shalt  }
0x46: {  	_ =	shalt  }
0x47: {  	_ =	shalt  }
0x48: {  	_ =	shalt  }
0x49: {  	_ =	shalt  }
0x4a: {  	_ =	shalt  }
0x4b: {  	_ =	shalt  }
0x4c: {  	_ =	shalt  }
0x4d: {  	_ =	shalt  }
0x4e: {  	_ =	shalt  }
0x4f: {  	_ =	shalt  }
0x50: {  	_ =	shalt  }
0x51: {  	_ =	shalt  }
0x52: {  	_ =	shalt  }
0x53: {  	_ =	shalt  }
0x54: {  	_ =	shalt  }
0x55: {  	_ =	shalt  }
0x56: {  	_ =	shalt  }
0x57: {  	_ =	shalt  }
0x58: {  	_ =	shalt  }
0x59: {  	_ =	shalt  }
0x5a: {  	_ =	shalt  }
0x5b: {  	_ =	shalt  }
0x5c: {  	_ =	shalt  }
0x5d: {  	_ =	shalt  }
0x5e: {  	_ =	shalt  }
0x5f: {  	_ =	shalt  }
0x60: {  	_ =	shalt  }
0x61: {  	_ =	shalt  }
0x62: {  	_ =	shalt  }
0x63: {  	_ =	shalt  }
0x64: {  	_ =	shalt  }
0x65: {  	_ =	shalt  }
0x66: {  	_ =	shalt  }
0x67: {  	_ =	shalt  }
0x68: {  	_ =	shalt  }
0x69: {  	_ =	shalt  }
0x6a: {  	_ =	shalt  }
0x6b: {  	_ =	shalt  }
0x6c: {  	_ =	shalt  }
0x6d: {  	_ =	shalt  }
0x6e: {  	_ =	shalt  }
0x6f: {  	_ =	shalt  }
0x70: {  	_ =	shalt  }
0x71: {  	_ =	shalt  }
0x72: {  	_ =	shalt  }
0x73: {  	_ =	shalt  }
0x74: {  	_ =	shalt  }
0x75: {  	_ =	shalt  }
0x76: {  	_ =	shalt  }
0x77: {  	_ =	shalt  }
0x78: {  	_ =	shalt  }
0x79: {  	_ =	shalt  }
0x7a: {  	_ =	shalt  }
0x7b: {  	_ =	shalt  }
0x7c: {  	_ =	shalt  }
0x7d: {  	_ =	shalt  }
0x7e: {  	_ =	shalt  }
0x7f: {  	_ =	shalt  }
0x80: {  	_ =	shalt  }
0x81: {  	_ =	shalt  }
0x82: {  	_ =	shalt  }
0x83: {  	_ =	shalt  }
0x84: {  	_ =	shalt  }
0x85: {  	_ =	shalt  }
0x86: {  	_ =	shalt  }
0x87: {  	_ =	shalt  }
.Lfunc_end0:
.L_simem_size_0:
called_computation.1_lowered:
.L_overlay_start_0:
0x88: {  	s2 =	sld [smem:$0x3FD9]  }
0x89: {  	s3 =	sld [smem:$0x3FFE];
	_ =	sdelay $0x1  }
0x8a: {  	s1 =	srdreg.scid  }
0x8b: {  	s0 =	sand.u32 $0x1, s1  }
0x8c: {  	s17 =	sshll.u32 s0, $0xA;
	s2 =	sadd.s32 s3, s2  }
0x8d: {  	s2 =	sadd.s32 s2, s17  }
0x8e: {  	[smem:$0x3FC6] =	sst s2  }
0x8f: {  	_ = 	snop  }
0x90: {  	(tm) =	ssettm $0x1  }
0x91: {  	s18 =	sld [smem:$0x3FFB];
	_ =	sdelay $0x3  }
0x92: {  	_ =	strace s18  }
0x93: {  	s2 =	sld [smem:$0x3FFC];
	_ =	sdelay $0x3  }
0x94: {  	_ =	strace s2  }
0x95: {  	s2 =	sld [smem:$0x3FFD];
	_ =	sdelay $0x3  }
0x96: {  	_ =	strace s2  }
0x97: {  	_ =	strace $0x8FFFFFFF  }
0x98: {  	s19 =	sld [smem:$0x3FDB];
	_ =	sdelay $0x1  }
0x99: {  	s20 =	simm.s32 $_scs_section_size  }
0x9a: {  	s4 =	simm.s32 $_size__tile_overlayer_lowered;
	s5 =	simm.s32 $_tile_overlayer_lowered  }
0x9b: {  	s6 =	simm.s32 $0x1BFF;
	s21 =	sshll.u32 s5, $0x1;
	s3 =	sadd.s32 s20, s19  }
0x9c: {  	s22 =	simm.s32 $0x0;
	s4 =	sshll.u32 s4, $0x1;
	s5 =	sadd.s32 s21, s3  }
0x9d: {  	[timem:s22], [sflag:s6] =	dma.local [hbm:s5], s4  }
0x9e: {  	_ =	swait.ge [sflag:s6], s4  }
0x9f: {  	s4 =	ssub.s32 $0x0, s4;
	[sflag:s6] =	ssyncset.done $0x0  }
0xa0: {  	[sflag:s6] =	ssyncadd.s32 s4;
	_ =	sdelay $0x1  }
0xa1: {  	s23 =	simm.s32 $0x1B8B  }
0xa2: {  	_ =	swait.ge [sflag:s23], $0x1  }
0xa3: {  	[sflag:s23] =	ssyncset.done $0x0  }
0xa4: {  	[sflag:s23] =	ssyncadd.s32 $0xFFFFFFFF  }
0xa5: {  	s4 =	sld [smem:$0x0]  }
0xa6: {  	s5 =	sand.u32 $0xFFFFFFFE, s1  }
0xa7: {  	p0 =	sne.s32 s1, s5  }
0xa8: {  	s5 =	sshll.u32 @p0 s5, $0xE  }
0xa9: {  	s5 =	sadd.s32 @p0 $0x11B8D, s5;
	s6 =	sshll.u32 @p0 s4, $0x11  }
0xaa: {  	s5 =	sor.u32 @p0 s6, s5  }
0xab: {  	[sflag:s5] =	ssyncadd.remote.s32 @p0 $0x1;
	_ =	sdelay $0x1  }
0xac: {  	s5 =	simm.s32 @p0 $0x1B8D  }
0xad: {  	_ =	swait.eq @p0 [sflag:s5], $0x1  }
0xae: {  	[sflag:s5] =	ssyncadd.s32 @p0 $0xFFFFFFFF  }
0xaf: {  	s6 =	sshll.u32 @!p0 s1, $0xE  }
0xb0: {  	s6 =	sor.u32 @!p0 $0x4000, s6;
	s5 =	simm.s32 @!p0 $0x1B8D  }
0xb1: {  	s4 =	sshll.u32 @!p0 s4, $0x11;
	s6 =	sadd.s32 @!p0 $0x11B8D, s6;
	_ =	swait.eq @!p0 [sflag:s5], $0x1  }
0xb2: {  	s4 =	sor.u32 @!p0 s4, s6;
	[sflag:s5] =	ssyncadd.s32 @!p0 $0xFFFFFFFF  }
0xb3: {  	s25 =	simm.s32 $0x1B8E;
	s24 =	sld [smem:$0x3FFE];
	[sflag:s4] =	ssyncadd.remote.s32 @!p0 $0x1  }
0xb4: {  	s26 =	simm.s32 $execute0_lowered;
	[smem:$0x3FD2] =	sst s25  }
0xb5: {  	s5 =	sshll.u32 s26, $0x1;
	_ =	strace $0x80000050;
	[dreg:$0x1] =	wrdreg $0xFFFFFFFF  }
0xb6: {  	s28 =	simm.s32 $_size_execute0_lowered;
	s3 =	sadd.s32 s3, s5;
	[dreg:$0x0] =	wrdreg $0x0  }
0xb7: {  	s5 =	sshll.u32 s28, $0x1;
	[dreg:$0x2] =	wrdreg s3  }
0xb8: {  	[dreg:$0x3] =	wrdreg s5  }
0xb9: {  	[dreg:$0x4] =	wrdreg $0xC0  }
0xba: {  	_ =	task [dreg:s22], $0x5FFFF  }
0xbb: {  	[dreg:$0x1] =	wrdreg $0xFFFFFFFF  }
0xbc: {  	[dreg:$0x0] =	wrdreg $0x60  }
0xbd: {  	[dreg:$0x2] =	wrdreg s24  }
0xbe: {  	[dreg:$0x3] =	wrdreg $0xA  }
0xbf: {  	_ =	task.clear_ibuf [dreg:s22], $0x4FFFF;
	_ =	strace $0x90000050  }
0xc0: {  	s29 =	simm.s32 $0xA;
	_ =	strace $0x80000059  }
0xc1: {  	_ =	swait.ge [sflag:s29], $0x1  }
0xc2: {  	[sflag:s29] =	ssyncadd.s32 $0xFFFFFFFF  }
0xc3: {  	_ =	strace $0x90000059  }
0xc4: {  	_ =	sfence  }
0xc5: {  	s30 =	sld [smem:$0x0];
	_ =	sdelay $0x2  }
0xc6: {  	s31 =	sshll.u32 s1, $0xD;
	s1 =	sshrl.u32 s1, $0x2  }
0xc7: {  	s4 =	sand.u32 $0x4000, s31;
	s1 =	sadd.s32 s1, s30  }
0xc8: {  	s0 =	sor.u32 s4, s0;
	s1 =	sshll.u32 s1, $0x11  }
0xc9: {  	s0 =	sor.u32 s1, s0  }
0xca: {  	s0 =	sadd.s32 $0x8F2B, s0  }
0xcb: {  	[sflag:s0] =	ssyncadd.remote.s32 $0x1  }
0xcc: {  	_ =	sfence.sel $0xFFFF  }
0xcd: {  	[dreg:$0x0] =	wrdreg $0xFFFFFFFF;
	(pc) =	sbr.abs _section_cstart, $3  }
0xce: {  	[dreg:$0x1] =	wrdreg $0xFFFFFFFF  }
0xcf: {  	_ =	task.clear_ibuf [dreg:s22], $0x2FFFF;
	_ =	strace $0x9FFFFFFF  }
0xd0: {  	(tm) =	ssettm $0x7FFFFFFF  }
0xd1: {  	_ =	shalt  }
tec
execute0_lowered:
.L_overlay_start_1:
0x0: {  	(tag) =	ssettag $0x1  }
0x1: {  	s2 =	rddreg [dreg:$0x0]  }
0x2: {  	s0 =	rddreg [dreg:$0x1]  }
0x3: {  	s1 =	simm.s32 $0x0;
	s3 =	srdreg.scid;
	s8 =	simm.s32 $0x80  }
0x4: {  	s7 =	simm.s32 $0x1;
	s9 =	simm.s32 $0x4;
	s10 =	simm.s32 $0x0  }
0x5: {  	[smem:$0x7FF] =	sst s1;
	s4 =	sadd.s32 $0x3E00, s2;
	s5 =	sand.u32 $0x1, s3  }
0x6: {  	s3 =	sadd.s32 $0xA3E00, s2;
	s30 =	sadd.s32 $0xA4E00, s2;
	s2 =	stileid.u32  }
0x7: {  	_ =	strace $0x80000051;
	[dreg:$0x2] =	wrdreg s4;
	s29 =	ssub.s32 $0x2, s5  }
0x8: {  	[dreg:$0x4] =	wrdreg s30;
	s31 =	sshll.u32 s2, $0x8;
	s6 =	sshrl.u32 s29, $0x1  }
0x9: {  	s4 =	sshll.u32 s2, $0x4;
	[dreg:$0x3] =	wrdreg s8;
	s6 =	ssub.s32 s29, s6  }
0xa: {  	s8 =	simm.s32 $0x5;
	s5 =	sadd.s32 s3, s31;
	s6 =	smax.u32 s6, $0x1  }
.LBB2_1:
0xb: {  	_ =	strace $0x80000052;
	s11 =	simm.s32 $0x1;
	p0 =	por $0x0, $0x0  }
0xc: {  	[tilespmem:s1], [sflag:$0x1] =	stream.linear.gather [hbm4b:s5+s1], $0x80, $0x200038;
	[tilespmem:$0x8100] =	vst v63  }
0xd: {  	s11 =	simm.s32 @p0 $0x0  }
0xe: {  	p4 =	por $0x1, $0x1;
	s20 =	sand.u32 $0x1, s1;
	p1 =	sne.s32 s11, $0x0  }
0xf: {  	p2 =	por $0x1, $0x1;
	s18 =	simm.s32 $0xE;
	p0 =	por !p4, !p1  }
0x10: {  	s16 =	simm.s32 $0x0;
	p5 =	por $0x0, $0x0;
	p0 =	por !p0, !p0  }
0x11: {  	s23 =	sadd.s32 $0x0, s4;
	s30 =	sadd.s32 $0x1, s20;
	s12 =	sadd.s32 @p0 s4, s11  }
0x12: {  	_ =	strace $0x90000052;
	s13 =	sand.u32 @p0 $0x1, s7;
	s12 =	sshll.u32 @p0 s12, $0x4  }
0x13: {  	_ =	strace @p0 $0x80000053;
	s15 =	simm.s32 @p0 $0x0;
	s12 =	sand.u32 @p0 $0x1FFFFFF0, s12  }
0x14: {  	s14 =	sshll.u32 @p0 s13, $0x7;
	s13 =	sadd.s32 @p0 $0x1, s13;
	s12 =	sadd.s32 @p0 s3, s12  }
0x15: {  	[tilespmem:s14], [sflag:s13] =	stream.linear.gather @p0 [hbm4b:s12+s15], $0x80, $0x200038;
	[tilespmem:$0x8100] =	vst v63  }
0x16: {  	p3 =	por p2, p2;
	s21 =	sshll.u32 s20, $0xE;
	_ =	strace @p0 $0x90000053  }
0x17: {  	s16 =	sand.u32 $0x80, s16;
	p2 =	por p5, p5;
	_ =	strace $0x80000054  }
0x18: {  	s17 =	sadd.s32 $0x1, s11;
	s22 =	sor.u32 $0x100, s21;
	_ =	swait.ge [sflag:s30], $0x80  }
0x19: {  	s21 =	simm.s32 $0x1;
	p6 =	por p1, p1;
	[sflag:s30] =	ssyncset.done $0x0  }
0x1a: {  	p1 =	por p3, p3;
	p4 =	por $0x1, $0x1;
	[sflag:s30] =	ssyncadd.s32 $0xFFFFFF80  }
0x1b: {  	s12 =	simm.s32 $0xF;
	s15 =	sand.u32 @!p3 $0x1, s1;
	_ =	strace $0x90000054  }
0x1c: {  	s13 =	simm.s32 $0x1;
	p3 =	seq.s32 s17, $0x10;
	_ =	strace $0x80000055  }
0x1d: {  	s13 =	simm.s32 @!p0 $0x0;
	s17 =	simm.s32 @p3 $0x0;
	s19 =	rddreg [dreg:$0x3]  }
0x1e: {  	p0 =	por $0x0, $0x0;
	s14 =	sadd.s32 $0x1, s13;
	s31 =	rddreg [dreg:$0x2]  }
0x1f: {  	[tilespmem:s22], [sflag:$0x5] =	stream.indirect.gather [hbm4b:s31+s19], $0x80, s16, s19, $0x2000b8;
	[tilespmem:$0x8100] =	vst v63  }
0x20: {  	p3 =	sne.s32 s11, s17;
	s21 =	simm.s32 @!p0 $0x0;
	_ =	swait.ge [sflag:s8], $0x4000  }
0x21: {  	p5 =	por !p4, !p3;
	p4 =	por $0x0, $0x0;
	[sflag:s8] =	ssyncset.done $0x0  }
0x22: {  	s13 =	simm.s32 $0x0;
	p6 =	por p4, p6;
	[sflag:s8] =	ssyncadd.s32 $0xFFFFC000  }
0x23: {  	s16 =	simm.s32 $0x0;
	s19 =	simm.s32 $0x0;
	_ =	strace $0x90000055  }
.LBB2_2:
0x24: {  	_ =	strace @p6 $0x80000056;
	s13 =	sadd.s32 s21, s13;
	s21 =	smov.u32 s12  }
0x25: {  	s12 =	smov.u32 s18;
	s18 =	sadd.s32 $0xFFFFFFFF, s18;
	p0 =	por p3, p3  }
0x26: {  	s28 =	sshll.u32 @p6 s23, $0xB;
	s20 =	sadd.s32 @p6 $0x3, s20;
	s24 =	simm.s32 @!p0 $0x0  }
0x27: {  	s25 =	rddreg [dreg:$0x4];
	s28 =	sand.u32 @p6 $0x1FFFF800, s28;
	s24 =	simm.s32 @p0 $0x1  }
0x28: {  	s25 =	sadd.s32 @p6 s25, s28;
	s28 =	simm.s32 @p6 $0x0;
	p0 =	sne.s32 s18, $0x0  }
0x29: {  	[hbm4b:s25+s28] =	stream.linear.scatter @p6 [tilespmem:s22], [sflag:s20], $0x4000, $0x200038;
	[tilespmem:$0x8100] =	vst v63  }
0x2a: {  	s20 =	sadd.s32 @!p1 $0x3, s15;
	s15 =	simm.s32 @!p0 $0x0  }
0x2b: {  	s26 =	simm.s32 $0x1;
	[smem:$0x7FC] =	sst s24;
	s15 =	simm.s32 @p0 $0x1  }
0x2c: {  	s26 =	simm.s32 @!p6 $0x0;
	_ =	strace @p6 $0x90000056;
	[smem:$0x7FD] =	sst s15  }
0x2d: {  	p5 =	por !p5, !p5;
	s19 =	sadd.s32 s26, s19;
	_ =	strace @!p1 $0x80000057  }
0x2e: {  	s24 =	sand.u32 @!p2 $0x1, s13;
	s22 =	sand.u32 @p5 $0x1, s14;
	_ =	swait.ge @!p1 [sflag:s20], $0x4000  }
0x2f: {  	s15 =	smov.u32 s24;
	s24 =	sadd.s32 @p5 s4, s17;
	[sflag:s20] =	ssyncset.done @!p1 $0x0  }
0x30: {  	s25 =	sshll.u32 @p5 s22, $0x7;
	s24 =	sshll.u32 @p5 s24, $0x4;
	[sflag:s20] =	ssyncadd.s32 @!p1 $0xFFFFC000  }
0x31: {  	s20 =	sadd.s32 @p5 $0x1, s22;
	s22 =	sand.u32 @p5 $0x1FFFFFF0, s24;
	_ =	strace @!p1 $0x90000057  }
0x32: {  	s24 =	simm.s32 @p5 $0x0;
	s22 =	sadd.s32 @p5 s3, s22;
	_ =	strace @p5 $0x80000053  }
0x33: {  	[tilespmem:s25], [sflag:s20] =	stream.linear.gather @p5 [hbm4b:s22+s24], $0x80, $0x200038;
	[tilespmem:$0x8100] =	vst v63  }
0x34: {  	s16 =	sadd.s32 s26, s16;
	s26 =	sand.u32 $0x1, s19;
	_ =	strace @p5 $0x90000053  }
0x35: {  	s24 =	sadd.s32 $0x1, s26;
	_ =	strace $0x80000054  }
0x36: {  	_ =	swait.ge [sflag:s24], $0x80  }
0x37: {  	[sflag:s24] =	ssyncset.done $0x0  }
0x38: {  	s20 =	simm.s32 $0x1;
	[sflag:s24] =	ssyncadd.s32 $0xFFFFFF80  }
0x39: {  	s20 =	simm.s32 @!p5 $0x0;
	_ =	strace $0x90000054  }
0x3a: {  	s14 =	sadd.s32 s20, s14;
	s20 =	sand.u32 $0x1, s16;
	_ =	strace $0x80000055  }
0x3b: {  	s29 =	sshll.u32 s19, $0x7;
	s25 =	sshll.u32 s20, $0xE;
	s26 =	rddreg [dreg:$0x3]  }
0x3c: {  	s29 =	sand.u32 $0x80, s29;
	s22 =	sor.u32 $0x100, s25;
	s30 =	rddreg [dreg:$0x2]  }
0x3d: {  	[tilespmem:s22], [sflag:$0x5] =	stream.indirect.gather [hbm4b:s30+s26], $0x80, s29, s26, $0x2000b8;
	[tilespmem:$0x8100] =	vst v63  }
0x3e: {  	_ =	swait.ge [sflag:s8], $0x4000  }
0x3f: {  	s31 =	sadd.s32 $0x1, s17;
	[sflag:s8] =	ssyncset.done $0x0  }
0x40: {  	s23 =	sadd.s32 s4, s11;
	s11 =	smov.u32 s17;
	[sflag:s8] =	ssyncadd.s32 $0xFFFFC000  }
0x41: {  	p3 =	seq.s32 s31, $0x10;
	s17 =	smov.u32 s31;
	_ =	strace $0x90000055  }
0x42: {  	s17 =	simm.s32 @p3 $0x0;
	s31 =	sld [smem:$0x7FD]  }
0x43: {  	p6 =	sne.s32 s12, $0x1;
	p0 =	sne.s32 s21, $0x10;
	p3 =	sne.s32 s11, s17  }
0x44: {  	p5 =	por !p6, !p3;
	p6 =	seq.s32 s21, $0x1;
	s21 =	simm.s32 $0x1  }
0x45: {  	s21 =	simm.s32 @!p0 $0x0;
	p0 =	seq.s32 s31, $0x1  }
.Ltmp0:
0x46: {  	s30 =	sld [smem:$0x7FC];
	(pc) =	sbr.rel @p0 .LBB2_2-.Ltmp0, $4  }
0x47: {  	_ = 	snop  }
0x48: {  	p4 =	seq.s32 s12, $0x10  }
0x49: {  	p1 =	por p2, p2;
	p2 =	por p4, p4;
	p4 =	seq.s32 s30, $0x1  }
0x4a: {  	p6 =	por p6, p4  }
0x4b: {  	_ =	strace @p6 $0x80000056;
	s23 =	sshll.u32 @p6 s23, $0xB  }
0x4c: {  	s18 =	rddreg [dreg:$0x4];
	s23 =	sand.u32 @p6 $0x1FFFF800, s23  }
0x4d: {  	s20 =	sadd.s32 @p6 $0x3, s20;
	s18 =	sadd.s32 @p6 s18, s23;
	s23 =	simm.s32 @p6 $0x0  }
0x4e: {  	[hbm4b:s18+s23] =	stream.linear.scatter @p6 [tilespmem:s22], [sflag:s20], $0x4000, $0x200038;
	[tilespmem:$0x8100] =	vst v63  }
0x4f: {  	p0 =	por !p5, !p5;
	_ =	strace @p6 $0x90000056  }
0x50: {  	s15 =	sadd.s32 @!p1 $0x3, s15;
	s17 =	sadd.s32 @p0 s4, s17;
	_ =	strace @!p1 $0x80000057  }
0x51: {  	s14 =	sand.u32 @p0 $0x1, s14;
	s17 =	sshll.u32 @p0 s17, $0x4;
	_ =	swait.ge @!p1 [sflag:s15], $0x4000  }
0x52: {  	s18 =	simm.s32 $0x1;
	s20 =	sshll.u32 @p0 s14, $0x7;
	[sflag:s15] =	ssyncset.done @!p1 $0x0  }
0x53: {  	s14 =	sadd.s32 @p0 $0x1, s14;
	s18 =	simm.s32 @!p6 $0x0;
	[sflag:s15] =	ssyncadd.s32 @!p1 $0xFFFFC000  }
0x54: {  	s19 =	sadd.s32 s18, s19;
	s15 =	sand.u32 @p0 $0x1FFFFFF0, s17;
	_ =	strace @!p1 $0x90000057  }
0x55: {  	s17 =	simm.s32 @p0 $0x0;
	s15 =	sadd.s32 @p0 s3, s15;
	_ =	strace @p0 $0x80000053  }
0x56: {  	[tilespmem:s20], [sflag:s14] =	stream.linear.gather @p0 [hbm4b:s15+s17], $0x80, $0x200038;
	[tilespmem:$0x8100] =	vst v63  }
0x57: {  	s25 =	sand.u32 $0x1, s19;
	_ =	strace @p0 $0x90000053  }
0x58: {  	s14 =	sadd.s32 $0x1, s25;
	_ =	strace $0x80000054  }
0x59: {  	_ =	swait.ge [sflag:s14], $0x80  }
0x5a: {  	[sflag:s14] =	ssyncset.done $0x0  }
0x5b: {  	[sflag:s14] =	ssyncadd.s32 $0xFFFFFF80  }
0x5c: {  	s26 =	sadd.s32 s18, s16;
	_ =	strace $0x90000054  }
0x5d: {  	s14 =	sand.u32 $0x1, s26;
	_ =	strace $0x80000055  }
0x5e: {  	s30 =	sshll.u32 s19, $0x7;
	s31 =	sshll.u32 s14, $0xE;
	s28 =	rddreg [dreg:$0x3]  }
0x5f: {  	s17 =	sand.u32 $0x80, s30;
	s18 =	sor.u32 $0x100, s31;
	s29 =	rddreg [dreg:$0x2]  }
0x60: {  	[tilespmem:s18], [sflag:$0x5] =	stream.indirect.gather [hbm4b:s29+s28], $0x80, s17, s28, $0x2000b8;
	[tilespmem:$0x8100] =	vst v63  }
0x61: {  	_ =	swait.ge [sflag:s8], $0x4000  }
0x62: {  	[sflag:s8] =	ssyncset.done $0x0  }
0x63: {  	p5 =	por p3, p3;
	p6 =	seq.s32 s12, $0x1;
	[sflag:s8] =	ssyncadd.s32 $0xFFFFC000  }
0x64: {  	s11 =	sadd.s32 s4, s11;
	p0 =	por p6, p5;
	_ =	strace $0x90000055  }
0x65: {  	s11 =	sshll.u32 @p0 s11, $0xB;
	_ =	strace @p0 $0x80000056  }
0x66: {  	s13 =	sadd.s32 s21, s13;
	s11 =	sand.u32 @p0 $0x1FFFF800, s11;
	s12 =	rddreg [dreg:$0x4]  }
0x67: {  	s14 =	sadd.s32 @p0 $0x3, s14;
	s11 =	sadd.s32 @p0 s12, s11;
	s12 =	simm.s32 @p0 $0x0  }
0x68: {  	[hbm4b:s11+s12] =	stream.linear.scatter @p0 [tilespmem:s18], [sflag:s14], $0x4000, $0x200038;
	[tilespmem:$0x8100] =	vst v63  }
0x69: {  	p1 =	por p2, p2;
	s11 =	sand.u32 @!p2 $0x1, s13;
	_ =	strace @p0 $0x90000056  }
0x6a: {  	s11 =	sadd.s32 @!p1 $0x3, s11;
	_ =	strace @!p1 $0x80000057  }
0x6b: {  	_ =	swait.ge @!p1 [sflag:s11], $0x4000  }
0x6c: {  	[sflag:s11] =	ssyncset.done @!p1 $0x0  }
0x6d: {  	s10 =	sadd.s32 $0x1, s10;
	[sflag:s11] =	ssyncadd.s32 @!p1 $0xFFFFC000  }
0x6e: {  	p0 =	sne.s32 s10, s6;
	_ =	strace @!p1 $0x90000057  }
.Ltmp1:
0x6f: {  	_ =	strace $0x80000058;
	(pc) =	sbr.rel @p0 .LBB2_1-.Ltmp1, $4  }
0x70: {  	_ =	swait.ge [sflag:s9], $0x4000  }
0x71: {  	[sflag:s9] =	ssyncset.done $0x0  }
0x72: {  	[sflag:s9] =	ssyncadd.s32 $0xFFFFC000  }
0x73: {  	_ =	strace $0x90000058  }
0x74: {  	_ =	sfence.sel $0x180000  }
0x75: {  	[bflag:$0x0] =	sbarrier.arrive $0xFFFF  }
0x76: {  	p0 =	sne.s32 s2, $0x0;
	_ =	strace $0x90000051  }
0x77: {  	s0 =	sadd.s32 @!p0 $0x100000, s0;
	[bflag:$0x2] =	sbarrier.arrive $0xFFFF  }
0x78: {  	[sflag:s0] =	ssyncadd.tile.s32 @!p0 $0x1;
	_ =	shalt  }
.Lfunc_end2:
_tile_overlayer_lowered:
.L_overlay_start_2:
0x79: {  	(tag) =	ssettag $0x2  }
0x7a: {  	s0 =	rddreg [dreg:$0x0];
	s2 =	stileid.u32  }
0x7b: {  	s1 =	rddreg [dreg:$0x1];
	p0 =	sne.s32 s2, $0x0  }
0x7c: {  	s3 =	rddreg [dreg:$0x2];
	[bflag:$0x3] =	sbarrier.arrive $0xFFFF;
	s2 =	simm.s32 @!p0 $0x1C01  }
0x7d: {  	[timem:s3], [sflag:s2] =	dma.local @!p0 [hbm:s0], s1  }
0x7e: {  	s0 =	simm.s32 @!p0 $0x1  }
0x7f: {  	_ =	swait.ge @!p0 [sflag:s0], s1  }
0x80: {  	s1 =	ssub.s32 @!p0 $0x0, s1;
	[sflag:s0] =	ssyncset.done @!p0 $0x0  }
0x81: {  	[sflag:s0] =	ssyncadd.s32 @!p0 s1  }
0x82: {  	[bflag:$0x3] =	sbarrier.arrive $0xFFFF  }
0x83: {  	_ =	shalt  }

// kernel: kernel.20.cloned.1.call-start
scs
__scs_entry_jumppad:
0x0: {  	(pc) =	sbr.rel $0x88, $3  }
0x1: {  	(tag) =	ssettag $0x0;
	lr =	simm.s32 $0x1  }
0x2: {  	[smem:$0x3F9F] =	sst lr;
	_ =	strace $0xD0000000  }
0x3: {  	_ = 	snop  }
0x4: {  	_ = 	snop  }
0x5: {  	_ = 	snop  }
0x6: {  	_ = 	snop  }
0x7: {  	_ = 	snop  }
__scs_overlays_trampoline_lowered:
0x8: {  	[smem:$0x3FAE] =	sst s0  }
0x9: {  	[smem:$0x3FAF] =	sst s1  }
0xa: {  	[smem:$0x3FB0] =	sst s2  }
0xb: {  	[smem:$0x3FB1] =	sst s3  }
0xc: {  	[smem:$0x3FB2] =	sst s4  }
0xd: {  	[smem:$0x3FB3] =	sst s5  }
0xe: {  	[smem:$0x3FB4] =	sst s6  }
0xf: {  	[smem:$0x3FB5] =	sst s7  }
0x10: {  	[smem:$0x3FB6] =	sst s8  }
0x11: {  	[smem:$0x3FB7] =	sst s9;
	s0 =	simm.s32 @!p0 $0x0  }
0x12: {  	s1 =	sld [smem:$0x3F9D];
	s0 =	simm.s32 @p0 $0x1  }
0x13: {  	[smem:$0x3FB8] =	sst s0;
	s0 =	simm.s32 @!p1 $0x0  }
0x14: {  	s2 =	sld [smem:$0x3F9C];
	s0 =	simm.s32 @p1 $0x1  }
0x15: {  	[smem:$0x3FB9] =	sst s0;
	s0 =	simm.s32 @!p2 $0x0  }
0x16: {  	s3 =	sld [smem:$0x3FDB];
	s0 =	simm.s32 @p2 $0x1  }
0x17: {  	s4 =	simm.s32 $0x1BF5;
	[smem:$0x3FBB] =	sst s0  }
0x18: {  	s0 =	sld [smem:$0x3F9E];
	_ =	swait.ge [sflag:s4], $0x0  }
0x19: {  	s7 =	sld [smem:$0x3F9F]  }
0x1a: {  	s8 =	sadd.s32 $0xFFFFE003, lr  }
0x1b: {  	s9 =	sadd.s32 $0xFFFFFEF7, lr;
	s5 =	simm.s32 $0xFFFFFFFF;
	p2 =	slt.u32 s8, $0xFFFFF086  }
0x1c: {  	p1 =	slt.u32 s9, $0xF7A;
	s5 =	simm.s32 @!p2 $0x0  }
0x1d: {  	s5 =	simm.s32 @p1 $0x1;
	p0 =	seq.s32 s7, s2  }
0x1e: {  	s7 =	smul.u32 @!p0 $0xF7A, s2;
	p2 =	seq.s32 @!p0 s5, $0x0  }
0x1f: {  	s9 =	smul.u32 $0xF7A, s1;
	s8 =	simm.s32 @!p0 $0x1BF5;
	p2 =	por !p2, p0  }
0x20: {  	[sflag:s8] =	ssyncset.s32 @!p0 $0xFFFFF086;
	s6 =	sadd.s32 @!p0 s3, s7;
	s7 =	simm.s32 @!p0 $0x108  }
0x21: {  	s3 =	sadd.s32 s3, s9;
	s6 =	sadd.s32 @!p0 $0x88, s6;
	s7 =	simm.s32 @p2 $0x1082  }
0x22: {  	[simem:s7], [sflag:s8] =	dma.local @!p0 [hbm:s6], $0xF7A  }
0x23: {  	s9 =	sor.u32 $0xD0000000, s2;
	s6 =	simm.s32 $0x108;
	_ =	swait.ge @!p0 [sflag:s8], $0x0  }
0x24: {  	s3 =	sadd.s32 $0x88, s3;
	s6 =	simm.s32 @!p1 $0x1082;
	[sflag:s4] =	ssyncset.s32 $0xFFFFF086  }
0x25: {  	[simem:s6], [sflag:s4] =	dma.local [hbm:s3], $0xF7A  }
0x26: {  	[smem:$0x3F9F] =	sst s1;
	(tag) =	ssettag s2;
	_ =	strace s9  }
0x27: {  	s1 =	sld [smem:$0x3FAF]  }
0x28: {  	s2 =	sld [smem:$0x3FB0]  }
0x29: {  	s4 =	sld [smem:$0x3FB2]  }
0x2a: {  	p0 =	seq.s32 s5, $0x0;
	s5 =	sld [smem:$0x3FB3]  }
0x2b: {  	s6 =	sld [smem:$0x3FB4]  }
0x2c: {  	s7 =	sld [smem:$0x3FB5]  }
0x2d: {  	s3 =	simm.s32 $0x108;
	s8 =	sld [smem:$0x3FB6]  }
0x2e: {  	s3 =	simm.s32 @!p0 $0x1082;
	s9 =	sld [smem:$0x3FB7]  }
0x2f: {  	lr =	sadd.s32 s0, s3;
	s0 =	sld [smem:$0x3FAE]  }
0x30: {  	s3 =	sld [smem:$0x3FB1]  }
0x31: {  	[smem:$0x3FBA] =	sst s10  }
0x32: {  	s10 =	sld [smem:$0x3FB8];
	_ =	sdelay $0x3  }
0x33: {  	p0 =	seq.s32 s10, $0x1;
	s10 =	sld [smem:$0x3FBA];
	_ =	sdelay $0x3  }
0x34: {  	[smem:$0x3FBA] =	sst s10  }
0x35: {  	s10 =	sld [smem:$0x3FB9];
	_ =	sdelay $0x3  }
0x36: {  	p1 =	seq.s32 s10, $0x1;
	s10 =	sld [smem:$0x3FBA];
	_ =	sdelay $0x3  }
0x37: {  	[smem:$0x3FBA] =	sst s10  }
0x38: {  	s10 =	sld [smem:$0x3FBB]  }
0x39: {  	_ = 	snop;
	(pc) =	sbr.ind lr, $3  }
0x3a: {  	_ = 	snop  }
0x3b: {  	_ = 	snop  }
0x3c: {  	p2 =	seq.s32 s10, $0x1;
	s10 =	sld [smem:$0x3FBA]  }
0x3d: {  	_ =	shalt  }
0x3e: {  	_ =	shalt  }
0x3f: {  	_ =	shalt  }
0x40: {  	_ =	shalt  }
0x41: {  	_ =	shalt  }
0x42: {  	_ =	shalt  }
0x43: {  	_ =	shalt  }
0x44: {  	_ =	shalt  }
0x45: {  	_ =	shalt  }
0x46: {  	_ =	shalt  }
0x47: {  	_ =	shalt  }
0x48: {  	_ =	shalt  }
0x49: {  	_ =	shalt  }
0x4a: {  	_ =	shalt  }
0x4b: {  	_ =	shalt  }
0x4c: {  	_ =	shalt  }
0x4d: {  	_ =	shalt  }
0x4e: {  	_ =	shalt  }
0x4f: {  	_ =	shalt  }
0x50: {  	_ =	shalt  }
0x51: {  	_ =	shalt  }
0x52: {  	_ =	shalt  }
0x53: {  	_ =	shalt  }
0x54: {  	_ =	shalt  }
0x55: {  	_ =	shalt  }
0x56: {  	_ =	shalt  }
0x57: {  	_ =	shalt  }
0x58: {  	_ =	shalt  }
0x59: {  	_ =	shalt  }
0x5a: {  	_ =	shalt  }
0x5b: {  	_ =	shalt  }
0x5c: {  	_ =	shalt  }
0x5d: {  	_ =	shalt  }
0x5e: {  	_ =	shalt  }
0x5f: {  	_ =	shalt  }
0x60: {  	_ =	shalt  }
0x61: {  	_ =	shalt  }
0x62: {  	_ =	shalt  }
0x63: {  	_ =	shalt  }
0x64: {  	_ =	shalt  }
0x65: {  	_ =	shalt  }
0x66: {  	_ =	shalt  }
0x67: {  	_ =	shalt  }
0x68: {  	_ =	shalt  }
0x69: {  	_ =	shalt  }
0x6a: {  	_ =	shalt  }
0x6b: {  	_ =	shalt  }
0x6c: {  	_ =	shalt  }
0x6d: {  	_ =	shalt  }
0x6e: {  	_ =	shalt  }
0x6f: {  	_ =	shalt  }
0x70: {  	_ =	shalt  }
0x71: {  	_ =	shalt  }
0x72: {  	_ =	shalt  }
0x73: {  	_ =	shalt  }
0x74: {  	_ =	shalt  }
0x75: {  	_ =	shalt  }
0x76: {  	_ =	shalt  }
0x77: {  	_ =	shalt  }
0x78: {  	_ =	shalt  }
0x79: {  	_ =	shalt  }
0x7a: {  	_ =	shalt  }
0x7b: {  	_ =	shalt  }
0x7c: {  	_ =	shalt  }
0x7d: {  	_ =	shalt  }
0x7e: {  	_ =	shalt  }
0x7f: {  	_ =	shalt  }
0x80: {  	_ =	shalt  }
0x81: {  	_ =	shalt  }
0x82: {  	_ =	shalt  }
0x83: {  	_ =	shalt  }
0x84: {  	_ =	shalt  }
0x85: {  	_ =	shalt  }
0x86: {  	_ =	shalt  }
0x87: {  	_ =	shalt  }
.Lfunc_end0:
.L_simem_size_0:
called_computation.2_lowered:
.L_overlay_start_0:
0x88: {  	s2 =	sld [smem:$0x3FD9]  }
0x89: {  	s3 =	sld [smem:$0x3FFE];
	_ =	sdelay $0x1  }
0x8a: {  	s1 =	srdreg.scid  }
0x8b: {  	s0 =	sand.u32 $0x1, s1  }
0x8c: {  	s15 =	sshll.u32 s0, $0xA;
	s2 =	sadd.s32 s3, s2  }
0x8d: {  	s2 =	sadd.s32 s2, s15  }
0x8e: {  	[smem:$0x3FC6] =	sst s2  }
0x8f: {  	_ = 	snop  }
0x90: {  	s2 =	sld [smem:$0x3FD0];
	_ =	sdelay $0x2  }
0x91: {  	s16 =	simm.s32 $0xD;
	s4 =	simm.s32 $0x10  }
0x92: {  	[smem:s4], [sflag:s16] =	dma.local [hbm:s2], $0x1  }
0x93: {  	_ =	swait.eq [sflag:s16], $0x1  }
0x94: {  	[sflag:s16] =	ssyncset.done $0x0  }
0x95: {  	[sflag:s16] =	ssyncadd.s32 $0xFFFFFFFF  }
0x96: {  	s17 =	sld [smem:$0x10];
	(tm) =	ssettm $0x1  }
0x97: {  	s18 =	sld [smem:$0x3FFB];
	_ =	sdelay $0x3  }
0x98: {  	_ =	strace s18  }
0x99: {  	s2 =	sld [smem:$0x3FFC];
	_ =	sdelay $0x3  }
0x9a: {  	_ =	strace s2  }
0x9b: {  	s2 =	sld [smem:$0x3FFD];
	_ =	sdelay $0x3  }
0x9c: {  	_ =	strace s2  }
0x9d: {  	_ =	strace $0x8FFFFFFF  }
0x9e: {  	s19 =	sld [smem:$0x3FDB];
	_ =	sdelay $0x1  }
0x9f: {  	s20 =	simm.s32 $_scs_section_size  }
0xa0: {  	s5 =	simm.s32 $_size__tile_overlayer_lowered;
	s6 =	simm.s32 $_tile_overlayer_lowered  }
0xa1: {  	s7 =	simm.s32 $0x1BFF;
	s21 =	sshll.u32 s6, $0x1;
	s4 =	sadd.s32 s20, s19  }
0xa2: {  	s22 =	simm.s32 $0x0;
	s5 =	sshll.u32 s5, $0x1;
	s6 =	sadd.s32 s21, s4  }
0xa3: {  	[timem:s22], [sflag:s7] =	dma.local [hbm:s6], s5  }
0xa4: {  	_ =	swait.ge [sflag:s7], s5  }
0xa5: {  	s5 =	ssub.s32 $0x0, s5;
	[sflag:s7] =	ssyncset.done $0x0  }
0xa6: {  	[sflag:s7] =	ssyncadd.s32 s5;
	_ =	sdelay $0x1  }
0xa7: {  	s23 =	simm.s32 $0x1B8B  }
0xa8: {  	_ =	swait.ge [sflag:s23], $0x1  }
0xa9: {  	[sflag:s23] =	ssyncset.done $0x0  }
0xaa: {  	[sflag:s23] =	ssyncadd.s32 $0xFFFFFFFF  }
0xab: {  	s5 =	sld [smem:$0x0]  }
0xac: {  	s6 =	sand.u32 $0xFFFFFFFE, s1  }
0xad: {  	p0 =	sne.s32 s1, s6  }
0xae: {  	s6 =	sshll.u32 @p0 s6, $0xE  }
0xaf: {  	s6 =	sadd.s32 @p0 $0x11B8D, s6;
	s7 =	sshll.u32 @p0 s5, $0x11  }
0xb0: {  	s6 =	sor.u32 @p0 s7, s6  }
0xb1: {  	[sflag:s6] =	ssyncadd.remote.s32 @p0 $0x1;
	_ =	sdelay $0x1  }
0xb2: {  	s6 =	simm.s32 @p0 $0x1B8D  }
0xb3: {  	_ =	swait.eq @p0 [sflag:s6], $0x1  }
0xb4: {  	[sflag:s6] =	ssyncadd.s32 @p0 $0xFFFFFFFF  }
0xb5: {  	s7 =	sshll.u32 @!p0 s1, $0xE  }
0xb6: {  	s7 =	sor.u32 @!p0 $0x4000, s7;
	s6 =	simm.s32 @!p0 $0x1B8D  }
0xb7: {  	s5 =	sshll.u32 @!p0 s5, $0x11;
	s7 =	sadd.s32 @!p0 $0x11B8D, s7;
	_ =	swait.eq @!p0 [sflag:s6], $0x1  }
0xb8: {  	s5 =	sor.u32 @!p0 s5, s7;
	[sflag:s6] =	ssyncadd.s32 @!p0 $0xFFFFFFFF  }
0xb9: {  	s25 =	simm.s32 $0x1B8E;
	s24 =	sld [smem:$0x3FFE];
	[sflag:s5] =	ssyncadd.remote.s32 @!p0 $0x1  }
0xba: {  	s26 =	simm.s32 $execute0_lowered;
	[smem:$0x3FD2] =	sst s25  }
0xbb: {  	s6 =	sshll.u32 s26, $0x1;
	_ =	strace $0x8000005A;
	[dreg:$0x1] =	wrdreg $0xFFFFFFFF  }
0xbc: {  	s28 =	simm.s32 $_size_execute0_lowered;
	s4 =	sadd.s32 s4, s6;
	[dreg:$0x0] =	wrdreg $0x0  }
0xbd: {  	s6 =	sshll.u32 s28, $0x1;
	[dreg:$0x2] =	wrdreg s4  }
0xbe: {  	[dreg:$0x3] =	wrdreg s6  }
0xbf: {  	[dreg:$0x4] =	wrdreg $0xC0  }
0xc0: {  	_ =	task [dreg:s22], $0x5FFFF  }
0xc1: {  	[dreg:$0x1] =	wrdreg $0xFFFFFFFF  }
0xc2: {  	[dreg:$0x0] =	wrdreg $0x60  }
0xc3: {  	[dreg:$0x2] =	wrdreg s24  }
0xc4: {  	[dreg:$0x3] =	wrdreg s17  }
0xc5: {  	[dreg:$0x4] =	wrdreg $0xB  }
0xc6: {  	_ =	task.clear_ibuf [dreg:s22], $0x5FFFF;
	_ =	strace $0x9000005A  }
0xc7: {  	s29 =	simm.s32 $0xB;
	_ =	strace $0x80000063  }
0xc8: {  	_ =	swait.ge [sflag:s29], $0x1  }
0xc9: {  	[sflag:s29] =	ssyncadd.s32 $0xFFFFFFFF  }
0xca: {  	_ =	strace $0x90000063  }
0xcb: {  	_ =	sfence  }
0xcc: {  	s30 =	sld [smem:$0x0];
	_ =	sdelay $0x2  }
0xcd: {  	s31 =	sshll.u32 s1, $0xD;
	s1 =	sshrl.u32 s1, $0x2  }
0xce: {  	s4 =	sand.u32 $0x4000, s31;
	s1 =	sadd.s32 s1, s30  }
0xcf: {  	s0 =	sor.u32 s4, s0;
	s1 =	sshll.u32 s1, $0x11  }
0xd0: {  	s0 =	sor.u32 s1, s0  }
0xd1: {  	s0 =	sadd.s32 $0x8F2B, s0  }
0xd2: {  	[sflag:s0] =	ssyncadd.remote.s32 $0x1  }
0xd3: {  	_ =	sfence.sel $0xFFFF  }
0xd4: {  	[dreg:$0x0] =	wrdreg $0xFFFFFFFF;
	(pc) =	sbr.abs _section_cstart, $3  }
0xd5: {  	[dreg:$0x1] =	wrdreg $0xFFFFFFFF  }
0xd6: {  	_ =	task.clear_ibuf [dreg:s22], $0x2FFFF;
	_ =	strace $0x9FFFFFFF  }
0xd7: {  	(tm) =	ssettm $0x7FFFFFFF  }
tec
execute0_lowered:
.L_overlay_start_1:
0x0: {  	(tag) =	ssettag $0x1  }
0x1: {  	s3 =	rddreg [dreg:$0x0]  }
0x2: {  	s1 =	rddreg [dreg:$0x1]  }
0x3: {  	s0 =	rddreg [dreg:$0x2];
	s2 =	simm.s32 $0x0;
	s4 =	srdreg.scid  }
0x4: {  	s8 =	simm.s32 $0x80;
	s7 =	simm.s32 $0x1;
	s9 =	simm.s32 $0x4  }
0x5: {  	s10 =	simm.s32 $0x0;
	[smem:$0x7FF] =	sst s2;
	s5 =	sadd.s32 $0x3E00, s3  }
0x6: {  	s4 =	sand.u32 $0x1, s4;
	s30 =	sadd.s32 $0x124E00, s3;
	s3 =	stileid.u32  }
0x7: {  	_ =	strace $0x8000005B;
	[dreg:$0x3] =	wrdreg s5;
	s4 =	ssub.s32 $0x2, s4  }
0x8: {  	[dreg:$0x5] =	wrdreg s30;
	s31 =	sshll.u32 s3, $0x8;
	s6 =	sshrl.u32 s4, $0x1  }
0x9: {  	[dreg:$0x4] =	wrdreg s8;
	s8 =	simm.s32 $0x5;
	s6 =	ssub.s32 s4, s6  }
0xa: {  	s5 =	sadd.s32 s1, s31;
	s4 =	sshll.u32 s3, $0x4;
	s6 =	smax.u32 s6, $0x1  }
.LBB2_1:
0xb: {  	_ =	strace $0x8000005C;
	s11 =	simm.s32 $0x1;
	p0 =	por $0x0, $0x0  }
0xc: {  	[tilespmem:s2], [sflag:$0x1] =	stream.linear.gather [hbm4b:s5+s2], $0x80, $0x200038;
	[tilespmem:$0x8100] =	vst v63  }
0xd: {  	s11 =	simm.s32 @p0 $0x0  }
0xe: {  	p4 =	por $0x1, $0x1;
	s20 =	sand.u32 $0x1, s2;
	p1 =	sne.s32 s11, $0x0  }
0xf: {  	p2 =	por $0x1, $0x1;
	s18 =	simm.s32 $0xE;
	p0 =	por !p4, !p1  }
0x10: {  	s16 =	simm.s32 $0x0;
	p5 =	por $0x0, $0x0;
	p0 =	por !p0, !p0  }
0x11: {  	s23 =	sadd.s32 $0x0, s4;
	s30 =	sadd.s32 $0x1, s20;
	s12 =	sadd.s32 @p0 s4, s11  }
0x12: {  	_ =	strace $0x9000005C;
	s13 =	sand.u32 @p0 $0x1, s7;
	s12 =	sshll.u32 @p0 s12, $0x4  }
0x13: {  	_ =	strace @p0 $0x8000005D;
	s15 =	simm.s32 @p0 $0x0;
	s12 =	sand.u32 @p0 $0x1FFFFFF0, s12  }
0x14: {  	s14 =	sshll.u32 @p0 s13, $0x7;
	s13 =	sadd.s32 @p0 $0x1, s13;
	s12 =	sadd.s32 @p0 s1, s12  }
0x15: {  	[tilespmem:s14], [sflag:s13] =	stream.linear.gather @p0 [hbm4b:s12+s15], $0x80, $0x200038;
	[tilespmem:$0x8100] =	vst v63  }
0x16: {  	p3 =	por p2, p2;
	s21 =	sshll.u32 s20, $0xE;
	_ =	strace @p0 $0x9000005D  }
0x17: {  	s16 =	sand.u32 $0x80, s16;
	p2 =	por p5, p5;
	_ =	strace $0x8000005E  }
0x18: {  	s17 =	sadd.s32 $0x1, s11;
	s22 =	sor.u32 $0x100, s21;
	_ =	swait.ge [sflag:s30], $0x80  }
0x19: {  	s21 =	simm.s32 $0x1;
	p6 =	por p1, p1;
	[sflag:s30] =	ssyncset.done $0x0  }
0x1a: {  	p1 =	por p3, p3;
	p4 =	por $0x1, $0x1;
	[sflag:s30] =	ssyncadd.s32 $0xFFFFFF80  }
0x1b: {  	s12 =	simm.s32 $0xF;
	s15 =	sand.u32 @!p3 $0x1, s2;
	_ =	strace $0x9000005E  }
0x1c: {  	s13 =	simm.s32 $0x1;
	p3 =	seq.s32 s17, $0x10;
	_ =	strace $0x8000005F  }
0x1d: {  	s13 =	simm.s32 @!p0 $0x0;
	s17 =	simm.s32 @p3 $0x0;
	s19 =	rddreg [dreg:$0x4]  }
0x1e: {  	p0 =	por $0x0, $0x0;
	s14 =	sadd.s32 $0x1, s13;
	s31 =	rddreg [dreg:$0x3]  }
0x1f: {  	[tilespmem:s22], [sflag:$0x5] =	stream.indirect.gather [hbm4b:s31+s19], $0x80, s16, s19, $0x2000b8;
	[tilespmem:$0x8100] =	vst v63  }
0x20: {  	p3 =	sne.s32 s11, s17;
	s21 =	simm.s32 @!p0 $0x0;
	_ =	swait.ge [sflag:s8], $0x4000  }
0x21: {  	p5 =	por !p4, !p3;
	p4 =	por $0x0, $0x0;
	[sflag:s8] =	ssyncset.done $0x0  }
0x22: {  	s13 =	simm.s32 $0x0;
	p6 =	por p4, p6;
	[sflag:s8] =	ssyncadd.s32 $0xFFFFC000  }
0x23: {  	s16 =	simm.s32 $0x0;
	s19 =	simm.s32 $0x0;
	_ =	strace $0x9000005F  }
.LBB2_2:
0x24: {  	_ =	strace @p6 $0x80000060;
	s13 =	sadd.s32 s21, s13;
	s21 =	smov.u32 s12  }
0x25: {  	s12 =	smov.u32 s18;
	s18 =	sadd.s32 $0xFFFFFFFF, s18;
	p0 =	por p3, p3  }
0x26: {  	s28 =	sshll.u32 @p6 s23, $0xB;
	s20 =	sadd.s32 @p6 $0x3, s20;
	s24 =	simm.s32 @!p0 $0x0  }
0x27: {  	s25 =	rddreg [dreg:$0x5];
	s28 =	sand.u32 @p6 $0x1FFFF800, s28;
	s24 =	simm.s32 @p0 $0x1  }
0x28: {  	s25 =	sadd.s32 @p6 s25, s28;
	s28 =	simm.s32 @p6 $0x0;
	p0 =	sne.s32 s18, $0x0  }
0x29: {  	[hbm4b:s25+s28] =	stream.linear.scatter @p6 [tilespmem:s22], [sflag:s20], $0x4000, $0x200038;
	[tilespmem:$0x8100] =	vst v63  }
0x2a: {  	s20 =	sadd.s32 @!p1 $0x3, s15;
	s15 =	simm.s32 @!p0 $0x0  }
0x2b: {  	s26 =	simm.s32 $0x1;
	[smem:$0x7FC] =	sst s24;
	s15 =	simm.s32 @p0 $0x1  }
0x2c: {  	s26 =	simm.s32 @!p6 $0x0;
	_ =	strace @p6 $0x90000060;
	[smem:$0x7FD] =	sst s15  }
0x2d: {  	p5 =	por !p5, !p5;
	s19 =	sadd.s32 s26, s19;
	_ =	strace @!p1 $0x80000061  }
0x2e: {  	s24 =	sand.u32 @!p2 $0x1, s13;
	s22 =	sand.u32 @p5 $0x1, s14;
	_ =	swait.ge @!p1 [sflag:s20], $0x4000  }
0x2f: {  	s15 =	smov.u32 s24;
	s24 =	sadd.s32 @p5 s4, s17;
	[sflag:s20] =	ssyncset.done @!p1 $0x0  }
0x30: {  	s25 =	sshll.u32 @p5 s22, $0x7;
	s24 =	sshll.u32 @p5 s24, $0x4;
	[sflag:s20] =	ssyncadd.s32 @!p1 $0xFFFFC000  }
0x31: {  	s20 =	sadd.s32 @p5 $0x1, s22;
	s22 =	sand.u32 @p5 $0x1FFFFFF0, s24;
	_ =	strace @!p1 $0x90000061  }
0x32: {  	s24 =	simm.s32 @p5 $0x0;
	s22 =	sadd.s32 @p5 s1, s22;
	_ =	strace @p5 $0x8000005D  }
0x33: {  	[tilespmem:s25], [sflag:s20] =	stream.linear.gather @p5 [hbm4b:s22+s24], $0x80, $0x200038;
	[tilespmem:$0x8100] =	vst v63  }
0x34: {  	s16 =	sadd.s32 s26, s16;
	s26 =	sand.u32 $0x1, s19;
	_ =	strace @p5 $0x9000005D  }
0x35: {  	s24 =	sadd.s32 $0x1, s26;
	_ =	strace $0x8000005E  }
0x36: {  	_ =	swait.ge [sflag:s24], $0x80  }
0x37: {  	[sflag:s24] =	ssyncset.done $0x0  }
0x38: {  	s20 =	simm.s32 $0x1;
	[sflag:s24] =	ssyncadd.s32 $0xFFFFFF80  }
0x39: {  	s20 =	simm.s32 @!p5 $0x0;
	_ =	strace $0x9000005E  }
0x3a: {  	s14 =	sadd.s32 s20, s14;
	s20 =	sand.u32 $0x1, s16;
	_ =	strace $0x8000005F  }
0x3b: {  	s29 =	sshll.u32 s19, $0x7;
	s25 =	sshll.u32 s20, $0xE;
	s26 =	rddreg [dreg:$0x4]  }
0x3c: {  	s29 =	sand.u32 $0x80, s29;
	s22 =	sor.u32 $0x100, s25;
	s30 =	rddreg [dreg:$0x3]  }
0x3d: {  	[tilespmem:s22], [sflag:$0x5] =	stream.indirect.gather [hbm4b:s30+s26], $0x80, s29, s26, $0x2000b8;
	[tilespmem:$0x8100] =	vst v63  }
0x3e: {  	_ =	swait.ge [sflag:s8], $0x4000  }
0x3f: {  	s31 =	sadd.s32 $0x1, s17;
	[sflag:s8] =	ssyncset.done $0x0  }
0x40: {  	s23 =	sadd.s32 s4, s11;
	s11 =	smov.u32 s17;
	[sflag:s8] =	ssyncadd.s32 $0xFFFFC000  }
0x41: {  	p3 =	seq.s32 s31, $0x10;
	s17 =	smov.u32 s31;
	_ =	strace $0x9000005F  }
0x42: {  	s17 =	simm.s32 @p3 $0x0;
	s31 =	sld [smem:$0x7FD]  }
0x43: {  	p6 =	sne.s32 s12, $0x1;
	p0 =	sne.s32 s21, $0x10;
	p3 =	sne.s32 s11, s17  }
0x44: {  	p5 =	por !p6, !p3;
	p6 =	seq.s32 s21, $0x1;
	s21 =	simm.s32 $0x1  }
0x45: {  	s21 =	simm.s32 @!p0 $0x0;
	p0 =	seq.s32 s31, $0x1  }
.Ltmp0:
0x46: {  	s30 =	sld [smem:$0x7FC];
	(pc) =	sbr.rel @p0 .LBB2_2-.Ltmp0, $4  }
0x47: {  	_ = 	snop  }
0x48: {  	p4 =	seq.s32 s12, $0x10  }
0x49: {  	p1 =	por p2, p2;
	p2 =	por p4, p4;
	p4 =	seq.s32 s30, $0x1  }
0x4a: {  	p6 =	por p6, p4  }
0x4b: {  	_ =	strace @p6 $0x80000060;
	s23 =	sshll.u32 @p6 s23, $0xB  }
0x4c: {  	s18 =	rddreg [dreg:$0x5];
	s23 =	sand.u32 @p6 $0x1FFFF800, s23  }
0x4d: {  	s20 =	sadd.s32 @p6 $0x3, s20;
	s18 =	sadd.s32 @p6 s18, s23;
	s23 =	simm.s32 @p6 $0x0  }
0x4e: {  	[hbm4b:s18+s23] =	stream.linear.scatter @p6 [tilespmem:s22], [sflag:s20], $0x4000, $0x200038;
	[tilespmem:$0x8100] =	vst v63  }
0x4f: {  	p0 =	por !p5, !p5;
	_ =	strace @p6 $0x90000060  }
0x50: {  	s15 =	sadd.s32 @!p1 $0x3, s15;
	s17 =	sadd.s32 @p0 s4, s17;
	_ =	strace @!p1 $0x80000061  }
0x51: {  	s14 =	sand.u32 @p0 $0x1, s14;
	s17 =	sshll.u32 @p0 s17, $0x4;
	_ =	swait.ge @!p1 [sflag:s15], $0x4000  }
0x52: {  	s18 =	simm.s32 $0x1;
	s20 =	sshll.u32 @p0 s14, $0x7;
	[sflag:s15] =	ssyncset.done @!p1 $0x0  }
0x53: {  	s14 =	sadd.s32 @p0 $0x1, s14;
	s18 =	simm.s32 @!p6 $0x0;
	[sflag:s15] =	ssyncadd.s32 @!p1 $0xFFFFC000  }
0x54: {  	s19 =	sadd.s32 s18, s19;
	s15 =	sand.u32 @p0 $0x1FFFFFF0, s17;
	_ =	strace @!p1 $0x90000061  }
0x55: {  	s17 =	simm.s32 @p0 $0x0;
	s15 =	sadd.s32 @p0 s1, s15;
	_ =	strace @p0 $0x8000005D  }
0x56: {  	[tilespmem:s20], [sflag:s14] =	stream.linear.gather @p0 [hbm4b:s15+s17], $0x80, $0x200038;
	[tilespmem:$0x8100] =	vst v63  }
0x57: {  	s25 =	sand.u32 $0x1, s19;
	_ =	strace @p0 $0x9000005D  }
0x58: {  	s14 =	sadd.s32 $0x1, s25;
	_ =	strace $0x8000005E  }
0x59: {  	_ =	swait.ge [sflag:s14], $0x80  }
0x5a: {  	[sflag:s14] =	ssyncset.done $0x0  }
0x5b: {  	[sflag:s14] =	ssyncadd.s32 $0xFFFFFF80  }
0x5c: {  	s26 =	sadd.s32 s18, s16;
	_ =	strace $0x9000005E  }
0x5d: {  	s14 =	sand.u32 $0x1, s26;
	_ =	strace $0x8000005F  }
0x5e: {  	s30 =	sshll.u32 s19, $0x7;
	s31 =	sshll.u32 s14, $0xE;
	s28 =	rddreg [dreg:$0x4]  }
0x5f: {  	s17 =	sand.u32 $0x80, s30;
	s18 =	sor.u32 $0x100, s31;
	s29 =	rddreg [dreg:$0x3]  }
0x60: {  	[tilespmem:s18], [sflag:$0x5] =	stream.indirect.gather [hbm4b:s29+s28], $0x80, s17, s28, $0x2000b8;
	[tilespmem:$0x8100] =	vst v63  }
0x61: {  	_ =	swait.ge [sflag:s8], $0x4000  }
0x62: {  	[sflag:s8] =	ssyncset.done $0x0  }
0x63: {  	p5 =	por p3, p3;
	p6 =	seq.s32 s12, $0x1;
	[sflag:s8] =	ssyncadd.s32 $0xFFFFC000  }
0x64: {  	s11 =	sadd.s32 s4, s11;
	p0 =	por p6, p5;
	_ =	strace $0x9000005F  }
0x65: {  	s11 =	sshll.u32 @p0 s11, $0xB;
	_ =	strace @p0 $0x80000060  }
0x66: {  	s13 =	sadd.s32 s21, s13;
	s11 =	sand.u32 @p0 $0x1FFFF800, s11;
	s12 =	rddreg [dreg:$0x5]  }
0x67: {  	s14 =	sadd.s32 @p0 $0x3, s14;
	s11 =	sadd.s32 @p0 s12, s11;
	s12 =	simm.s32 @p0 $0x0  }
0x68: {  	[hbm4b:s11+s12] =	stream.linear.scatter @p0 [tilespmem:s18], [sflag:s14], $0x4000, $0x200038;
	[tilespmem:$0x8100] =	vst v63  }
0x69: {  	p1 =	por p2, p2;
	s11 =	sand.u32 @!p2 $0x1, s13;
	_ =	strace @p0 $0x90000060  }
0x6a: {  	s11 =	sadd.s32 @!p1 $0x3, s11;
	_ =	strace @!p1 $0x80000061  }
0x6b: {  	_ =	swait.ge @!p1 [sflag:s11], $0x4000  }
0x6c: {  	[sflag:s11] =	ssyncset.done @!p1 $0x0  }
0x6d: {  	s10 =	sadd.s32 $0x1, s10;
	[sflag:s11] =	ssyncadd.s32 @!p1 $0xFFFFC000  }
0x6e: {  	p0 =	sne.s32 s10, s6;
	_ =	strace @!p1 $0x90000061  }
.Ltmp1:
0x6f: {  	_ =	strace $0x80000062;
	(pc) =	sbr.rel @p0 .LBB2_1-.Ltmp1, $4  }
0x70: {  	_ =	swait.ge [sflag:s9], $0x4000  }
0x71: {  	[sflag:s9] =	ssyncset.done $0x0  }
0x72: {  	[sflag:s9] =	ssyncadd.s32 $0xFFFFC000  }
0x73: {  	_ =	strace $0x90000062  }
0x74: {  	_ =	sfence.sel $0x180000  }
0x75: {  	[bflag:$0x0] =	sbarrier.arrive $0xFFFF  }
0x76: {  	p0 =	sne.s32 s3, $0x0;
	_ =	strace $0x9000005B  }
0x77: {  	s0 =	sadd.s32 @!p0 $0x100000, s0;
	[bflag:$0x2] =	sbarrier.arrive $0xFFFF  }
0x78: {  	[sflag:s0] =	ssyncadd.tile.s32 @!p0 $0x1;
	_ =	shalt  }
.Lfunc_end2:
_tile_overlayer_lowered:
.L_overlay_start_2:
0x79: {  	(tag) =	ssettag $0x2  }
0x7a: {  	s0 =	rddreg [dreg:$0x0];
	s2 =	stileid.u32  }
0x7b: {  	s1 =	rddreg [dreg:$0x1];
	p0 =	sne.s32 s2, $0x0  }
0x7c: {  	s3 =	rddreg [dreg:$0x2];
	[bflag:$0x3] =	sbarrier.arrive $0xFFFF;
	s2 =	simm.s32 @!p0 $0x1C01  }
0x7d: {  	[timem:s3], [sflag:s2] =	dma.local @!p0 [hbm:s0], s1  }
0x7e: {  	s0 =	simm.s32 @!p0 $0x1  }
0x7f: {  	_ =	swait.ge @!p0 [sflag:s0], s1  }
0x80: {  	s1 =	ssub.s32 @!p0 $0x0, s1;
	[sflag:s0] =	ssyncset.done @!p0 $0x0  }
0x81: {  	[sflag:s0] =	ssyncadd.s32 @!p0 s1  }
0x82: {  	[bflag:$0x3] =	sbarrier.arrive $0xFFFF  }
0x83: {  	_ =	shalt  }

// kernel: kernel.23.cloned.1.call-start
scs
__scs_entry_jumppad:
0x0: {  	(pc) =	sbr.rel $0x88, $3  }
0x1: {  	(tag) =	ssettag $0x0;
	lr =	simm.s32 $0x1  }
0x2: {  	[smem:$0x3F9F] =	sst lr;
	_ =	strace $0xD0000000  }
0x3: {  	_ = 	snop  }
0x4: {  	_ = 	snop  }
0x5: {  	_ = 	snop  }
0x6: {  	_ = 	snop  }
0x7: {  	_ = 	snop  }
__scs_overlays_trampoline_lowered:
0x8: {  	[smem:$0x3FAE] =	sst s0  }
0x9: {  	[smem:$0x3FAF] =	sst s1  }
0xa: {  	[smem:$0x3FB0] =	sst s2  }
0xb: {  	[smem:$0x3FB1] =	sst s3  }
0xc: {  	[smem:$0x3FB2] =	sst s4  }
0xd: {  	[smem:$0x3FB3] =	sst s5  }
0xe: {  	[smem:$0x3FB4] =	sst s6  }
0xf: {  	[smem:$0x3FB5] =	sst s7  }
0x10: {  	[smem:$0x3FB6] =	sst s8  }
0x11: {  	[smem:$0x3FB7] =	sst s9;
	s0 =	simm.s32 @!p0 $0x0  }
0x12: {  	s1 =	sld [smem:$0x3F9D];
	s0 =	simm.s32 @p0 $0x1  }
0x13: {  	[smem:$0x3FB8] =	sst s0;
	s0 =	simm.s32 @!p1 $0x0  }
0x14: {  	s2 =	sld [smem:$0x3F9C];
	s0 =	simm.s32 @p1 $0x1  }
0x15: {  	[smem:$0x3FB9] =	sst s0;
	s0 =	simm.s32 @!p2 $0x0  }
0x16: {  	s3 =	sld [smem:$0x3FDB];
	s0 =	simm.s32 @p2 $0x1  }
0x17: {  	s4 =	simm.s32 $0x1BF5;
	[smem:$0x3FBB] =	sst s0  }
0x18: {  	s0 =	sld [smem:$0x3F9E];
	_ =	swait.ge [sflag:s4], $0x0  }
0x19: {  	s7 =	sld [smem:$0x3F9F]  }
0x1a: {  	s8 =	sadd.s32 $0xFFFFE003, lr  }
0x1b: {  	s9 =	sadd.s32 $0xFFFFFEF7, lr;
	s5 =	simm.s32 $0xFFFFFFFF;
	p2 =	slt.u32 s8, $0xFFFFF086  }
0x1c: {  	p1 =	slt.u32 s9, $0xF7A;
	s5 =	simm.s32 @!p2 $0x0  }
0x1d: {  	s5 =	simm.s32 @p1 $0x1;
	p0 =	seq.s32 s7, s2  }
0x1e: {  	s7 =	smul.u32 @!p0 $0xF7A, s2;
	p2 =	seq.s32 @!p0 s5, $0x0  }
0x1f: {  	s9 =	smul.u32 $0xF7A, s1;
	s8 =	simm.s32 @!p0 $0x1BF5;
	p2 =	por !p2, p0  }
0x20: {  	[sflag:s8] =	ssyncset.s32 @!p0 $0xFFFFF086;
	s6 =	sadd.s32 @!p0 s3, s7;
	s7 =	simm.s32 @!p0 $0x108  }
0x21: {  	s3 =	sadd.s32 s3, s9;
	s6 =	sadd.s32 @!p0 $0x88, s6;
	s7 =	simm.s32 @p2 $0x1082  }
0x22: {  	[simem:s7], [sflag:s8] =	dma.local @!p0 [hbm:s6], $0xF7A  }
0x23: {  	s9 =	sor.u32 $0xD0000000, s2;
	s6 =	simm.s32 $0x108;
	_ =	swait.ge @!p0 [sflag:s8], $0x0  }
0x24: {  	s3 =	sadd.s32 $0x88, s3;
	s6 =	simm.s32 @!p1 $0x1082;
	[sflag:s4] =	ssyncset.s32 $0xFFFFF086  }
0x25: {  	[simem:s6], [sflag:s4] =	dma.local [hbm:s3], $0xF7A  }
0x26: {  	[smem:$0x3F9F] =	sst s1;
	(tag) =	ssettag s2;
	_ =	strace s9  }
0x27: {  	s1 =	sld [smem:$0x3FAF]  }
0x28: {  	s2 =	sld [smem:$0x3FB0]  }
0x29: {  	s4 =	sld [smem:$0x3FB2]  }
0x2a: {  	p0 =	seq.s32 s5, $0x0;
	s5 =	sld [smem:$0x3FB3]  }
0x2b: {  	s6 =	sld [smem:$0x3FB4]  }
0x2c: {  	s7 =	sld [smem:$0x3FB5]  }
0x2d: {  	s3 =	simm.s32 $0x108;
	s8 =	sld [smem:$0x3FB6]  }
0x2e: {  	s3 =	simm.s32 @!p0 $0x1082;
	s9 =	sld [smem:$0x3FB7]  }
0x2f: {  	lr =	sadd.s32 s0, s3;
	s0 =	sld [smem:$0x3FAE]  }
0x30: {  	s3 =	sld [smem:$0x3FB1]  }
0x31: {  	[smem:$0x3FBA] =	sst s10  }
0x32: {  	s10 =	sld [smem:$0x3FB8];
	_ =	sdelay $0x3  }
0x33: {  	p0 =	seq.s32 s10, $0x1;
	s10 =	sld [smem:$0x3FBA];
	_ =	sdelay $0x3  }
0x34: {  	[smem:$0x3FBA] =	sst s10  }
0x35: {  	s10 =	sld [smem:$0x3FB9];
	_ =	sdelay $0x3  }
0x36: {  	p1 =	seq.s32 s10, $0x1;
	s10 =	sld [smem:$0x3FBA];
	_ =	sdelay $0x3  }
0x37: {  	[smem:$0x3FBA] =	sst s10  }
0x38: {  	s10 =	sld [smem:$0x3FBB]  }
0x39: {  	_ = 	snop;
	(pc) =	sbr.ind lr, $3  }
0x3a: {  	_ = 	snop  }
0x3b: {  	_ = 	snop  }
0x3c: {  	p2 =	seq.s32 s10, $0x1;
	s10 =	sld [smem:$0x3FBA]  }
0x3d: {  	_ =	shalt  }
0x3e: {  	_ =	shalt  }
0x3f: {  	_ =	shalt  }
0x40: {  	_ =	shalt  }
0x41: {  	_ =	shalt  }
0x42: {  	_ =	shalt  }
0x43: {  	_ =	shalt  }
0x44: {  	_ =	shalt  }
0x45: {  	_ =	shalt  }
0x46: {  	_ =	shalt  }
0x47: {  	_ =	shalt  }
0x48: {  	_ =	shalt  }
0x49: {  	_ =	shalt  }
0x4a: {  	_ =	shalt  }
0x4b: {  	_ =	shalt  }
0x4c: {  	_ =	shalt  }
0x4d: {  	_ =	shalt  }
0x4e: {  	_ =	shalt  }
0x4f: {  	_ =	shalt  }
0x50: {  	_ =	shalt  }
0x51: {  	_ =	shalt  }
0x52: {  	_ =	shalt  }
0x53: {  	_ =	shalt  }
0x54: {  	_ =	shalt  }
0x55: {  	_ =	shalt  }
0x56: {  	_ =	shalt  }
0x57: {  	_ =	shalt  }
0x58: {  	_ =	shalt  }
0x59: {  	_ =	shalt  }
0x5a: {  	_ =	shalt  }
0x5b: {  	_ =	shalt  }
0x5c: {  	_ =	shalt  }
0x5d: {  	_ =	shalt  }
0x5e: {  	_ =	shalt  }
0x5f: {  	_ =	shalt  }
0x60: {  	_ =	shalt  }
0x61: {  	_ =	shalt  }
0x62: {  	_ =	shalt  }
0x63: {  	_ =	shalt  }
0x64: {  	_ =	shalt  }
0x65: {  	_ =	shalt  }
0x66: {  	_ =	shalt  }
0x67: {  	_ =	shalt  }
0x68: {  	_ =	shalt  }
0x69: {  	_ =	shalt  }
0x6a: {  	_ =	shalt  }
0x6b: {  	_ =	shalt  }
0x6c: {  	_ =	shalt  }
0x6d: {  	_ =	shalt  }
0x6e: {  	_ =	shalt  }
0x6f: {  	_ =	shalt  }
0x70: {  	_ =	shalt  }
0x71: {  	_ =	shalt  }
0x72: {  	_ =	shalt  }
0x73: {  	_ =	shalt  }
0x74: {  	_ =	shalt  }
0x75: {  	_ =	shalt  }
0x76: {  	_ =	shalt  }
0x77: {  	_ =	shalt  }
0x78: {  	_ =	shalt  }
0x79: {  	_ =	shalt  }
0x7a: {  	_ =	shalt  }
0x7b: {  	_ =	shalt  }
0x7c: {  	_ =	shalt  }
0x7d: {  	_ =	shalt  }
0x7e: {  	_ =	shalt  }
0x7f: {  	_ =	shalt  }
0x80: {  	_ =	shalt  }
0x81: {  	_ =	shalt  }
0x82: {  	_ =	shalt  }
0x83: {  	_ =	shalt  }
0x84: {  	_ =	shalt  }
0x85: {  	_ =	shalt  }
0x86: {  	_ =	shalt  }
0x87: {  	_ =	shalt  }
.Lfunc_end0:
.L_simem_size_0:
called_computation.3_lowered:
.L_overlay_start_0:
0x88: {  	s2 =	sld [smem:$0x3FD9]  }
0x89: {  	s3 =	sld [smem:$0x3FFE];
	_ =	sdelay $0x1  }
0x8a: {  	s1 =	srdreg.scid  }
0x8b: {  	s0 =	sand.u32 $0x1, s1  }
0x8c: {  	s15 =	sshll.u32 s0, $0xA;
	s2 =	sadd.s32 s3, s2  }
0x8d: {  	s2 =	sadd.s32 s2, s15  }
0x8e: {  	[smem:$0x3FC6] =	sst s2  }
0x8f: {  	_ = 	snop  }
0x90: {  	s2 =	sld [smem:$0x3FD0];
	_ =	sdelay $0x2  }
0x91: {  	s16 =	simm.s32 $0xD;
	s4 =	simm.s32 $0x10  }
0x92: {  	[smem:s4], [sflag:s16] =	dma.local [hbm:s2], $0x1  }
0x93: {  	_ =	swait.eq [sflag:s16], $0x1  }
0x94: {  	[sflag:s16] =	ssyncset.done $0x0  }
0x95: {  	[sflag:s16] =	ssyncadd.s32 $0xFFFFFFFF  }
0x96: {  	s17 =	sld [smem:$0x13];
	(tm) =	ssettm $0x1  }
0x97: {  	s18 =	sld [smem:$0x3FFB];
	_ =	sdelay $0x3  }
0x98: {  	_ =	strace s18  }
0x99: {  	s2 =	sld [smem:$0x3FFC];
	_ =	sdelay $0x3  }
0x9a: {  	_ =	strace s2  }
0x9b: {  	s2 =	sld [smem:$0x3FFD];
	_ =	sdelay $0x3  }
0x9c: {  	_ =	strace s2  }
0x9d: {  	_ =	strace $0x8FFFFFFF  }
0x9e: {  	s19 =	sld [smem:$0x3FDB];
	_ =	sdelay $0x1  }
0x9f: {  	s20 =	simm.s32 $_scs_section_size  }
0xa0: {  	s5 =	simm.s32 $_size__tile_overlayer_lowered;
	s6 =	simm.s32 $_tile_overlayer_lowered  }
0xa1: {  	s7 =	simm.s32 $0x1BFF;
	s21 =	sshll.u32 s6, $0x1;
	s4 =	sadd.s32 s20, s19  }
0xa2: {  	s22 =	simm.s32 $0x0;
	s5 =	sshll.u32 s5, $0x1;
	s6 =	sadd.s32 s21, s4  }
0xa3: {  	[timem:s22], [sflag:s7] =	dma.local [hbm:s6], s5  }
0xa4: {  	_ =	swait.ge [sflag:s7], s5  }
0xa5: {  	s5 =	ssub.s32 $0x0, s5;
	[sflag:s7] =	ssyncset.done $0x0  }
0xa6: {  	[sflag:s7] =	ssyncadd.s32 s5;
	_ =	sdelay $0x1  }
0xa7: {  	s23 =	simm.s32 $0x1B8B  }
0xa8: {  	_ =	swait.ge [sflag:s23], $0x1  }
0xa9: {  	[sflag:s23] =	ssyncset.done $0x0  }
0xaa: {  	[sflag:s23] =	ssyncadd.s32 $0xFFFFFFFF  }
0xab: {  	s5 =	sld [smem:$0x0]  }
0xac: {  	s6 =	sand.u32 $0xFFFFFFFE, s1  }
0xad: {  	p0 =	sne.s32 s1, s6  }
0xae: {  	s6 =	sshll.u32 @p0 s6, $0xE  }
0xaf: {  	s6 =	sadd.s32 @p0 $0x11B8D, s6;
	s7 =	sshll.u32 @p0 s5, $0x11  }
0xb0: {  	s6 =	sor.u32 @p0 s7, s6  }
0xb1: {  	[sflag:s6] =	ssyncadd.remote.s32 @p0 $0x1;
	_ =	sdelay $0x1  }
0xb2: {  	s6 =	simm.s32 @p0 $0x1B8D  }
0xb3: {  	_ =	swait.eq @p0 [sflag:s6], $0x1  }
0xb4: {  	[sflag:s6] =	ssyncadd.s32 @p0 $0xFFFFFFFF  }
0xb5: {  	s7 =	sshll.u32 @!p0 s1, $0xE  }
0xb6: {  	s7 =	sor.u32 @!p0 $0x4000, s7;
	s6 =	simm.s32 @!p0 $0x1B8D  }
0xb7: {  	s5 =	sshll.u32 @!p0 s5, $0x11;
	s7 =	sadd.s32 @!p0 $0x11B8D, s7;
	_ =	swait.eq @!p0 [sflag:s6], $0x1  }
0xb8: {  	s5 =	sor.u32 @!p0 s5, s7;
	[sflag:s6] =	ssyncadd.s32 @!p0 $0xFFFFFFFF  }
0xb9: {  	s25 =	simm.s32 $0x1B8E;
	s24 =	sld [smem:$0x3FFE];
	[sflag:s5] =	ssyncadd.remote.s32 @!p0 $0x1  }
0xba: {  	s26 =	simm.s32 $execute0_lowered;
	[smem:$0x3FD2] =	sst s25  }
0xbb: {  	s6 =	sshll.u32 s26, $0x1;
	_ =	strace $0x80000064;
	[dreg:$0x1] =	wrdreg $0xFFFFFFFF  }
0xbc: {  	s28 =	simm.s32 $_size_execute0_lowered;
	s4 =	sadd.s32 s4, s6;
	[dreg:$0x0] =	wrdreg $0x0  }
0xbd: {  	s6 =	sshll.u32 s28, $0x1;
	[dreg:$0x2] =	wrdreg s4  }
0xbe: {  	[dreg:$0x3] =	wrdreg s6  }
0xbf: {  	[dreg:$0x4] =	wrdreg $0xC0  }
0xc0: {  	_ =	task [dreg:s22], $0x5FFFF  }
0xc1: {  	[dreg:$0x1] =	wrdreg $0xFFFFFFFF  }
0xc2: {  	[dreg:$0x0] =	wrdreg $0x60  }
0xc3: {  	[dreg:$0x2] =	wrdreg s24  }
0xc4: {  	[dreg:$0x3] =	wrdreg s17  }
0xc5: {  	[dreg:$0x4] =	wrdreg $0xC  }
0xc6: {  	_ =	task.clear_ibuf [dreg:s22], $0x5FFFF;
	_ =	strace $0x90000064  }
0xc7: {  	s29 =	simm.s32 $0xC;
	_ =	strace $0x8000006D  }
0xc8: {  	_ =	swait.ge [sflag:s29], $0x1  }
0xc9: {  	[sflag:s29] =	ssyncadd.s32 $0xFFFFFFFF  }
0xca: {  	_ =	strace $0x9000006D  }
0xcb: {  	_ =	sfence  }
0xcc: {  	s30 =	sld [smem:$0x0];
	_ =	sdelay $0x2  }
0xcd: {  	s31 =	sshll.u32 s1, $0xD;
	s1 =	sshrl.u32 s1, $0x2  }
0xce: {  	s4 =	sand.u32 $0x4000, s31;
	s1 =	sadd.s32 s1, s30  }
0xcf: {  	s0 =	sor.u32 s4, s0;
	s1 =	sshll.u32 s1, $0x11  }
0xd0: {  	s0 =	sor.u32 s1, s0  }
0xd1: {  	s0 =	sadd.s32 $0x8F2B, s0  }
0xd2: {  	[sflag:s0] =	ssyncadd.remote.s32 $0x1  }
0xd3: {  	_ =	sfence.sel $0xFFFF  }
0xd4: {  	[dreg:$0x0] =	wrdreg $0xFFFFFFFF;
	(pc) =	sbr.abs _section_cstart, $3  }
0xd5: {  	[dreg:$0x1] =	wrdreg $0xFFFFFFFF  }
0xd6: {  	_ =	task.clear_ibuf [dreg:s22], $0x2FFFF;
	_ =	strace $0x9FFFFFFF  }
0xd7: {  	(tm) =	ssettm $0x7FFFFFFF  }
tec
execute0_lowered:
.L_overlay_start_1:
0x0: {  	(tag) =	ssettag $0x1  }
0x1: {  	s3 =	rddreg [dreg:$0x0]  }
0x2: {  	s1 =	rddreg [dreg:$0x1]  }
0x3: {  	s0 =	rddreg [dreg:$0x2];
	s2 =	simm.s32 $0x0;
	s4 =	srdreg.scid  }
0x4: {  	s8 =	simm.s32 $0x80;
	s7 =	simm.s32 $0x1;
	s9 =	simm.s32 $0x4  }
0x5: {  	s10 =	simm.s32 $0x0;
	[smem:$0x7FF] =	sst s2;
	s5 =	sadd.s32 $0x3E00, s3  }
0x6: {  	s4 =	sand.u32 $0x1, s4;
	s30 =	sadd.s32 $0x1A4E00, s3;
	s3 =	stileid.u32  }
0x7: {  	_ =	strace $0x80000065;
	[dreg:$0x3] =	wrdreg s5;
	s4 =	ssub.s32 $0x2, s4  }
0x8: {  	[dreg:$0x5] =	wrdreg s30;
	s31 =	sshll.u32 s3, $0x8;
	s6 =	sshrl.u32 s4, $0x1  }
0x9: {  	[dreg:$0x4] =	wrdreg s8;
	s8 =	simm.s32 $0x5;
	s6 =	ssub.s32 s4, s6  }
0xa: {  	s5 =	sadd.s32 s1, s31;
	s4 =	sshll.u32 s3, $0x4;
	s6 =	smax.u32 s6, $0x1  }
.LBB2_1:
0xb: {  	_ =	strace $0x80000066;
	s11 =	simm.s32 $0x1;
	p0 =	por $0x0, $0x0  }
0xc: {  	[tilespmem:s2], [sflag:$0x1] =	stream.linear.gather [hbm4b:s5+s2], $0x80, $0x200038;
	[tilespmem:$0x8100] =	vst v63  }
0xd: {  	s11 =	simm.s32 @p0 $0x0  }
0xe: {  	p4 =	por $0x1, $0x1;
	s20 =	sand.u32 $0x1, s2;
	p1 =	sne.s32 s11, $0x0  }
0xf: {  	p2 =	por $0x1, $0x1;
	s18 =	simm.s32 $0xE;
	p0 =	por !p4, !p1  }
0x10: {  	s16 =	simm.s32 $0x0;
	p5 =	por $0x0, $0x0;
	p0 =	por !p0, !p0  }
0x11: {  	s23 =	sadd.s32 $0x0, s4;
	s30 =	sadd.s32 $0x1, s20;
	s12 =	sadd.s32 @p0 s4, s11  }
0x12: {  	_ =	strace $0x90000066;
	s13 =	sand.u32 @p0 $0x1, s7;
	s12 =	sshll.u32 @p0 s12, $0x4  }
0x13: {  	_ =	strace @p0 $0x80000067;
	s15 =	simm.s32 @p0 $0x0;
	s12 =	sand.u32 @p0 $0x1FFFFFF0, s12  }
0x14: {  	s14 =	sshll.u32 @p0 s13, $0x7;
	s13 =	sadd.s32 @p0 $0x1, s13;
	s12 =	sadd.s32 @p0 s1, s12  }
0x15: {  	[tilespmem:s14], [sflag:s13] =	stream.linear.gather @p0 [hbm4b:s12+s15], $0x80, $0x200038;
	[tilespmem:$0x8100] =	vst v63  }
0x16: {  	p3 =	por p2, p2;
	s21 =	sshll.u32 s20, $0xE;
	_ =	strace @p0 $0x90000067  }
0x17: {  	s16 =	sand.u32 $0x80, s16;
	p2 =	por p5, p5;
	_ =	strace $0x80000068  }
0x18: {  	s17 =	sadd.s32 $0x1, s11;
	s22 =	sor.u32 $0x100, s21;
	_ =	swait.ge [sflag:s30], $0x80  }
0x19: {  	s21 =	simm.s32 $0x1;
	p6 =	por p1, p1;
	[sflag:s30] =	ssyncset.done $0x0  }
0x1a: {  	p1 =	por p3, p3;
	p4 =	por $0x1, $0x1;
	[sflag:s30] =	ssyncadd.s32 $0xFFFFFF80  }
0x1b: {  	s12 =	simm.s32 $0xF;
	s15 =	sand.u32 @!p3 $0x1, s2;
	_ =	strace $0x90000068  }
0x1c: {  	s13 =	simm.s32 $0x1;
	p3 =	seq.s32 s17, $0x10;
	_ =	strace $0x80000069  }
0x1d: {  	s13 =	simm.s32 @!p0 $0x0;
	s17 =	simm.s32 @p3 $0x0;
	s19 =	rddreg [dreg:$0x4]  }
0x1e: {  	p0 =	por $0x0, $0x0;
	s14 =	sadd.s32 $0x1, s13;
	s31 =	rddreg [dreg:$0x3]  }
0x1f: {  	[tilespmem:s22], [sflag:$0x5] =	stream.indirect.gather [hbm4b:s31+s19], $0x80, s16, s19, $0x2000b8;
	[tilespmem:$0x8100] =	vst v63  }
0x20: {  	p3 =	sne.s32 s11, s17;
	s21 =	simm.s32 @!p0 $0x0;
	_ =	swait.ge [sflag:s8], $0x4000  }
0x21: {  	p5 =	por !p4, !p3;
	p4 =	por $0x0, $0x0;
	[sflag:s8] =	ssyncset.done $0x0  }
0x22: {  	s13 =	simm.s32 $0x0;
	p6 =	por p4, p6;
	[sflag:s8] =	ssyncadd.s32 $0xFFFFC000  }
0x23: {  	s16 =	simm.s32 $0x0;
	s19 =	simm.s32 $0x0;
	_ =	strace $0x90000069  }
.LBB2_2:
0x24: {  	_ =	strace @p6 $0x8000006A;
	s13 =	sadd.s32 s21, s13;
	s21 =	smov.u32 s12  }
0x25: {  	s12 =	smov.u32 s18;
	s18 =	sadd.s32 $0xFFFFFFFF, s18;
	p0 =	por p3, p3  }
0x26: {  	s28 =	sshll.u32 @p6 s23, $0xB;
	s20 =	sadd.s32 @p6 $0x3, s20;
	s24 =	simm.s32 @!p0 $0x0  }
0x27: {  	s25 =	rddreg [dreg:$0x5];
	s28 =	sand.u32 @p6 $0x1FFFF800, s28;
	s24 =	simm.s32 @p0 $0x1  }
0x28: {  	s25 =	sadd.s32 @p6 s25, s28;
	s28 =	simm.s32 @p6 $0x0;
	p0 =	sne.s32 s18, $0x0  }
0x29: {  	[hbm4b:s25+s28] =	stream.linear.scatter @p6 [tilespmem:s22], [sflag:s20], $0x4000, $0x200038;
	[tilespmem:$0x8100] =	vst v63  }
0x2a: {  	s20 =	sadd.s32 @!p1 $0x3, s15;
	s15 =	simm.s32 @!p0 $0x0  }
0x2b: {  	s26 =	simm.s32 $0x1;
	[smem:$0x7FC] =	sst s24;
	s15 =	simm.s32 @p0 $0x1  }
0x2c: {  	s26 =	simm.s32 @!p6 $0x0;
	_ =	strace @p6 $0x9000006A;
	[smem:$0x7FD] =	sst s15  }
0x2d: {  	p5 =	por !p5, !p5;
	s19 =	sadd.s32 s26, s19;
	_ =	strace @!p1 $0x8000006B  }
0x2e: {  	s24 =	sand.u32 @!p2 $0x1, s13;
	s22 =	sand.u32 @p5 $0x1, s14;
	_ =	swait.ge @!p1 [sflag:s20], $0x4000  }
0x2f: {  	s15 =	smov.u32 s24;
	s24 =	sadd.s32 @p5 s4, s17;
	[sflag:s20] =	ssyncset.done @!p1 $0x0  }
0x30: {  	s25 =	sshll.u32 @p5 s22, $0x7;
	s24 =	sshll.u32 @p5 s24, $0x4;
	[sflag:s20] =	ssyncadd.s32 @!p1 $0xFFFFC000  }
0x31: {  	s20 =	sadd.s32 @p5 $0x1, s22;
	s22 =	sand.u32 @p5 $0x1FFFFFF0, s24;
	_ =	strace @!p1 $0x9000006B  }
0x32: {  	s24 =	simm.s32 @p5 $0x0;
	s22 =	sadd.s32 @p5 s1, s22;
	_ =	strace @p5 $0x80000067  }
0x33: {  	[tilespmem:s25], [sflag:s20] =	stream.linear.gather @p5 [hbm4b:s22+s24], $0x80, $0x200038;
	[tilespmem:$0x8100] =	vst v63  }
0x34: {  	s16 =	sadd.s32 s26, s16;
	s26 =	sand.u32 $0x1, s19;
	_ =	strace @p5 $0x90000067  }
0x35: {  	s24 =	sadd.s32 $0x1, s26;
	_ =	strace $0x80000068  }
0x36: {  	_ =	swait.ge [sflag:s24], $0x80  }
0x37: {  	[sflag:s24] =	ssyncset.done $0x0  }
0x38: {  	s20 =	simm.s32 $0x1;
	[sflag:s24] =	ssyncadd.s32 $0xFFFFFF80  }
0x39: {  	s20 =	simm.s32 @!p5 $0x0;
	_ =	strace $0x90000068  }
0x3a: {  	s14 =	sadd.s32 s20, s14;
	s20 =	sand.u32 $0x1, s16;
	_ =	strace $0x80000069  }
0x3b: {  	s29 =	sshll.u32 s19, $0x7;
	s25 =	sshll.u32 s20, $0xE;
	s26 =	rddreg [dreg:$0x4]  }
0x3c: {  	s29 =	sand.u32 $0x80, s29;
	s22 =	sor.u32 $0x100, s25;
	s30 =	rddreg [dreg:$0x3]  }
0x3d: {  	[tilespmem:s22], [sflag:$0x5] =	stream.indirect.gather [hbm4b:s30+s26], $0x80, s29, s26, $0x2000b8;
	[tilespmem:$0x8100] =	vst v63  }
0x3e: {  	_ =	swait.ge [sflag:s8], $0x4000  }
0x3f: {  	s31 =	sadd.s32 $0x1, s17;
	[sflag:s8] =	ssyncset.done $0x0  }
0x40: {  	s23 =	sadd.s32 s4, s11;
	s11 =	smov.u32 s17;
	[sflag:s8] =	ssyncadd.s32 $0xFFFFC000  }
0x41: {  	p3 =	seq.s32 s31, $0x10;
	s17 =	smov.u32 s31;
	_ =	strace $0x90000069  }
0x42: {  	s17 =	simm.s32 @p3 $0x0;
	s31 =	sld [smem:$0x7FD]  }
0x43: {  	p6 =	sne.s32 s12, $0x1;
	p0 =	sne.s32 s21, $0x10;
	p3 =	sne.s32 s11, s17  }
0x44: {  	p5 =	por !p6, !p3;
	p6 =	seq.s32 s21, $0x1;
	s21 =	simm.s32 $0x1  }
0x45: {  	s21 =	simm.s32 @!p0 $0x0;
	p0 =	seq.s32 s31, $0x1  }
.Ltmp0:
0x46: {  	s30 =	sld [smem:$0x7FC];
	(pc) =	sbr.rel @p0 .LBB2_2-.Ltmp0, $4  }
0x47: {  	_ = 	snop  }
0x48: {  	p4 =	seq.s32 s12, $0x10  }
0x49: {  	p1 =	por p2, p2;
	p2 =	por p4, p4;
	p4 =	seq.s32 s30, $0x1  }
0x4a: {  	p6 =	por p6, p4  }
0x4b: {  	_ =	strace @p6 $0x8000006A;
	s23 =	sshll.u32 @p6 s23, $0xB  }
0x4c: {  	s18 =	rddreg [dreg:$0x5];
	s23 =	sand.u32 @p6 $0x1FFFF800, s23  }
0x4d: {  	s20 =	sadd.s32 @p6 $0x3, s20;
	s18 =	sadd.s32 @p6 s18, s23;
	s23 =	simm.s32 @p6 $0x0  }
0x4e: {  	[hbm4b:s18+s23] =	stream.linear.scatter @p6 [tilespmem:s22], [sflag:s20], $0x4000, $0x200038;
	[tilespmem:$0x8100] =	vst v63  }
0x4f: {  	p0 =	por !p5, !p5;
	_ =	strace @p6 $0x9000006A  }
0x50: {  	s15 =	sadd.s32 @!p1 $0x3, s15;
	s17 =	sadd.s32 @p0 s4, s17;
	_ =	strace @!p1 $0x8000006B  }
0x51: {  	s14 =	sand.u32 @p0 $0x1, s14;
	s17 =	sshll.u32 @p0 s17, $0x4;
	_ =	swait.ge @!p1 [sflag:s15], $0x4000  }
0x52: {  	s18 =	simm.s32 $0x1;
	s20 =	sshll.u32 @p0 s14, $0x7;
	[sflag:s15] =	ssyncset.done @!p1 $0x0  }
0x53: {  	s14 =	sadd.s32 @p0 $0x1, s14;
	s18 =	simm.s32 @!p6 $0x0;
	[sflag:s15] =	ssyncadd.s32 @!p1 $0xFFFFC000  }
0x54: {  	s19 =	sadd.s32 s18, s19;
	s15 =	sand.u32 @p0 $0x1FFFFFF0, s17;
	_ =	strace @!p1 $0x9000006B  }
0x55: {  	s17 =	simm.s32 @p0 $0x0;
	s15 =	sadd.s32 @p0 s1, s15;
	_ =	strace @p0 $0x80000067  }
0x56: {  	[tilespmem:s20], [sflag:s14] =	stream.linear.gather @p0 [hbm4b:s15+s17], $0x80, $0x200038;
	[tilespmem:$0x8100] =	vst v63  }
0x57: {  	s25 =	sand.u32 $0x1, s19;
	_ =	strace @p0 $0x90000067  }
0x58: {  	s14 =	sadd.s32 $0x1, s25;
	_ =	strace $0x80000068  }
0x59: {  	_ =	swait.ge [sflag:s14], $0x80  }
0x5a: {  	[sflag:s14] =	ssyncset.done $0x0  }
0x5b: {  	[sflag:s14] =	ssyncadd.s32 $0xFFFFFF80  }
0x5c: {  	s26 =	sadd.s32 s18, s16;
	_ =	strace $0x90000068  }
0x5d: {  	s14 =	sand.u32 $0x1, s26;
	_ =	strace $0x80000069  }
0x5e: {  	s30 =	sshll.u32 s19, $0x7;
	s31 =	sshll.u32 s14, $0xE;
	s28 =	rddreg [dreg:$0x4]  }
0x5f: {  	s17 =	sand.u32 $0x80, s30;
	s18 =	sor.u32 $0x100, s31;
	s29 =	rddreg [dreg:$0x3]  }
0x60: {  	[tilespmem:s18], [sflag:$0x5] =	stream.indirect.gather [hbm4b:s29+s28], $0x80, s17, s28, $0x2000b8;
	[tilespmem:$0x8100] =	vst v63  }
0x61: {  	_ =	swait.ge [sflag:s8], $0x4000  }
0x62: {  	[sflag:s8] =	ssyncset.done $0x0  }
0x63: {  	p5 =	por p3, p3;
	p6 =	seq.s32 s12, $0x1;
	[sflag:s8] =	ssyncadd.s32 $0xFFFFC000  }
0x64: {  	s11 =	sadd.s32 s4, s11;
	p0 =	por p6, p5;
	_ =	strace $0x90000069  }
0x65: {  	s11 =	sshll.u32 @p0 s11, $0xB;
	_ =	strace @p0 $0x8000006A  }
0x66: {  	s13 =	sadd.s32 s21, s13;
	s11 =	sand.u32 @p0 $0x1FFFF800, s11;
	s12 =	rddreg [dreg:$0x5]  }
0x67: {  	s14 =	sadd.s32 @p0 $0x3, s14;
	s11 =	sadd.s32 @p0 s12, s11;
	s12 =	simm.s32 @p0 $0x0  }
0x68: {  	[hbm4b:s11+s12] =	stream.linear.scatter @p0 [tilespmem:s18], [sflag:s14], $0x4000, $0x200038;
	[tilespmem:$0x8100] =	vst v63  }
0x69: {  	p1 =	por p2, p2;
	s11 =	sand.u32 @!p2 $0x1, s13;
	_ =	strace @p0 $0x9000006A  }
0x6a: {  	s11 =	sadd.s32 @!p1 $0x3, s11;
	_ =	strace @!p1 $0x8000006B  }
0x6b: {  	_ =	swait.ge @!p1 [sflag:s11], $0x4000  }
0x6c: {  	[sflag:s11] =	ssyncset.done @!p1 $0x0  }
0x6d: {  	s10 =	sadd.s32 $0x1, s10;
	[sflag:s11] =	ssyncadd.s32 @!p1 $0xFFFFC000  }
0x6e: {  	p0 =	sne.s32 s10, s6;
	_ =	strace @!p1 $0x9000006B  }
.Ltmp1:
0x6f: {  	_ =	strace $0x8000006C;
	(pc) =	sbr.rel @p0 .LBB2_1-.Ltmp1, $4  }
0x70: {  	_ =	swait.ge [sflag:s9], $0x4000  }
0x71: {  	[sflag:s9] =	ssyncset.done $0x0  }
0x72: {  	[sflag:s9] =	ssyncadd.s32 $0xFFFFC000  }
0x73: {  	_ =	strace $0x9000006C  }
0x74: {  	_ =	sfence.sel $0x180000  }
0x75: {  	[bflag:$0x0] =	sbarrier.arrive $0xFFFF  }
0x76: {  	p0 =	sne.s32 s3, $0x0;
	_ =	strace $0x90000065  }
0x77: {  	s0 =	sadd.s32 @!p0 $0x100000, s0;
	[bflag:$0x2] =	sbarrier.arrive $0xFFFF  }
0x78: {  	[sflag:s0] =	ssyncadd.tile.s32 @!p0 $0x1;
	_ =	shalt  }
.Lfunc_end2:
_tile_overlayer_lowered:
.L_overlay_start_2:
0x79: {  	(tag) =	ssettag $0x2  }
0x7a: {  	s0 =	rddreg [dreg:$0x0];
	s2 =	stileid.u32  }
0x7b: {  	s1 =	rddreg [dreg:$0x1];
	p0 =	sne.s32 s2, $0x0  }
0x7c: {  	s3 =	rddreg [dreg:$0x2];
	[bflag:$0x3] =	sbarrier.arrive $0xFFFF;
	s2 =	simm.s32 @!p0 $0x1C01  }
0x7d: {  	[timem:s3], [sflag:s2] =	dma.local @!p0 [hbm:s0], s1  }
0x7e: {  	s0 =	simm.s32 @!p0 $0x1  }
0x7f: {  	_ =	swait.ge @!p0 [sflag:s0], s1  }
0x80: {  	s1 =	ssub.s32 @!p0 $0x0, s1;
	[sflag:s0] =	ssyncset.done @!p0 $0x0  }
0x81: {  	[sflag:s0] =	ssyncadd.s32 @!p0 s1  }
0x82: {  	[bflag:$0x3] =	sbarrier.arrive $0xFFFF  }
0x83: {  	_ =	shalt  }

</sc_bundles>
